<compile_context>
chip_gen: v7x
topology: tpu7x:2x2x1
jax: 0.10.2.dev20260603
libtpu: 0.0.44.dev20260713+nightly
codegen_flags: <defaults>
</compile_context>

<pallas_src>
import functools

import jax
import jax.numpy as jnp
from jax import lax
from jax.experimental import pallas as pl
from jax.experimental.pallas import tpu as pltpu
from jax.experimental.pallas import tpu_sc as plsc

N = 10000
E = 160000
D = 256
H = 128
NT = 16
EPT = E // NT
RB = 624
CH = 128
NF = 78
NPAIR = NF // 2
EPT2 = E // (2 * NT)
NF2 = 39
BM = 1000

@functools.cache
def _mesh():
    return plsc.VectorSubcoreMesh(
        core_axis_name="c", subcore_axis_name="s", num_cores=2, num_subcores=NT)



def _mm_body(h_ref, w_ref, dega_ref, degb_ref, y0_ref, y1_ref):
    xw = jnp.dot(h_ref[...], w_ref[...], preferred_element_type=jnp.float32)
    dinv = lax.rsqrt(dega_ref[:, 0:1] + degb_ref[:, 0:1] + 1.0)
    y = xw * dinv
    y0_ref[...] = y[:, :H]
    y1_ref[...] = y[:, H:]


def _matmul_scale(h, w, dega, degb):
    return pl.pallas_call(
        _mm_body,
        grid=(N // BM,),
        in_specs=[
            pl.BlockSpec((BM, D), lambda i: (i, 0)),
            pl.BlockSpec((D, D), lambda i: (0, 0)),
            pl.BlockSpec((BM, H), lambda i: (i, 0)),
            pl.BlockSpec((BM, H), lambda i: (i, 0)),
        ],
        out_specs=[pl.BlockSpec((BM, H), lambda i: (i, 0))] * 2,
        out_shape=[jax.ShapeDtypeStruct((N, H), jnp.float32)] * 2,
    )(h, w, dega, degb)


def _cmm_body(a0_ref, a1_ref, y0_ref, y1_ref, dega_ref, degb_ref, b_ref, w_ref,
              y0o_ref, y1o_ref):
    dinv = lax.rsqrt(dega_ref[:, 0:1] + degb_ref[:, 0:1] + 1.0)
    bv = b_ref[...]
    left = jnp.maximum((a0_ref[...] + y0_ref[...]) * dinv + bv[:, :H], 0.0)
    right = jnp.maximum((a1_ref[...] + y1_ref[...]) * dinv + bv[:, H:], 0.0)
    h = jnp.concatenate([left, right], axis=1)
    y = jnp.dot(h, w_ref[...], preferred_element_type=jnp.float32) * dinv
    y0o_ref[...] = y[:, :H]
    y1o_ref[...] = y[:, H:]


def _combine_matmul(a0, a1, y0, y1, dega, degb, b2d, w):
    blk = pl.BlockSpec((BM, H), lambda i: (i, 0))
    return pl.pallas_call(
        _cmm_body,
        grid=(N // BM,),
        in_specs=[
            blk, blk, blk, blk, blk, blk,
            pl.BlockSpec((1, D), lambda i: (0, 0)),
            pl.BlockSpec((D, D), lambda i: (0, 0)),
        ],
        out_specs=[blk, blk],
        out_shape=[jax.ShapeDtypeStruct((N, H), jnp.float32)] * 2,
    )(a0, a1, y0, y1, dega, degb, b2d, w)


def _comb_body(a0_ref, a1_ref, y0_ref, y1_ref, dega_ref, degb_ref, b_ref, out_ref):
    dinv = lax.rsqrt(dega_ref[:, 0:1] + degb_ref[:, 0:1] + 1.0)
    bv = b_ref[...]
    left = jnp.maximum((a0_ref[...] + y0_ref[...]) * dinv + bv[:, :H], 0.0)
    right = jnp.maximum((a1_ref[...] + y1_ref[...]) * dinv + bv[:, H:], 0.0)
    out_ref[...] = jnp.concatenate([left, right], axis=1)


def _combine(a0, a1, y0, y1, dega, degb, b2d):
    return pl.pallas_call(
        _comb_body,
        grid=(N // BM,),
        in_specs=[
            pl.BlockSpec((BM, H), lambda i: (i, 0)),
            pl.BlockSpec((BM, H), lambda i: (i, 0)),
            pl.BlockSpec((BM, H), lambda i: (i, 0)),
            pl.BlockSpec((BM, H), lambda i: (i, 0)),
            pl.BlockSpec((BM, H), lambda i: (i, 0)),
            pl.BlockSpec((BM, H), lambda i: (i, 0)),
            pl.BlockSpec((1, D), lambda i: (0, 0)),
        ],
        out_specs=pl.BlockSpec((BM, D), lambda i: (i, 0)),
        out_shape=jax.ShapeDtypeStruct((N, D), jnp.float32),
    )(a0, a1, y0, y1, dega, degb, b2d)



@functools.cache
def _degree_kernel():
    return pl.kernel(
        _degree_body,
        out_type=[jax.ShapeDtypeStruct((N, H), jnp.float32)] * 2,
        mesh=_mesh(),
        scratch_types=[
            pltpu.VMEM((CH,), jnp.int32),
            pltpu.VMEM((CH,), jnp.int32),
            pltpu.VMEM((8,), jnp.int32),
            pltpu.VMEM((CH, H), jnp.float32),
            pltpu.SemaphoreType.DMA,
            pltpu.SemaphoreType.DMA,
            pltpu.VMEM_SHARED((N, H), jnp.float32),
        ],
    )


def _rowcopy(src, dst, s):
    rb = s * RB
    pltpu.sync_copy(src.at[pl.ds(rb, RB)], dst.at[pl.ds(rb, RB)])

    @pl.when(s == NT - 1)
    def _():
        pltpu.sync_copy(src.at[pl.ds(N - 16, 16)], dst.at[pl.ds(N - 16, 16)])


def _degree_body(dst_hbm, zeros_hbm, ones_hbm, dega_hbm, degb_hbm,
                 didx_a, didx_b, didx_t, ones_v, isem_a, isem_b, deg_sh):
    c = lax.axis_index("c")
    s = lax.axis_index("s")

    def run(deg_hbm):
        base = c * (E // 2) + s * EPT2

        def start_didx(i, didx, isem):
            pltpu.async_copy(dst_hbm.at[pl.ds(base + i * CH, CH)], didx, isem)

        def drain_didx(i, didx, isem):
            pltpu.make_async_copy(dst_hbm.at[pl.ds(base + i * CH, CH)], didx, isem).wait()

        start_didx(0, didx_a, isem_a)
        pltpu.async_copy(ones_hbm, ones_v, isem_b)
        _rowcopy(zeros_hbm, deg_sh, s)
        drain_didx(0, didx_a, isem_a)
        pltpu.make_async_copy(ones_hbm, ones_v, isem_b).wait()
        plsc.subcore_barrier()

        def pair(j, carry):
            i0 = 2 * j
            start_didx(i0 + 1, didx_b, isem_b)
            pltpu.sync_copy(ones_v, deg_sh.at[didx_a], add=True)
            drain_didx(i0 + 1, didx_b, isem_b)
            start_didx(i0 + 2, didx_a, isem_a)
            pltpu.sync_copy(ones_v, deg_sh.at[didx_b], add=True)
            drain_didx(i0 + 2, didx_a, isem_a)
            return carry

        lax.fori_loop(0, (NF2 - 1) // 2, pair, 0)
        pltpu.sync_copy(ones_v, deg_sh.at[didx_a], add=True)
        pltpu.sync_copy(dst_hbm.at[pl.ds(base + NF2 * CH, 8)], didx_t)
        pltpu.sync_copy(ones_v.at[pl.ds(0, 8)], deg_sh.at[didx_t], add=True)
        plsc.subcore_barrier()
        _rowcopy(deg_sh, deg_hbm, s)

    @pl.when(c == 0)
    def _():
        run(dega_hbm)

    @pl.when(c == 1)
    def _():
        run(degb_hbm)


@functools.cache
def _scatter_kernel():
    return pl.kernel(
        _scatter_body,
        out_type=[jax.ShapeDtypeStruct((N, H), jnp.float32)] * 2,
        mesh=_mesh(),
        scratch_types=[
            pltpu.VMEM((CH,), jnp.int32),
            pltpu.VMEM((CH,), jnp.int32),
            pltpu.VMEM((CH,), jnp.int32),
            pltpu.VMEM((CH,), jnp.int32),
            pltpu.VMEM((16,), jnp.int32),
            pltpu.VMEM((16,), jnp.int32),
            pltpu.VMEM((CH, H), jnp.float32),
            pltpu.VMEM((CH, H), jnp.float32),
            pltpu.SemaphoreType.DMA,
            pltpu.SemaphoreType.DMA,
            pltpu.SemaphoreType.DMA,
            pltpu.SemaphoreType.DMA,
            pltpu.VMEM_SHARED((N, H), jnp.float32),
        ],
    )


def _scatter_body(y0_hbm, y1_hbm, src_hbm, dst_hbm, zeros_hbm,
                  acc0_hbm, acc1_hbm,
                  sidx_a, didx_a, sidx_b, didx_b, sidx_t, didx_t,
                  rows_a, rows_b,
                  gsem_a, gsem_b, isem_a, isem_b, acc_sh):
    c = lax.axis_index("c")
    s = lax.axis_index("s")

    def run(y_hbm, acc_hbm):
        eb0 = s * EPT

        def start_idx(i, sidx, didx, isem):
            pltpu.async_copy(src_hbm.at[pl.ds(eb0 + i * CH, CH)], sidx, isem)
            pltpu.async_copy(dst_hbm.at[pl.ds(eb0 + i * CH, CH)], didx, isem)

        def drain_idx(i, sidx, didx, isem):
            pltpu.make_async_copy(src_hbm.at[pl.ds(eb0 + i * CH, CH)], sidx, isem).wait()
            pltpu.make_async_copy(dst_hbm.at[pl.ds(eb0 + i * CH, CH)], didx, isem).wait()

        pltpu.sync_copy(src_hbm.at[pl.ds(eb0, CH)], sidx_a)
        pltpu.async_copy(dst_hbm.at[pl.ds(eb0, CH)], didx_a, isem_a)
        pltpu.async_copy(y_hbm.at[sidx_a], rows_a, gsem_a)

        _rowcopy(zeros_hbm, acc_sh, s)
        pltpu.make_async_copy(dst_hbm.at[pl.ds(eb0, CH)], didx_a, isem_a).wait()
        plsc.subcore_barrier()

        def pair(j, carry):
            i0 = 2 * j
            start_idx(i0 + 1, sidx_b, didx_b, isem_b)
            pltpu.make_async_copy(y_hbm.at[sidx_a], rows_a, gsem_a).wait()
            drain_idx(i0 + 1, sidx_b, didx_b, isem_b)
            pltpu.async_copy(y_hbm.at[sidx_b], rows_b, gsem_b)
            pltpu.sync_copy(rows_a, acc_sh.at[didx_a], add=True)

            @pl.when(j < NPAIR - 1)
            def _():
                start_idx(i0 + 2, sidx_a, didx_a, isem_a)
                drain_idx(i0 + 2, sidx_a, didx_a, isem_a)
                pltpu.async_copy(y_hbm.at[sidx_a], rows_a, gsem_a)

            pltpu.make_async_copy(y_hbm.at[sidx_b], rows_b, gsem_b).wait()
            pltpu.sync_copy(rows_b, acc_sh.at[didx_b], add=True)
            return carry

        lax.fori_loop(0, NPAIR, pair, 0)

        pltpu.sync_copy(src_hbm.at[pl.ds(eb0 + NF * CH, 16)], sidx_t)
        pltpu.sync_copy(dst_hbm.at[pl.ds(eb0 + NF * CH, 16)], didx_t)
        pltpu.async_copy(y_hbm.at[sidx_t], rows_a.at[pl.ds(0, 16)], gsem_a).wait()
        pltpu.sync_copy(rows_a.at[pl.ds(0, 16)], acc_sh.at[didx_t], add=True)

        plsc.subcore_barrier()
        _rowcopy(acc_sh, acc_hbm, s)

    @pl.when(c == 0)
    def _():
        run(y0_hbm, acc0_hbm)

    @pl.when(c == 1)
    def _():
        run(y1_hbm, acc1_hbm)



def kernel(x, edge_index, W1, b1, W2, b2, W3, b3):
    src = edge_index[0]
    dst = edge_index[1]
    zerosH = jnp.zeros((N, H), jnp.float32)
    ones = jnp.ones((CH, H), jnp.float32)

    dega, degb = _degree_kernel()(dst, zerosH, ones)

    y0, y1 = _matmul_scale(x, W1, dega, degb)
    a0, a1 = _scatter_kernel()(y0, y1, src, dst, zerosH)
    for (w, b) in ((W2, b1), (W3, b2)):
        y0, y1 = _combine_matmul(a0, a1, y0, y1, dega, degb, b.reshape(1, D), w)
        a0, a1 = _scatter_kernel()(y0, y1, src, dst, zerosH)
    return _combine(a0, a1, y0, y1, dega, degb, b3.reshape(1, D))

# --- scband reference (transcript-rebuilt; emitter-appended) ---
"""Pipeline reference for scband-encoder-25572235280896 (READ-ONLY COPY).

The authoritative reference and input builder live on the scoring server;
editing this copy changes nothing except your own understanding.
"""

import jax, jax.numpy as jnp
import numpy as np

N = 10000
E = 160000
D = 256
DEPTH = 3


def setup_inputs(seed: int = 0) -> dict:
    key = jax.random.key(seed)
    ks = jax.random.split(key, 2 + 2 * DEPTH)
    x = jax.random.normal(ks[0], (N, D), dtype=jnp.float32)
    edge_index = jax.random.randint(ks[1], (2, E), 0, N, dtype=jnp.int32)
    inp = {"x": x, "edge_index": edge_index}
    scale = 1.0 / np.sqrt(D)
    for i in range(DEPTH):
        inp[f"W{i+1}"] = jax.random.normal(ks[2 + 2 * i], (D, D), dtype=jnp.float32) * scale
        inp[f"b{i+1}"] = jnp.zeros((D,), dtype=jnp.float32)
    return inp


def gcn_layer(x, W, b, src, dst, n):
    # GCNConv (Kipf & Welling): add self-loops, symmetric normalization,
    # linear transform, message = norm * x_src[W], aggregate = scatter-add to dst.
    xw = x @ W
    loop = jnp.arange(n, dtype=src.dtype)
    s = jnp.concatenate([src, loop])
    d = jnp.concatenate([dst, loop])
    deg = jax.ops.segment_sum(jnp.ones(s.shape[0], dtype=xw.dtype), d, num_segments=n)
    dinv = jnp.where(deg > 0, jax.lax.rsqrt(jnp.maximum(deg, 1e-12)), 0.0)
    coef = dinv[s] * dinv[d]
    msgs = jnp.take(xw, s, axis=0) * coef[:, None]
    out = jax.ops.segment_sum(msgs, d, num_segments=n) + b
    return out


def reference(x, edge_index, W1, b1, W2, b2, W3, b3):
    src = edge_index[0]
    dst = edge_index[1]
    n = x.shape[0]
    h = jax.nn.relu(gcn_layer(x, W1, b1, src, dst, n))
    h = jax.nn.relu(gcn_layer(h, W2, b2, src, dst, n))
    h = jax.nn.relu(gcn_layer(h, W3, b3, src, dst, n))
    return h

if __name__ == "__main__":
    import jax
    _d = setup_inputs()
    print(jax.jit(kernel)(*tuple(_d.values())))

</pallas_src>

<mosaic_0001>
#map = affine_map<(d0, d1) -> (0, 0)>
#map1 = affine_map<(d0, d1) -> (0)>
module attributes {stable_mosaic.version = 14 : i64} {
  func.func @_scatter_body(%arg0: i32, %arg1: i32, %arg2: memref<10000x128xf32, #tpu.memory_space<hbm>>, %arg3: memref<10000x128xf32, #tpu.memory_space<hbm>>, %arg4: memref<160000xi32, #tpu.memory_space<hbm>>, %arg5: memref<160000xi32, #tpu.memory_space<hbm>>, %arg6: memref<10000x128xf32, #tpu.memory_space<hbm>>, %arg7: memref<10000x128xf32, #tpu.memory_space<hbm>>, %arg8: memref<10000x128xf32, #tpu.memory_space<hbm>>, %arg9: memref<128xi32, #tpu.memory_space<vmem>>, %arg10: memref<128xi32, #tpu.memory_space<vmem>>, %arg11: memref<128xi32, #tpu.memory_space<vmem>>, %arg12: memref<128xi32, #tpu.memory_space<vmem>>, %arg13: memref<16xi32, #tpu.memory_space<vmem>>, %arg14: memref<16xi32, #tpu.memory_space<vmem>>, %arg15: memref<128x128xf32, #tpu.memory_space<vmem>>, %arg16: memref<128x128xf32, #tpu.memory_space<vmem>>, %arg17: memref<!tpu.dma_semaphore, #tpu.memory_space<semaphore_mem>>, %arg18: memref<!tpu.dma_semaphore, #tpu.memory_space<semaphore_mem>>, %arg19: memref<!tpu.dma_semaphore, #tpu.memory_space<semaphore_mem>>, %arg20: memref<!tpu.dma_semaphore, #tpu.memory_space<semaphore_mem>>, %arg21: memref<10000x128xf32, #tpu.memory_space<vmem_shared>>) attributes {dimension_semantics = [#tpu.dimension_semantics<core_parallel>, #tpu.dimension_semantics<subcore_parallel>], iteration_bounds = array<i64: 2, 16>, scalar_prefetch = 0 : i64, scratch_operands = 13 : i64, tpu.core_type = #tpu.core_type<sc_vector_subcore>, window_params = [{transform_indices = #map}, {transform_indices = #map}, {transform_indices = #map1}, {transform_indices = #map1}, {transform_indices = #map}, {transform_indices = #map}, {transform_indices = #map}]} {
    %eq3A = arith.constant 0 : i32
    %eq3A_0 = arith.cmpi eq, %arg0, %eq3A : i32
    %convert_element_type3A = arith.extui %eq3A_0 : i1 to i32
    %cond3A = arith.constant 0 : i32
    %cond3A_1 = arith.cmpi ne, %convert_element_type3A, %cond3A : i32
    scf.if %cond3A_1 {
      %mul3A = arith.constant 10000 : i32
      %mul3A_7 = arith.muli %arg1, %mul3A : i32
      "tpu.region"() ({
        %run_scoped3A = tpu.sem_alloc : memref<!tpu.dma_semaphore, #tpu.memory_space<semaphore_mem>>
        %dma_start3A_48 = tpu.memref_slice %arg4[%mul3A_7] : memref<160000xi32, #tpu.memory_space<hbm>> -> memref<128xi32, #tpu.memory_space<hbm>>
        %dma_start3A_49 = tpu.memref_slice %arg4[%mul3A_7] : memref<160000xi32, #tpu.memory_space<hbm>> -> memref<128xi32, #tpu.memory_space<hbm>>
        tpu.enqueue_dma source(%dma_start3A_49 : memref<128xi32, #tpu.memory_space<hbm>>) target(%arg9 : memref<128xi32, #tpu.memory_space<vmem>>) target_semaphore(%run_scoped3A : memref<!tpu.dma_semaphore, #tpu.memory_space<semaphore_mem>>)
        %dma_wait3A_50 = tpu.memref_slice %arg4[%mul3A_7] : memref<160000xi32, #tpu.memory_space<hbm>> -> memref<128xi32, #tpu.memory_space<hbm>>
        %dma_wait3A_51 = tpu.memref_slice %arg4[%mul3A_7] : memref<160000xi32, #tpu.memory_space<hbm>> -> memref<128xi32, #tpu.memory_space<hbm>>
        tpu.wait_dma2 semaphore(%run_scoped3A : memref<!tpu.dma_semaphore, #tpu.memory_space<semaphore_mem>>) src(%dma_wait3A_51 : memref<128xi32, #tpu.memory_space<hbm>>) dst(%arg9 : memref<128xi32, #tpu.memory_space<vmem>>)
        tpu.yield
      }) : () -> ()
      %dma_start3A = tpu.memref_slice %arg5[%mul3A_7] : memref<160000xi32, #tpu.memory_space<hbm>> -> memref<128xi32, #tpu.memory_space<hbm>>
      %dma_start3A_8 = tpu.memref_slice %arg5[%mul3A_7] : memref<160000xi32, #tpu.memory_space<hbm>> -> memref<128xi32, #tpu.memory_space<hbm>>
      tpu.enqueue_dma source(%dma_start3A_8 : memref<128xi32, #tpu.memory_space<hbm>>) target(%arg10 : memref<128xi32, #tpu.memory_space<vmem>>) target_semaphore(%arg19 : memref<!tpu.dma_semaphore, #tpu.memory_space<semaphore_mem>>)
      %dma_start3A_9 = arith.constant 0 : i32
      %dma_start3A_10 = arith.constant 0 : i32
      %dma_start3A_11 = tpu.memref_slice %arg2[%dma_start3A_9, %dma_start3A_10] : memref<10000x128xf32, #tpu.memory_space<hbm>> -> memref<10000x128xf32, #tpu.memory_space<hbm>>
      tpu.enqueue_indirect_dma source(%dma_start3A_11 : memref<10000x128xf32, #tpu.memory_space<hbm>>) target(%arg15 : memref<128x128xf32, #tpu.memory_space<vmem>>) offsets(%arg9 : memref<128xi32, #tpu.memory_space<vmem>>) semaphore(%arg17 : memref<!tpu.dma_semaphore, #tpu.memory_space<semaphore_mem>>)
      %mul3A_12 = arith.constant 624 : i32
      %mul3A_13 = arith.muli %arg1, %mul3A_12 : i32
      "tpu.region"() ({
        %run_scoped3A = tpu.sem_alloc : memref<!tpu.dma_semaphore, #tpu.memory_space<semaphore_mem>>
        %dma_start3A_48 = arith.constant 0 : i32
        %dma_start3A_49 = tpu.memref_slice %arg21[%mul3A_13, %dma_start3A_48] : memref<10000x128xf32, #tpu.memory_space<vmem_shared>> -> memref<624x128xf32, #tpu.memory_space<vmem_shared>>
        %dma_start3A_50 = arith.constant 0 : i32
        %dma_start3A_51 = tpu.memref_slice %arg6[%mul3A_13, %dma_start3A_50] : memref<10000x128xf32, #tpu.memory_space<hbm>> -> memref<624x128xf32, #tpu.memory_space<hbm>>
        tpu.enqueue_dma source(%dma_start3A_51 : memref<624x128xf32, #tpu.memory_space<hbm>>) target(%dma_start3A_49 : memref<624x128xf32, #tpu.memory_space<vmem_shared>>) target_semaphore(%run_scoped3A : memref<!tpu.dma_semaphore, #tpu.memory_space<semaphore_mem>>)
        %dma_wait3A_52 = arith.constant 0 : i32
        %dma_wait3A_53 = tpu.memref_slice %arg21[%mul3A_13, %dma_wait3A_52] : memref<10000x128xf32, #tpu.memory_space<vmem_shared>> -> memref<624x128xf32, #tpu.memory_space<vmem_shared>>
        %dma_wait3A_54 = arith.constant 0 : i32
        %dma_wait3A_55 = tpu.memref_slice %arg6[%mul3A_13, %dma_wait3A_54] : memref<10000x128xf32, #tpu.memory_space<hbm>> -> memref<624x128xf32, #tpu.memory_space<hbm>>
        tpu.wait_dma2 semaphore(%run_scoped3A : memref<!tpu.dma_semaphore, #tpu.memory_space<semaphore_mem>>) src(%dma_wait3A_55 : memref<624x128xf32, #tpu.memory_space<hbm>>) dst(%dma_wait3A_53 : memref<624x128xf32, #tpu.memory_space<vmem_shared>>)
        tpu.yield
      }) : () -> ()
      %eq3A_14 = arith.constant 15 : i32
      %eq3A_15 = arith.cmpi eq, %arg1, %eq3A_14 : i32
      %convert_element_type3A_16 = arith.extui %eq3A_15 : i1 to i32
      %cond3A_17 = arith.constant 0 : i32
      %cond3A_18 = arith.cmpi ne, %convert_element_type3A_16, %cond3A_17 : i32
      scf.if %cond3A_18 {
        "tpu.region"() ({
          %run_scoped3A = tpu.sem_alloc : memref<!tpu.dma_semaphore, #tpu.memory_space<semaphore_mem>>
          %dma_start3A_48 = arith.constant 9984 : i32
          %dma_start3A_49 = arith.constant 0 : i32
          %dma_start3A_50 = tpu.memref_slice %arg21[%dma_start3A_48, %dma_start3A_49] : memref<10000x128xf32, #tpu.memory_space<vmem_shared>> -> memref<16x128xf32, #tpu.memory_space<vmem_shared>>
          %dma_start3A_51 = arith.constant 9984 : i32
          %dma_start3A_52 = arith.constant 0 : i32
          %dma_start3A_53 = tpu.memref_slice %arg6[%dma_start3A_51, %dma_start3A_52] : memref<10000x128xf32, #tpu.memory_space<hbm>> -> memref<16x128xf32, #tpu.memory_space<hbm>>
          tpu.enqueue_dma source(%dma_start3A_53 : memref<16x128xf32, #tpu.memory_space<hbm>>) target(%dma_start3A_50 : memref<16x128xf32, #tpu.memory_space<vmem_shared>>) target_semaphore(%run_scoped3A : memref<!tpu.dma_semaphore, #tpu.memory_space<semaphore_mem>>)
          %dma_wait3A_54 = arith.constant 9984 : i32
          %dma_wait3A_55 = arith.constant 0 : i32
          %dma_wait3A_56 = tpu.memref_slice %arg21[%dma_wait3A_54, %dma_wait3A_55] : memref<10000x128xf32, #tpu.memory_space<vmem_shared>> -> memref<16x128xf32, #tpu.memory_space<vmem_shared>>
          %dma_wait3A_57 = arith.constant 9984 : i32
          %dma_wait3A_58 = arith.constant 0 : i32
          %dma_wait3A_59 = tpu.memref_slice %arg6[%dma_wait3A_57, %dma_wait3A_58] : memref<10000x128xf32, #tpu.memory_space<hbm>> -> memref<16x128xf32, #tpu.memory_space<hbm>>
          tpu.wait_dma2 semaphore(%run_scoped3A : memref<!tpu.dma_semaphore, #tpu.memory_space<semaphore_mem>>) src(%dma_wait3A_59 : memref<16x128xf32, #tpu.memory_space<hbm>>) dst(%dma_wait3A_56 : memref<16x128xf32, #tpu.memory_space<vmem_shared>>)
          tpu.yield
        }) : () -> ()
      } else {
      }
      %dma_wait3A = tpu.memref_slice %arg5[%mul3A_7] : memref<160000xi32, #tpu.memory_space<hbm>> -> memref<128xi32, #tpu.memory_space<hbm>>
      %dma_wait3A_19 = tpu.memref_slice %arg5[%mul3A_7] : memref<160000xi32, #tpu.memory_space<hbm>> -> memref<128xi32, #tpu.memory_space<hbm>>
      tpu.wait_dma2 semaphore(%arg19 : memref<!tpu.dma_semaphore, #tpu.memory_space<semaphore_mem>>) src(%dma_wait3A_19 : memref<128xi32, #tpu.memory_space<hbm>>) dst(%arg10 : memref<128xi32, #tpu.memory_space<vmem>>)
      %barrier3A = arith.constant 0 : index
      tpu.barrier barrier_id(%barrier3A)
      %scan3A = arith.constant 0 : i32
      %scan3A_20 = arith.constant 0 : i32
      %scan3A_21 = arith.constant 39 : i32
      %scan3A_22 = arith.addi %scan3A_20, %scan3A_21 : i32
      %scan3A_23 = arith.constant 1 : i32
      scf.for %scan3A_48 = %scan3A_20 to %scan3A_22 step %scan3A_23  : i32 {
        %mul3A_49 = arith.constant 2 : i32
        %mul3A_50 = arith.muli %mul3A_49, %scan3A_48 : i32
        %add3A_51 = arith.constant 1 : i32
        %add3A_52 = arith.addi %mul3A_50, %add3A_51 : i32
        %mul3A_53 = arith.constant 128 : i32
        %mul3A_54 = arith.muli %add3A_52, %mul3A_53 : i32
        %add3A_55 = arith.addi %mul3A_7, %mul3A_54 : i32
        %dma_start3A_56 = tpu.memref_slice %arg4[%add3A_55] : memref<160000xi32, #tpu.memory_space<hbm>> -> memref<128xi32, #tpu.memory_space<hbm>>
        %dma_start3A_57 = tpu.memref_slice %arg4[%add3A_55] : memref<160000xi32, #tpu.memory_space<hbm>> -> memref<128xi32, #tpu.memory_space<hbm>>
        tpu.enqueue_dma source(%dma_start3A_57 : memref<128xi32, #tpu.memory_space<hbm>>) target(%arg11 : memref<128xi32, #tpu.memory_space<vmem>>) target_semaphore(%arg20 : memref<!tpu.dma_semaphore, #tpu.memory_space<semaphore_mem>>)
        %mul3A_58 = arith.constant 128 : i32
        %mul3A_59 = arith.muli %add3A_52, %mul3A_58 : i32
        %add3A_60 = arith.addi %mul3A_7, %mul3A_59 : i32
        %dma_start3A_61 = tpu.memref_slice %arg5[%add3A_60] : memref<160000xi32, #tpu.memory_space<hbm>> -> memref<128xi32, #tpu.memory_space<hbm>>
        %dma_start3A_62 = tpu.memref_slice %arg5[%add3A_60] : memref<160000xi32, #tpu.memory_space<hbm>> -> memref<128xi32, #tpu.memory_space<hbm>>
        tpu.enqueue_dma source(%dma_start3A_62 : memref<128xi32, #tpu.memory_space<hbm>>) target(%arg12 : memref<128xi32, #tpu.memory_space<vmem>>) target_semaphore(%arg20 : memref<!tpu.dma_semaphore, #tpu.memory_space<semaphore_mem>>)
        %dma_wait3A_63 = arith.constant 0 : i32
        %dma_wait3A_64 = arith.constant 0 : i32
        %dma_wait3A_65 = tpu.memref_slice %arg2[%dma_wait3A_63, %dma_wait3A_64] : memref<10000x128xf32, #tpu.memory_space<hbm>> -> memref<10000x128xf32, #tpu.memory_space<hbm>>
        tpu.wait_indirect_dma semaphore(%arg17 : memref<!tpu.dma_semaphore, #tpu.memory_space<semaphore_mem>>) src(%dma_wait3A_65 : memref<10000x128xf32, #tpu.memory_space<hbm>>) dst(%arg15 : memref<128x128xf32, #tpu.memory_space<vmem>>)
        %add3A_66 = arith.constant 1 : i32
        %add3A_67 = arith.addi %mul3A_50, %add3A_66 : i32
        %mul3A_68 = arith.constant 128 : i32
        %mul3A_69 = arith.muli %add3A_67, %mul3A_68 : i32
        %add3A_70 = arith.addi %mul3A_7, %mul3A_69 : i32
        %dma_wait3A_71 = tpu.memref_slice %arg4[%add3A_70] : memref<160000xi32, #tpu.memory_space<hbm>> -> memref<128xi32, #tpu.memory_space<hbm>>
        %dma_wait3A_72 = tpu.memref_slice %arg4[%add3A_70] : memref<160000xi32, #tpu.memory_space<hbm>> -> memref<128xi32, #tpu.memory_space<hbm>>
        tpu.wait_dma2 semaphore(%arg20 : memref<!tpu.dma_semaphore, #tpu.memory_space<semaphore_mem>>) src(%dma_wait3A_72 : memref<128xi32, #tpu.memory_space<hbm>>) dst(%arg11 : memref<128xi32, #tpu.memory_space<vmem>>)
        %mul3A_73 = arith.constant 128 : i32
        %mul3A_74 = arith.muli %add3A_67, %mul3A_73 : i32
        %add3A_75 = arith.addi %mul3A_7, %mul3A_74 : i32
        %dma_wait3A_76 = tpu.memref_slice %arg5[%add3A_75] : memref<160000xi32, #tpu.memory_space<hbm>> -> memref<128xi32, #tpu.memory_space<hbm>>
        %dma_wait3A_77 = tpu.memref_slice %arg5[%add3A_75] : memref<160000xi32, #tpu.memory_space<hbm>> -> memref<128xi32, #tpu.memory_space<hbm>>
        tpu.wait_dma2 semaphore(%arg20 : memref<!tpu.dma_semaphore, #tpu.memory_space<semaphore_mem>>) src(%dma_wait3A_77 : memref<128xi32, #tpu.memory_space<hbm>>) dst(%arg12 : memref<128xi32, #tpu.memory_space<vmem>>)
        %dma_start3A_78 = arith.constant 0 : i32
        %dma_start3A_79 = arith.constant 0 : i32
        %dma_start3A_80 = tpu.memref_slice %arg2[%dma_start3A_78, %dma_start3A_79] : memref<10000x128xf32, #tpu.memory_space<hbm>> -> memref<10000x128xf32, #tpu.memory_space<hbm>>
        tpu.enqueue_indirect_dma source(%dma_start3A_80 : memref<10000x128xf32, #tpu.memory_space<hbm>>) target(%arg16 : memref<128x128xf32, #tpu.memory_space<vmem>>) offsets(%arg11 : memref<128xi32, #tpu.memory_space<vmem>>) semaphore(%arg18 : memref<!tpu.dma_semaphore, #tpu.memory_space<semaphore_mem>>)
        "tpu.region"() ({
          %run_scoped3A = tpu.sem_alloc : memref<!tpu.dma_semaphore, #tpu.memory_space<semaphore_mem>>
          %dma_start3A_88 = arith.constant 0 : i32
          %dma_start3A_89 = arith.constant 0 : i32
          %dma_start3A_90 = tpu.memref_slice %arg21[%dma_start3A_88, %dma_start3A_89] : memref<10000x128xf32, #tpu.memory_space<vmem_shared>> -> memref<10000x128xf32, #tpu.memory_space<vmem_shared>>
          tpu.enqueue_indirect_dma source(%arg15 : memref<128x128xf32, #tpu.memory_space<vmem>>) target(%dma_start3A_90 : memref<10000x128xf32, #tpu.memory_space<vmem_shared>>) offsets(%arg10 : memref<128xi32, #tpu.memory_space<vmem>>) semaphore(%run_scoped3A : memref<!tpu.dma_semaphore, #tpu.memory_space<semaphore_mem>>) {add = true}
          %dma_wait3A_91 = arith.constant 0 : i32
          %dma_wait3A_92 = arith.constant 0 : i32
          %dma_wait3A_93 = tpu.memref_slice %arg21[%dma_wait3A_91, %dma_wait3A_92] : memref<10000x128xf32, #tpu.memory_space<vmem_shared>> -> memref<10000x128xf32, #tpu.memory_space<vmem_shared>>
          tpu.wait_indirect_dma semaphore(%run_scoped3A : memref<!tpu.dma_semaphore, #tpu.memory_space<semaphore_mem>>) src(%arg15 : memref<128x128xf32, #tpu.memory_space<vmem>>) dst(%dma_wait3A_93 : memref<10000x128xf32, #tpu.memory_space<vmem_shared>>)
          tpu.yield
        }) : () -> ()
        %lt3A = arith.constant 38 : i32
        %lt3A_81 = arith.cmpi slt, %scan3A_48, %lt3A : i32
        %convert_element_type3A_82 = arith.extui %lt3A_81 : i1 to i32
        %cond3A_83 = arith.constant 0 : i32
        %cond3A_84 = arith.cmpi ne, %convert_element_type3A_82, %cond3A_83 : i32
        scf.if %cond3A_84 {
          %add3A_88 = arith.constant 2 : i32
          %add3A_89 = arith.addi %mul3A_50, %add3A_88 : i32
          %mul3A_90 = arith.constant 128 : i32
          %mul3A_91 = arith.muli %add3A_89, %mul3A_90 : i32
          %add3A_92 = arith.addi %mul3A_7, %mul3A_91 : i32
          %dma_start3A_93 = tpu.memref_slice %arg4[%add3A_92] : memref<160000xi32, #tpu.memory_space<hbm>> -> memref<128xi32, #tpu.memory_space<hbm>>
          %dma_start3A_94 = tpu.memref_slice %arg4[%add3A_92] : memref<160000xi32, #tpu.memory_space<hbm>> -> memref<128xi32, #tpu.memory_space<hbm>>
          tpu.enqueue_dma source(%dma_start3A_94 : memref<128xi32, #tpu.memory_space<hbm>>) target(%arg9 : memref<128xi32, #tpu.memory_space<vmem>>) target_semaphore(%arg19 : memref<!tpu.dma_semaphore, #tpu.memory_space<semaphore_mem>>)
          %mul3A_95 = arith.constant 128 : i32
          %mul3A_96 = arith.muli %add3A_89, %mul3A_95 : i32
          %add3A_97 = arith.addi %mul3A_7, %mul3A_96 : i32
          %dma_start3A_98 = tpu.memref_slice %arg5[%add3A_97] : memref<160000xi32, #tpu.memory_space<hbm>> -> memref<128xi32, #tpu.memory_space<hbm>>
          %dma_start3A_99 = tpu.memref_slice %arg5[%add3A_97] : memref<160000xi32, #tpu.memory_space<hbm>> -> memref<128xi32, #tpu.memory_space<hbm>>
          tpu.enqueue_dma source(%dma_start3A_99 : memref<128xi32, #tpu.memory_space<hbm>>) target(%arg10 : memref<128xi32, #tpu.memory_space<vmem>>) target_semaphore(%arg19 : memref<!tpu.dma_semaphore, #tpu.memory_space<semaphore_mem>>)
          %add3A_100 = arith.constant 2 : i32
          %add3A_101 = arith.addi %mul3A_50, %add3A_100 : i32
          %mul3A_102 = arith.constant 128 : i32
          %mul3A_103 = arith.muli %add3A_101, %mul3A_102 : i32
          %add3A_104 = arith.addi %mul3A_7, %mul3A_103 : i32
          %dma_wait3A_105 = tpu.memref_slice %arg4[%add3A_104] : memref<160000xi32, #tpu.memory_space<hbm>> -> memref<128xi32, #tpu.memory_space<hbm>>
          %dma_wait3A_106 = tpu.memref_slice %arg4[%add3A_104] : memref<160000xi32, #tpu.memory_space<hbm>> -> memref<128xi32, #tpu.memory_space<hbm>>
          tpu.wait_dma2 semaphore(%arg19 : memref<!tpu.dma_semaphore, #tpu.memory_space<semaphore_mem>>) src(%dma_wait3A_106 : memref<128xi32, #tpu.memory_space<hbm>>) dst(%arg9 : memref<128xi32, #tpu.memory_space<vmem>>)
          %mul3A_107 = arith.constant 128 : i32
          %mul3A_108 = arith.muli %add3A_101, %mul3A_107 : i32
          %add3A_109 = arith.addi %mul3A_7, %mul3A_108 : i32
          %dma_wait3A_110 = tpu.memref_slice %arg5[%add3A_109] : memref<160000xi32, #tpu.memory_space<hbm>> -> memref<128xi32, #tpu.memory_space<hbm>>
          %dma_wait3A_111 = tpu.memref_slice %arg5[%add3A_109] : memref<160000xi32, #tpu.memory_space<hbm>> -> memref<128xi32, #tpu.memory_space<hbm>>
          tpu.wait_dma2 semaphore(%arg19 : memref<!tpu.dma_semaphore, #tpu.memory_space<semaphore_mem>>) src(%dma_wait3A_111 : memref<128xi32, #tpu.memory_space<hbm>>) dst(%arg10 : memref<128xi32, #tpu.memory_space<vmem>>)
          %dma_start3A_112 = arith.constant 0 : i32
          %dma_start3A_113 = arith.constant 0 : i32
          %dma_start3A_114 = tpu.memref_slice %arg2[%dma_start3A_112, %dma_start3A_113] : memref<10000x128xf32, #tpu.memory_space<hbm>> -> memref<10000x128xf32, #tpu.memory_space<hbm>>
          tpu.enqueue_indirect_dma source(%dma_start3A_114 : memref<10000x128xf32, #tpu.memory_space<hbm>>) target(%arg15 : memref<128x128xf32, #tpu.memory_space<vmem>>) offsets(%arg9 : memref<128xi32, #tpu.memory_space<vmem>>) semaphore(%arg17 : memref<!tpu.dma_semaphore, #tpu.memory_space<semaphore_mem>>)
        } else {
        }
        %dma_wait3A_85 = arith.constant 0 : i32
        %dma_wait3A_86 = arith.constant 0 : i32
        %dma_wait3A_87 = tpu.memref_slice %arg2[%dma_wait3A_85, %dma_wait3A_86] : memref<10000x128xf32, #tpu.memory_space<hbm>> -> memref<10000x128xf32, #tpu.memory_space<hbm>>
        tpu.wait_indirect_dma semaphore(%arg18 : memref<!tpu.dma_semaphore, #tpu.memory_space<semaphore_mem>>) src(%dma_wait3A_87 : memref<10000x128xf32, #tpu.memory_space<hbm>>) dst(%arg16 : memref<128x128xf32, #tpu.memory_space<vmem>>)
        "tpu.region"() ({
          %run_scoped3A = tpu.sem_alloc : memref<!tpu.dma_semaphore, #tpu.memory_space<semaphore_mem>>
          %dma_start3A_88 = arith.constant 0 : i32
          %dma_start3A_89 = arith.constant 0 : i32
          %dma_start3A_90 = tpu.memref_slice %arg21[%dma_start3A_88, %dma_start3A_89] : memref<10000x128xf32, #tpu.memory_space<vmem_shared>> -> memref<10000x128xf32, #tpu.memory_space<vmem_shared>>
          tpu.enqueue_indirect_dma source(%arg16 : memref<128x128xf32, #tpu.memory_space<vmem>>) target(%dma_start3A_90 : memref<10000x128xf32, #tpu.memory_space<vmem_shared>>) offsets(%arg12 : memref<128xi32, #tpu.memory_space<vmem>>) semaphore(%run_scoped3A : memref<!tpu.dma_semaphore, #tpu.memory_space<semaphore_mem>>) {add = true}
          %dma_wait3A_91 = arith.constant 0 : i32
          %dma_wait3A_92 = arith.constant 0 : i32
          %dma_wait3A_93 = tpu.memref_slice %arg21[%dma_wait3A_91, %dma_wait3A_92] : memref<10000x128xf32, #tpu.memory_space<vmem_shared>> -> memref<10000x128xf32, #tpu.memory_space<vmem_shared>>
          tpu.wait_indirect_dma semaphore(%run_scoped3A : memref<!tpu.dma_semaphore, #tpu.memory_space<semaphore_mem>>) src(%arg16 : memref<128x128xf32, #tpu.memory_space<vmem>>) dst(%dma_wait3A_93 : memref<10000x128xf32, #tpu.memory_space<vmem_shared>>)
          tpu.yield
        }) : () -> ()
      }
      %scan3A_24 = arith.constant 39 : i32
      %add3A = arith.constant 9984 : i32
      %add3A_25 = arith.addi %mul3A_7, %add3A : i32
      "tpu.region"() ({
        %run_scoped3A = tpu.sem_alloc : memref<!tpu.dma_semaphore, #tpu.memory_space<semaphore_mem>>
        %dma_start3A_48 = tpu.memref_slice %arg4[%add3A_25] : memref<160000xi32, #tpu.memory_space<hbm>> -> memref<16xi32, #tpu.memory_space<hbm>>
        %dma_start3A_49 = tpu.memref_slice %arg4[%add3A_25] : memref<160000xi32, #tpu.memory_space<hbm>> -> memref<16xi32, #tpu.memory_space<hbm>>
        tpu.enqueue_dma source(%dma_start3A_49 : memref<16xi32, #tpu.memory_space<hbm>>) target(%arg13 : memref<16xi32, #tpu.memory_space<vmem>>) target_semaphore(%run_scoped3A : memref<!tpu.dma_semaphore, #tpu.memory_space<semaphore_mem>>)
        %dma_wait3A_50 = tpu.memref_slice %arg4[%add3A_25] : memref<160000xi32, #tpu.memory_space<hbm>> -> memref<16xi32, #tpu.memory_space<hbm>>
        %dma_wait3A_51 = tpu.memref_slice %arg4[%add3A_25] : memref<160000xi32, #tpu.memory_space<hbm>> -> memref<16xi32, #tpu.memory_space<hbm>>
        tpu.wait_dma2 semaphore(%run_scoped3A : memref<!tpu.dma_semaphore, #tpu.memory_space<semaphore_mem>>) src(%dma_wait3A_51 : memref<16xi32, #tpu.memory_space<hbm>>) dst(%arg13 : memref<16xi32, #tpu.memory_space<vmem>>)
        tpu.yield
      }) : () -> ()
      %add3A_26 = arith.constant 9984 : i32
      %add3A_27 = arith.addi %mul3A_7, %add3A_26 : i32
      "tpu.region"() ({
        %run_scoped3A = tpu.sem_alloc : memref<!tpu.dma_semaphore, #tpu.memory_space<semaphore_mem>>
        %dma_start3A_48 = tpu.memref_slice %arg5[%add3A_27] : memref<160000xi32, #tpu.memory_space<hbm>> -> memref<16xi32, #tpu.memory_space<hbm>>
        %dma_start3A_49 = tpu.memref_slice %arg5[%add3A_27] : memref<160000xi32, #tpu.memory_space<hbm>> -> memref<16xi32, #tpu.memory_space<hbm>>
        tpu.enqueue_dma source(%dma_start3A_49 : memref<16xi32, #tpu.memory_space<hbm>>) target(%arg14 : memref<16xi32, #tpu.memory_space<vmem>>) target_semaphore(%run_scoped3A : memref<!tpu.dma_semaphore, #tpu.memory_space<semaphore_mem>>)
        %dma_wait3A_50 = tpu.memref_slice %arg5[%add3A_27] : memref<160000xi32, #tpu.memory_space<hbm>> -> memref<16xi32, #tpu.memory_space<hbm>>
        %dma_wait3A_51 = tpu.memref_slice %arg5[%add3A_27] : memref<160000xi32, #tpu.memory_space<hbm>> -> memref<16xi32, #tpu.memory_space<hbm>>
        tpu.wait_dma2 semaphore(%run_scoped3A : memref<!tpu.dma_semaphore, #tpu.memory_space<semaphore_mem>>) src(%dma_wait3A_51 : memref<16xi32, #tpu.memory_space<hbm>>) dst(%arg14 : memref<16xi32, #tpu.memory_space<vmem>>)
        tpu.yield
      }) : () -> ()
      %dma_start3A_28 = arith.constant 0 : i32
      %dma_start3A_29 = arith.constant 0 : i32
      %dma_start3A_30 = tpu.memref_slice %arg15[%dma_start3A_28, %dma_start3A_29] : memref<128x128xf32, #tpu.memory_space<vmem>> -> memref<16x128xf32, #tpu.memory_space<vmem>>
      %dma_start3A_31 = arith.constant 0 : i32
      %dma_start3A_32 = arith.constant 0 : i32
      %dma_start3A_33 = tpu.memref_slice %arg2[%dma_start3A_31, %dma_start3A_32] : memref<10000x128xf32, #tpu.memory_space<hbm>> -> memref<10000x128xf32, #tpu.memory_space<hbm>>
      tpu.enqueue_indirect_dma source(%dma_start3A_33 : memref<10000x128xf32, #tpu.memory_space<hbm>>) target(%dma_start3A_30 : memref<16x128xf32, #tpu.memory_space<vmem>>) offsets(%arg13 : memref<16xi32, #tpu.memory_space<vmem>>) semaphore(%arg17 : memref<!tpu.dma_semaphore, #tpu.memory_space<semaphore_mem>>)
      %dma_wait3A_34 = arith.constant 0 : i32
      %dma_wait3A_35 = arith.constant 0 : i32
      %dma_wait3A_36 = tpu.memref_slice %arg15[%dma_wait3A_34, %dma_wait3A_35] : memref<128x128xf32, #tpu.memory_space<vmem>> -> memref<16x128xf32, #tpu.memory_space<vmem>>
      %dma_wait3A_37 = arith.constant 0 : i32
      %dma_wait3A_38 = arith.constant 0 : i32
      %dma_wait3A_39 = tpu.memref_slice %arg2[%dma_wait3A_37, %dma_wait3A_38] : memref<10000x128xf32, #tpu.memory_space<hbm>> -> memref<10000x128xf32, #tpu.memory_space<hbm>>
      tpu.wait_indirect_dma semaphore(%arg17 : memref<!tpu.dma_semaphore, #tpu.memory_space<semaphore_mem>>) src(%dma_wait3A_39 : memref<10000x128xf32, #tpu.memory_space<hbm>>) dst(%dma_wait3A_36 : memref<16x128xf32, #tpu.memory_space<vmem>>)
      "tpu.region"() ({
        %run_scoped3A = tpu.sem_alloc : memref<!tpu.dma_semaphore, #tpu.memory_space<semaphore_mem>>
        %dma_start3A_48 = arith.constant 0 : i32
        %dma_start3A_49 = arith.constant 0 : i32
        %dma_start3A_50 = tpu.memref_slice %arg15[%dma_start3A_48, %dma_start3A_49] : memref<128x128xf32, #tpu.memory_space<vmem>> -> memref<16x128xf32, #tpu.memory_space<vmem>>
        %dma_start3A_51 = arith.constant 0 : i32
        %dma_start3A_52 = arith.constant 0 : i32
        %dma_start3A_53 = tpu.memref_slice %arg21[%dma_start3A_51, %dma_start3A_52] : memref<10000x128xf32, #tpu.memory_space<vmem_shared>> -> memref<10000x128xf32, #tpu.memory_space<vmem_shared>>
        tpu.enqueue_indirect_dma source(%dma_start3A_50 : memref<16x128xf32, #tpu.memory_space<vmem>>) target(%dma_start3A_53 : memref<10000x128xf32, #tpu.memory_space<vmem_shared>>) offsets(%arg14 : memref<16xi32, #tpu.memory_space<vmem>>) semaphore(%run_scoped3A : memref<!tpu.dma_semaphore, #tpu.memory_space<semaphore_mem>>) {add = true}
        %dma_wait3A_54 = arith.constant 0 : i32
        %dma_wait3A_55 = arith.constant 0 : i32
        %dma_wait3A_56 = tpu.memref_slice %arg15[%dma_wait3A_54, %dma_wait3A_55] : memref<128x128xf32, #tpu.memory_space<vmem>> -> memref<16x128xf32, #tpu.memory_space<vmem>>
        %dma_wait3A_57 = arith.constant 0 : i32
        %dma_wait3A_58 = arith.constant 0 : i32
        %dma_wait3A_59 = tpu.memref_slice %arg21[%dma_wait3A_57, %dma_wait3A_58] : memref<10000x128xf32, #tpu.memory_space<vmem_shared>> -> memref<10000x128xf32, #tpu.memory_space<vmem_shared>>
        tpu.wait_indirect_dma semaphore(%run_scoped3A : memref<!tpu.dma_semaphore, #tpu.memory_space<semaphore_mem>>) src(%dma_wait3A_56 : memref<16x128xf32, #tpu.memory_space<vmem>>) dst(%dma_wait3A_59 : memref<10000x128xf32, #tpu.memory_space<vmem_shared>>)
        tpu.yield
      }) : () -> ()
      %barrier3A_40 = arith.constant 0 : index
      tpu.barrier barrier_id(%barrier3A_40)
      %mul3A_41 = arith.constant 624 : i32
      %mul3A_42 = arith.muli %arg1, %mul3A_41 : i32
      "tpu.region"() ({
        %run_scoped3A = tpu.sem_alloc : memref<!tpu.dma_semaphore, #tpu.memory_space<semaphore_mem>>
        %dma_start3A_48 = arith.constant 0 : i32
        %dma_start3A_49 = tpu.memref_slice %arg7[%mul3A_42, %dma_start3A_48] : memref<10000x128xf32, #tpu.memory_space<hbm>> -> memref<624x128xf32, #tpu.memory_space<hbm>>
        %dma_start3A_50 = arith.constant 0 : i32
        %dma_start3A_51 = tpu.memref_slice %arg21[%mul3A_42, %dma_start3A_50] : memref<10000x128xf32, #tpu.memory_space<vmem_shared>> -> memref<624x128xf32, #tpu.memory_space<vmem_shared>>
        tpu.enqueue_dma source(%dma_start3A_51 : memref<624x128xf32, #tpu.memory_space<vmem_shared>>) target(%dma_start3A_49 : memref<624x128xf32, #tpu.memory_space<hbm>>) target_semaphore(%run_scoped3A : memref<!tpu.dma_semaphore, #tpu.memory_space<semaphore_mem>>)
        %dma_wait3A_52 = arith.constant 0 : i32
        %dma_wait3A_53 = tpu.memref_slice %arg7[%mul3A_42, %dma_wait3A_52] : memref<10000x128xf32, #tpu.memory_space<hbm>> -> memref<624x128xf32, #tpu.memory_space<hbm>>
        %dma_wait3A_54 = arith.constant 0 : i32
        %dma_wait3A_55 = tpu.memref_slice %arg21[%mul3A_42, %dma_wait3A_54] : memref<10000x128xf32, #tpu.memory_space<vmem_shared>> -> memref<624x128xf32, #tpu.memory_space<vmem_shared>>
        tpu.wait_dma2 semaphore(%run_scoped3A : memref<!tpu.dma_semaphore, #tpu.memory_space<semaphore_mem>>) src(%dma_wait3A_55 : memref<624x128xf32, #tpu.memory_space<vmem_shared>>) dst(%dma_wait3A_53 : memref<624x128xf32, #tpu.memory_space<hbm>>)
        tpu.yield
      }) : () -> ()
      %eq3A_43 = arith.constant 15 : i32
      %eq3A_44 = arith.cmpi eq, %arg1, %eq3A_43 : i32
      %convert_element_type3A_45 = arith.extui %eq3A_44 : i1 to i32
      %cond3A_46 = arith.constant 0 : i32
      %cond3A_47 = arith.cmpi ne, %convert_element_type3A_45, %cond3A_46 : i32
      scf.if %cond3A_47 {
        "tpu.region"() ({
          %run_scoped3A = tpu.sem_alloc : memref<!tpu.dma_semaphore, #tpu.memory_space<semaphore_mem>>
          %dma_start3A_48 = arith.constant 9984 : i32
          %dma_start3A_49 = arith.constant 0 : i32
          %dma_start3A_50 = tpu.memref_slice %arg7[%dma_start3A_48, %dma_start3A_49] : memref<10000x128xf32, #tpu.memory_space<hbm>> -> memref<16x128xf32, #tpu.memory_space<hbm>>
          %dma_start3A_51 = arith.constant 9984 : i32
          %dma_start3A_52 = arith.constant 0 : i32
          %dma_start3A_53 = tpu.memref_slice %arg21[%dma_start3A_51, %dma_start3A_52] : memref<10000x128xf32, #tpu.memory_space<vmem_shared>> -> memref<16x128xf32, #tpu.memory_space<vmem_shared>>
          tpu.enqueue_dma source(%dma_start3A_53 : memref<16x128xf32, #tpu.memory_space<vmem_shared>>) target(%dma_start3A_50 : memref<16x128xf32, #tpu.memory_space<hbm>>) target_semaphore(%run_scoped3A : memref<!tpu.dma_semaphore, #tpu.memory_space<semaphore_mem>>)
          %dma_wait3A_54 = arith.constant 9984 : i32
          %dma_wait3A_55 = arith.constant 0 : i32
          %dma_wait3A_56 = tpu.memref_slice %arg7[%dma_wait3A_54, %dma_wait3A_55] : memref<10000x128xf32, #tpu.memory_space<hbm>> -> memref<16x128xf32, #tpu.memory_space<hbm>>
          %dma_wait3A_57 = arith.constant 9984 : i32
          %dma_wait3A_58 = arith.constant 0 : i32
          %dma_wait3A_59 = tpu.memref_slice %arg21[%dma_wait3A_57, %dma_wait3A_58] : memref<10000x128xf32, #tpu.memory_space<vmem_shared>> -> memref<16x128xf32, #tpu.memory_space<vmem_shared>>
          tpu.wait_dma2 semaphore(%run_scoped3A : memref<!tpu.dma_semaphore, #tpu.memory_space<semaphore_mem>>) src(%dma_wait3A_59 : memref<16x128xf32, #tpu.memory_space<vmem_shared>>) dst(%dma_wait3A_56 : memref<16x128xf32, #tpu.memory_space<hbm>>)
          tpu.yield
        }) : () -> ()
      } else {
      }
    } else {
    }
    %eq3A_2 = arith.constant 1 : i32
    %eq3A_3 = arith.cmpi eq, %arg0, %eq3A_2 : i32
    %convert_element_type3A_4 = arith.extui %eq3A_3 : i1 to i32
    %cond3A_5 = arith.constant 0 : i32
    %cond3A_6 = arith.cmpi ne, %convert_element_type3A_4, %cond3A_5 : i32
    scf.if %cond3A_6 {
      %mul3A = arith.constant 10000 : i32
      %mul3A_7 = arith.muli %arg1, %mul3A : i32
      "tpu.region"() ({
        %run_scoped3A = tpu.sem_alloc : memref<!tpu.dma_semaphore, #tpu.memory_space<semaphore_mem>>
        %dma_start3A_48 = tpu.memref_slice %arg4[%mul3A_7] : memref<160000xi32, #tpu.memory_space<hbm>> -> memref<128xi32, #tpu.memory_space<hbm>>
        %dma_start3A_49 = tpu.memref_slice %arg4[%mul3A_7] : memref<160000xi32, #tpu.memory_space<hbm>> -> memref<128xi32, #tpu.memory_space<hbm>>
        tpu.enqueue_dma source(%dma_start3A_49 : memref<128xi32, #tpu.memory_space<hbm>>) target(%arg9 : memref<128xi32, #tpu.memory_space<vmem>>) target_semaphore(%run_scoped3A : memref<!tpu.dma_semaphore, #tpu.memory_space<semaphore_mem>>)
        %dma_wait3A_50 = tpu.memref_slice %arg4[%mul3A_7] : memref<160000xi32, #tpu.memory_space<hbm>> -> memref<128xi32, #tpu.memory_space<hbm>>
        %dma_wait3A_51 = tpu.memref_slice %arg4[%mul3A_7] : memref<160000xi32, #tpu.memory_space<hbm>> -> memref<128xi32, #tpu.memory_space<hbm>>
        tpu.wait_dma2 semaphore(%run_scoped3A : memref<!tpu.dma_semaphore, #tpu.memory_space<semaphore_mem>>) src(%dma_wait3A_51 : memref<128xi32, #tpu.memory_space<hbm>>) dst(%arg9 : memref<128xi32, #tpu.memory_space<vmem>>)
        tpu.yield
      }) : () -> ()
      %dma_start3A = tpu.memref_slice %arg5[%mul3A_7] : memref<160000xi32, #tpu.memory_space<hbm>> -> memref<128xi32, #tpu.memory_space<hbm>>
      %dma_start3A_8 = tpu.memref_slice %arg5[%mul3A_7] : memref<160000xi32, #tpu.memory_space<hbm>> -> memref<128xi32, #tpu.memory_space<hbm>>
      tpu.enqueue_dma source(%dma_start3A_8 : memref<128xi32, #tpu.memory_space<hbm>>) target(%arg10 : memref<128xi32, #tpu.memory_space<vmem>>) target_semaphore(%arg19 : memref<!tpu.dma_semaphore, #tpu.memory_space<semaphore_mem>>)
      %dma_start3A_9 = arith.constant 0 : i32
      %dma_start3A_10 = arith.constant 0 : i32
      %dma_start3A_11 = tpu.memref_slice %arg3[%dma_start3A_9, %dma_start3A_10] : memref<10000x128xf32, #tpu.memory_space<hbm>> -> memref<10000x128xf32, #tpu.memory_space<hbm>>
      tpu.enqueue_indirect_dma source(%dma_start3A_11 : memref<10000x128xf32, #tpu.memory_space<hbm>>) target(%arg15 : memref<128x128xf32, #tpu.memory_space<vmem>>) offsets(%arg9 : memref<128xi32, #tpu.memory_space<vmem>>) semaphore(%arg17 : memref<!tpu.dma_semaphore, #tpu.memory_space<semaphore_mem>>)
      %mul3A_12 = arith.constant 624 : i32
      %mul3A_13 = arith.muli %arg1, %mul3A_12 : i32
      "tpu.region"() ({
        %run_scoped3A = tpu.sem_alloc : memref<!tpu.dma_semaphore, #tpu.memory_space<semaphore_mem>>
        %dma_start3A_48 = arith.constant 0 : i32
        %dma_start3A_49 = tpu.memref_slice %arg21[%mul3A_13, %dma_start3A_48] : memref<10000x128xf32, #tpu.memory_space<vmem_shared>> -> memref<624x128xf32, #tpu.memory_space<vmem_shared>>
        %dma_start3A_50 = arith.constant 0 : i32
        %dma_start3A_51 = tpu.memref_slice %arg6[%mul3A_13, %dma_start3A_50] : memref<10000x128xf32, #tpu.memory_space<hbm>> -> memref<624x128xf32, #tpu.memory_space<hbm>>
        tpu.enqueue_dma source(%dma_start3A_51 : memref<624x128xf32, #tpu.memory_space<hbm>>) target(%dma_start3A_49 : memref<624x128xf32, #tpu.memory_space<vmem_shared>>) target_semaphore(%run_scoped3A : memref<!tpu.dma_semaphore, #tpu.memory_space<semaphore_mem>>)
        %dma_wait3A_52 = arith.constant 0 : i32
        %dma_wait3A_53 = tpu.memref_slice %arg21[%mul3A_13, %dma_wait3A_52] : memref<10000x128xf32, #tpu.memory_space<vmem_shared>> -> memref<624x128xf32, #tpu.memory_space<vmem_shared>>
        %dma_wait3A_54 = arith.constant 0 : i32
        %dma_wait3A_55 = tpu.memref_slice %arg6[%mul3A_13, %dma_wait3A_54] : memref<10000x128xf32, #tpu.memory_space<hbm>> -> memref<624x128xf32, #tpu.memory_space<hbm>>
        tpu.wait_dma2 semaphore(%run_scoped3A : memref<!tpu.dma_semaphore, #tpu.memory_space<semaphore_mem>>) src(%dma_wait3A_55 : memref<624x128xf32, #tpu.memory_space<hbm>>) dst(%dma_wait3A_53 : memref<624x128xf32, #tpu.memory_space<vmem_shared>>)
        tpu.yield
      }) : () -> ()
      %eq3A_14 = arith.constant 15 : i32
      %eq3A_15 = arith.cmpi eq, %arg1, %eq3A_14 : i32
      %convert_element_type3A_16 = arith.extui %eq3A_15 : i1 to i32
      %cond3A_17 = arith.constant 0 : i32
      %cond3A_18 = arith.cmpi ne, %convert_element_type3A_16, %cond3A_17 : i32
      scf.if %cond3A_18 {
        "tpu.region"() ({
          %run_scoped3A = tpu.sem_alloc : memref<!tpu.dma_semaphore, #tpu.memory_space<semaphore_mem>>
          %dma_start3A_48 = arith.constant 9984 : i32
          %dma_start3A_49 = arith.constant 0 : i32
          %dma_start3A_50 = tpu.memref_slice %arg21[%dma_start3A_48, %dma_start3A_49] : memref<10000x128xf32, #tpu.memory_space<vmem_shared>> -> memref<16x128xf32, #tpu.memory_space<vmem_shared>>
          %dma_start3A_51 = arith.constant 9984 : i32
          %dma_start3A_52 = arith.constant 0 : i32
          %dma_start3A_53 = tpu.memref_slice %arg6[%dma_start3A_51, %dma_start3A_52] : memref<10000x128xf32, #tpu.memory_space<hbm>> -> memref<16x128xf32, #tpu.memory_space<hbm>>
          tpu.enqueue_dma source(%dma_start3A_53 : memref<16x128xf32, #tpu.memory_space<hbm>>) target(%dma_start3A_50 : memref<16x128xf32, #tpu.memory_space<vmem_shared>>) target_semaphore(%run_scoped3A : memref<!tpu.dma_semaphore, #tpu.memory_space<semaphore_mem>>)
          %dma_wait3A_54 = arith.constant 9984 : i32
          %dma_wait3A_55 = arith.constant 0 : i32
          %dma_wait3A_56 = tpu.memref_slice %arg21[%dma_wait3A_54, %dma_wait3A_55] : memref<10000x128xf32, #tpu.memory_space<vmem_shared>> -> memref<16x128xf32, #tpu.memory_space<vmem_shared>>
          %dma_wait3A_57 = arith.constant 9984 : i32
          %dma_wait3A_58 = arith.constant 0 : i32
          %dma_wait3A_59 = tpu.memref_slice %arg6[%dma_wait3A_57, %dma_wait3A_58] : memref<10000x128xf32, #tpu.memory_space<hbm>> -> memref<16x128xf32, #tpu.memory_space<hbm>>
          tpu.wait_dma2 semaphore(%run_scoped3A : memref<!tpu.dma_semaphore, #tpu.memory_space<semaphore_mem>>) src(%dma_wait3A_59 : memref<16x128xf32, #tpu.memory_space<hbm>>) dst(%dma_wait3A_56 : memref<16x128xf32, #tpu.memory_space<vmem_shared>>)
          tpu.yield
        }) : () -> ()
      } else {
      }
      %dma_wait3A = tpu.memref_slice %arg5[%mul3A_7] : memref<160000xi32, #tpu.memory_space<hbm>> -> memref<128xi32, #tpu.memory_space<hbm>>
      %dma_wait3A_19 = tpu.memref_slice %arg5[%mul3A_7] : memref<160000xi32, #tpu.memory_space<hbm>> -> memref<128xi32, #tpu.memory_space<hbm>>
      tpu.wait_dma2 semaphore(%arg19 : memref<!tpu.dma_semaphore, #tpu.memory_space<semaphore_mem>>) src(%dma_wait3A_19 : memref<128xi32, #tpu.memory_space<hbm>>) dst(%arg10 : memref<128xi32, #tpu.memory_space<vmem>>)
      %barrier3A = arith.constant 0 : index
      tpu.barrier barrier_id(%barrier3A)
      %scan3A = arith.constant 0 : i32
      %scan3A_20 = arith.constant 0 : i32
      %scan3A_21 = arith.constant 39 : i32
      %scan3A_22 = arith.addi %scan3A_20, %scan3A_21 : i32
      %scan3A_23 = arith.constant 1 : i32
      scf.for %scan3A_48 = %scan3A_20 to %scan3A_22 step %scan3A_23  : i32 {
        %mul3A_49 = arith.constant 2 : i32
        %mul3A_50 = arith.muli %mul3A_49, %scan3A_48 : i32
        %add3A_51 = arith.constant 1 : i32
        %add3A_52 = arith.addi %mul3A_50, %add3A_51 : i32
        %mul3A_53 = arith.constant 128 : i32
        %mul3A_54 = arith.muli %add3A_52, %mul3A_53 : i32
        %add3A_55 = arith.addi %mul3A_7, %mul3A_54 : i32
        %dma_start3A_56 = tpu.memref_slice %arg4[%add3A_55] : memref<160000xi32, #tpu.memory_space<hbm>> -> memref<128xi32, #tpu.memory_space<hbm>>
        %dma_start3A_57 = tpu.memref_slice %arg4[%add3A_55] : memref<160000xi32, #tpu.memory_space<hbm>> -> memref<128xi32, #tpu.memory_space<hbm>>
        tpu.enqueue_dma source(%dma_start3A_57 : memref<128xi32, #tpu.memory_space<hbm>>) target(%arg11 : memref<128xi32, #tpu.memory_space<vmem>>) target_semaphore(%arg20 : memref<!tpu.dma_semaphore, #tpu.memory_space<semaphore_mem>>)
        %mul3A_58 = arith.constant 128 : i32
        %mul3A_59 = arith.muli %add3A_52, %mul3A_58 : i32
        %add3A_60 = arith.addi %mul3A_7, %mul3A_59 : i32
        %dma_start3A_61 = tpu.memref_slice %arg5[%add3A_60] : memref<160000xi32, #tpu.memory_space<hbm>> -> memref<128xi32, #tpu.memory_space<hbm>>
        %dma_start3A_62 = tpu.memref_slice %arg5[%add3A_60] : memref<160000xi32, #tpu.memory_space<hbm>> -> memref<128xi32, #tpu.memory_space<hbm>>
        tpu.enqueue_dma source(%dma_start3A_62 : memref<128xi32, #tpu.memory_space<hbm>>) target(%arg12 : memref<128xi32, #tpu.memory_space<vmem>>) target_semaphore(%arg20 : memref<!tpu.dma_semaphore, #tpu.memory_space<semaphore_mem>>)
        %dma_wait3A_63 = arith.constant 0 : i32
        %dma_wait3A_64 = arith.constant 0 : i32
        %dma_wait3A_65 = tpu.memref_slice %arg3[%dma_wait3A_63, %dma_wait3A_64] : memref<10000x128xf32, #tpu.memory_space<hbm>> -> memref<10000x128xf32, #tpu.memory_space<hbm>>
        tpu.wait_indirect_dma semaphore(%arg17 : memref<!tpu.dma_semaphore, #tpu.memory_space<semaphore_mem>>) src(%dma_wait3A_65 : memref<10000x128xf32, #tpu.memory_space<hbm>>) dst(%arg15 : memref<128x128xf32, #tpu.memory_space<vmem>>)
        %add3A_66 = arith.constant 1 : i32
        %add3A_67 = arith.addi %mul3A_50, %add3A_66 : i32
        %mul3A_68 = arith.constant 128 : i32
        %mul3A_69 = arith.muli %add3A_67, %mul3A_68 : i32
        %add3A_70 = arith.addi %mul3A_7, %mul3A_69 : i32
        %dma_wait3A_71 = tpu.memref_slice %arg4[%add3A_70] : memref<160000xi32, #tpu.memory_space<hbm>> -> memref<128xi32, #tpu.memory_space<hbm>>
        %dma_wait3A_72 = tpu.memref_slice %arg4[%add3A_70] : memref<160000xi32, #tpu.memory_space<hbm>> -> memref<128xi32, #tpu.memory_space<hbm>>
        tpu.wait_dma2 semaphore(%arg20 : memref<!tpu.dma_semaphore, #tpu.memory_space<semaphore_mem>>) src(%dma_wait3A_72 : memref<128xi32, #tpu.memory_space<hbm>>) dst(%arg11 : memref<128xi32, #tpu.memory_space<vmem>>)
        %mul3A_73 = arith.constant 128 : i32
        %mul3A_74 = arith.muli %add3A_67, %mul3A_73 : i32
        %add3A_75 = arith.addi %mul3A_7, %mul3A_74 : i32
        %dma_wait3A_76 = tpu.memref_slice %arg5[%add3A_75] : memref<160000xi32, #tpu.memory_space<hbm>> -> memref<128xi32, #tpu.memory_space<hbm>>
        %dma_wait3A_77 = tpu.memref_slice %arg5[%add3A_75] : memref<160000xi32, #tpu.memory_space<hbm>> -> memref<128xi32, #tpu.memory_space<hbm>>
        tpu.wait_dma2 semaphore(%arg20 : memref<!tpu.dma_semaphore, #tpu.memory_space<semaphore_mem>>) src(%dma_wait3A_77 : memref<128xi32, #tpu.memory_space<hbm>>) dst(%arg12 : memref<128xi32, #tpu.memory_space<vmem>>)
        %dma_start3A_78 = arith.constant 0 : i32
        %dma_start3A_79 = arith.constant 0 : i32
        %dma_start3A_80 = tpu.memref_slice %arg3[%dma_start3A_78, %dma_start3A_79] : memref<10000x128xf32, #tpu.memory_space<hbm>> -> memref<10000x128xf32, #tpu.memory_space<hbm>>
        tpu.enqueue_indirect_dma source(%dma_start3A_80 : memref<10000x128xf32, #tpu.memory_space<hbm>>) target(%arg16 : memref<128x128xf32, #tpu.memory_space<vmem>>) offsets(%arg11 : memref<128xi32, #tpu.memory_space<vmem>>) semaphore(%arg18 : memref<!tpu.dma_semaphore, #tpu.memory_space<semaphore_mem>>)
        "tpu.region"() ({
          %run_scoped3A = tpu.sem_alloc : memref<!tpu.dma_semaphore, #tpu.memory_space<semaphore_mem>>
          %dma_start3A_88 = arith.constant 0 : i32
          %dma_start3A_89 = arith.constant 0 : i32
          %dma_start3A_90 = tpu.memref_slice %arg21[%dma_start3A_88, %dma_start3A_89] : memref<10000x128xf32, #tpu.memory_space<vmem_shared>> -> memref<10000x128xf32, #tpu.memory_space<vmem_shared>>
          tpu.enqueue_indirect_dma source(%arg15 : memref<128x128xf32, #tpu.memory_space<vmem>>) target(%dma_start3A_90 : memref<10000x128xf32, #tpu.memory_space<vmem_shared>>) offsets(%arg10 : memref<128xi32, #tpu.memory_space<vmem>>) semaphore(%run_scoped3A : memref<!tpu.dma_semaphore, #tpu.memory_space<semaphore_mem>>) {add = true}
          %dma_wait3A_91 = arith.constant 0 : i32
          %dma_wait3A_92 = arith.constant 0 : i32
          %dma_wait3A_93 = tpu.memref_slice %arg21[%dma_wait3A_91, %dma_wait3A_92] : memref<10000x128xf32, #tpu.memory_space<vmem_shared>> -> memref<10000x128xf32, #tpu.memory_space<vmem_shared>>
          tpu.wait_indirect_dma semaphore(%run_scoped3A : memref<!tpu.dma_semaphore, #tpu.memory_space<semaphore_mem>>) src(%arg15 : memref<128x128xf32, #tpu.memory_space<vmem>>) dst(%dma_wait3A_93 : memref<10000x128xf32, #tpu.memory_space<vmem_shared>>)
          tpu.yield
        }) : () -> ()
        %lt3A = arith.constant 38 : i32
        %lt3A_81 = arith.cmpi slt, %scan3A_48, %lt3A : i32
        %convert_element_type3A_82 = arith.extui %lt3A_81 : i1 to i32
        %cond3A_83 = arith.constant 0 : i32
        %cond3A_84 = arith.cmpi ne, %convert_element_type3A_82, %cond3A_83 : i32
        scf.if %cond3A_84 {
          %add3A_88 = arith.constant 2 : i32
          %add3A_89 = arith.addi %mul3A_50, %add3A_88 : i32
          %mul3A_90 = arith.constant 128 : i32
          %mul3A_91 = arith.muli %add3A_89, %mul3A_90 : i32
          %add3A_92 = arith.addi %mul3A_7, %mul3A_91 : i32
          %dma_start3A_93 = tpu.memref_slice %arg4[%add3A_92] : memref<160000xi32, #tpu.memory_space<hbm>> -> memref<128xi32, #tpu.memory_space<hbm>>
          %dma_start3A_94 = tpu.memref_slice %arg4[%add3A_92] : memref<160000xi32, #tpu.memory_space<hbm>> -> memref<128xi32, #tpu.memory_space<hbm>>
          tpu.enqueue_dma source(%dma_start3A_94 : memref<128xi32, #tpu.memory_space<hbm>>) target(%arg9 : memref<128xi32, #tpu.memory_space<vmem>>) target_semaphore(%arg19 : memref<!tpu.dma_semaphore, #tpu.memory_space<semaphore_mem>>)
          %mul3A_95 = arith.constant 128 : i32
          %mul3A_96 = arith.muli %add3A_89, %mul3A_95 : i32
          %add3A_97 = arith.addi %mul3A_7, %mul3A_96 : i32
          %dma_start3A_98 = tpu.memref_slice %arg5[%add3A_97] : memref<160000xi32, #tpu.memory_space<hbm>> -> memref<128xi32, #tpu.memory_space<hbm>>
          %dma_start3A_99 = tpu.memref_slice %arg5[%add3A_97] : memref<160000xi32, #tpu.memory_space<hbm>> -> memref<128xi32, #tpu.memory_space<hbm>>
          tpu.enqueue_dma source(%dma_start3A_99 : memref<128xi32, #tpu.memory_space<hbm>>) target(%arg10 : memref<128xi32, #tpu.memory_space<vmem>>) target_semaphore(%arg19 : memref<!tpu.dma_semaphore, #tpu.memory_space<semaphore_mem>>)
          %add3A_100 = arith.constant 2 : i32
          %add3A_101 = arith.addi %mul3A_50, %add3A_100 : i32
          %mul3A_102 = arith.constant 128 : i32
          %mul3A_103 = arith.muli %add3A_101, %mul3A_102 : i32
          %add3A_104 = arith.addi %mul3A_7, %mul3A_103 : i32
          %dma_wait3A_105 = tpu.memref_slice %arg4[%add3A_104] : memref<160000xi32, #tpu.memory_space<hbm>> -> memref<128xi32, #tpu.memory_space<hbm>>
          %dma_wait3A_106 = tpu.memref_slice %arg4[%add3A_104] : memref<160000xi32, #tpu.memory_space<hbm>> -> memref<128xi32, #tpu.memory_space<hbm>>
          tpu.wait_dma2 semaphore(%arg19 : memref<!tpu.dma_semaphore, #tpu.memory_space<semaphore_mem>>) src(%dma_wait3A_106 : memref<128xi32, #tpu.memory_space<hbm>>) dst(%arg9 : memref<128xi32, #tpu.memory_space<vmem>>)
          %mul3A_107 = arith.constant 128 : i32
          %mul3A_108 = arith.muli %add3A_101, %mul3A_107 : i32
          %add3A_109 = arith.addi %mul3A_7, %mul3A_108 : i32
          %dma_wait3A_110 = tpu.memref_slice %arg5[%add3A_109] : memref<160000xi32, #tpu.memory_space<hbm>> -> memref<128xi32, #tpu.memory_space<hbm>>
          %dma_wait3A_111 = tpu.memref_slice %arg5[%add3A_109] : memref<160000xi32, #tpu.memory_space<hbm>> -> memref<128xi32, #tpu.memory_space<hbm>>
          tpu.wait_dma2 semaphore(%arg19 : memref<!tpu.dma_semaphore, #tpu.memory_space<semaphore_mem>>) src(%dma_wait3A_111 : memref<128xi32, #tpu.memory_space<hbm>>) dst(%arg10 : memref<128xi32, #tpu.memory_space<vmem>>)
          %dma_start3A_112 = arith.constant 0 : i32
          %dma_start3A_113 = arith.constant 0 : i32
          %dma_start3A_114 = tpu.memref_slice %arg3[%dma_start3A_112, %dma_start3A_113] : memref<10000x128xf32, #tpu.memory_space<hbm>> -> memref<10000x128xf32, #tpu.memory_space<hbm>>
          tpu.enqueue_indirect_dma source(%dma_start3A_114 : memref<10000x128xf32, #tpu.memory_space<hbm>>) target(%arg15 : memref<128x128xf32, #tpu.memory_space<vmem>>) offsets(%arg9 : memref<128xi32, #tpu.memory_space<vmem>>) semaphore(%arg17 : memref<!tpu.dma_semaphore, #tpu.memory_space<semaphore_mem>>)
        } else {
        }
        %dma_wait3A_85 = arith.constant 0 : i32
        %dma_wait3A_86 = arith.constant 0 : i32
        %dma_wait3A_87 = tpu.memref_slice %arg3[%dma_wait3A_85, %dma_wait3A_86] : memref<10000x128xf32, #tpu.memory_space<hbm>> -> memref<10000x128xf32, #tpu.memory_space<hbm>>
        tpu.wait_indirect_dma semaphore(%arg18 : memref<!tpu.dma_semaphore, #tpu.memory_space<semaphore_mem>>) src(%dma_wait3A_87 : memref<10000x128xf32, #tpu.memory_space<hbm>>) dst(%arg16 : memref<128x128xf32, #tpu.memory_space<vmem>>)
        "tpu.region"() ({
          %run_scoped3A = tpu.sem_alloc : memref<!tpu.dma_semaphore, #tpu.memory_space<semaphore_mem>>
          %dma_start3A_88 = arith.constant 0 : i32
          %dma_start3A_89 = arith.constant 0 : i32
          %dma_start3A_90 = tpu.memref_slice %arg21[%dma_start3A_88, %dma_start3A_89] : memref<10000x128xf32, #tpu.memory_space<vmem_shared>> -> memref<10000x128xf32, #tpu.memory_space<vmem_shared>>
          tpu.enqueue_indirect_dma source(%arg16 : memref<128x128xf32, #tpu.memory_space<vmem>>) target(%dma_start3A_90 : memref<10000x128xf32, #tpu.memory_space<vmem_shared>>) offsets(%arg12 : memref<128xi32, #tpu.memory_space<vmem>>) semaphore(%run_scoped3A : memref<!tpu.dma_semaphore, #tpu.memory_space<semaphore_mem>>) {add = true}
          %dma_wait3A_91 = arith.constant 0 : i32
          %dma_wait3A_92 = arith.constant 0 : i32
          %dma_wait3A_93 = tpu.memref_slice %arg21[%dma_wait3A_91, %dma_wait3A_92] : memref<10000x128xf32, #tpu.memory_space<vmem_shared>> -> memref<10000x128xf32, #tpu.memory_space<vmem_shared>>
          tpu.wait_indirect_dma semaphore(%run_scoped3A : memref<!tpu.dma_semaphore, #tpu.memory_space<semaphore_mem>>) src(%arg16 : memref<128x128xf32, #tpu.memory_space<vmem>>) dst(%dma_wait3A_93 : memref<10000x128xf32, #tpu.memory_space<vmem_shared>>)
          tpu.yield
        }) : () -> ()
      }
      %scan3A_24 = arith.constant 39 : i32
      %add3A = arith.constant 9984 : i32
      %add3A_25 = arith.addi %mul3A_7, %add3A : i32
      "tpu.region"() ({
        %run_scoped3A = tpu.sem_alloc : memref<!tpu.dma_semaphore, #tpu.memory_space<semaphore_mem>>
        %dma_start3A_48 = tpu.memref_slice %arg4[%add3A_25] : memref<160000xi32, #tpu.memory_space<hbm>> -> memref<16xi32, #tpu.memory_space<hbm>>
        %dma_start3A_49 = tpu.memref_slice %arg4[%add3A_25] : memref<160000xi32, #tpu.memory_space<hbm>> -> memref<16xi32, #tpu.memory_space<hbm>>
        tpu.enqueue_dma source(%dma_start3A_49 : memref<16xi32, #tpu.memory_space<hbm>>) target(%arg13 : memref<16xi32, #tpu.memory_space<vmem>>) target_semaphore(%run_scoped3A : memref<!tpu.dma_semaphore, #tpu.memory_space<semaphore_mem>>)
        %dma_wait3A_50 = tpu.memref_slice %arg4[%add3A_25] : memref<160000xi32, #tpu.memory_space<hbm>> -> memref<16xi32, #tpu.memory_space<hbm>>
        %dma_wait3A_51 = tpu.memref_slice %arg4[%add3A_25] : memref<160000xi32, #tpu.memory_space<hbm>> -> memref<16xi32, #tpu.memory_space<hbm>>
        tpu.wait_dma2 semaphore(%run_scoped3A : memref<!tpu.dma_semaphore, #tpu.memory_space<semaphore_mem>>) src(%dma_wait3A_51 : memref<16xi32, #tpu.memory_space<hbm>>) dst(%arg13 : memref<16xi32, #tpu.memory_space<vmem>>)
        tpu.yield
      }) : () -> ()
      %add3A_26 = arith.constant 9984 : i32
      %add3A_27 = arith.addi %mul3A_7, %add3A_26 : i32
      "tpu.region"() ({
        %run_scoped3A = tpu.sem_alloc : memref<!tpu.dma_semaphore, #tpu.memory_space<semaphore_mem>>
        %dma_start3A_48 = tpu.memref_slice %arg5[%add3A_27] : memref<160000xi32, #tpu.memory_space<hbm>> -> memref<16xi32, #tpu.memory_space<hbm>>
        %dma_start3A_49 = tpu.memref_slice %arg5[%add3A_27] : memref<160000xi32, #tpu.memory_space<hbm>> -> memref<16xi32, #tpu.memory_space<hbm>>
        tpu.enqueue_dma source(%dma_start3A_49 : memref<16xi32, #tpu.memory_space<hbm>>) target(%arg14 : memref<16xi32, #tpu.memory_space<vmem>>) target_semaphore(%run_scoped3A : memref<!tpu.dma_semaphore, #tpu.memory_space<semaphore_mem>>)
        %dma_wait3A_50 = tpu.memref_slice %arg5[%add3A_27] : memref<160000xi32, #tpu.memory_space<hbm>> -> memref<16xi32, #tpu.memory_space<hbm>>
        %dma_wait3A_51 = tpu.memref_slice %arg5[%add3A_27] : memref<160000xi32, #tpu.memory_space<hbm>> -> memref<16xi32, #tpu.memory_space<hbm>>
        tpu.wait_dma2 semaphore(%run_scoped3A : memref<!tpu.dma_semaphore, #tpu.memory_space<semaphore_mem>>) src(%dma_wait3A_51 : memref<16xi32, #tpu.memory_space<hbm>>) dst(%arg14 : memref<16xi32, #tpu.memory_space<vmem>>)
        tpu.yield
      }) : () -> ()
      %dma_start3A_28 = arith.constant 0 : i32
      %dma_start3A_29 = arith.constant 0 : i32
      %dma_start3A_30 = tpu.memref_slice %arg15[%dma_start3A_28, %dma_start3A_29] : memref<128x128xf32, #tpu.memory_space<vmem>> -> memref<16x128xf32, #tpu.memory_space<vmem>>
      %dma_start3A_31 = arith.constant 0 : i32
      %dma_start3A_32 = arith.constant 0 : i32
      %dma_start3A_33 = tpu.memref_slice %arg3[%dma_start3A_31, %dma_start3A_32] : memref<10000x128xf32, #tpu.memory_space<hbm>> -> memref<10000x128xf32, #tpu.memory_space<hbm>>
      tpu.enqueue_indirect_dma source(%dma_start3A_33 : memref<10000x128xf32, #tpu.memory_space<hbm>>) target(%dma_start3A_30 : memref<16x128xf32, #tpu.memory_space<vmem>>) offsets(%arg13 : memref<16xi32, #tpu.memory_space<vmem>>) semaphore(%arg17 : memref<!tpu.dma_semaphore, #tpu.memory_space<semaphore_mem>>)
      %dma_wait3A_34 = arith.constant 0 : i32
      %dma_wait3A_35 = arith.constant 0 : i32
      %dma_wait3A_36 = tpu.memref_slice %arg15[%dma_wait3A_34, %dma_wait3A_35] : memref<128x128xf32, #tpu.memory_space<vmem>> -> memref<16x128xf32, #tpu.memory_space<vmem>>
      %dma_wait3A_37 = arith.constant 0 : i32
      %dma_wait3A_38 = arith.constant 0 : i32
      %dma_wait3A_39 = tpu.memref_slice %arg3[%dma_wait3A_37, %dma_wait3A_38] : memref<10000x128xf32, #tpu.memory_space<hbm>> -> memref<10000x128xf32, #tpu.memory_space<hbm>>
      tpu.wait_indirect_dma semaphore(%arg17 : memref<!tpu.dma_semaphore, #tpu.memory_space<semaphore_mem>>) src(%dma_wait3A_39 : memref<10000x128xf32, #tpu.memory_space<hbm>>) dst(%dma_wait3A_36 : memref<16x128xf32, #tpu.memory_space<vmem>>)
      "tpu.region"() ({
        %run_scoped3A = tpu.sem_alloc : memref<!tpu.dma_semaphore, #tpu.memory_space<semaphore_mem>>
        %dma_start3A_48 = arith.constant 0 : i32
        %dma_start3A_49 = arith.constant 0 : i32
        %dma_start3A_50 = tpu.memref_slice %arg15[%dma_start3A_48, %dma_start3A_49] : memref<128x128xf32, #tpu.memory_space<vmem>> -> memref<16x128xf32, #tpu.memory_space<vmem>>
        %dma_start3A_51 = arith.constant 0 : i32
        %dma_start3A_52 = arith.constant 0 : i32
        %dma_start3A_53 = tpu.memref_slice %arg21[%dma_start3A_51, %dma_start3A_52] : memref<10000x128xf32, #tpu.memory_space<vmem_shared>> -> memref<10000x128xf32, #tpu.memory_space<vmem_shared>>
        tpu.enqueue_indirect_dma source(%dma_start3A_50 : memref<16x128xf32, #tpu.memory_space<vmem>>) target(%dma_start3A_53 : memref<10000x128xf32, #tpu.memory_space<vmem_shared>>) offsets(%arg14 : memref<16xi32, #tpu.memory_space<vmem>>) semaphore(%run_scoped3A : memref<!tpu.dma_semaphore, #tpu.memory_space<semaphore_mem>>) {add = true}
        %dma_wait3A_54 = arith.constant 0 : i32
        %dma_wait3A_55 = arith.constant 0 : i32
        %dma_wait3A_56 = tpu.memref_slice %arg15[%dma_wait3A_54, %dma_wait3A_55] : memref<128x128xf32, #tpu.memory_space<vmem>> -> memref<16x128xf32, #tpu.memory_space<vmem>>
        %dma_wait3A_57 = arith.constant 0 : i32
        %dma_wait3A_58 = arith.constant 0 : i32
        %dma_wait3A_59 = tpu.memref_slice %arg21[%dma_wait3A_57, %dma_wait3A_58] : memref<10000x128xf32, #tpu.memory_space<vmem_shared>> -> memref<10000x128xf32, #tpu.memory_space<vmem_shared>>
        tpu.wait_indirect_dma semaphore(%run_scoped3A : memref<!tpu.dma_semaphore, #tpu.memory_space<semaphore_mem>>) src(%dma_wait3A_56 : memref<16x128xf32, #tpu.memory_space<vmem>>) dst(%dma_wait3A_59 : memref<10000x128xf32, #tpu.memory_space<vmem_shared>>)
        tpu.yield
      }) : () -> ()
      %barrier3A_40 = arith.constant 0 : index
      tpu.barrier barrier_id(%barrier3A_40)
      %mul3A_41 = arith.constant 624 : i32
      %mul3A_42 = arith.muli %arg1, %mul3A_41 : i32
      "tpu.region"() ({
        %run_scoped3A = tpu.sem_alloc : memref<!tpu.dma_semaphore, #tpu.memory_space<semaphore_mem>>
        %dma_start3A_48 = arith.constant 0 : i32
        %dma_start3A_49 = tpu.memref_slice %arg8[%mul3A_42, %dma_start3A_48] : memref<10000x128xf32, #tpu.memory_space<hbm>> -> memref<624x128xf32, #tpu.memory_space<hbm>>
        %dma_start3A_50 = arith.constant 0 : i32
        %dma_start3A_51 = tpu.memref_slice %arg21[%mul3A_42, %dma_start3A_50] : memref<10000x128xf32, #tpu.memory_space<vmem_shared>> -> memref<624x128xf32, #tpu.memory_space<vmem_shared>>
        tpu.enqueue_dma source(%dma_start3A_51 : memref<624x128xf32, #tpu.memory_space<vmem_shared>>) target(%dma_start3A_49 : memref<624x128xf32, #tpu.memory_space<hbm>>) target_semaphore(%run_scoped3A : memref<!tpu.dma_semaphore, #tpu.memory_space<semaphore_mem>>)
        %dma_wait3A_52 = arith.constant 0 : i32
        %dma_wait3A_53 = tpu.memref_slice %arg8[%mul3A_42, %dma_wait3A_52] : memref<10000x128xf32, #tpu.memory_space<hbm>> -> memref<624x128xf32, #tpu.memory_space<hbm>>
        %dma_wait3A_54 = arith.constant 0 : i32
        %dma_wait3A_55 = tpu.memref_slice %arg21[%mul3A_42, %dma_wait3A_54] : memref<10000x128xf32, #tpu.memory_space<vmem_shared>> -> memref<624x128xf32, #tpu.memory_space<vmem_shared>>
        tpu.wait_dma2 semaphore(%run_scoped3A : memref<!tpu.dma_semaphore, #tpu.memory_space<semaphore_mem>>) src(%dma_wait3A_55 : memref<624x128xf32, #tpu.memory_space<vmem_shared>>) dst(%dma_wait3A_53 : memref<624x128xf32, #tpu.memory_space<hbm>>)
        tpu.yield
      }) : () -> ()
      %eq3A_43 = arith.constant 15 : i32
      %eq3A_44 = arith.cmpi eq, %arg1, %eq3A_43 : i32
      %convert_element_type3A_45 = arith.extui %eq3A_44 : i1 to i32
      %cond3A_46 = arith.constant 0 : i32
      %cond3A_47 = arith.cmpi ne, %convert_element_type3A_45, %cond3A_46 : i32
      scf.if %cond3A_47 {
        "tpu.region"() ({
          %run_scoped3A = tpu.sem_alloc : memref<!tpu.dma_semaphore, #tpu.memory_space<semaphore_mem>>
          %dma_start3A_48 = arith.constant 9984 : i32
          %dma_start3A_49 = arith.constant 0 : i32
          %dma_start3A_50 = tpu.memref_slice %arg8[%dma_start3A_48, %dma_start3A_49] : memref<10000x128xf32, #tpu.memory_space<hbm>> -> memref<16x128xf32, #tpu.memory_space<hbm>>
          %dma_start3A_51 = arith.constant 9984 : i32
          %dma_start3A_52 = arith.constant 0 : i32
          %dma_start3A_53 = tpu.memref_slice %arg21[%dma_start3A_51, %dma_start3A_52] : memref<10000x128xf32, #tpu.memory_space<vmem_shared>> -> memref<16x128xf32, #tpu.memory_space<vmem_shared>>
          tpu.enqueue_dma source(%dma_start3A_53 : memref<16x128xf32, #tpu.memory_space<vmem_shared>>) target(%dma_start3A_50 : memref<16x128xf32, #tpu.memory_space<hbm>>) target_semaphore(%run_scoped3A : memref<!tpu.dma_semaphore, #tpu.memory_space<semaphore_mem>>)
          %dma_wait3A_54 = arith.constant 9984 : i32
          %dma_wait3A_55 = arith.constant 0 : i32
          %dma_wait3A_56 = tpu.memref_slice %arg8[%dma_wait3A_54, %dma_wait3A_55] : memref<10000x128xf32, #tpu.memory_space<hbm>> -> memref<16x128xf32, #tpu.memory_space<hbm>>
          %dma_wait3A_57 = arith.constant 9984 : i32
          %dma_wait3A_58 = arith.constant 0 : i32
          %dma_wait3A_59 = tpu.memref_slice %arg21[%dma_wait3A_57, %dma_wait3A_58] : memref<10000x128xf32, #tpu.memory_space<vmem_shared>> -> memref<16x128xf32, #tpu.memory_space<vmem_shared>>
          tpu.wait_dma2 semaphore(%run_scoped3A : memref<!tpu.dma_semaphore, #tpu.memory_space<semaphore_mem>>) src(%dma_wait3A_59 : memref<16x128xf32, #tpu.memory_space<vmem_shared>>) dst(%dma_wait3A_56 : memref<16x128xf32, #tpu.memory_space<hbm>>)
          tpu.yield
        }) : () -> ()
      } else {
      }
    } else {
    }
    return
  }
}

#map = affine_map<(d0, d1) -> (0, 0)>
#map1 = affine_map<(d0, d1) -> (0)>
module attributes {stable_mosaic.version = 14 : i64} {
  func.func @_scatter_body(%arg0: i32, %arg1: i32, %arg2: memref<10000x128xf32, #tpu.memory_space<hbm>>, %arg3: memref<10000x128xf32, #tpu.memory_space<hbm>>, %arg4: memref<160000xi32, #tpu.memory_space<hbm>>, %arg5: memref<160000xi32, #tpu.memory_space<hbm>>, %arg6: memref<10000x128xf32, #tpu.memory_space<hbm>>, %arg7: memref<10000x128xf32, #tpu.memory_space<hbm>>, %arg8: memref<10000x128xf32, #tpu.memory_space<hbm>>, %arg9: memref<128xi32, #tpu.memory_space<vmem>>, %arg10: memref<128xi32, #tpu.memory_space<vmem>>, %arg11: memref<128xi32, #tpu.memory_space<vmem>>, %arg12: memref<128xi32, #tpu.memory_space<vmem>>, %arg13: memref<16xi32, #tpu.memory_space<vmem>>, %arg14: memref<16xi32, #tpu.memory_space<vmem>>, %arg15: memref<128x128xf32, #tpu.memory_space<vmem>>, %arg16: memref<128x128xf32, #tpu.memory_space<vmem>>, %arg17: memref<!tpu.dma_semaphore, #tpu.memory_space<semaphore_mem>>, %arg18: memref<!tpu.dma_semaphore, #tpu.memory_space<semaphore_mem>>, %arg19: memref<!tpu.dma_semaphore, #tpu.memory_space<semaphore_mem>>, %arg20: memref<!tpu.dma_semaphore, #tpu.memory_space<semaphore_mem>>, %arg21: memref<10000x128xf32, #tpu.memory_space<vmem_shared>>) attributes {dimension_semantics = [#tpu.dimension_semantics<core_parallel>, #tpu.dimension_semantics<subcore_parallel>], iteration_bounds = array<i64: 2, 16>, scalar_prefetch = 0 : i64, scratch_operands = 13 : i64, tpu.core_type = #tpu.core_type<sc_vector_subcore>, window_params = [{transform_indices = #map}, {transform_indices = #map}, {transform_indices = #map1}, {transform_indices = #map1}, {transform_indices = #map}, {transform_indices = #map}, {transform_indices = #map}]} {
    %eq3A = arith.constant 0 : i32
    %eq3A_0 = arith.cmpi eq, %arg0, %eq3A : i32
    %convert_element_type3A = arith.extui %eq3A_0 : i1 to i32
    %cond3A = arith.constant 0 : i32
    %cond3A_1 = arith.cmpi ne, %convert_element_type3A, %cond3A : i32
    scf.if %cond3A_1 {
      %mul3A = arith.constant 10000 : i32
      %mul3A_7 = arith.muli %arg1, %mul3A : i32
      "tpu.region"() ({
        %run_scoped3A = tpu.sem_alloc : memref<!tpu.dma_semaphore, #tpu.memory_space<semaphore_mem>>
        %dma_start3A_48 = tpu.memref_slice %arg4[%mul3A_7] : memref<160000xi32, #tpu.memory_space<hbm>> -> memref<128xi32, #tpu.memory_space<hbm>>
        %dma_start3A_49 = tpu.memref_slice %arg4[%mul3A_7] : memref<160000xi32, #tpu.memory_space<hbm>> -> memref<128xi32, #tpu.memory_space<hbm>>
        tpu.enqueue_dma source(%dma_start3A_49 : memref<128xi32, #tpu.memory_space<hbm>>) target(%arg9 : memref<128xi32, #tpu.memory_space<vmem>>) target_semaphore(%run_scoped3A : memref<!tpu.dma_semaphore, #tpu.memory_space<semaphore_mem>>)
        %dma_wait3A_50 = tpu.memref_slice %arg4[%mul3A_7] : memref<160000xi32, #tpu.memory_space<hbm>> -> memref<128xi32, #tpu.memory_space<hbm>>
        %dma_wait3A_51 = tpu.memref_slice %arg4[%mul3A_7] : memref<160000xi32, #tpu.memory_space<hbm>> -> memref<128xi32, #tpu.memory_space<hbm>>
        tpu.wait_dma2 semaphore(%run_scoped3A : memref<!tpu.dma_semaphore, #tpu.memory_space<semaphore_mem>>) src(%dma_wait3A_51 : memref<128xi32, #tpu.memory_space<hbm>>) dst(%arg9 : memref<128xi32, #tpu.memory_space<vmem>>)
        tpu.yield
      }) : () -> ()
      %dma_start3A = tpu.memref_slice %arg5[%mul3A_7] : memref<160000xi32, #tpu.memory_space<hbm>> -> memref<128xi32, #tpu.memory_space<hbm>>
      %dma_start3A_8 = tpu.memref_slice %arg5[%mul3A_7] : memref<160000xi32, #tpu.memory_space<hbm>> -> memref<128xi32, #tpu.memory_space<hbm>>
      tpu.enqueue_dma source(%dma_start3A_8 : memref<128xi32, #tpu.memory_space<hbm>>) target(%arg10 : memref<128xi32, #tpu.memory_space<vmem>>) target_semaphore(%arg19 : memref<!tpu.dma_semaphore, #tpu.memory_space<semaphore_mem>>)
      %dma_start3A_9 = arith.constant 0 : i32
      %dma_start3A_10 = arith.constant 0 : i32
      %dma_start3A_11 = tpu.memref_slice %arg2[%dma_start3A_9, %dma_start3A_10] : memref<10000x128xf32, #tpu.memory_space<hbm>> -> memref<10000x128xf32, #tpu.memory_space<hbm>>
      tpu.enqueue_indirect_dma source(%dma_start3A_11 : memref<10000x128xf32, #tpu.memory_space<hbm>>) target(%arg15 : memref<128x128xf32, #tpu.memory_space<vmem>>) offsets(%arg9 : memref<128xi32, #tpu.memory_space<vmem>>) semaphore(%arg17 : memref<!tpu.dma_semaphore, #tpu.memory_space<semaphore_mem>>)
      %mul3A_12 = arith.constant 624 : i32
      %mul3A_13 = arith.muli %arg1, %mul3A_12 : i32
      "tpu.region"() ({
        %run_scoped3A = tpu.sem_alloc : memref<!tpu.dma_semaphore, #tpu.memory_space<semaphore_mem>>
        %dma_start3A_48 = arith.constant 0 : i32
        %dma_start3A_49 = tpu.memref_slice %arg21[%mul3A_13, %dma_start3A_48] : memref<10000x128xf32, #tpu.memory_space<vmem_shared>> -> memref<624x128xf32, #tpu.memory_space<vmem_shared>>
        %dma_start3A_50 = arith.constant 0 : i32
        %dma_start3A_51 = tpu.memref_slice %arg6[%mul3A_13, %dma_start3A_50] : memref<10000x128xf32, #tpu.memory_space<hbm>> -> memref<624x128xf32, #tpu.memory_space<hbm>>
        tpu.enqueue_dma source(%dma_start3A_51 : memref<624x128xf32, #tpu.memory_space<hbm>>) target(%dma_start3A_49 : memref<624x128xf32, #tpu.memory_space<vmem_shared>>) target_semaphore(%run_scoped3A : memref<!tpu.dma_semaphore, #tpu.memory_space<semaphore_mem>>)
        %dma_wait3A_52 = arith.constant 0 : i32
        %dma_wait3A_53 = tpu.memref_slice %arg21[%mul3A_13, %dma_wait3A_52] : memref<10000x128xf32, #tpu.memory_space<vmem_shared>> -> memref<624x128xf32, #tpu.memory_space<vmem_shared>>
        %dma_wait3A_54 = arith.constant 0 : i32
        %dma_wait3A_55 = tpu.memref_slice %arg6[%mul3A_13, %dma_wait3A_54] : memref<10000x128xf32, #tpu.memory_space<hbm>> -> memref<624x128xf32, #tpu.memory_space<hbm>>
        tpu.wait_dma2 semaphore(%run_scoped3A : memref<!tpu.dma_semaphore, #tpu.memory_space<semaphore_mem>>) src(%dma_wait3A_55 : memref<624x128xf32, #tpu.memory_space<hbm>>) dst(%dma_wait3A_53 : memref<624x128xf32, #tpu.memory_space<vmem_shared>>)
        tpu.yield
      }) : () -> ()
      %eq3A_14 = arith.constant 15 : i32
      %eq3A_15 = arith.cmpi eq, %arg1, %eq3A_14 : i32
      %convert_element_type3A_16 = arith.extui %eq3A_15 : i1 to i32
      %cond3A_17 = arith.constant 0 : i32
      %cond3A_18 = arith.cmpi ne, %convert_element_type3A_16, %cond3A_17 : i32
      scf.if %cond3A_18 {
        "tpu.region"() ({
          %run_scoped3A = tpu.sem_alloc : memref<!tpu.dma_semaphore, #tpu.memory_space<semaphore_mem>>
          %dma_start3A_48 = arith.constant 9984 : i32
          %dma_start3A_49 = arith.constant 0 : i32
          %dma_start3A_50 = tpu.memref_slice %arg21[%dma_start3A_48, %dma_start3A_49] : memref<10000x128xf32, #tpu.memory_space<vmem_shared>> -> memref<16x128xf32, #tpu.memory_space<vmem_shared>>
          %dma_start3A_51 = arith.constant 9984 : i32
          %dma_start3A_52 = arith.constant 0 : i32
          %dma_start3A_53 = tpu.memref_slice %arg6[%dma_start3A_51, %dma_start3A_52] : memref<10000x128xf32, #tpu.memory_space<hbm>> -> memref<16x128xf32, #tpu.memory_space<hbm>>
          tpu.enqueue_dma source(%dma_start3A_53 : memref<16x128xf32, #tpu.memory_space<hbm>>) target(%dma_start3A_50 : memref<16x128xf32, #tpu.memory_space<vmem_shared>>) target_semaphore(%run_scoped3A : memref<!tpu.dma_semaphore, #tpu.memory_space<semaphore_mem>>)
          %dma_wait3A_54 = arith.constant 9984 : i32
          %dma_wait3A_55 = arith.constant 0 : i32
          %dma_wait3A_56 = tpu.memref_slice %arg21[%dma_wait3A_54, %dma_wait3A_55] : memref<10000x128xf32, #tpu.memory_space<vmem_shared>> -> memref<16x128xf32, #tpu.memory_space<vmem_shared>>
          %dma_wait3A_57 = arith.constant 9984 : i32
          %dma_wait3A_58 = arith.constant 0 : i32
          %dma_wait3A_59 = tpu.memref_slice %arg6[%dma_wait3A_57, %dma_wait3A_58] : memref<10000x128xf32, #tpu.memory_space<hbm>> -> memref<16x128xf32, #tpu.memory_space<hbm>>
          tpu.wait_dma2 semaphore(%run_scoped3A : memref<!tpu.dma_semaphore, #tpu.memory_space<semaphore_mem>>) src(%dma_wait3A_59 : memref<16x128xf32, #tpu.memory_space<hbm>>) dst(%dma_wait3A_56 : memref<16x128xf32, #tpu.memory_space<vmem_shared>>)
          tpu.yield
        }) : () -> ()
      } else {
      }
      %dma_wait3A = tpu.memref_slice %arg5[%mul3A_7] : memref<160000xi32, #tpu.memory_space<hbm>> -> memref<128xi32, #tpu.memory_space<hbm>>
      %dma_wait3A_19 = tpu.memref_slice %arg5[%mul3A_7] : memref<160000xi32, #tpu.memory_space<hbm>> -> memref<128xi32, #tpu.memory_space<hbm>>
      tpu.wait_dma2 semaphore(%arg19 : memref<!tpu.dma_semaphore, #tpu.memory_space<semaphore_mem>>) src(%dma_wait3A_19 : memref<128xi32, #tpu.memory_space<hbm>>) dst(%arg10 : memref<128xi32, #tpu.memory_space<vmem>>)
      %barrier3A = arith.constant 0 : index
      tpu.barrier barrier_id(%barrier3A)
      %scan3A = arith.constant 0 : i32
      %scan3A_20 = arith.constant 0 : i32
      %scan3A_21 = arith.constant 39 : i32
      %scan3A_22 = arith.addi %scan3A_20, %scan3A_21 : i32
      %scan3A_23 = arith.constant 1 : i32
      scf.for %scan3A_48 = %scan3A_20 to %scan3A_22 step %scan3A_23  : i32 {
        %mul3A_49 = arith.constant 2 : i32
        %mul3A_50 = arith.muli %mul3A_49, %scan3A_48 : i32
        %add3A_51 = arith.constant 1 : i32
        %add3A_52 = arith.addi %mul3A_50, %add3A_51 : i32
        %mul3A_53 = arith.constant 128 : i32
        %mul3A_54 = arith.muli %add3A_52, %mul3A_53 : i32
        %add3A_55 = arith.addi %mul3A_7, %mul3A_54 : i32
        %dma_start3A_56 = tpu.memref_slice %arg4[%add3A_55] : memref<160000xi32, #tpu.memory_space<hbm>> -> memref<128xi32, #tpu.memory_space<hbm>>
        %dma_start3A_57 = tpu.memref_slice %arg4[%add3A_55] : memref<160000xi32, #tpu.memory_space<hbm>> -> memref<128xi32, #tpu.memory_space<hbm>>
        tpu.enqueue_dma source(%dma_start3A_57 : memref<128xi32, #tpu.memory_space<hbm>>) target(%arg11 : memref<128xi32, #tpu.memory_space<vmem>>) target_semaphore(%arg20 : memref<!tpu.dma_semaphore, #tpu.memory_space<semaphore_mem>>)
        %mul3A_58 = arith.constant 128 : i32
        %mul3A_59 = arith.muli %add3A_52, %mul3A_58 : i32
        %add3A_60 = arith.addi %mul3A_7, %mul3A_59 : i32
        %dma_start3A_61 = tpu.memref_slice %arg5[%add3A_60] : memref<160000xi32, #tpu.memory_space<hbm>> -> memref<128xi32, #tpu.memory_space<hbm>>
        %dma_start3A_62 = tpu.memref_slice %arg5[%add3A_60] : memref<160000xi32, #tpu.memory_space<hbm>> -> memref<128xi32, #tpu.memory_space<hbm>>
        tpu.enqueue_dma source(%dma_start3A_62 : memref<128xi32, #tpu.memory_space<hbm>>) target(%arg12 : memref<128xi32, #tpu.memory_space<vmem>>) target_semaphore(%arg20 : memref<!tpu.dma_semaphore, #tpu.memory_space<semaphore_mem>>)
        %dma_wait3A_63 = arith.constant 0 : i32
        %dma_wait3A_64 = arith.constant 0 : i32
        %dma_wait3A_65 = tpu.memref_slice %arg2[%dma_wait3A_63, %dma_wait3A_64] : memref<10000x128xf32, #tpu.memory_space<hbm>> -> memref<10000x128xf32, #tpu.memory_space<hbm>>
        tpu.wait_indirect_dma semaphore(%arg17 : memref<!tpu.dma_semaphore, #tpu.memory_space<semaphore_mem>>) src(%dma_wait3A_65 : memref<10000x128xf32, #tpu.memory_space<hbm>>) dst(%arg15 : memref<128x128xf32, #tpu.memory_space<vmem>>)
        %add3A_66 = arith.constant 1 : i32
        %add3A_67 = arith.addi %mul3A_50, %add3A_66 : i32
        %mul3A_68 = arith.constant 128 : i32
        %mul3A_69 = arith.muli %add3A_67, %mul3A_68 : i32
        %add3A_70 = arith.addi %mul3A_7, %mul3A_69 : i32
        %dma_wait3A_71 = tpu.memref_slice %arg4[%add3A_70] : memref<160000xi32, #tpu.memory_space<hbm>> -> memref<128xi32, #tpu.memory_space<hbm>>
        %dma_wait3A_72 = tpu.memref_slice %arg4[%add3A_70] : memref<160000xi32, #tpu.memory_space<hbm>> -> memref<128xi32, #tpu.memory_space<hbm>>
        tpu.wait_dma2 semaphore(%arg20 : memref<!tpu.dma_semaphore, #tpu.memory_space<semaphore_mem>>) src(%dma_wait3A_72 : memref<128xi32, #tpu.memory_space<hbm>>) dst(%arg11 : memref<128xi32, #tpu.memory_space<vmem>>)
        %mul3A_73 = arith.constant 128 : i32
        %mul3A_74 = arith.muli %add3A_67, %mul3A_73 : i32
        %add3A_75 = arith.addi %mul3A_7, %mul3A_74 : i32
        %dma_wait3A_76 = tpu.memref_slice %arg5[%add3A_75] : memref<160000xi32, #tpu.memory_space<hbm>> -> memref<128xi32, #tpu.memory_space<hbm>>
        %dma_wait3A_77 = tpu.memref_slice %arg5[%add3A_75] : memref<160000xi32, #tpu.memory_space<hbm>> -> memref<128xi32, #tpu.memory_space<hbm>>
        tpu.wait_dma2 semaphore(%arg20 : memref<!tpu.dma_semaphore, #tpu.memory_space<semaphore_mem>>) src(%dma_wait3A_77 : memref<128xi32, #tpu.memory_space<hbm>>) dst(%arg12 : memref<128xi32, #tpu.memory_space<vmem>>)
        %dma_start3A_78 = arith.constant 0 : i32
        %dma_start3A_79 = arith.constant 0 : i32
        %dma_start3A_80 = tpu.memref_slice %arg2[%dma_start3A_78, %dma_start3A_79] : memref<10000x128xf32, #tpu.memory_space<hbm>> -> memref<10000x128xf32, #tpu.memory_space<hbm>>
        tpu.enqueue_indirect_dma source(%dma_start3A_80 : memref<10000x128xf32, #tpu.memory_space<hbm>>) target(%arg16 : memref<128x128xf32, #tpu.memory_space<vmem>>) offsets(%arg11 : memref<128xi32, #tpu.memory_space<vmem>>) semaphore(%arg18 : memref<!tpu.dma_semaphore, #tpu.memory_space<semaphore_mem>>)
        "tpu.region"() ({
          %run_scoped3A = tpu.sem_alloc : memref<!tpu.dma_semaphore, #tpu.memory_space<semaphore_mem>>
          %dma_start3A_88 = arith.constant 0 : i32
          %dma_start3A_89 = arith.constant 0 : i32
          %dma_start3A_90 = tpu.memref_slice %arg21[%dma_start3A_88, %dma_start3A_89] : memref<10000x128xf32, #tpu.memory_space<vmem_shared>> -> memref<10000x128xf32, #tpu.memory_space<vmem_shared>>
          tpu.enqueue_indirect_dma source(%arg15 : memref<128x128xf32, #tpu.memory_space<vmem>>) target(%dma_start3A_90 : memref<10000x128xf32, #tpu.memory_space<vmem_shared>>) offsets(%arg10 : memref<128xi32, #tpu.memory_space<vmem>>) semaphore(%run_scoped3A : memref<!tpu.dma_semaphore, #tpu.memory_space<semaphore_mem>>) {add = true}
          %dma_wait3A_91 = arith.constant 0 : i32
          %dma_wait3A_92 = arith.constant 0 : i32
          %dma_wait3A_93 = tpu.memref_slice %arg21[%dma_wait3A_91, %dma_wait3A_92] : memref<10000x128xf32, #tpu.memory_space<vmem_shared>> -> memref<10000x128xf32, #tpu.memory_space<vmem_shared>>
          tpu.wait_indirect_dma semaphore(%run_scoped3A : memref<!tpu.dma_semaphore, #tpu.memory_space<semaphore_mem>>) src(%arg15 : memref<128x128xf32, #tpu.memory_space<vmem>>) dst(%dma_wait3A_93 : memref<10000x128xf32, #tpu.memory_space<vmem_shared>>)
          tpu.yield
        }) : () -> ()
        %lt3A = arith.constant 38 : i32
        %lt3A_81 = arith.cmpi slt, %scan3A_48, %lt3A : i32
        %convert_element_type3A_82 = arith.extui %lt3A_81 : i1 to i32
        %cond3A_83 = arith.constant 0 : i32
        %cond3A_84 = arith.cmpi ne, %convert_element_type3A_82, %cond3A_83 : i32
        scf.if %cond3A_84 {
          %add3A_88 = arith.constant 2 : i32
          %add3A_89 = arith.addi %mul3A_50, %add3A_88 : i32
          %mul3A_90 = arith.constant 128 : i32
          %mul3A_91 = arith.muli %add3A_89, %mul3A_90 : i32
          %add3A_92 = arith.addi %mul3A_7, %mul3A_91 : i32
          %dma_start3A_93 = tpu.memref_slice %arg4[%add3A_92] : memref<160000xi32, #tpu.memory_space<hbm>> -> memref<128xi32, #tpu.memory_space<hbm>>
          %dma_start3A_94 = tpu.memref_slice %arg4[%add3A_92] : memref<160000xi32, #tpu.memory_space<hbm>> -> memref<128xi32, #tpu.memory_space<hbm>>
          tpu.enqueue_dma source(%dma_start3A_94 : memref<128xi32, #tpu.memory_space<hbm>>) target(%arg9 : memref<128xi32, #tpu.memory_space<vmem>>) target_semaphore(%arg19 : memref<!tpu.dma_semaphore, #tpu.memory_space<semaphore_mem>>)
          %mul3A_95 = arith.constant 128 : i32
          %mul3A_96 = arith.muli %add3A_89, %mul3A_95 : i32
          %add3A_97 = arith.addi %mul3A_7, %mul3A_96 : i32
          %dma_start3A_98 = tpu.memref_slice %arg5[%add3A_97] : memref<160000xi32, #tpu.memory_space<hbm>> -> memref<128xi32, #tpu.memory_space<hbm>>
          %dma_start3A_99 = tpu.memref_slice %arg5[%add3A_97] : memref<160000xi32, #tpu.memory_space<hbm>> -> memref<128xi32, #tpu.memory_space<hbm>>
          tpu.enqueue_dma source(%dma_start3A_99 : memref<128xi32, #tpu.memory_space<hbm>>) target(%arg10 : memref<128xi32, #tpu.memory_space<vmem>>) target_semaphore(%arg19 : memref<!tpu.dma_semaphore, #tpu.memory_space<semaphore_mem>>)
          %add3A_100 = arith.constant 2 : i32
          %add3A_101 = arith.addi %mul3A_50, %add3A_100 : i32
          %mul3A_102 = arith.constant 128 : i32
          %mul3A_103 = arith.muli %add3A_101, %mul3A_102 : i32
          %add3A_104 = arith.addi %mul3A_7, %mul3A_103 : i32
          %dma_wait3A_105 = tpu.memref_slice %arg4[%add3A_104] : memref<160000xi32, #tpu.memory_space<hbm>> -> memref<128xi32, #tpu.memory_space<hbm>>
          %dma_wait3A_106 = tpu.memref_slice %arg4[%add3A_104] : memref<160000xi32, #tpu.memory_space<hbm>> -> memref<128xi32, #tpu.memory_space<hbm>>
          tpu.wait_dma2 semaphore(%arg19 : memref<!tpu.dma_semaphore, #tpu.memory_space<semaphore_mem>>) src(%dma_wait3A_106 : memref<128xi32, #tpu.memory_space<hbm>>) dst(%arg9 : memref<128xi32, #tpu.memory_space<vmem>>)
          %mul3A_107 = arith.constant 128 : i32
          %mul3A_108 = arith.muli %add3A_101, %mul3A_107 : i32
          %add3A_109 = arith.addi %mul3A_7, %mul3A_108 : i32
          %dma_wait3A_110 = tpu.memref_slice %arg5[%add3A_109] : memref<160000xi32, #tpu.memory_space<hbm>> -> memref<128xi32, #tpu.memory_space<hbm>>
          %dma_wait3A_111 = tpu.memref_slice %arg5[%add3A_109] : memref<160000xi32, #tpu.memory_space<hbm>> -> memref<128xi32, #tpu.memory_space<hbm>>
          tpu.wait_dma2 semaphore(%arg19 : memref<!tpu.dma_semaphore, #tpu.memory_space<semaphore_mem>>) src(%dma_wait3A_111 : memref<128xi32, #tpu.memory_space<hbm>>) dst(%arg10 : memref<128xi32, #tpu.memory_space<vmem>>)
          %dma_start3A_112 = arith.constant 0 : i32
          %dma_start3A_113 = arith.constant 0 : i32
          %dma_start3A_114 = tpu.memref_slice %arg2[%dma_start3A_112, %dma_start3A_113] : memref<10000x128xf32, #tpu.memory_space<hbm>> -> memref<10000x128xf32, #tpu.memory_space<hbm>>
          tpu.enqueue_indirect_dma source(%dma_start3A_114 : memref<10000x128xf32, #tpu.memory_space<hbm>>) target(%arg15 : memref<128x128xf32, #tpu.memory_space<vmem>>) offsets(%arg9 : memref<128xi32, #tpu.memory_space<vmem>>) semaphore(%arg17 : memref<!tpu.dma_semaphore, #tpu.memory_space<semaphore_mem>>)
        } else {
        }
        %dma_wait3A_85 = arith.constant 0 : i32
        %dma_wait3A_86 = arith.constant 0 : i32
        %dma_wait3A_87 = tpu.memref_slice %arg2[%dma_wait3A_85, %dma_wait3A_86] : memref<10000x128xf32, #tpu.memory_space<hbm>> -> memref<10000x128xf32, #tpu.memory_space<hbm>>
        tpu.wait_indirect_dma semaphore(%arg18 : memref<!tpu.dma_semaphore, #tpu.memory_space<semaphore_mem>>) src(%dma_wait3A_87 : memref<10000x128xf32, #tpu.memory_space<hbm>>) dst(%arg16 : memref<128x128xf32, #tpu.memory_space<vmem>>)
        "tpu.region"() ({
          %run_scoped3A = tpu.sem_alloc : memref<!tpu.dma_semaphore, #tpu.memory_space<semaphore_mem>>
          %dma_start3A_88 = arith.constant 0 : i32
          %dma_start3A_89 = arith.constant 0 : i32
          %dma_start3A_90 = tpu.memref_slice %arg21[%dma_start3A_88, %dma_start3A_89] : memref<10000x128xf32, #tpu.memory_space<vmem_shared>> -> memref<10000x128xf32, #tpu.memory_space<vmem_shared>>
          tpu.enqueue_indirect_dma source(%arg16 : memref<128x128xf32, #tpu.memory_space<vmem>>) target(%dma_start3A_90 : memref<10000x128xf32, #tpu.memory_space<vmem_shared>>) offsets(%arg12 : memref<128xi32, #tpu.memory_space<vmem>>) semaphore(%run_scoped3A : memref<!tpu.dma_semaphore, #tpu.memory_space<semaphore_mem>>) {add = true}
          %dma_wait3A_91 = arith.constant 0 : i32
          %dma_wait3A_92 = arith.constant 0 : i32
          %dma_wait3A_93 = tpu.memref_slice %arg21[%dma_wait3A_91, %dma_wait3A_92] : memref<10000x128xf32, #tpu.memory_space<vmem_shared>> -> memref<10000x128xf32, #tpu.memory_space<vmem_shared>>
          tpu.wait_indirect_dma semaphore(%run_scoped3A : memref<!tpu.dma_semaphore, #tpu.memory_space<semaphore_mem>>) src(%arg16 : memref<128x128xf32, #tpu.memory_space<vmem>>) dst(%dma_wait3A_93 : memref<10000x128xf32, #tpu.memory_space<vmem_shared>>)
          tpu.yield
        }) : () -> ()
      }
      %scan3A_24 = arith.constant 39 : i32
      %add3A = arith.constant 9984 : i32
      %add3A_25 = arith.addi %mul3A_7, %add3A : i32
      "tpu.region"() ({
        %run_scoped3A = tpu.sem_alloc : memref<!tpu.dma_semaphore, #tpu.memory_space<semaphore_mem>>
        %dma_start3A_48 = tpu.memref_slice %arg4[%add3A_25] : memref<160000xi32, #tpu.memory_space<hbm>> -> memref<16xi32, #tpu.memory_space<hbm>>
        %dma_start3A_49 = tpu.memref_slice %arg4[%add3A_25] : memref<160000xi32, #tpu.memory_space<hbm>> -> memref<16xi32, #tpu.memory_space<hbm>>
        tpu.enqueue_dma source(%dma_start3A_49 : memref<16xi32, #tpu.memory_space<hbm>>) target(%arg13 : memref<16xi32, #tpu.memory_space<vmem>>) target_semaphore(%run_scoped3A : memref<!tpu.dma_semaphore, #tpu.memory_space<semaphore_mem>>)
        %dma_wait3A_50 = tpu.memref_slice %arg4[%add3A_25] : memref<160000xi32, #tpu.memory_space<hbm>> -> memref<16xi32, #tpu.memory_space<hbm>>
        %dma_wait3A_51 = tpu.memref_slice %arg4[%add3A_25] : memref<160000xi32, #tpu.memory_space<hbm>> -> memref<16xi32, #tpu.memory_space<hbm>>
        tpu.wait_dma2 semaphore(%run_scoped3A : memref<!tpu.dma_semaphore, #tpu.memory_space<semaphore_mem>>) src(%dma_wait3A_51 : memref<16xi32, #tpu.memory_space<hbm>>) dst(%arg13 : memref<16xi32, #tpu.memory_space<vmem>>)
        tpu.yield
      }) : () -> ()
      %add3A_26 = arith.constant 9984 : i32
      %add3A_27 = arith.addi %mul3A_7, %add3A_26 : i32
      "tpu.region"() ({
        %run_scoped3A = tpu.sem_alloc : memref<!tpu.dma_semaphore, #tpu.memory_space<semaphore_mem>>
        %dma_start3A_48 = tpu.memref_slice %arg5[%add3A_27] : memref<160000xi32, #tpu.memory_space<hbm>> -> memref<16xi32, #tpu.memory_space<hbm>>
        %dma_start3A_49 = tpu.memref_slice %arg5[%add3A_27] : memref<160000xi32, #tpu.memory_space<hbm>> -> memref<16xi32, #tpu.memory_space<hbm>>
        tpu.enqueue_dma source(%dma_start3A_49 : memref<16xi32, #tpu.memory_space<hbm>>) target(%arg14 : memref<16xi32, #tpu.memory_space<vmem>>) target_semaphore(%run_scoped3A : memref<!tpu.dma_semaphore, #tpu.memory_space<semaphore_mem>>)
        %dma_wait3A_50 = tpu.memref_slice %arg5[%add3A_27] : memref<160000xi32, #tpu.memory_space<hbm>> -> memref<16xi32, #tpu.memory_space<hbm>>
        %dma_wait3A_51 = tpu.memref_slice %arg5[%add3A_27] : memref<160000xi32, #tpu.memory_space<hbm>> -> memref<16xi32, #tpu.memory_space<hbm>>
        tpu.wait_dma2 semaphore(%run_scoped3A : memref<!tpu.dma_semaphore, #tpu.memory_space<semaphore_mem>>) src(%dma_wait3A_51 : memref<16xi32, #tpu.memory_space<hbm>>) dst(%arg14 : memref<16xi32, #tpu.memory_space<vmem>>)
        tpu.yield
      }) : () -> ()
      %dma_start3A_28 = arith.constant 0 : i32
      %dma_start3A_29 = arith.constant 0 : i32
      %dma_start3A_30 = tpu.memref_slice %arg15[%dma_start3A_28, %dma_start3A_29] : memref<128x128xf32, #tpu.memory_space<vmem>> -> memref<16x128xf32, #tpu.memory_space<vmem>>
      %dma_start3A_31 = arith.constant 0 : i32
      %dma_start3A_32 = arith.constant 0 : i32
      %dma_start3A_33 = tpu.memref_slice %arg2[%dma_start3A_31, %dma_start3A_32] : memref<10000x128xf32, #tpu.memory_space<hbm>> -> memref<10000x128xf32, #tpu.memory_space<hbm>>
      tpu.enqueue_indirect_dma source(%dma_start3A_33 : memref<10000x128xf32, #tpu.memory_space<hbm>>) target(%dma_start3A_30 : memref<16x128xf32, #tpu.memory_space<vmem>>) offsets(%arg13 : memref<16xi32, #tpu.memory_space<vmem>>) semaphore(%arg17 : memref<!tpu.dma_semaphore, #tpu.memory_space<semaphore_mem>>)
      %dma_wait3A_34 = arith.constant 0 : i32
      %dma_wait3A_35 = arith.constant 0 : i32
      %dma_wait3A_36 = tpu.memref_slice %arg15[%dma_wait3A_34, %dma_wait3A_35] : memref<128x128xf32, #tpu.memory_space<vmem>> -> memref<16x128xf32, #tpu.memory_space<vmem>>
      %dma_wait3A_37 = arith.constant 0 : i32
      %dma_wait3A_38 = arith.constant 0 : i32
      %dma_wait3A_39 = tpu.memref_slice %arg2[%dma_wait3A_37, %dma_wait3A_38] : memref<10000x128xf32, #tpu.memory_space<hbm>> -> memref<10000x128xf32, #tpu.memory_space<hbm>>
      tpu.wait_indirect_dma semaphore(%arg17 : memref<!tpu.dma_semaphore, #tpu.memory_space<semaphore_mem>>) src(%dma_wait3A_39 : memref<10000x128xf32, #tpu.memory_space<hbm>>) dst(%dma_wait3A_36 : memref<16x128xf32, #tpu.memory_space<vmem>>)
      "tpu.region"() ({
        %run_scoped3A = tpu.sem_alloc : memref<!tpu.dma_semaphore, #tpu.memory_space<semaphore_mem>>
        %dma_start3A_48 = arith.constant 0 : i32
        %dma_start3A_49 = arith.constant 0 : i32
        %dma_start3A_50 = tpu.memref_slice %arg15[%dma_start3A_48, %dma_start3A_49] : memref<128x128xf32, #tpu.memory_space<vmem>> -> memref<16x128xf32, #tpu.memory_space<vmem>>
        %dma_start3A_51 = arith.constant 0 : i32
        %dma_start3A_52 = arith.constant 0 : i32
        %dma_start3A_53 = tpu.memref_slice %arg21[%dma_start3A_51, %dma_start3A_52] : memref<10000x128xf32, #tpu.memory_space<vmem_shared>> -> memref<10000x128xf32, #tpu.memory_space<vmem_shared>>
        tpu.enqueue_indirect_dma source(%dma_start3A_50 : memref<16x128xf32, #tpu.memory_space<vmem>>) target(%dma_start3A_53 : memref<10000x128xf32, #tpu.memory_space<vmem_shared>>) offsets(%arg14 : memref<16xi32, #tpu.memory_space<vmem>>) semaphore(%run_scoped3A : memref<!tpu.dma_semaphore, #tpu.memory_space<semaphore_mem>>) {add = true}
        %dma_wait3A_54 = arith.constant 0 : i32
        %dma_wait3A_55 = arith.constant 0 : i32
        %dma_wait3A_56 = tpu.memref_slice %arg15[%dma_wait3A_54, %dma_wait3A_55] : memref<128x128xf32, #tpu.memory_space<vmem>> -> memref<16x128xf32, #tpu.memory_space<vmem>>
        %dma_wait3A_57 = arith.constant 0 : i32
        %dma_wait3A_58 = arith.constant 0 : i32
        %dma_wait3A_59 = tpu.memref_slice %arg21[%dma_wait3A_57, %dma_wait3A_58] : memref<10000x128xf32, #tpu.memory_space<vmem_shared>> -> memref<10000x128xf32, #tpu.memory_space<vmem_shared>>
        tpu.wait_indirect_dma semaphore(%run_scoped3A : memref<!tpu.dma_semaphore, #tpu.memory_space<semaphore_mem>>) src(%dma_wait3A_56 : memref<16x128xf32, #tpu.memory_space<vmem>>) dst(%dma_wait3A_59 : memref<10000x128xf32, #tpu.memory_space<vmem_shared>>)
        tpu.yield
      }) : () -> ()
      %barrier3A_40 = arith.constant 0 : index
      tpu.barrier barrier_id(%barrier3A_40)
      %mul3A_41 = arith.constant 624 : i32
      %mul3A_42 = arith.muli %arg1, %mul3A_41 : i32
      "tpu.region"() ({
        %run_scoped3A = tpu.sem_alloc : memref<!tpu.dma_semaphore, #tpu.memory_space<semaphore_mem>>
        %dma_start3A_48 = arith.constant 0 : i32
        %dma_start3A_49 = tpu.memref_slice %arg7[%mul3A_42, %dma_start3A_48] : memref<10000x128xf32, #tpu.memory_space<hbm>> -> memref<624x128xf32, #tpu.memory_space<hbm>>
        %dma_start3A_50 = arith.constant 0 : i32
        %dma_start3A_51 = tpu.memref_slice %arg21[%mul3A_42, %dma_start3A_50] : memref<10000x128xf32, #tpu.memory_space<vmem_shared>> -> memref<624x128xf32, #tpu.memory_space<vmem_shared>>
        tpu.enqueue_dma source(%dma_start3A_51 : memref<624x128xf32, #tpu.memory_space<vmem_shared>>) target(%dma_start3A_49 : memref<624x128xf32, #tpu.memory_space<hbm>>) target_semaphore(%run_scoped3A : memref<!tpu.dma_semaphore, #tpu.memory_space<semaphore_mem>>)
        %dma_wait3A_52 = arith.constant 0 : i32
        %dma_wait3A_53 = tpu.memref_slice %arg7[%mul3A_42, %dma_wait3A_52] : memref<10000x128xf32, #tpu.memory_space<hbm>> -> memref<624x128xf32, #tpu.memory_space<hbm>>
        %dma_wait3A_54 = arith.constant 0 : i32
        %dma_wait3A_55 = tpu.memref_slice %arg21[%mul3A_42, %dma_wait3A_54] : memref<10000x128xf32, #tpu.memory_space<vmem_shared>> -> memref<624x128xf32, #tpu.memory_space<vmem_shared>>
        tpu.wait_dma2 semaphore(%run_scoped3A : memref<!tpu.dma_semaphore, #tpu.memory_space<semaphore_mem>>) src(%dma_wait3A_55 : memref<624x128xf32, #tpu.memory_space<vmem_shared>>) dst(%dma_wait3A_53 : memref<624x128xf32, #tpu.memory_space<hbm>>)
        tpu.yield
      }) : () -> ()
      %eq3A_43 = arith.constant 15 : i32
      %eq3A_44 = arith.cmpi eq, %arg1, %eq3A_43 : i32
      %convert_element_type3A_45 = arith.extui %eq3A_44 : i1 to i32
      %cond3A_46 = arith.constant 0 : i32
      %cond3A_47 = arith.cmpi ne, %convert_element_type3A_45, %cond3A_46 : i32
      scf.if %cond3A_47 {
        "tpu.region"() ({
          %run_scoped3A = tpu.sem_alloc : memref<!tpu.dma_semaphore, #tpu.memory_space<semaphore_mem>>
          %dma_start3A_48 = arith.constant 9984 : i32
          %dma_start3A_49 = arith.constant 0 : i32
          %dma_start3A_50 = tpu.memref_slice %arg7[%dma_start3A_48, %dma_start3A_49] : memref<10000x128xf32, #tpu.memory_space<hbm>> -> memref<16x128xf32, #tpu.memory_space<hbm>>
          %dma_start3A_51 = arith.constant 9984 : i32
          %dma_start3A_52 = arith.constant 0 : i32
          %dma_start3A_53 = tpu.memref_slice %arg21[%dma_start3A_51, %dma_start3A_52] : memref<10000x128xf32, #tpu.memory_space<vmem_shared>> -> memref<16x128xf32, #tpu.memory_space<vmem_shared>>
          tpu.enqueue_dma source(%dma_start3A_53 : memref<16x128xf32, #tpu.memory_space<vmem_shared>>) target(%dma_start3A_50 : memref<16x128xf32, #tpu.memory_space<hbm>>) target_semaphore(%run_scoped3A : memref<!tpu.dma_semaphore, #tpu.memory_space<semaphore_mem>>)
          %dma_wait3A_54 = arith.constant 9984 : i32
          %dma_wait3A_55 = arith.constant 0 : i32
          %dma_wait3A_56 = tpu.memref_slice %arg7[%dma_wait3A_54, %dma_wait3A_55] : memref<10000x128xf32, #tpu.memory_space<hbm>> -> memref<16x128xf32, #tpu.memory_space<hbm>>
          %dma_wait3A_57 = arith.constant 9984 : i32
          %dma_wait3A_58 = arith.constant 0 : i32
          %dma_wait3A_59 = tpu.memref_slice %arg21[%dma_wait3A_57, %dma_wait3A_58] : memref<10000x128xf32, #tpu.memory_space<vmem_shared>> -> memref<16x128xf32, #tpu.memory_space<vmem_shared>>
          tpu.wait_dma2 semaphore(%run_scoped3A : memref<!tpu.dma_semaphore, #tpu.memory_space<semaphore_mem>>) src(%dma_wait3A_59 : memref<16x128xf32, #tpu.memory_space<vmem_shared>>) dst(%dma_wait3A_56 : memref<16x128xf32, #tpu.memory_space<hbm>>)
          tpu.yield
        }) : () -> ()
      } else {
      }
    } else {
    }
    %eq3A_2 = arith.constant 1 : i32
    %eq3A_3 = arith.cmpi eq, %arg0, %eq3A_2 : i32
    %convert_element_type3A_4 = arith.extui %eq3A_3 : i1 to i32
    %cond3A_5 = arith.constant 0 : i32
    %cond3A_6 = arith.cmpi ne, %convert_element_type3A_4, %cond3A_5 : i32
    scf.if %cond3A_6 {
      %mul3A = arith.constant 10000 : i32
      %mul3A_7 = arith.muli %arg1, %mul3A : i32
      "tpu.region"() ({
        %run_scoped3A = tpu.sem_alloc : memref<!tpu.dma_semaphore, #tpu.memory_space<semaphore_mem>>
        %dma_start3A_48 = tpu.memref_slice %arg4[%mul3A_7] : memref<160000xi32, #tpu.memory_space<hbm>> -> memref<128xi32, #tpu.memory_space<hbm>>
        %dma_start3A_49 = tpu.memref_slice %arg4[%mul3A_7] : memref<160000xi32, #tpu.memory_space<hbm>> -> memref<128xi32, #tpu.memory_space<hbm>>
        tpu.enqueue_dma source(%dma_start3A_49 : memref<128xi32, #tpu.memory_space<hbm>>) target(%arg9 : memref<128xi32, #tpu.memory_space<vmem>>) target_semaphore(%run_scoped3A : memref<!tpu.dma_semaphore, #tpu.memory_space<semaphore_mem>>)
        %dma_wait3A_50 = tpu.memref_slice %arg4[%mul3A_7] : memref<160000xi32, #tpu.memory_space<hbm>> -> memref<128xi32, #tpu.memory_space<hbm>>
        %dma_wait3A_51 = tpu.memref_slice %arg4[%mul3A_7] : memref<160000xi32, #tpu.memory_space<hbm>> -> memref<128xi32, #tpu.memory_space<hbm>>
        tpu.wait_dma2 semaphore(%run_scoped3A : memref<!tpu.dma_semaphore, #tpu.memory_space<semaphore_mem>>) src(%dma_wait3A_51 : memref<128xi32, #tpu.memory_space<hbm>>) dst(%arg9 : memref<128xi32, #tpu.memory_space<vmem>>)
        tpu.yield
      }) : () -> ()
      %dma_start3A = tpu.memref_slice %arg5[%mul3A_7] : memref<160000xi32, #tpu.memory_space<hbm>> -> memref<128xi32, #tpu.memory_space<hbm>>
      %dma_start3A_8 = tpu.memref_slice %arg5[%mul3A_7] : memref<160000xi32, #tpu.memory_space<hbm>> -> memref<128xi32, #tpu.memory_space<hbm>>
      tpu.enqueue_dma source(%dma_start3A_8 : memref<128xi32, #tpu.memory_space<hbm>>) target(%arg10 : memref<128xi32, #tpu.memory_space<vmem>>) target_semaphore(%arg19 : memref<!tpu.dma_semaphore, #tpu.memory_space<semaphore_mem>>)
      %dma_start3A_9 = arith.constant 0 : i32
      %dma_start3A_10 = arith.constant 0 : i32
      %dma_start3A_11 = tpu.memref_slice %arg3[%dma_start3A_9, %dma_start3A_10] : memref<10000x128xf32, #tpu.memory_space<hbm>> -> memref<10000x128xf32, #tpu.memory_space<hbm>>
      tpu.enqueue_indirect_dma source(%dma_start3A_11 : memref<10000x128xf32, #tpu.memory_space<hbm>>) target(%arg15 : memref<128x128xf32, #tpu.memory_space<vmem>>) offsets(%arg9 : memref<128xi32, #tpu.memory_space<vmem>>) semaphore(%arg17 : memref<!tpu.dma_semaphore, #tpu.memory_space<semaphore_mem>>)
      %mul3A_12 = arith.constant 624 : i32
      %mul3A_13 = arith.muli %arg1, %mul3A_12 : i32
      "tpu.region"() ({
        %run_scoped3A = tpu.sem_alloc : memref<!tpu.dma_semaphore, #tpu.memory_space<semaphore_mem>>
        %dma_start3A_48 = arith.constant 0 : i32
        %dma_start3A_49 = tpu.memref_slice %arg21[%mul3A_13, %dma_start3A_48] : memref<10000x128xf32, #tpu.memory_space<vmem_shared>> -> memref<624x128xf32, #tpu.memory_space<vmem_shared>>
        %dma_start3A_50 = arith.constant 0 : i32
        %dma_start3A_51 = tpu.memref_slice %arg6[%mul3A_13, %dma_start3A_50] : memref<10000x128xf32, #tpu.memory_space<hbm>> -> memref<624x128xf32, #tpu.memory_space<hbm>>
        tpu.enqueue_dma source(%dma_start3A_51 : memref<624x128xf32, #tpu.memory_space<hbm>>) target(%dma_start3A_49 : memref<624x128xf32, #tpu.memory_space<vmem_shared>>) target_semaphore(%run_scoped3A : memref<!tpu.dma_semaphore, #tpu.memory_space<semaphore_mem>>)
        %dma_wait3A_52 = arith.constant 0 : i32
        %dma_wait3A_53 = tpu.memref_slice %arg21[%mul3A_13, %dma_wait3A_52] : memref<10000x128xf32, #tpu.memory_space<vmem_shared>> -> memref<624x128xf32, #tpu.memory_space<vmem_shared>>
        %dma_wait3A_54 = arith.constant 0 : i32
        %dma_wait3A_55 = tpu.memref_slice %arg6[%mul3A_13, %dma_wait3A_54] : memref<10000x128xf32, #tpu.memory_space<hbm>> -> memref<624x128xf32, #tpu.memory_space<hbm>>
        tpu.wait_dma2 semaphore(%run_scoped3A : memref<!tpu.dma_semaphore, #tpu.memory_space<semaphore_mem>>) src(%dma_wait3A_55 : memref<624x128xf32, #tpu.memory_space<hbm>>) dst(%dma_wait3A_53 : memref<624x128xf32, #tpu.memory_space<vmem_shared>>)
        tpu.yield
      }) : () -> ()
      %eq3A_14 = arith.constant 15 : i32
      %eq3A_15 = arith.cmpi eq, %arg1, %eq3A_14 : i32
      %convert_element_type3A_16 = arith.extui %eq3A_15 : i1 to i32
      %cond3A_17 = arith.constant 0 : i32
      %cond3A_18 = arith.cmpi ne, %convert_element_type3A_16, %cond3A_17 : i32
      scf.if %cond3A_18 {
        "tpu.region"() ({
          %run_scoped3A = tpu.sem_alloc : memref<!tpu.dma_semaphore, #tpu.memory_space<semaphore_mem>>
          %dma_start3A_48 = arith.constant 9984 : i32
          %dma_start3A_49 = arith.constant 0 : i32
          %dma_start3A_50 = tpu.memref_slice %arg21[%dma_start3A_48, %dma_start3A_49] : memref<10000x128xf32, #tpu.memory_space<vmem_shared>> -> memref<16x128xf32, #tpu.memory_space<vmem_shared>>
          %dma_start3A_51 = arith.constant 9984 : i32
          %dma_start3A_52 = arith.constant 0 : i32
          %dma_start3A_53 = tpu.memref_slice %arg6[%dma_start3A_51, %dma_start3A_52] : memref<10000x128xf32, #tpu.memory_space<hbm>> -> memref<16x128xf32, #tpu.memory_space<hbm>>
          tpu.enqueue_dma source(%dma_start3A_53 : memref<16x128xf32, #tpu.memory_space<hbm>>) target(%dma_start3A_50 : memref<16x128xf32, #tpu.memory_space<vmem_shared>>) target_semaphore(%run_scoped3A : memref<!tpu.dma_semaphore, #tpu.memory_space<semaphore_mem>>)
          %dma_wait3A_54 = arith.constant 9984 : i32
          %dma_wait3A_55 = arith.constant 0 : i32
          %dma_wait3A_56 = tpu.memref_slice %arg21[%dma_wait3A_54, %dma_wait3A_55] : memref<10000x128xf32, #tpu.memory_space<vmem_shared>> -> memref<16x128xf32, #tpu.memory_space<vmem_shared>>
          %dma_wait3A_57 = arith.constant 9984 : i32
          %dma_wait3A_58 = arith.constant 0 : i32
          %dma_wait3A_59 = tpu.memref_slice %arg6[%dma_wait3A_57, %dma_wait3A_58] : memref<10000x128xf32, #tpu.memory_space<hbm>> -> memref<16x128xf32, #tpu.memory_space<hbm>>
          tpu.wait_dma2 semaphore(%run_scoped3A : memref<!tpu.dma_semaphore, #tpu.memory_space<semaphore_mem>>) src(%dma_wait3A_59 : memref<16x128xf32, #tpu.memory_space<hbm>>) dst(%dma_wait3A_56 : memref<16x128xf32, #tpu.memory_space<vmem_shared>>)
          tpu.yield
        }) : () -> ()
      } else {
      }
      %dma_wait3A = tpu.memref_slice %arg5[%mul3A_7] : memref<160000xi32, #tpu.memory_space<hbm>> -> memref<128xi32, #tpu.memory_space<hbm>>
      %dma_wait3A_19 = tpu.memref_slice %arg5[%mul3A_7] : memref<160000xi32, #tpu.memory_space<hbm>> -> memref<128xi32, #tpu.memory_space<hbm>>
      tpu.wait_dma2 semaphore(%arg19 : memref<!tpu.dma_semaphore, #tpu.memory_space<semaphore_mem>>) src(%dma_wait3A_19 : memref<128xi32, #tpu.memory_space<hbm>>) dst(%arg10 : memref<128xi32, #tpu.memory_space<vmem>>)
      %barrier3A = arith.constant 0 : index
      tpu.barrier barrier_id(%barrier3A)
      %scan3A = arith.constant 0 : i32
      %scan3A_20 = arith.constant 0 : i32
      %scan3A_21 = arith.constant 39 : i32
      %scan3A_22 = arith.addi %scan3A_20, %scan3A_21 : i32
      %scan3A_23 = arith.constant 1 : i32
      scf.for %scan3A_48 = %scan3A_20 to %scan3A_22 step %scan3A_23  : i32 {
        %mul3A_49 = arith.constant 2 : i32
        %mul3A_50 = arith.muli %mul3A_49, %scan3A_48 : i32
        %add3A_51 = arith.constant 1 : i32
        %add3A_52 = arith.addi %mul3A_50, %add3A_51 : i32
        %mul3A_53 = arith.constant 128 : i32
        %mul3A_54 = arith.muli %add3A_52, %mul3A_53 : i32
        %add3A_55 = arith.addi %mul3A_7, %mul3A_54 : i32
        %dma_start3A_56 = tpu.memref_slice %arg4[%add3A_55] : memref<160000xi32, #tpu.memory_space<hbm>> -> memref<128xi32, #tpu.memory_space<hbm>>
        %dma_start3A_57 = tpu.memref_slice %arg4[%add3A_55] : memref<160000xi32, #tpu.memory_space<hbm>> -> memref<128xi32, #tpu.memory_space<hbm>>
        tpu.enqueue_dma source(%dma_start3A_57 : memref<128xi32, #tpu.memory_space<hbm>>) target(%arg11 : memref<128xi32, #tpu.memory_space<vmem>>) target_semaphore(%arg20 : memref<!tpu.dma_semaphore, #tpu.memory_space<semaphore_mem>>)
        %mul3A_58 = arith.constant 128 : i32
        %mul3A_59 = arith.muli %add3A_52, %mul3A_58 : i32
        %add3A_60 = arith.addi %mul3A_7, %mul3A_59 : i32
        %dma_start3A_61 = tpu.memref_slice %arg5[%add3A_60] : memref<160000xi32, #tpu.memory_space<hbm>> -> memref<128xi32, #tpu.memory_space<hbm>>
        %dma_start3A_62 = tpu.memref_slice %arg5[%add3A_60] : memref<160000xi32, #tpu.memory_space<hbm>> -> memref<128xi32, #tpu.memory_space<hbm>>
        tpu.enqueue_dma source(%dma_start3A_62 : memref<128xi32, #tpu.memory_space<hbm>>) target(%arg12 : memref<128xi32, #tpu.memory_space<vmem>>) target_semaphore(%arg20 : memref<!tpu.dma_semaphore, #tpu.memory_space<semaphore_mem>>)
        %dma_wait3A_63 = arith.constant 0 : i32
        %dma_wait3A_64 = arith.constant 0 : i32
        %dma_wait3A_65 = tpu.memref_slice %arg3[%dma_wait3A_63, %dma_wait3A_64] : memref<10000x128xf32, #tpu.memory_space<hbm>> -> memref<10000x128xf32, #tpu.memory_space<hbm>>
        tpu.wait_indirect_dma semaphore(%arg17 : memref<!tpu.dma_semaphore, #tpu.memory_space<semaphore_mem>>) src(%dma_wait3A_65 : memref<10000x128xf32, #tpu.memory_space<hbm>>) dst(%arg15 : memref<128x128xf32, #tpu.memory_space<vmem>>)
        %add3A_66 = arith.constant 1 : i32
        %add3A_67 = arith.addi %mul3A_50, %add3A_66 : i32
        %mul3A_68 = arith.constant 128 : i32
        %mul3A_69 = arith.muli %add3A_67, %mul3A_68 : i32
        %add3A_70 = arith.addi %mul3A_7, %mul3A_69 : i32
        %dma_wait3A_71 = tpu.memref_slice %arg4[%add3A_70] : memref<160000xi32, #tpu.memory_space<hbm>> -> memref<128xi32, #tpu.memory_space<hbm>>
        %dma_wait3A_72 = tpu.memref_slice %arg4[%add3A_70] : memref<160000xi32, #tpu.memory_space<hbm>> -> memref<128xi32, #tpu.memory_space<hbm>>
        tpu.wait_dma2 semaphore(%arg20 : memref<!tpu.dma_semaphore, #tpu.memory_space<semaphore_mem>>) src(%dma_wait3A_72 : memref<128xi32, #tpu.memory_space<hbm>>) dst(%arg11 : memref<128xi32, #tpu.memory_space<vmem>>)
        %mul3A_73 = arith.constant 128 : i32
        %mul3A_74 = arith.muli %add3A_67, %mul3A_73 : i32
        %add3A_75 = arith.addi %mul3A_7, %mul3A_74 : i32
        %dma_wait3A_76 = tpu.memref_slice %arg5[%add3A_75] : memref<160000xi32, #tpu.memory_space<hbm>> -> memref<128xi32, #tpu.memory_space<hbm>>
        %dma_wait3A_77 = tpu.memref_slice %arg5[%add3A_75] : memref<160000xi32, #tpu.memory_space<hbm>> -> memref<128xi32, #tpu.memory_space<hbm>>
        tpu.wait_dma2 semaphore(%arg20 : memref<!tpu.dma_semaphore, #tpu.memory_space<semaphore_mem>>) src(%dma_wait3A_77 : memref<128xi32, #tpu.memory_space<hbm>>) dst(%arg12 : memref<128xi32, #tpu.memory_space<vmem>>)
        %dma_start3A_78 = arith.constant 0 : i32
        %dma_start3A_79 = arith.constant 0 : i32
        %dma_start3A_80 = tpu.memref_slice %arg3[%dma_start3A_78, %dma_start3A_79] : memref<10000x128xf32, #tpu.memory_space<hbm>> -> memref<10000x128xf32, #tpu.memory_space<hbm>>
        tpu.enqueue_indirect_dma source(%dma_start3A_80 : memref<10000x128xf32, #tpu.memory_space<hbm>>) target(%arg16 : memref<128x128xf32, #tpu.memory_space<vmem>>) offsets(%arg11 : memref<128xi32, #tpu.memory_space<vmem>>) semaphore(%arg18 : memref<!tpu.dma_semaphore, #tpu.memory_space<semaphore_mem>>)
        "tpu.region"() ({
          %run_scoped3A = tpu.sem_alloc : memref<!tpu.dma_semaphore, #tpu.memory_space<semaphore_mem>>
          %dma_start3A_88 = arith.constant 0 : i32
          %dma_start3A_89 = arith.constant 0 : i32
          %dma_start3A_90 = tpu.memref_slice %arg21[%dma_start3A_88, %dma_start3A_89] : memref<10000x128xf32, #tpu.memory_space<vmem_shared>> -> memref<10000x128xf32, #tpu.memory_space<vmem_shared>>
          tpu.enqueue_indirect_dma source(%arg15 : memref<128x128xf32, #tpu.memory_space<vmem>>) target(%dma_start3A_90 : memref<10000x128xf32, #tpu.memory_space<vmem_shared>>) offsets(%arg10 : memref<128xi32, #tpu.memory_space<vmem>>) semaphore(%run_scoped3A : memref<!tpu.dma_semaphore, #tpu.memory_space<semaphore_mem>>) {add = true}
          %dma_wait3A_91 = arith.constant 0 : i32
          %dma_wait3A_92 = arith.constant 0 : i32
          %dma_wait3A_93 = tpu.memref_slice %arg21[%dma_wait3A_91, %dma_wait3A_92] : memref<10000x128xf32, #tpu.memory_space<vmem_shared>> -> memref<10000x128xf32, #tpu.memory_space<vmem_shared>>
          tpu.wait_indirect_dma semaphore(%run_scoped3A : memref<!tpu.dma_semaphore, #tpu.memory_space<semaphore_mem>>) src(%arg15 : memref<128x128xf32, #tpu.memory_space<vmem>>) dst(%dma_wait3A_93 : memref<10000x128xf32, #tpu.memory_space<vmem_shared>>)
          tpu.yield
        }) : () -> ()
        %lt3A = arith.constant 38 : i32
        %lt3A_81 = arith.cmpi slt, %scan3A_48, %lt3A : i32
        %convert_element_type3A_82 = arith.extui %lt3A_81 : i1 to i32
        %cond3A_83 = arith.constant 0 : i32
        %cond3A_84 = arith.cmpi ne, %convert_element_type3A_82, %cond3A_83 : i32
        scf.if %cond3A_84 {
          %add3A_88 = arith.constant 2 : i32
          %add3A_89 = arith.addi %mul3A_50, %add3A_88 : i32
          %mul3A_90 = arith.constant 128 : i32
          %mul3A_91 = arith.muli %add3A_89, %mul3A_90 : i32
          %add3A_92 = arith.addi %mul3A_7, %mul3A_91 : i32
          %dma_start3A_93 = tpu.memref_slice %arg4[%add3A_92] : memref<160000xi32, #tpu.memory_space<hbm>> -> memref<128xi32, #tpu.memory_space<hbm>>
          %dma_start3A_94 = tpu.memref_slice %arg4[%add3A_92] : memref<160000xi32, #tpu.memory_space<hbm>> -> memref<128xi32, #tpu.memory_space<hbm>>
          tpu.enqueue_dma source(%dma_start3A_94 : memref<128xi32, #tpu.memory_space<hbm>>) target(%arg9 : memref<128xi32, #tpu.memory_space<vmem>>) target_semaphore(%arg19 : memref<!tpu.dma_semaphore, #tpu.memory_space<semaphore_mem>>)
          %mul3A_95 = arith.constant 128 : i32
          %mul3A_96 = arith.muli %add3A_89, %mul3A_95 : i32
          %add3A_97 = arith.addi %mul3A_7, %mul3A_96 : i32
          %dma_start3A_98 = tpu.memref_slice %arg5[%add3A_97] : memref<160000xi32, #tpu.memory_space<hbm>> -> memref<128xi32, #tpu.memory_space<hbm>>
          %dma_start3A_99 = tpu.memref_slice %arg5[%add3A_97] : memref<160000xi32, #tpu.memory_space<hbm>> -> memref<128xi32, #tpu.memory_space<hbm>>
          tpu.enqueue_dma source(%dma_start3A_99 : memref<128xi32, #tpu.memory_space<hbm>>) target(%arg10 : memref<128xi32, #tpu.memory_space<vmem>>) target_semaphore(%arg19 : memref<!tpu.dma_semaphore, #tpu.memory_space<semaphore_mem>>)
          %add3A_100 = arith.constant 2 : i32
          %add3A_101 = arith.addi %mul3A_50, %add3A_100 : i32
          %mul3A_102 = arith.constant 128 : i32
          %mul3A_103 = arith.muli %add3A_101, %mul3A_102 : i32
          %add3A_104 = arith.addi %mul3A_7, %mul3A_103 : i32
          %dma_wait3A_105 = tpu.memref_slice %arg4[%add3A_104] : memref<160000xi32, #tpu.memory_space<hbm>> -> memref<128xi32, #tpu.memory_space<hbm>>
          %dma_wait3A_106 = tpu.memref_slice %arg4[%add3A_104] : memref<160000xi32, #tpu.memory_space<hbm>> -> memref<128xi32, #tpu.memory_space<hbm>>
          tpu.wait_dma2 semaphore(%arg19 : memref<!tpu.dma_semaphore, #tpu.memory_space<semaphore_mem>>) src(%dma_wait3A_106 : memref<128xi32, #tpu.memory_space<hbm>>) dst(%arg9 : memref<128xi32, #tpu.memory_space<vmem>>)
          %mul3A_107 = arith.constant 128 : i32
          %mul3A_108 = arith.muli %add3A_101, %mul3A_107 : i32
          %add3A_109 = arith.addi %mul3A_7, %mul3A_108 : i32
          %dma_wait3A_110 = tpu.memref_slice %arg5[%add3A_109] : memref<160000xi32, #tpu.memory_space<hbm>> -> memref<128xi32, #tpu.memory_space<hbm>>
          %dma_wait3A_111 = tpu.memref_slice %arg5[%add3A_109] : memref<160000xi32, #tpu.memory_space<hbm>> -> memref<128xi32, #tpu.memory_space<hbm>>
          tpu.wait_dma2 semaphore(%arg19 : memref<!tpu.dma_semaphore, #tpu.memory_space<semaphore_mem>>) src(%dma_wait3A_111 : memref<128xi32, #tpu.memory_space<hbm>>) dst(%arg10 : memref<128xi32, #tpu.memory_space<vmem>>)
          %dma_start3A_112 = arith.constant 0 : i32
          %dma_start3A_113 = arith.constant 0 : i32
          %dma_start3A_114 = tpu.memref_slice %arg3[%dma_start3A_112, %dma_start3A_113] : memref<10000x128xf32, #tpu.memory_space<hbm>> -> memref<10000x128xf32, #tpu.memory_space<hbm>>
          tpu.enqueue_indirect_dma source(%dma_start3A_114 : memref<10000x128xf32, #tpu.memory_space<hbm>>) target(%arg15 : memref<128x128xf32, #tpu.memory_space<vmem>>) offsets(%arg9 : memref<128xi32, #tpu.memory_space<vmem>>) semaphore(%arg17 : memref<!tpu.dma_semaphore, #tpu.memory_space<semaphore_mem>>)
        } else {
        }
        %dma_wait3A_85 = arith.constant 0 : i32
        %dma_wait3A_86 = arith.constant 0 : i32
        %dma_wait3A_87 = tpu.memref_slice %arg3[%dma_wait3A_85, %dma_wait3A_86] : memref<10000x128xf32, #tpu.memory_space<hbm>> -> memref<10000x128xf32, #tpu.memory_space<hbm>>
        tpu.wait_indirect_dma semaphore(%arg18 : memref<!tpu.dma_semaphore, #tpu.memory_space<semaphore_mem>>) src(%dma_wait3A_87 : memref<10000x128xf32, #tpu.memory_space<hbm>>) dst(%arg16 : memref<128x128xf32, #tpu.memory_space<vmem>>)
        "tpu.region"() ({
          %run_scoped3A = tpu.sem_alloc : memref<!tpu.dma_semaphore, #tpu.memory_space<semaphore_mem>>
          %dma_start3A_88 = arith.constant 0 : i32
          %dma_start3A_89 = arith.constant 0 : i32
          %dma_start3A_90 = tpu.memref_slice %arg21[%dma_start3A_88, %dma_start3A_89] : memref<10000x128xf32, #tpu.memory_space<vmem_shared>> -> memref<10000x128xf32, #tpu.memory_space<vmem_shared>>
          tpu.enqueue_indirect_dma source(%arg16 : memref<128x128xf32, #tpu.memory_space<vmem>>) target(%dma_start3A_90 : memref<10000x128xf32, #tpu.memory_space<vmem_shared>>) offsets(%arg12 : memref<128xi32, #tpu.memory_space<vmem>>) semaphore(%run_scoped3A : memref<!tpu.dma_semaphore, #tpu.memory_space<semaphore_mem>>) {add = true}
          %dma_wait3A_91 = arith.constant 0 : i32
          %dma_wait3A_92 = arith.constant 0 : i32
          %dma_wait3A_93 = tpu.memref_slice %arg21[%dma_wait3A_91, %dma_wait3A_92] : memref<10000x128xf32, #tpu.memory_space<vmem_shared>> -> memref<10000x128xf32, #tpu.memory_space<vmem_shared>>
          tpu.wait_indirect_dma semaphore(%run_scoped3A : memref<!tpu.dma_semaphore, #tpu.memory_space<semaphore_mem>>) src(%arg16 : memref<128x128xf32, #tpu.memory_space<vmem>>) dst(%dma_wait3A_93 : memref<10000x128xf32, #tpu.memory_space<vmem_shared>>)
          tpu.yield
        }) : () -> ()
      }
      %scan3A_24 = arith.constant 39 : i32
      %add3A = arith.constant 9984 : i32
      %add3A_25 = arith.addi %mul3A_7, %add3A : i32
      "tpu.region"() ({
        %run_scoped3A = tpu.sem_alloc : memref<!tpu.dma_semaphore, #tpu.memory_space<semaphore_mem>>
        %dma_start3A_48 = tpu.memref_slice %arg4[%add3A_25] : memref<160000xi32, #tpu.memory_space<hbm>> -> memref<16xi32, #tpu.memory_space<hbm>>
        %dma_start3A_49 = tpu.memref_slice %arg4[%add3A_25] : memref<160000xi32, #tpu.memory_space<hbm>> -> memref<16xi32, #tpu.memory_space<hbm>>
        tpu.enqueue_dma source(%dma_start3A_49 : memref<16xi32, #tpu.memory_space<hbm>>) target(%arg13 : memref<16xi32, #tpu.memory_space<vmem>>) target_semaphore(%run_scoped3A : memref<!tpu.dma_semaphore, #tpu.memory_space<semaphore_mem>>)
        %dma_wait3A_50 = tpu.memref_slice %arg4[%add3A_25] : memref<160000xi32, #tpu.memory_space<hbm>> -> memref<16xi32, #tpu.memory_space<hbm>>
        %dma_wait3A_51 = tpu.memref_slice %arg4[%add3A_25] : memref<160000xi32, #tpu.memory_space<hbm>> -> memref<16xi32, #tpu.memory_space<hbm>>
        tpu.wait_dma2 semaphore(%run_scoped3A : memref<!tpu.dma_semaphore, #tpu.memory_space<semaphore_mem>>) src(%dma_wait3A_51 : memref<16xi32, #tpu.memory_space<hbm>>) dst(%arg13 : memref<16xi32, #tpu.memory_space<vmem>>)
        tpu.yield
      }) : () -> ()
      %add3A_26 = arith.constant 9984 : i32
      %add3A_27 = arith.addi %mul3A_7, %add3A_26 : i32
      "tpu.region"() ({
        %run_scoped3A = tpu.sem_alloc : memref<!tpu.dma_semaphore, #tpu.memory_space<semaphore_mem>>
        %dma_start3A_48 = tpu.memref_slice %arg5[%add3A_27] : memref<160000xi32, #tpu.memory_space<hbm>> -> memref<16xi32, #tpu.memory_space<hbm>>
        %dma_start3A_49 = tpu.memref_slice %arg5[%add3A_27] : memref<160000xi32, #tpu.memory_space<hbm>> -> memref<16xi32, #tpu.memory_space<hbm>>
        tpu.enqueue_dma source(%dma_start3A_49 : memref<16xi32, #tpu.memory_space<hbm>>) target(%arg14 : memref<16xi32, #tpu.memory_space<vmem>>) target_semaphore(%run_scoped3A : memref<!tpu.dma_semaphore, #tpu.memory_space<semaphore_mem>>)
        %dma_wait3A_50 = tpu.memref_slice %arg5[%add3A_27] : memref<160000xi32, #tpu.memory_space<hbm>> -> memref<16xi32, #tpu.memory_space<hbm>>
        %dma_wait3A_51 = tpu.memref_slice %arg5[%add3A_27] : memref<160000xi32, #tpu.memory_space<hbm>> -> memref<16xi32, #tpu.memory_space<hbm>>
        tpu.wait_dma2 semaphore(%run_scoped3A : memref<!tpu.dma_semaphore, #tpu.memory_space<semaphore_mem>>) src(%dma_wait3A_51 : memref<16xi32, #tpu.memory_space<hbm>>) dst(%arg14 : memref<16xi32, #tpu.memory_space<vmem>>)
        tpu.yield
      }) : () -> ()
      %dma_start3A_28 = arith.constant 0 : i32
      %dma_start3A_29 = arith.constant 0 : i32
      %dma_start3A_30 = tpu.memref_slice %arg15[%dma_start3A_28, %dma_start3A_29] : memref<128x128xf32, #tpu.memory_space<vmem>> -> memref<16x128xf32, #tpu.memory_space<vmem>>
      %dma_start3A_31 = arith.constant 0 : i32
      %dma_start3A_32 = arith.constant 0 : i32
      %dma_start3A_33 = tpu.memref_slice %arg3[%dma_start3A_31, %dma_start3A_32] : memref<10000x128xf32, #tpu.memory_space<hbm>> -> memref<10000x128xf32, #tpu.memory_space<hbm>>
      tpu.enqueue_indirect_dma source(%dma_start3A_33 : memref<10000x128xf32, #tpu.memory_space<hbm>>) target(%dma_start3A_30 : memref<16x128xf32, #tpu.memory_space<vmem>>) offsets(%arg13 : memref<16xi32, #tpu.memory_space<vmem>>) semaphore(%arg17 : memref<!tpu.dma_semaphore, #tpu.memory_space<semaphore_mem>>)
      %dma_wait3A_34 = arith.constant 0 : i32
      %dma_wait3A_35 = arith.constant 0 : i32
      %dma_wait3A_36 = tpu.memref_slice %arg15[%dma_wait3A_34, %dma_wait3A_35] : memref<128x128xf32, #tpu.memory_space<vmem>> -> memref<16x128xf32, #tpu.memory_space<vmem>>
      %dma_wait3A_37 = arith.constant 0 : i32
      %dma_wait3A_38 = arith.constant 0 : i32
      %dma_wait3A_39 = tpu.memref_slice %arg3[%dma_wait3A_37, %dma_wait3A_38] : memref<10000x128xf32, #tpu.memory_space<hbm>> -> memref<10000x128xf32, #tpu.memory_space<hbm>>
      tpu.wait_indirect_dma semaphore(%arg17 : memref<!tpu.dma_semaphore, #tpu.memory_space<semaphore_mem>>) src(%dma_wait3A_39 : memref<10000x128xf32, #tpu.memory_space<hbm>>) dst(%dma_wait3A_36 : memref<16x128xf32, #tpu.memory_space<vmem>>)
      "tpu.region"() ({
        %run_scoped3A = tpu.sem_alloc : memref<!tpu.dma_semaphore, #tpu.memory_space<semaphore_mem>>
        %dma_start3A_48 = arith.constant 0 : i32
        %dma_start3A_49 = arith.constant 0 : i32
        %dma_start3A_50 = tpu.memref_slice %arg15[%dma_start3A_48, %dma_start3A_49] : memref<128x128xf32, #tpu.memory_space<vmem>> -> memref<16x128xf32, #tpu.memory_space<vmem>>
        %dma_start3A_51 = arith.constant 0 : i32
        %dma_start3A_52 = arith.constant 0 : i32
        %dma_start3A_53 = tpu.memref_slice %arg21[%dma_start3A_51, %dma_start3A_52] : memref<10000x128xf32, #tpu.memory_space<vmem_shared>> -> memref<10000x128xf32, #tpu.memory_space<vmem_shared>>
        tpu.enqueue_indirect_dma source(%dma_start3A_50 : memref<16x128xf32, #tpu.memory_space<vmem>>) target(%dma_start3A_53 : memref<10000x128xf32, #tpu.memory_space<vmem_shared>>) offsets(%arg14 : memref<16xi32, #tpu.memory_space<vmem>>) semaphore(%run_scoped3A : memref<!tpu.dma_semaphore, #tpu.memory_space<semaphore_mem>>) {add = true}
        %dma_wait3A_54 = arith.constant 0 : i32
        %dma_wait3A_55 = arith.constant 0 : i32
        %dma_wait3A_56 = tpu.memref_slice %arg15[%dma_wait3A_54, %dma_wait3A_55] : memref<128x128xf32, #tpu.memory_space<vmem>> -> memref<16x128xf32, #tpu.memory_space<vmem>>
        %dma_wait3A_57 = arith.constant 0 : i32
        %dma_wait3A_58 = arith.constant 0 : i32
        %dma_wait3A_59 = tpu.memref_slice %arg21[%dma_wait3A_57, %dma_wait3A_58] : memref<10000x128xf32, #tpu.memory_space<vmem_shared>> -> memref<10000x128xf32, #tpu.memory_space<vmem_shared>>
        tpu.wait_indirect_dma semaphore(%run_scoped3A : memref<!tpu.dma_semaphore, #tpu.memory_space<semaphore_mem>>) src(%dma_wait3A_56 : memref<16x128xf32, #tpu.memory_space<vmem>>) dst(%dma_wait3A_59 : memref<10000x128xf32, #tpu.memory_space<vmem_shared>>)
        tpu.yield
      }) : () -> ()
      %barrier3A_40 = arith.constant 0 : index
      tpu.barrier barrier_id(%barrier3A_40)
      %mul3A_41 = arith.constant 624 : i32
      %mul3A_42 = arith.muli %arg1, %mul3A_41 : i32
      "tpu.region"() ({
        %run_scoped3A = tpu.sem_alloc : memref<!tpu.dma_semaphore, #tpu.memory_space<semaphore_mem>>
        %dma_start3A_48 = arith.constant 0 : i32
        %dma_start3A_49 = tpu.memref_slice %arg8[%mul3A_42, %dma_start3A_48] : memref<10000x128xf32, #tpu.memory_space<hbm>> -> memref<624x128xf32, #tpu.memory_space<hbm>>
        %dma_start3A_50 = arith.constant 0 : i32
        %dma_start3A_51 = tpu.memref_slice %arg21[%mul3A_42, %dma_start3A_50] : memref<10000x128xf32, #tpu.memory_space<vmem_shared>> -> memref<624x128xf32, #tpu.memory_space<vmem_shared>>
        tpu.enqueue_dma source(%dma_start3A_51 : memref<624x128xf32, #tpu.memory_space<vmem_shared>>) target(%dma_start3A_49 : memref<624x128xf32, #tpu.memory_space<hbm>>) target_semaphore(%run_scoped3A : memref<!tpu.dma_semaphore, #tpu.memory_space<semaphore_mem>>)
        %dma_wait3A_52 = arith.constant 0 : i32
        %dma_wait3A_53 = tpu.memref_slice %arg8[%mul3A_42, %dma_wait3A_52] : memref<10000x128xf32, #tpu.memory_space<hbm>> -> memref<624x128xf32, #tpu.memory_space<hbm>>
        %dma_wait3A_54 = arith.constant 0 : i32
        %dma_wait3A_55 = tpu.memref_slice %arg21[%mul3A_42, %dma_wait3A_54] : memref<10000x128xf32, #tpu.memory_space<vmem_shared>> -> memref<624x128xf32, #tpu.memory_space<vmem_shared>>
        tpu.wait_dma2 semaphore(%run_scoped3A : memref<!tpu.dma_semaphore, #tpu.memory_space<semaphore_mem>>) src(%dma_wait3A_55 : memref<624x128xf32, #tpu.memory_space<vmem_shared>>) dst(%dma_wait3A_53 : memref<624x128xf32, #tpu.memory_space<hbm>>)
        tpu.yield
      }) : () -> ()
      %eq3A_43 = arith.constant 15 : i32
      %eq3A_44 = arith.cmpi eq, %arg1, %eq3A_43 : i32
      %convert_element_type3A_45 = arith.extui %eq3A_44 : i1 to i32
      %cond3A_46 = arith.constant 0 : i32
      %cond3A_47 = arith.cmpi ne, %convert_element_type3A_45, %cond3A_46 : i32
      scf.if %cond3A_47 {
        "tpu.region"() ({
          %run_scoped3A = tpu.sem_alloc : memref<!tpu.dma_semaphore, #tpu.memory_space<semaphore_mem>>
          %dma_start3A_48 = arith.constant 9984 : i32
          %dma_start3A_49 = arith.constant 0 : i32
          %dma_start3A_50 = tpu.memref_slice %arg8[%dma_start3A_48, %dma_start3A_49] : memref<10000x128xf32, #tpu.memory_space<hbm>> -> memref<16x128xf32, #tpu.memory_space<hbm>>
          %dma_start3A_51 = arith.constant 9984 : i32
          %dma_start3A_52 = arith.constant 0 : i32
          %dma_start3A_53 = tpu.memref_slice %arg21[%dma_start3A_51, %dma_start3A_52] : memref<10000x128xf32, #tpu.memory_space<vmem_shared>> -> memref<16x128xf32, #tpu.memory_space<vmem_shared>>
          tpu.enqueue_dma source(%dma_start3A_53 : memref<16x128xf32, #tpu.memory_space<vmem_shared>>) target(%dma_start3A_50 : memref<16x128xf32, #tpu.memory_space<hbm>>) target_semaphore(%run_scoped3A : memref<!tpu.dma_semaphore, #tpu.memory_space<semaphore_mem>>)
          %dma_wait3A_54 = arith.constant 9984 : i32
          %dma_wait3A_55 = arith.constant 0 : i32
          %dma_wait3A_56 = tpu.memref_slice %arg8[%dma_wait3A_54, %dma_wait3A_55] : memref<10000x128xf32, #tpu.memory_space<hbm>> -> memref<16x128xf32, #tpu.memory_space<hbm>>
          %dma_wait3A_57 = arith.constant 9984 : i32
          %dma_wait3A_58 = arith.constant 0 : i32
          %dma_wait3A_59 = tpu.memref_slice %arg21[%dma_wait3A_57, %dma_wait3A_58] : memref<10000x128xf32, #tpu.memory_space<vmem_shared>> -> memref<16x128xf32, #tpu.memory_space<vmem_shared>>
          tpu.wait_dma2 semaphore(%run_scoped3A : memref<!tpu.dma_semaphore, #tpu.memory_space<semaphore_mem>>) src(%dma_wait3A_59 : memref<16x128xf32, #tpu.memory_space<vmem_shared>>) dst(%dma_wait3A_56 : memref<16x128xf32, #tpu.memory_space<hbm>>)
          tpu.yield
        }) : () -> ()
      } else {
      }
    } else {
    }
    return
  }
}

#map = affine_map<(d0, d1) -> (0)>
#map1 = affine_map<(d0, d1) -> (0, 0)>
module attributes {stable_mosaic.version = 14 : i64} {
  func.func @_degree_body(%arg0: i32, %arg1: i32, %arg2: memref<160000xi32, #tpu.memory_space<hbm>>, %arg3: memref<10000x128xf32, #tpu.memory_space<hbm>>, %arg4: memref<128x128xf32, #tpu.memory_space<hbm>>, %arg5: memref<10000x128xf32, #tpu.memory_space<hbm>>, %arg6: memref<10000x128xf32, #tpu.memory_space<hbm>>, %arg7: memref<128xi32, #tpu.memory_space<vmem>>, %arg8: memref<128xi32, #tpu.memory_space<vmem>>, %arg9: memref<8xi32, #tpu.memory_space<vmem>>, %arg10: memref<128x128xf32, #tpu.memory_space<vmem>>, %arg11: memref<!tpu.dma_semaphore, #tpu.memory_space<semaphore_mem>>, %arg12: memref<!tpu.dma_semaphore, #tpu.memory_space<semaphore_mem>>, %arg13: memref<10000x128xf32, #tpu.memory_space<vmem_shared>>) attributes {dimension_semantics = [#tpu.dimension_semantics<core_parallel>, #tpu.dimension_semantics<subcore_parallel>], iteration_bounds = array<i64: 2, 16>, scalar_prefetch = 0 : i64, scratch_operands = 7 : i64, tpu.core_type = #tpu.core_type<sc_vector_subcore>, window_params = [{transform_indices = #map}, {transform_indices = #map1}, {transform_indices = #map1}, {transform_indices = #map1}, {transform_indices = #map1}]} {
    %eq3A = arith.constant 0 : i32
    %eq3A_0 = arith.cmpi eq, %arg0, %eq3A : i32
    %convert_element_type3A = arith.extui %eq3A_0 : i1 to i32
    %cond3A = arith.constant 0 : i32
    %cond3A_1 = arith.cmpi ne, %convert_element_type3A, %cond3A : i32
    scf.if %cond3A_1 {
      %mul3A = arith.constant 80000 : i32
      %mul3A_7 = arith.muli %arg0, %mul3A : i32
      %mul3A_8 = arith.constant 5000 : i32
      %mul3A_9 = arith.muli %arg1, %mul3A_8 : i32
      %add3A = arith.addi %mul3A_7, %mul3A_9 : i32
      %add3A_10 = arith.constant 0 : i32
      %add3A_11 = arith.addi %add3A, %add3A_10 : i32
      %dma_start3A = tpu.memref_slice %arg2[%add3A_11] : memref<160000xi32, #tpu.memory_space<hbm>> -> memref<128xi32, #tpu.memory_space<hbm>>
      %dma_start3A_12 = tpu.memref_slice %arg2[%add3A_11] : memref<160000xi32, #tpu.memory_space<hbm>> -> memref<128xi32, #tpu.memory_space<hbm>>
      tpu.enqueue_dma source(%dma_start3A_12 : memref<128xi32, #tpu.memory_space<hbm>>) target(%arg7 : memref<128xi32, #tpu.memory_space<vmem>>) target_semaphore(%arg11 : memref<!tpu.dma_semaphore, #tpu.memory_space<semaphore_mem>>)
      tpu.enqueue_dma source(%arg4 : memref<128x128xf32, #tpu.memory_space<hbm>>) target(%arg10 : memref<128x128xf32, #tpu.memory_space<vmem>>) target_semaphore(%arg12 : memref<!tpu.dma_semaphore, #tpu.memory_space<semaphore_mem>>)
      %mul3A_13 = arith.constant 624 : i32
      %mul3A_14 = arith.muli %arg1, %mul3A_13 : i32
      "tpu.region"() ({
        %run_scoped3A = tpu.sem_alloc : memref<!tpu.dma_semaphore, #tpu.memory_space<semaphore_mem>>
        %dma_start3A_38 = arith.constant 0 : i32
        %dma_start3A_39 = tpu.memref_slice %arg13[%mul3A_14, %dma_start3A_38] : memref<10000x128xf32, #tpu.memory_space<vmem_shared>> -> memref<624x128xf32, #tpu.memory_space<vmem_shared>>
        %dma_start3A_40 = arith.constant 0 : i32
        %dma_start3A_41 = tpu.memref_slice %arg3[%mul3A_14, %dma_start3A_40] : memref<10000x128xf32, #tpu.memory_space<hbm>> -> memref<624x128xf32, #tpu.memory_space<hbm>>
        tpu.enqueue_dma source(%dma_start3A_41 : memref<624x128xf32, #tpu.memory_space<hbm>>) target(%dma_start3A_39 : memref<624x128xf32, #tpu.memory_space<vmem_shared>>) target_semaphore(%run_scoped3A : memref<!tpu.dma_semaphore, #tpu.memory_space<semaphore_mem>>)
        %dma_wait3A_42 = arith.constant 0 : i32
        %dma_wait3A_43 = tpu.memref_slice %arg13[%mul3A_14, %dma_wait3A_42] : memref<10000x128xf32, #tpu.memory_space<vmem_shared>> -> memref<624x128xf32, #tpu.memory_space<vmem_shared>>
        %dma_wait3A_44 = arith.constant 0 : i32
        %dma_wait3A_45 = tpu.memref_slice %arg3[%mul3A_14, %dma_wait3A_44] : memref<10000x128xf32, #tpu.memory_space<hbm>> -> memref<624x128xf32, #tpu.memory_space<hbm>>
        tpu.wait_dma2 semaphore(%run_scoped3A : memref<!tpu.dma_semaphore, #tpu.memory_space<semaphore_mem>>) src(%dma_wait3A_45 : memref<624x128xf32, #tpu.memory_space<hbm>>) dst(%dma_wait3A_43 : memref<624x128xf32, #tpu.memory_space<vmem_shared>>)
        tpu.yield
      }) : () -> ()
      %eq3A_15 = arith.constant 15 : i32
      %eq3A_16 = arith.cmpi eq, %arg1, %eq3A_15 : i32
      %convert_element_type3A_17 = arith.extui %eq3A_16 : i1 to i32
      %cond3A_18 = arith.constant 0 : i32
      %cond3A_19 = arith.cmpi ne, %convert_element_type3A_17, %cond3A_18 : i32
      scf.if %cond3A_19 {
        "tpu.region"() ({
          %run_scoped3A = tpu.sem_alloc : memref<!tpu.dma_semaphore, #tpu.memory_space<semaphore_mem>>
          %dma_start3A_38 = arith.constant 9984 : i32
          %dma_start3A_39 = arith.constant 0 : i32
          %dma_start3A_40 = tpu.memref_slice %arg13[%dma_start3A_38, %dma_start3A_39] : memref<10000x128xf32, #tpu.memory_space<vmem_shared>> -> memref<16x128xf32, #tpu.memory_space<vmem_shared>>
          %dma_start3A_41 = arith.constant 9984 : i32
          %dma_start3A_42 = arith.constant 0 : i32
          %dma_start3A_43 = tpu.memref_slice %arg3[%dma_start3A_41, %dma_start3A_42] : memref<10000x128xf32, #tpu.memory_space<hbm>> -> memref<16x128xf32, #tpu.memory_space<hbm>>
          tpu.enqueue_dma source(%dma_start3A_43 : memref<16x128xf32, #tpu.memory_space<hbm>>) target(%dma_start3A_40 : memref<16x128xf32, #tpu.memory_space<vmem_shared>>) target_semaphore(%run_scoped3A : memref<!tpu.dma_semaphore, #tpu.memory_space<semaphore_mem>>)
          %dma_wait3A_44 = arith.constant 9984 : i32
          %dma_wait3A_45 = arith.constant 0 : i32
          %dma_wait3A_46 = tpu.memref_slice %arg13[%dma_wait3A_44, %dma_wait3A_45] : memref<10000x128xf32, #tpu.memory_space<vmem_shared>> -> memref<16x128xf32, #tpu.memory_space<vmem_shared>>
          %dma_wait3A_47 = arith.constant 9984 : i32
          %dma_wait3A_48 = arith.constant 0 : i32
          %dma_wait3A_49 = tpu.memref_slice %arg3[%dma_wait3A_47, %dma_wait3A_48] : memref<10000x128xf32, #tpu.memory_space<hbm>> -> memref<16x128xf32, #tpu.memory_space<hbm>>
          tpu.wait_dma2 semaphore(%run_scoped3A : memref<!tpu.dma_semaphore, #tpu.memory_space<semaphore_mem>>) src(%dma_wait3A_49 : memref<16x128xf32, #tpu.memory_space<hbm>>) dst(%dma_wait3A_46 : memref<16x128xf32, #tpu.memory_space<vmem_shared>>)
          tpu.yield
        }) : () -> ()
      } else {
      }
      %add3A_20 = arith.constant 0 : i32
      %add3A_21 = arith.addi %add3A, %add3A_20 : i32
      %dma_wait3A = tpu.memref_slice %arg2[%add3A_21] : memref<160000xi32, #tpu.memory_space<hbm>> -> memref<128xi32, #tpu.memory_space<hbm>>
      %dma_wait3A_22 = tpu.memref_slice %arg2[%add3A_21] : memref<160000xi32, #tpu.memory_space<hbm>> -> memref<128xi32, #tpu.memory_space<hbm>>
      tpu.wait_dma2 semaphore(%arg11 : memref<!tpu.dma_semaphore, #tpu.memory_space<semaphore_mem>>) src(%dma_wait3A_22 : memref<128xi32, #tpu.memory_space<hbm>>) dst(%arg7 : memref<128xi32, #tpu.memory_space<vmem>>)
      tpu.wait_dma2 semaphore(%arg12 : memref<!tpu.dma_semaphore, #tpu.memory_space<semaphore_mem>>) src(%arg4 : memref<128x128xf32, #tpu.memory_space<hbm>>) dst(%arg10 : memref<128x128xf32, #tpu.memory_space<vmem>>)
      %barrier3A = arith.constant 0 : index
      tpu.barrier barrier_id(%barrier3A)
      %scan3A = arith.constant 0 : i32
      %scan3A_23 = arith.constant 0 : i32
      %scan3A_24 = arith.constant 19 : i32
      %scan3A_25 = arith.addi %scan3A_23, %scan3A_24 : i32
      %scan3A_26 = arith.constant 1 : i32
      scf.for %scan3A_38 = %scan3A_23 to %scan3A_25 step %scan3A_26  : i32 {
        %mul3A_39 = arith.constant 2 : i32
        %mul3A_40 = arith.muli %mul3A_39, %scan3A_38 : i32
        %add3A_41 = arith.constant 1 : i32
        %add3A_42 = arith.addi %mul3A_40, %add3A_41 : i32
        %mul3A_43 = arith.constant 128 : i32
        %mul3A_44 = arith.muli %add3A_42, %mul3A_43 : i32
        %add3A_45 = arith.addi %add3A, %mul3A_44 : i32
        %dma_start3A_46 = tpu.memref_slice %arg2[%add3A_45] : memref<160000xi32, #tpu.memory_space<hbm>> -> memref<128xi32, #tpu.memory_space<hbm>>
        %dma_start3A_47 = tpu.memref_slice %arg2[%add3A_45] : memref<160000xi32, #tpu.memory_space<hbm>> -> memref<128xi32, #tpu.memory_space<hbm>>
        tpu.enqueue_dma source(%dma_start3A_47 : memref<128xi32, #tpu.memory_space<hbm>>) target(%arg8 : memref<128xi32, #tpu.memory_space<vmem>>) target_semaphore(%arg12 : memref<!tpu.dma_semaphore, #tpu.memory_space<semaphore_mem>>)
        "tpu.region"() ({
          %run_scoped3A = tpu.sem_alloc : memref<!tpu.dma_semaphore, #tpu.memory_space<semaphore_mem>>
          %dma_start3A_69 = arith.constant 0 : i32
          %dma_start3A_70 = arith.constant 0 : i32
          %dma_start3A_71 = tpu.memref_slice %arg13[%dma_start3A_69, %dma_start3A_70] : memref<10000x128xf32, #tpu.memory_space<vmem_shared>> -> memref<10000x128xf32, #tpu.memory_space<vmem_shared>>
          tpu.enqueue_indirect_dma source(%arg10 : memref<128x128xf32, #tpu.memory_space<vmem>>) target(%dma_start3A_71 : memref<10000x128xf32, #tpu.memory_space<vmem_shared>>) offsets(%arg7 : memref<128xi32, #tpu.memory_space<vmem>>) semaphore(%run_scoped3A : memref<!tpu.dma_semaphore, #tpu.memory_space<semaphore_mem>>) {add = true}
          %dma_wait3A_72 = arith.constant 0 : i32
          %dma_wait3A_73 = arith.constant 0 : i32
          %dma_wait3A_74 = tpu.memref_slice %arg13[%dma_wait3A_72, %dma_wait3A_73] : memref<10000x128xf32, #tpu.memory_space<vmem_shared>> -> memref<10000x128xf32, #tpu.memory_space<vmem_shared>>
          tpu.wait_indirect_dma semaphore(%run_scoped3A : memref<!tpu.dma_semaphore, #tpu.memory_space<semaphore_mem>>) src(%arg10 : memref<128x128xf32, #tpu.memory_space<vmem>>) dst(%dma_wait3A_74 : memref<10000x128xf32, #tpu.memory_space<vmem_shared>>)
          tpu.yield
        }) : () -> ()
        %add3A_48 = arith.constant 1 : i32
        %add3A_49 = arith.addi %mul3A_40, %add3A_48 : i32
        %mul3A_50 = arith.constant 128 : i32
        %mul3A_51 = arith.muli %add3A_49, %mul3A_50 : i32
        %add3A_52 = arith.addi %add3A, %mul3A_51 : i32
        %dma_wait3A_53 = tpu.memref_slice %arg2[%add3A_52] : memref<160000xi32, #tpu.memory_space<hbm>> -> memref<128xi32, #tpu.memory_space<hbm>>
        %dma_wait3A_54 = tpu.memref_slice %arg2[%add3A_52] : memref<160000xi32, #tpu.memory_space<hbm>> -> memref<128xi32, #tpu.memory_space<hbm>>
        tpu.wait_dma2 semaphore(%arg12 : memref<!tpu.dma_semaphore, #tpu.memory_space<semaphore_mem>>) src(%dma_wait3A_54 : memref<128xi32, #tpu.memory_space<hbm>>) dst(%arg8 : memref<128xi32, #tpu.memory_space<vmem>>)
        %add3A_55 = arith.constant 2 : i32
        %add3A_56 = arith.addi %mul3A_40, %add3A_55 : i32
        %mul3A_57 = arith.constant 128 : i32
        %mul3A_58 = arith.muli %add3A_56, %mul3A_57 : i32
        %add3A_59 = arith.addi %add3A, %mul3A_58 : i32
        %dma_start3A_60 = tpu.memref_slice %arg2[%add3A_59] : memref<160000xi32, #tpu.memory_space<hbm>> -> memref<128xi32, #tpu.memory_space<hbm>>
        %dma_start3A_61 = tpu.memref_slice %arg2[%add3A_59] : memref<160000xi32, #tpu.memory_space<hbm>> -> memref<128xi32, #tpu.memory_space<hbm>>
        tpu.enqueue_dma source(%dma_start3A_61 : memref<128xi32, #tpu.memory_space<hbm>>) target(%arg7 : memref<128xi32, #tpu.memory_space<vmem>>) target_semaphore(%arg11 : memref<!tpu.dma_semaphore, #tpu.memory_space<semaphore_mem>>)
        "tpu.region"() ({
          %run_scoped3A = tpu.sem_alloc : memref<!tpu.dma_semaphore, #tpu.memory_space<semaphore_mem>>
          %dma_start3A_69 = arith.constant 0 : i32
          %dma_start3A_70 = arith.constant 0 : i32
          %dma_start3A_71 = tpu.memref_slice %arg13[%dma_start3A_69, %dma_start3A_70] : memref<10000x128xf32, #tpu.memory_space<vmem_shared>> -> memref<10000x128xf32, #tpu.memory_space<vmem_shared>>
          tpu.enqueue_indirect_dma source(%arg10 : memref<128x128xf32, #tpu.memory_space<vmem>>) target(%dma_start3A_71 : memref<10000x128xf32, #tpu.memory_space<vmem_shared>>) offsets(%arg8 : memref<128xi32, #tpu.memory_space<vmem>>) semaphore(%run_scoped3A : memref<!tpu.dma_semaphore, #tpu.memory_space<semaphore_mem>>) {add = true}
          %dma_wait3A_72 = arith.constant 0 : i32
          %dma_wait3A_73 = arith.constant 0 : i32
          %dma_wait3A_74 = tpu.memref_slice %arg13[%dma_wait3A_72, %dma_wait3A_73] : memref<10000x128xf32, #tpu.memory_space<vmem_shared>> -> memref<10000x128xf32, #tpu.memory_space<vmem_shared>>
          tpu.wait_indirect_dma semaphore(%run_scoped3A : memref<!tpu.dma_semaphore, #tpu.memory_space<semaphore_mem>>) src(%arg10 : memref<128x128xf32, #tpu.memory_space<vmem>>) dst(%dma_wait3A_74 : memref<10000x128xf32, #tpu.memory_space<vmem_shared>>)
          tpu.yield
        }) : () -> ()
        %add3A_62 = arith.constant 2 : i32
        %add3A_63 = arith.addi %mul3A_40, %add3A_62 : i32
        %mul3A_64 = arith.constant 128 : i32
        %mul3A_65 = arith.muli %add3A_63, %mul3A_64 : i32
        %add3A_66 = arith.addi %add3A, %mul3A_65 : i32
        %dma_wait3A_67 = tpu.memref_slice %arg2[%add3A_66] : memref<160000xi32, #tpu.memory_space<hbm>> -> memref<128xi32, #tpu.memory_space<hbm>>
        %dma_wait3A_68 = tpu.memref_slice %arg2[%add3A_66] : memref<160000xi32, #tpu.memory_space<hbm>> -> memref<128xi32, #tpu.memory_space<hbm>>
        tpu.wait_dma2 semaphore(%arg11 : memref<!tpu.dma_semaphore, #tpu.memory_space<semaphore_mem>>) src(%dma_wait3A_68 : memref<128xi32, #tpu.memory_space<hbm>>) dst(%arg7 : memref<128xi32, #tpu.memory_space<vmem>>)
      }
      %scan3A_27 = arith.constant 19 : i32
      "tpu.region"() ({
        %run_scoped3A = tpu.sem_alloc : memref<!tpu.dma_semaphore, #tpu.memory_space<semaphore_mem>>
        %dma_start3A_38 = arith.constant 0 : i32
        %dma_start3A_39 = arith.constant 0 : i32
        %dma_start3A_40 = tpu.memref_slice %arg13[%dma_start3A_38, %dma_start3A_39] : memref<10000x128xf32, #tpu.memory_space<vmem_shared>> -> memref<10000x128xf32, #tpu.memory_space<vmem_shared>>
        tpu.enqueue_indirect_dma source(%arg10 : memref<128x128xf32, #tpu.memory_space<vmem>>) target(%dma_start3A_40 : memref<10000x128xf32, #tpu.memory_space<vmem_shared>>) offsets(%arg7 : memref<128xi32, #tpu.memory_space<vmem>>) semaphore(%run_scoped3A : memref<!tpu.dma_semaphore, #tpu.memory_space<semaphore_mem>>) {add = true}
        %dma_wait3A_41 = arith.constant 0 : i32
        %dma_wait3A_42 = arith.constant 0 : i32
        %dma_wait3A_43 = tpu.memref_slice %arg13[%dma_wait3A_41, %dma_wait3A_42] : memref<10000x128xf32, #tpu.memory_space<vmem_shared>> -> memref<10000x128xf32, #tpu.memory_space<vmem_shared>>
        tpu.wait_indirect_dma semaphore(%run_scoped3A : memref<!tpu.dma_semaphore, #tpu.memory_space<semaphore_mem>>) src(%arg10 : memref<128x128xf32, #tpu.memory_space<vmem>>) dst(%dma_wait3A_43 : memref<10000x128xf32, #tpu.memory_space<vmem_shared>>)
        tpu.yield
      }) : () -> ()
      %add3A_28 = arith.constant 4992 : i32
      %add3A_29 = arith.addi %add3A, %add3A_28 : i32
      "tpu.region"() ({
        %run_scoped3A = tpu.sem_alloc : memref<!tpu.dma_semaphore, #tpu.memory_space<semaphore_mem>>
        %dma_start3A_38 = tpu.memref_slice %arg2[%add3A_29] : memref<160000xi32, #tpu.memory_space<hbm>> -> memref<8xi32, #tpu.memory_space<hbm>>
        %dma_start3A_39 = tpu.memref_slice %arg2[%add3A_29] : memref<160000xi32, #tpu.memory_space<hbm>> -> memref<8xi32, #tpu.memory_space<hbm>>
        tpu.enqueue_dma source(%dma_start3A_39 : memref<8xi32, #tpu.memory_space<hbm>>) target(%arg9 : memref<8xi32, #tpu.memory_space<vmem>>) target_semaphore(%run_scoped3A : memref<!tpu.dma_semaphore, #tpu.memory_space<semaphore_mem>>)
        %dma_wait3A_40 = tpu.memref_slice %arg2[%add3A_29] : memref<160000xi32, #tpu.memory_space<hbm>> -> memref<8xi32, #tpu.memory_space<hbm>>
        %dma_wait3A_41 = tpu.memref_slice %arg2[%add3A_29] : memref<160000xi32, #tpu.memory_space<hbm>> -> memref<8xi32, #tpu.memory_space<hbm>>
        tpu.wait_dma2 semaphore(%run_scoped3A : memref<!tpu.dma_semaphore, #tpu.memory_space<semaphore_mem>>) src(%dma_wait3A_41 : memref<8xi32, #tpu.memory_space<hbm>>) dst(%arg9 : memref<8xi32, #tpu.memory_space<vmem>>)
        tpu.yield
      }) : () -> ()
      "tpu.region"() ({
        %run_scoped3A = tpu.sem_alloc : memref<!tpu.dma_semaphore, #tpu.memory_space<semaphore_mem>>
        %dma_start3A_38 = arith.constant 0 : i32
        %dma_start3A_39 = arith.constant 0 : i32
        %dma_start3A_40 = tpu.memref_slice %arg10[%dma_start3A_38, %dma_start3A_39] : memref<128x128xf32, #tpu.memory_space<vmem>> -> memref<8x128xf32, #tpu.memory_space<vmem>>
        %dma_start3A_41 = arith.constant 0 : i32
        %dma_start3A_42 = arith.constant 0 : i32
        %dma_start3A_43 = tpu.memref_slice %arg13[%dma_start3A_41, %dma_start3A_42] : memref<10000x128xf32, #tpu.memory_space<vmem_shared>> -> memref<10000x128xf32, #tpu.memory_space<vmem_shared>>
        tpu.enqueue_indirect_dma source(%dma_start3A_40 : memref<8x128xf32, #tpu.memory_space<vmem>>) target(%dma_start3A_43 : memref<10000x128xf32, #tpu.memory_space<vmem_shared>>) offsets(%arg9 : memref<8xi32, #tpu.memory_space<vmem>>) semaphore(%run_scoped3A : memref<!tpu.dma_semaphore, #tpu.memory_space<semaphore_mem>>) {add = true}
        %dma_wait3A_44 = arith.constant 0 : i32
        %dma_wait3A_45 = arith.constant 0 : i32
        %dma_wait3A_46 = tpu.memref_slice %arg10[%dma_wait3A_44, %dma_wait3A_45] : memref<128x128xf32, #tpu.memory_space<vmem>> -> memref<8x128xf32, #tpu.memory_space<vmem>>
        %dma_wait3A_47 = arith.constant 0 : i32
        %dma_wait3A_48 = arith.constant 0 : i32
        %dma_wait3A_49 = tpu.memref_slice %arg13[%dma_wait3A_47, %dma_wait3A_48] : memref<10000x128xf32, #tpu.memory_space<vmem_shared>> -> memref<10000x128xf32, #tpu.memory_space<vmem_shared>>
        tpu.wait_indirect_dma semaphore(%run_scoped3A : memref<!tpu.dma_semaphore, #tpu.memory_space<semaphore_mem>>) src(%dma_wait3A_46 : memref<8x128xf32, #tpu.memory_space<vmem>>) dst(%dma_wait3A_49 : memref<10000x128xf32, #tpu.memory_space<vmem_shared>>)
        tpu.yield
      }) : () -> ()
      %barrier3A_30 = arith.constant 0 : index
      tpu.barrier barrier_id(%barrier3A_30)
      %mul3A_31 = arith.constant 624 : i32
      %mul3A_32 = arith.muli %arg1, %mul3A_31 : i32
      "tpu.region"() ({
        %run_scoped3A = tpu.sem_alloc : memref<!tpu.dma_semaphore, #tpu.memory_space<semaphore_mem>>
        %dma_start3A_38 = arith.constant 0 : i32
        %dma_start3A_39 = tpu.memref_slice %arg5[%mul3A_32, %dma_start3A_38] : memref<10000x128xf32, #tpu.memory_space<hbm>> -> memref<624x128xf32, #tpu.memory_space<hbm>>
        %dma_start3A_40 = arith.constant 0 : i32
        %dma_start3A_41 = tpu.memref_slice %arg13[%mul3A_32, %dma_start3A_40] : memref<10000x128xf32, #tpu.memory_space<vmem_shared>> -> memref<624x128xf32, #tpu.memory_space<vmem_shared>>
        tpu.enqueue_dma source(%dma_start3A_41 : memref<624x128xf32, #tpu.memory_space<vmem_shared>>) target(%dma_start3A_39 : memref<624x128xf32, #tpu.memory_space<hbm>>) target_semaphore(%run_scoped3A : memref<!tpu.dma_semaphore, #tpu.memory_space<semaphore_mem>>)
        %dma_wait3A_42 = arith.constant 0 : i32
        %dma_wait3A_43 = tpu.memref_slice %arg5[%mul3A_32, %dma_wait3A_42] : memref<10000x128xf32, #tpu.memory_space<hbm>> -> memref<624x128xf32, #tpu.memory_space<hbm>>
        %dma_wait3A_44 = arith.constant 0 : i32
        %dma_wait3A_45 = tpu.memref_slice %arg13[%mul3A_32, %dma_wait3A_44] : memref<10000x128xf32, #tpu.memory_space<vmem_shared>> -> memref<624x128xf32, #tpu.memory_space<vmem_shared>>
        tpu.wait_dma2 semaphore(%run_scoped3A : memref<!tpu.dma_semaphore, #tpu.memory_space<semaphore_mem>>) src(%dma_wait3A_45 : memref<624x128xf32, #tpu.memory_space<vmem_shared>>) dst(%dma_wait3A_43 : memref<624x128xf32, #tpu.memory_space<hbm>>)
        tpu.yield
      }) : () -> ()
      %eq3A_33 = arith.constant 15 : i32
      %eq3A_34 = arith.cmpi eq, %arg1, %eq3A_33 : i32
      %convert_element_type3A_35 = arith.extui %eq3A_34 : i1 to i32
      %cond3A_36 = arith.constant 0 : i32
      %cond3A_37 = arith.cmpi ne, %convert_element_type3A_35, %cond3A_36 : i32
      scf.if %cond3A_37 {
        "tpu.region"() ({
          %run_scoped3A = tpu.sem_alloc : memref<!tpu.dma_semaphore, #tpu.memory_space<semaphore_mem>>
          %dma_start3A_38 = arith.constant 9984 : i32
          %dma_start3A_39 = arith.constant 0 : i32
          %dma_start3A_40 = tpu.memref_slice %arg5[%dma_start3A_38, %dma_start3A_39] : memref<10000x128xf32, #tpu.memory_space<hbm>> -> memref<16x128xf32, #tpu.memory_space<hbm>>
          %dma_start3A_41 = arith.constant 9984 : i32
          %dma_start3A_42 = arith.constant 0 : i32
          %dma_start3A_43 = tpu.memref_slice %arg13[%dma_start3A_41, %dma_start3A_42] : memref<10000x128xf32, #tpu.memory_space<vmem_shared>> -> memref<16x128xf32, #tpu.memory_space<vmem_shared>>
          tpu.enqueue_dma source(%dma_start3A_43 : memref<16x128xf32, #tpu.memory_space<vmem_shared>>) target(%dma_start3A_40 : memref<16x128xf32, #tpu.memory_space<hbm>>) target_semaphore(%run_scoped3A : memref<!tpu.dma_semaphore, #tpu.memory_space<semaphore_mem>>)
          %dma_wait3A_44 = arith.constant 9984 : i32
          %dma_wait3A_45 = arith.constant 0 : i32
          %dma_wait3A_46 = tpu.memref_slice %arg5[%dma_wait3A_44, %dma_wait3A_45] : memref<10000x128xf32, #tpu.memory_space<hbm>> -> memref<16x128xf32, #tpu.memory_space<hbm>>
          %dma_wait3A_47 = arith.constant 9984 : i32
          %dma_wait3A_48 = arith.constant 0 : i32
          %dma_wait3A_49 = tpu.memref_slice %arg13[%dma_wait3A_47, %dma_wait3A_48] : memref<10000x128xf32, #tpu.memory_space<vmem_shared>> -> memref<16x128xf32, #tpu.memory_space<vmem_shared>>
          tpu.wait_dma2 semaphore(%run_scoped3A : memref<!tpu.dma_semaphore, #tpu.memory_space<semaphore_mem>>) src(%dma_wait3A_49 : memref<16x128xf32, #tpu.memory_space<vmem_shared>>) dst(%dma_wait3A_46 : memref<16x128xf32, #tpu.memory_space<hbm>>)
          tpu.yield
        }) : () -> ()
      } else {
      }
    } else {
    }
    %eq3A_2 = arith.constant 1 : i32
    %eq3A_3 = arith.cmpi eq, %arg0, %eq3A_2 : i32
    %convert_element_type3A_4 = arith.extui %eq3A_3 : i1 to i32
    %cond3A_5 = arith.constant 0 : i32
    %cond3A_6 = arith.cmpi ne, %convert_element_type3A_4, %cond3A_5 : i32
    scf.if %cond3A_6 {
      %mul3A = arith.constant 80000 : i32
      %mul3A_7 = arith.muli %arg0, %mul3A : i32
      %mul3A_8 = arith.constant 5000 : i32
      %mul3A_9 = arith.muli %arg1, %mul3A_8 : i32
      %add3A = arith.addi %mul3A_7, %mul3A_9 : i32
      %add3A_10 = arith.constant 0 : i32
      %add3A_11 = arith.addi %add3A, %add3A_10 : i32
      %dma_start3A = tpu.memref_slice %arg2[%add3A_11] : memref<160000xi32, #tpu.memory_space<hbm>> -> memref<128xi32, #tpu.memory_space<hbm>>
      %dma_start3A_12 = tpu.memref_slice %arg2[%add3A_11] : memref<160000xi32, #tpu.memory_space<hbm>> -> memref<128xi32, #tpu.memory_space<hbm>>
      tpu.enqueue_dma source(%dma_start3A_12 : memref<128xi32, #tpu.memory_space<hbm>>) target(%arg7 : memref<128xi32, #tpu.memory_space<vmem>>) target_semaphore(%arg11 : memref<!tpu.dma_semaphore, #tpu.memory_space<semaphore_mem>>)
      tpu.enqueue_dma source(%arg4 : memref<128x128xf32, #tpu.memory_space<hbm>>) target(%arg10 : memref<128x128xf32, #tpu.memory_space<vmem>>) target_semaphore(%arg12 : memref<!tpu.dma_semaphore, #tpu.memory_space<semaphore_mem>>)
      %mul3A_13 = arith.constant 624 : i32
      %mul3A_14 = arith.muli %arg1, %mul3A_13 : i32
      "tpu.region"() ({
        %run_scoped3A = tpu.sem_alloc : memref<!tpu.dma_semaphore, #tpu.memory_space<semaphore_mem>>
        %dma_start3A_38 = arith.constant 0 : i32
        %dma_start3A_39 = tpu.memref_slice %arg13[%mul3A_14, %dma_start3A_38] : memref<10000x128xf32, #tpu.memory_space<vmem_shared>> -> memref<624x128xf32, #tpu.memory_space<vmem_shared>>
        %dma_start3A_40 = arith.constant 0 : i32
        %dma_start3A_41 = tpu.memref_slice %arg3[%mul3A_14, %dma_start3A_40] : memref<10000x128xf32, #tpu.memory_space<hbm>> -> memref<624x128xf32, #tpu.memory_space<hbm>>
        tpu.enqueue_dma source(%dma_start3A_41 : memref<624x128xf32, #tpu.memory_space<hbm>>) target(%dma_start3A_39 : memref<624x128xf32, #tpu.memory_space<vmem_shared>>) target_semaphore(%run_scoped3A : memref<!tpu.dma_semaphore, #tpu.memory_space<semaphore_mem>>)
        %dma_wait3A_42 = arith.constant 0 : i32
        %dma_wait3A_43 = tpu.memref_slice %arg13[%mul3A_14, %dma_wait3A_42] : memref<10000x128xf32, #tpu.memory_space<vmem_shared>> -> memref<624x128xf32, #tpu.memory_space<vmem_shared>>
        %dma_wait3A_44 = arith.constant 0 : i32
        %dma_wait3A_45 = tpu.memref_slice %arg3[%mul3A_14, %dma_wait3A_44] : memref<10000x128xf32, #tpu.memory_space<hbm>> -> memref<624x128xf32, #tpu.memory_space<hbm>>
        tpu.wait_dma2 semaphore(%run_scoped3A : memref<!tpu.dma_semaphore, #tpu.memory_space<semaphore_mem>>) src(%dma_wait3A_45 : memref<624x128xf32, #tpu.memory_space<hbm>>) dst(%dma_wait3A_43 : memref<624x128xf32, #tpu.memory_space<vmem_shared>>)
        tpu.yield
      }) : () -> ()
      %eq3A_15 = arith.constant 15 : i32
      %eq3A_16 = arith.cmpi eq, %arg1, %eq3A_15 : i32
      %convert_element_type3A_17 = arith.extui %eq3A_16 : i1 to i32
      %cond3A_18 = arith.constant 0 : i32
      %cond3A_19 = arith.cmpi ne, %convert_element_type3A_17, %cond3A_18 : i32
      scf.if %cond3A_19 {
        "tpu.region"() ({
          %run_scoped3A = tpu.sem_alloc : memref<!tpu.dma_semaphore, #tpu.memory_space<semaphore_mem>>
          %dma_start3A_38 = arith.constant 9984 : i32
          %dma_start3A_39 = arith.constant 0 : i32
          %dma_start3A_40 = tpu.memref_slice %arg13[%dma_start3A_38, %dma_start3A_39] : memref<10000x128xf32, #tpu.memory_space<vmem_shared>> -> memref<16x128xf32, #tpu.memory_space<vmem_shared>>
          %dma_start3A_41 = arith.constant 9984 : i32
          %dma_start3A_42 = arith.constant 0 : i32
          %dma_start3A_43 = tpu.memref_slice %arg3[%dma_start3A_41, %dma_start3A_42] : memref<10000x128xf32, #tpu.memory_space<hbm>> -> memref<16x128xf32, #tpu.memory_space<hbm>>
          tpu.enqueue_dma source(%dma_start3A_43 : memref<16x128xf32, #tpu.memory_space<hbm>>) target(%dma_start3A_40 : memref<16x128xf32, #tpu.memory_space<vmem_shared>>) target_semaphore(%run_scoped3A : memref<!tpu.dma_semaphore, #tpu.memory_space<semaphore_mem>>)
          %dma_wait3A_44 = arith.constant 9984 : i32
          %dma_wait3A_45 = arith.constant 0 : i32
          %dma_wait3A_46 = tpu.memref_slice %arg13[%dma_wait3A_44, %dma_wait3A_45] : memref<10000x128xf32, #tpu.memory_space<vmem_shared>> -> memref<16x128xf32, #tpu.memory_space<vmem_shared>>
          %dma_wait3A_47 = arith.constant 9984 : i32
          %dma_wait3A_48 = arith.constant 0 : i32
          %dma_wait3A_49 = tpu.memref_slice %arg3[%dma_wait3A_47, %dma_wait3A_48] : memref<10000x128xf32, #tpu.memory_space<hbm>> -> memref<16x128xf32, #tpu.memory_space<hbm>>
          tpu.wait_dma2 semaphore(%run_scoped3A : memref<!tpu.dma_semaphore, #tpu.memory_space<semaphore_mem>>) src(%dma_wait3A_49 : memref<16x128xf32, #tpu.memory_space<hbm>>) dst(%dma_wait3A_46 : memref<16x128xf32, #tpu.memory_space<vmem_shared>>)
          tpu.yield
        }) : () -> ()
      } else {
      }
      %add3A_20 = arith.constant 0 : i32
      %add3A_21 = arith.addi %add3A, %add3A_20 : i32
      %dma_wait3A = tpu.memref_slice %arg2[%add3A_21] : memref<160000xi32, #tpu.memory_space<hbm>> -> memref<128xi32, #tpu.memory_space<hbm>>
      %dma_wait3A_22 = tpu.memref_slice %arg2[%add3A_21] : memref<160000xi32, #tpu.memory_space<hbm>> -> memref<128xi32, #tpu.memory_space<hbm>>
      tpu.wait_dma2 semaphore(%arg11 : memref<!tpu.dma_semaphore, #tpu.memory_space<semaphore_mem>>) src(%dma_wait3A_22 : memref<128xi32, #tpu.memory_space<hbm>>) dst(%arg7 : memref<128xi32, #tpu.memory_space<vmem>>)
      tpu.wait_dma2 semaphore(%arg12 : memref<!tpu.dma_semaphore, #tpu.memory_space<semaphore_mem>>) src(%arg4 : memref<128x128xf32, #tpu.memory_space<hbm>>) dst(%arg10 : memref<128x128xf32, #tpu.memory_space<vmem>>)
      %barrier3A = arith.constant 0 : index
      tpu.barrier barrier_id(%barrier3A)
      %scan3A = arith.constant 0 : i32
      %scan3A_23 = arith.constant 0 : i32
      %scan3A_24 = arith.constant 19 : i32
      %scan3A_25 = arith.addi %scan3A_23, %scan3A_24 : i32
      %scan3A_26 = arith.constant 1 : i32
      scf.for %scan3A_38 = %scan3A_23 to %scan3A_25 step %scan3A_26  : i32 {
        %mul3A_39 = arith.constant 2 : i32
        %mul3A_40 = arith.muli %mul3A_39, %scan3A_38 : i32
        %add3A_41 = arith.constant 1 : i32
        %add3A_42 = arith.addi %mul3A_40, %add3A_41 : i32
        %mul3A_43 = arith.constant 128 : i32
        %mul3A_44 = arith.muli %add3A_42, %mul3A_43 : i32
        %add3A_45 = arith.addi %add3A, %mul3A_44 : i32
        %dma_start3A_46 = tpu.memref_slice %arg2[%add3A_45] : memref<160000xi32, #tpu.memory_space<hbm>> -> memref<128xi32, #tpu.memory_space<hbm>>
        %dma_start3A_47 = tpu.memref_slice %arg2[%add3A_45] : memref<160000xi32, #tpu.memory_space<hbm>> -> memref<128xi32, #tpu.memory_space<hbm>>
        tpu.enqueue_dma source(%dma_start3A_47 : memref<128xi32, #tpu.memory_space<hbm>>) target(%arg8 : memref<128xi32, #tpu.memory_space<vmem>>) target_semaphore(%arg12 : memref<!tpu.dma_semaphore, #tpu.memory_space<semaphore_mem>>)
        "tpu.region"() ({
          %run_scoped3A = tpu.sem_alloc : memref<!tpu.dma_semaphore, #tpu.memory_space<semaphore_mem>>
          %dma_start3A_69 = arith.constant 0 : i32
          %dma_start3A_70 = arith.constant 0 : i32
          %dma_start3A_71 = tpu.memref_slice %arg13[%dma_start3A_69, %dma_start3A_70] : memref<10000x128xf32, #tpu.memory_space<vmem_shared>> -> memref<10000x128xf32, #tpu.memory_space<vmem_shared>>
          tpu.enqueue_indirect_dma source(%arg10 : memref<128x128xf32, #tpu.memory_space<vmem>>) target(%dma_start3A_71 : memref<10000x128xf32, #tpu.memory_space<vmem_shared>>) offsets(%arg7 : memref<128xi32, #tpu.memory_space<vmem>>) semaphore(%run_scoped3A : memref<!tpu.dma_semaphore, #tpu.memory_space<semaphore_mem>>) {add = true}
          %dma_wait3A_72 = arith.constant 0 : i32
          %dma_wait3A_73 = arith.constant 0 : i32
          %dma_wait3A_74 = tpu.memref_slice %arg13[%dma_wait3A_72, %dma_wait3A_73] : memref<10000x128xf32, #tpu.memory_space<vmem_shared>> -> memref<10000x128xf32, #tpu.memory_space<vmem_shared>>
          tpu.wait_indirect_dma semaphore(%run_scoped3A : memref<!tpu.dma_semaphore, #tpu.memory_space<semaphore_mem>>) src(%arg10 : memref<128x128xf32, #tpu.memory_space<vmem>>) dst(%dma_wait3A_74 : memref<10000x128xf32, #tpu.memory_space<vmem_shared>>)
          tpu.yield
        }) : () -> ()
        %add3A_48 = arith.constant 1 : i32
        %add3A_49 = arith.addi %mul3A_40, %add3A_48 : i32
        %mul3A_50 = arith.constant 128 : i32
        %mul3A_51 = arith.muli %add3A_49, %mul3A_50 : i32
        %add3A_52 = arith.addi %add3A, %mul3A_51 : i32
        %dma_wait3A_53 = tpu.memref_slice %arg2[%add3A_52] : memref<160000xi32, #tpu.memory_space<hbm>> -> memref<128xi32, #tpu.memory_space<hbm>>
        %dma_wait3A_54 = tpu.memref_slice %arg2[%add3A_52] : memref<160000xi32, #tpu.memory_space<hbm>> -> memref<128xi32, #tpu.memory_space<hbm>>
        tpu.wait_dma2 semaphore(%arg12 : memref<!tpu.dma_semaphore, #tpu.memory_space<semaphore_mem>>) src(%dma_wait3A_54 : memref<128xi32, #tpu.memory_space<hbm>>) dst(%arg8 : memref<128xi32, #tpu.memory_space<vmem>>)
        %add3A_55 = arith.constant 2 : i32
        %add3A_56 = arith.addi %mul3A_40, %add3A_55 : i32
        %mul3A_57 = arith.constant 128 : i32
        %mul3A_58 = arith.muli %add3A_56, %mul3A_57 : i32
        %add3A_59 = arith.addi %add3A, %mul3A_58 : i32
        %dma_start3A_60 = tpu.memref_slice %arg2[%add3A_59] : memref<160000xi32, #tpu.memory_space<hbm>> -> memref<128xi32, #tpu.memory_space<hbm>>
        %dma_start3A_61 = tpu.memref_slice %arg2[%add3A_59] : memref<160000xi32, #tpu.memory_space<hbm>> -> memref<128xi32, #tpu.memory_space<hbm>>
        tpu.enqueue_dma source(%dma_start3A_61 : memref<128xi32, #tpu.memory_space<hbm>>) target(%arg7 : memref<128xi32, #tpu.memory_space<vmem>>) target_semaphore(%arg11 : memref<!tpu.dma_semaphore, #tpu.memory_space<semaphore_mem>>)
        "tpu.region"() ({
          %run_scoped3A = tpu.sem_alloc : memref<!tpu.dma_semaphore, #tpu.memory_space<semaphore_mem>>
          %dma_start3A_69 = arith.constant 0 : i32
          %dma_start3A_70 = arith.constant 0 : i32
          %dma_start3A_71 = tpu.memref_slice %arg13[%dma_start3A_69, %dma_start3A_70] : memref<10000x128xf32, #tpu.memory_space<vmem_shared>> -> memref<10000x128xf32, #tpu.memory_space<vmem_shared>>
          tpu.enqueue_indirect_dma source(%arg10 : memref<128x128xf32, #tpu.memory_space<vmem>>) target(%dma_start3A_71 : memref<10000x128xf32, #tpu.memory_space<vmem_shared>>) offsets(%arg8 : memref<128xi32, #tpu.memory_space<vmem>>) semaphore(%run_scoped3A : memref<!tpu.dma_semaphore, #tpu.memory_space<semaphore_mem>>) {add = true}
          %dma_wait3A_72 = arith.constant 0 : i32
          %dma_wait3A_73 = arith.constant 0 : i32
          %dma_wait3A_74 = tpu.memref_slice %arg13[%dma_wait3A_72, %dma_wait3A_73] : memref<10000x128xf32, #tpu.memory_space<vmem_shared>> -> memref<10000x128xf32, #tpu.memory_space<vmem_shared>>
          tpu.wait_indirect_dma semaphore(%run_scoped3A : memref<!tpu.dma_semaphore, #tpu.memory_space<semaphore_mem>>) src(%arg10 : memref<128x128xf32, #tpu.memory_space<vmem>>) dst(%dma_wait3A_74 : memref<10000x128xf32, #tpu.memory_space<vmem_shared>>)
          tpu.yield
        }) : () -> ()
        %add3A_62 = arith.constant 2 : i32
        %add3A_63 = arith.addi %mul3A_40, %add3A_62 : i32
        %mul3A_64 = arith.constant 128 : i32
        %mul3A_65 = arith.muli %add3A_63, %mul3A_64 : i32
        %add3A_66 = arith.addi %add3A, %mul3A_65 : i32
        %dma_wait3A_67 = tpu.memref_slice %arg2[%add3A_66] : memref<160000xi32, #tpu.memory_space<hbm>> -> memref<128xi32, #tpu.memory_space<hbm>>
        %dma_wait3A_68 = tpu.memref_slice %arg2[%add3A_66] : memref<160000xi32, #tpu.memory_space<hbm>> -> memref<128xi32, #tpu.memory_space<hbm>>
        tpu.wait_dma2 semaphore(%arg11 : memref<!tpu.dma_semaphore, #tpu.memory_space<semaphore_mem>>) src(%dma_wait3A_68 : memref<128xi32, #tpu.memory_space<hbm>>) dst(%arg7 : memref<128xi32, #tpu.memory_space<vmem>>)
      }
      %scan3A_27 = arith.constant 19 : i32
      "tpu.region"() ({
        %run_scoped3A = tpu.sem_alloc : memref<!tpu.dma_semaphore, #tpu.memory_space<semaphore_mem>>
        %dma_start3A_38 = arith.constant 0 : i32
        %dma_start3A_39 = arith.constant 0 : i32
        %dma_start3A_40 = tpu.memref_slice %arg13[%dma_start3A_38, %dma_start3A_39] : memref<10000x128xf32, #tpu.memory_space<vmem_shared>> -> memref<10000x128xf32, #tpu.memory_space<vmem_shared>>
        tpu.enqueue_indirect_dma source(%arg10 : memref<128x128xf32, #tpu.memory_space<vmem>>) target(%dma_start3A_40 : memref<10000x128xf32, #tpu.memory_space<vmem_shared>>) offsets(%arg7 : memref<128xi32, #tpu.memory_space<vmem>>) semaphore(%run_scoped3A : memref<!tpu.dma_semaphore, #tpu.memory_space<semaphore_mem>>) {add = true}
        %dma_wait3A_41 = arith.constant 0 : i32
        %dma_wait3A_42 = arith.constant 0 : i32
        %dma_wait3A_43 = tpu.memref_slice %arg13[%dma_wait3A_41, %dma_wait3A_42] : memref<10000x128xf32, #tpu.memory_space<vmem_shared>> -> memref<10000x128xf32, #tpu.memory_space<vmem_shared>>
        tpu.wait_indirect_dma semaphore(%run_scoped3A : memref<!tpu.dma_semaphore, #tpu.memory_space<semaphore_mem>>) src(%arg10 : memref<128x128xf32, #tpu.memory_space<vmem>>) dst(%dma_wait3A_43 : memref<10000x128xf32, #tpu.memory_space<vmem_shared>>)
        tpu.yield
      }) : () -> ()
      %add3A_28 = arith.constant 4992 : i32
      %add3A_29 = arith.addi %add3A, %add3A_28 : i32
      "tpu.region"() ({
        %run_scoped3A = tpu.sem_alloc : memref<!tpu.dma_semaphore, #tpu.memory_space<semaphore_mem>>
        %dma_start3A_38 = tpu.memref_slice %arg2[%add3A_29] : memref<160000xi32, #tpu.memory_space<hbm>> -> memref<8xi32, #tpu.memory_space<hbm>>
        %dma_start3A_39 = tpu.memref_slice %arg2[%add3A_29] : memref<160000xi32, #tpu.memory_space<hbm>> -> memref<8xi32, #tpu.memory_space<hbm>>
        tpu.enqueue_dma source(%dma_start3A_39 : memref<8xi32, #tpu.memory_space<hbm>>) target(%arg9 : memref<8xi32, #tpu.memory_space<vmem>>) target_semaphore(%run_scoped3A : memref<!tpu.dma_semaphore, #tpu.memory_space<semaphore_mem>>)
        %dma_wait3A_40 = tpu.memref_slice %arg2[%add3A_29] : memref<160000xi32, #tpu.memory_space<hbm>> -> memref<8xi32, #tpu.memory_space<hbm>>
        %dma_wait3A_41 = tpu.memref_slice %arg2[%add3A_29] : memref<160000xi32, #tpu.memory_space<hbm>> -> memref<8xi32, #tpu.memory_space<hbm>>
        tpu.wait_dma2 semaphore(%run_scoped3A : memref<!tpu.dma_semaphore, #tpu.memory_space<semaphore_mem>>) src(%dma_wait3A_41 : memref<8xi32, #tpu.memory_space<hbm>>) dst(%arg9 : memref<8xi32, #tpu.memory_space<vmem>>)
        tpu.yield
      }) : () -> ()
      "tpu.region"() ({
        %run_scoped3A = tpu.sem_alloc : memref<!tpu.dma_semaphore, #tpu.memory_space<semaphore_mem>>
        %dma_start3A_38 = arith.constant 0 : i32
        %dma_start3A_39 = arith.constant 0 : i32
        %dma_start3A_40 = tpu.memref_slice %arg10[%dma_start3A_38, %dma_start3A_39] : memref<128x128xf32, #tpu.memory_space<vmem>> -> memref<8x128xf32, #tpu.memory_space<vmem>>
        %dma_start3A_41 = arith.constant 0 : i32
        %dma_start3A_42 = arith.constant 0 : i32
        %dma_start3A_43 = tpu.memref_slice %arg13[%dma_start3A_41, %dma_start3A_42] : memref<10000x128xf32, #tpu.memory_space<vmem_shared>> -> memref<10000x128xf32, #tpu.memory_space<vmem_shared>>
        tpu.enqueue_indirect_dma source(%dma_start3A_40 : memref<8x128xf32, #tpu.memory_space<vmem>>) target(%dma_start3A_43 : memref<10000x128xf32, #tpu.memory_space<vmem_shared>>) offsets(%arg9 : memref<8xi32, #tpu.memory_space<vmem>>) semaphore(%run_scoped3A : memref<!tpu.dma_semaphore, #tpu.memory_space<semaphore_mem>>) {add = true}
        %dma_wait3A_44 = arith.constant 0 : i32
        %dma_wait3A_45 = arith.constant 0 : i32
        %dma_wait3A_46 = tpu.memref_slice %arg10[%dma_wait3A_44, %dma_wait3A_45] : memref<128x128xf32, #tpu.memory_space<vmem>> -> memref<8x128xf32, #tpu.memory_space<vmem>>
        %dma_wait3A_47 = arith.constant 0 : i32
        %dma_wait3A_48 = arith.constant 0 : i32
        %dma_wait3A_49 = tpu.memref_slice %arg13[%dma_wait3A_47, %dma_wait3A_48] : memref<10000x128xf32, #tpu.memory_space<vmem_shared>> -> memref<10000x128xf32, #tpu.memory_space<vmem_shared>>
        tpu.wait_indirect_dma semaphore(%run_scoped3A : memref<!tpu.dma_semaphore, #tpu.memory_space<semaphore_mem>>) src(%dma_wait3A_46 : memref<8x128xf32, #tpu.memory_space<vmem>>) dst(%dma_wait3A_49 : memref<10000x128xf32, #tpu.memory_space<vmem_shared>>)
        tpu.yield
      }) : () -> ()
      %barrier3A_30 = arith.constant 0 : index
      tpu.barrier barrier_id(%barrier3A_30)
      %mul3A_31 = arith.constant 624 : i32
      %mul3A_32 = arith.muli %arg1, %mul3A_31 : i32
      "tpu.region"() ({
        %run_scoped3A = tpu.sem_alloc : memref<!tpu.dma_semaphore, #tpu.memory_space<semaphore_mem>>
        %dma_start3A_38 = arith.constant 0 : i32
        %dma_start3A_39 = tpu.memref_slice %arg6[%mul3A_32, %dma_start3A_38] : memref<10000x128xf32, #tpu.memory_space<hbm>> -> memref<624x128xf32, #tpu.memory_space<hbm>>
        %dma_start3A_40 = arith.constant 0 : i32
        %dma_start3A_41 = tpu.memref_slice %arg13[%mul3A_32, %dma_start3A_40] : memref<10000x128xf32, #tpu.memory_space<vmem_shared>> -> memref<624x128xf32, #tpu.memory_space<vmem_shared>>
        tpu.enqueue_dma source(%dma_start3A_41 : memref<624x128xf32, #tpu.memory_space<vmem_shared>>) target(%dma_start3A_39 : memref<624x128xf32, #tpu.memory_space<hbm>>) target_semaphore(%run_scoped3A : memref<!tpu.dma_semaphore, #tpu.memory_space<semaphore_mem>>)
        %dma_wait3A_42 = arith.constant 0 : i32
        %dma_wait3A_43 = tpu.memref_slice %arg6[%mul3A_32, %dma_wait3A_42] : memref<10000x128xf32, #tpu.memory_space<hbm>> -> memref<624x128xf32, #tpu.memory_space<hbm>>
        %dma_wait3A_44 = arith.constant 0 : i32
        %dma_wait3A_45 = tpu.memref_slice %arg13[%mul3A_32, %dma_wait3A_44] : memref<10000x128xf32, #tpu.memory_space<vmem_shared>> -> memref<624x128xf32, #tpu.memory_space<vmem_shared>>
        tpu.wait_dma2 semaphore(%run_scoped3A : memref<!tpu.dma_semaphore, #tpu.memory_space<semaphore_mem>>) src(%dma_wait3A_45 : memref<624x128xf32, #tpu.memory_space<vmem_shared>>) dst(%dma_wait3A_43 : memref<624x128xf32, #tpu.memory_space<hbm>>)
        tpu.yield
      }) : () -> ()
      %eq3A_33 = arith.constant 15 : i32
      %eq3A_34 = arith.cmpi eq, %arg1, %eq3A_33 : i32
      %convert_element_type3A_35 = arith.extui %eq3A_34 : i1 to i32
      %cond3A_36 = arith.constant 0 : i32
      %cond3A_37 = arith.cmpi ne, %convert_element_type3A_35, %cond3A_36 : i32
      scf.if %cond3A_37 {
        "tpu.region"() ({
          %run_scoped3A = tpu.sem_alloc : memref<!tpu.dma_semaphore, #tpu.memory_space<semaphore_mem>>
          %dma_start3A_38 = arith.constant 9984 : i32
          %dma_start3A_39 = arith.constant 0 : i32
          %dma_start3A_40 = tpu.memref_slice %arg6[%dma_start3A_38, %dma_start3A_39] : memref<10000x128xf32, #tpu.memory_space<hbm>> -> memref<16x128xf32, #tpu.memory_space<hbm>>
          %dma_start3A_41 = arith.constant 9984 : i32
          %dma_start3A_42 = arith.constant 0 : i32
          %dma_start3A_43 = tpu.memref_slice %arg13[%dma_start3A_41, %dma_start3A_42] : memref<10000x128xf32, #tpu.memory_space<vmem_shared>> -> memref<16x128xf32, #tpu.memory_space<vmem_shared>>
          tpu.enqueue_dma source(%dma_start3A_43 : memref<16x128xf32, #tpu.memory_space<vmem_shared>>) target(%dma_start3A_40 : memref<16x128xf32, #tpu.memory_space<hbm>>) target_semaphore(%run_scoped3A : memref<!tpu.dma_semaphore, #tpu.memory_space<semaphore_mem>>)
          %dma_wait3A_44 = arith.constant 9984 : i32
          %dma_wait3A_45 = arith.constant 0 : i32
          %dma_wait3A_46 = tpu.memref_slice %arg6[%dma_wait3A_44, %dma_wait3A_45] : memref<10000x128xf32, #tpu.memory_space<hbm>> -> memref<16x128xf32, #tpu.memory_space<hbm>>
          %dma_wait3A_47 = arith.constant 9984 : i32
          %dma_wait3A_48 = arith.constant 0 : i32
          %dma_wait3A_49 = tpu.memref_slice %arg13[%dma_wait3A_47, %dma_wait3A_48] : memref<10000x128xf32, #tpu.memory_space<vmem_shared>> -> memref<16x128xf32, #tpu.memory_space<vmem_shared>>
          tpu.wait_dma2 semaphore(%run_scoped3A : memref<!tpu.dma_semaphore, #tpu.memory_space<semaphore_mem>>) src(%dma_wait3A_49 : memref<16x128xf32, #tpu.memory_space<vmem_shared>>) dst(%dma_wait3A_46 : memref<16x128xf32, #tpu.memory_space<hbm>>)
          tpu.yield
        }) : () -> ()
      } else {
      }
    } else {
    }
    return
  }
}

#map = affine_map<(d0, d1) -> (0, 0)>
#map1 = affine_map<(d0, d1) -> (0)>
module attributes {stable_mosaic.version = 14 : i64} {
  func.func @_scatter_body(%arg0: i32, %arg1: i32, %arg2: memref<10000x128xf32, #tpu.memory_space<hbm>>, %arg3: memref<10000x128xf32, #tpu.memory_space<hbm>>, %arg4: memref<160000xi32, #tpu.memory_space<hbm>>, %arg5: memref<160000xi32, #tpu.memory_space<hbm>>, %arg6: memref<10000x128xf32, #tpu.memory_space<hbm>>, %arg7: memref<10000x128xf32, #tpu.memory_space<hbm>>, %arg8: memref<10000x128xf32, #tpu.memory_space<hbm>>, %arg9: memref<128xi32, #tpu.memory_space<vmem>>, %arg10: memref<128xi32, #tpu.memory_space<vmem>>, %arg11: memref<128xi32, #tpu.memory_space<vmem>>, %arg12: memref<128xi32, #tpu.memory_space<vmem>>, %arg13: memref<16xi32, #tpu.memory_space<vmem>>, %arg14: memref<16xi32, #tpu.memory_space<vmem>>, %arg15: memref<128x128xf32, #tpu.memory_space<vmem>>, %arg16: memref<128x128xf32, #tpu.memory_space<vmem>>, %arg17: memref<!tpu.dma_semaphore, #tpu.memory_space<semaphore_mem>>, %arg18: memref<!tpu.dma_semaphore, #tpu.memory_space<semaphore_mem>>, %arg19: memref<!tpu.dma_semaphore, #tpu.memory_space<semaphore_mem>>, %arg20: memref<!tpu.dma_semaphore, #tpu.memory_space<semaphore_mem>>, %arg21: memref<10000x128xf32, #tpu.memory_space<vmem_shared>>) attributes {dimension_semantics = [#tpu.dimension_semantics<core_parallel>, #tpu.dimension_semantics<subcore_parallel>], iteration_bounds = array<i64: 2, 16>, scalar_prefetch = 0 : i64, scratch_operands = 13 : i64, tpu.core_type = #tpu.core_type<sc_vector_subcore>, window_params = [{transform_indices = #map}, {transform_indices = #map}, {transform_indices = #map1}, {transform_indices = #map1}, {transform_indices = #map}, {transform_indices = #map}, {transform_indices = #map}]} {
    %eq3A = arith.constant 0 : i32
    %eq3A_0 = arith.cmpi eq, %arg0, %eq3A : i32
    %convert_element_type3A = arith.extui %eq3A_0 : i1 to i32
    %cond3A = arith.constant 0 : i32
    %cond3A_1 = arith.cmpi ne, %convert_element_type3A, %cond3A : i32
    scf.if %cond3A_1 {
      %mul3A = arith.constant 10000 : i32
      %mul3A_7 = arith.muli %arg1, %mul3A : i32
      "tpu.region"() ({
        %run_scoped3A = tpu.sem_alloc : memref<!tpu.dma_semaphore, #tpu.memory_space<semaphore_mem>>
        %dma_start3A_48 = tpu.memref_slice %arg4[%mul3A_7] : memref<160000xi32, #tpu.memory_space<hbm>> -> memref<128xi32, #tpu.memory_space<hbm>>
        %dma_start3A_49 = tpu.memref_slice %arg4[%mul3A_7] : memref<160000xi32, #tpu.memory_space<hbm>> -> memref<128xi32, #tpu.memory_space<hbm>>
        tpu.enqueue_dma source(%dma_start3A_49 : memref<128xi32, #tpu.memory_space<hbm>>) target(%arg9 : memref<128xi32, #tpu.memory_space<vmem>>) target_semaphore(%run_scoped3A : memref<!tpu.dma_semaphore, #tpu.memory_space<semaphore_mem>>)
        %dma_wait3A_50 = tpu.memref_slice %arg4[%mul3A_7] : memref<160000xi32, #tpu.memory_space<hbm>> -> memref<128xi32, #tpu.memory_space<hbm>>
        %dma_wait3A_51 = tpu.memref_slice %arg4[%mul3A_7] : memref<160000xi32, #tpu.memory_space<hbm>> -> memref<128xi32, #tpu.memory_space<hbm>>
        tpu.wait_dma2 semaphore(%run_scoped3A : memref<!tpu.dma_semaphore, #tpu.memory_space<semaphore_mem>>) src(%dma_wait3A_51 : memref<128xi32, #tpu.memory_space<hbm>>) dst(%arg9 : memref<128xi32, #tpu.memory_space<vmem>>)
        tpu.yield
      }) : () -> ()
      %dma_start3A = tpu.memref_slice %arg5[%mul3A_7] : memref<160000xi32, #tpu.memory_space<hbm>> -> memref<128xi32, #tpu.memory_space<hbm>>
      %dma_start3A_8 = tpu.memref_slice %arg5[%mul3A_7] : memref<160000xi32, #tpu.memory_space<hbm>> -> memref<128xi32, #tpu.memory_space<hbm>>
      tpu.enqueue_dma source(%dma_start3A_8 : memref<128xi32, #tpu.memory_space<hbm>>) target(%arg10 : memref<128xi32, #tpu.memory_space<vmem>>) target_semaphore(%arg19 : memref<!tpu.dma_semaphore, #tpu.memory_space<semaphore_mem>>)
      %dma_start3A_9 = arith.constant 0 : i32
      %dma_start3A_10 = arith.constant 0 : i32
      %dma_start3A_11 = tpu.memref_slice %arg2[%dma_start3A_9, %dma_start3A_10] : memref<10000x128xf32, #tpu.memory_space<hbm>> -> memref<10000x128xf32, #tpu.memory_space<hbm>>
      tpu.enqueue_indirect_dma source(%dma_start3A_11 : memref<10000x128xf32, #tpu.memory_space<hbm>>) target(%arg15 : memref<128x128xf32, #tpu.memory_space<vmem>>) offsets(%arg9 : memref<128xi32, #tpu.memory_space<vmem>>) semaphore(%arg17 : memref<!tpu.dma_semaphore, #tpu.memory_space<semaphore_mem>>)
      %mul3A_12 = arith.constant 624 : i32
      %mul3A_13 = arith.muli %arg1, %mul3A_12 : i32
      "tpu.region"() ({
        %run_scoped3A = tpu.sem_alloc : memref<!tpu.dma_semaphore, #tpu.memory_space<semaphore_mem>>
        %dma_start3A_48 = arith.constant 0 : i32
        %dma_start3A_49 = tpu.memref_slice %arg21[%mul3A_13, %dma_start3A_48] : memref<10000x128xf32, #tpu.memory_space<vmem_shared>> -> memref<624x128xf32, #tpu.memory_space<vmem_shared>>
        %dma_start3A_50 = arith.constant 0 : i32
        %dma_start3A_51 = tpu.memref_slice %arg6[%mul3A_13, %dma_start3A_50] : memref<10000x128xf32, #tpu.memory_space<hbm>> -> memref<624x128xf32, #tpu.memory_space<hbm>>
        tpu.enqueue_dma source(%dma_start3A_51 : memref<624x128xf32, #tpu.memory_space<hbm>>) target(%dma_start3A_49 : memref<624x128xf32, #tpu.memory_space<vmem_shared>>) target_semaphore(%run_scoped3A : memref<!tpu.dma_semaphore, #tpu.memory_space<semaphore_mem>>)
        %dma_wait3A_52 = arith.constant 0 : i32
        %dma_wait3A_53 = tpu.memref_slice %arg21[%mul3A_13, %dma_wait3A_52] : memref<10000x128xf32, #tpu.memory_space<vmem_shared>> -> memref<624x128xf32, #tpu.memory_space<vmem_shared>>
        %dma_wait3A_54 = arith.constant 0 : i32
        %dma_wait3A_55 = tpu.memref_slice %arg6[%mul3A_13, %dma_wait3A_54] : memref<10000x128xf32, #tpu.memory_space<hbm>> -> memref<624x128xf32, #tpu.memory_space<hbm>>
        tpu.wait_dma2 semaphore(%run_scoped3A : memref<!tpu.dma_semaphore, #tpu.memory_space<semaphore_mem>>) src(%dma_wait3A_55 : memref<624x128xf32, #tpu.memory_space<hbm>>) dst(%dma_wait3A_53 : memref<624x128xf32, #tpu.memory_space<vmem_shared>>)
        tpu.yield
      }) : () -> ()
      %eq3A_14 = arith.constant 15 : i32
      %eq3A_15 = arith.cmpi eq, %arg1, %eq3A_14 : i32
      %convert_element_type3A_16 = arith.extui %eq3A_15 : i1 to i32
      %cond3A_17 = arith.constant 0 : i32
      %cond3A_18 = arith.cmpi ne, %convert_element_type3A_16, %cond3A_17 : i32
      scf.if %cond3A_18 {
        "tpu.region"() ({
          %run_scoped3A = tpu.sem_alloc : memref<!tpu.dma_semaphore, #tpu.memory_space<semaphore_mem>>
          %dma_start3A_48 = arith.constant 9984 : i32
          %dma_start3A_49 = arith.constant 0 : i32
          %dma_start3A_50 = tpu.memref_slice %arg21[%dma_start3A_48, %dma_start3A_49] : memref<10000x128xf32, #tpu.memory_space<vmem_shared>> -> memref<16x128xf32, #tpu.memory_space<vmem_shared>>
          %dma_start3A_51 = arith.constant 9984 : i32
          %dma_start3A_52 = arith.constant 0 : i32
          %dma_start3A_53 = tpu.memref_slice %arg6[%dma_start3A_51, %dma_start3A_52] : memref<10000x128xf32, #tpu.memory_space<hbm>> -> memref<16x128xf32, #tpu.memory_space<hbm>>
          tpu.enqueue_dma source(%dma_start3A_53 : memref<16x128xf32, #tpu.memory_space<hbm>>) target(%dma_start3A_50 : memref<16x128xf32, #tpu.memory_space<vmem_shared>>) target_semaphore(%run_scoped3A : memref<!tpu.dma_semaphore, #tpu.memory_space<semaphore_mem>>)
          %dma_wait3A_54 = arith.constant 9984 : i32
          %dma_wait3A_55 = arith.constant 0 : i32
          %dma_wait3A_56 = tpu.memref_slice %arg21[%dma_wait3A_54, %dma_wait3A_55] : memref<10000x128xf32, #tpu.memory_space<vmem_shared>> -> memref<16x128xf32, #tpu.memory_space<vmem_shared>>
          %dma_wait3A_57 = arith.constant 9984 : i32
          %dma_wait3A_58 = arith.constant 0 : i32
          %dma_wait3A_59 = tpu.memref_slice %arg6[%dma_wait3A_57, %dma_wait3A_58] : memref<10000x128xf32, #tpu.memory_space<hbm>> -> memref<16x128xf32, #tpu.memory_space<hbm>>
          tpu.wait_dma2 semaphore(%run_scoped3A : memref<!tpu.dma_semaphore, #tpu.memory_space<semaphore_mem>>) src(%dma_wait3A_59 : memref<16x128xf32, #tpu.memory_space<hbm>>) dst(%dma_wait3A_56 : memref<16x128xf32, #tpu.memory_space<vmem_shared>>)
          tpu.yield
        }) : () -> ()
      } else {
      }
      %dma_wait3A = tpu.memref_slice %arg5[%mul3A_7] : memref<160000xi32, #tpu.memory_space<hbm>> -> memref<128xi32, #tpu.memory_space<hbm>>
      %dma_wait3A_19 = tpu.memref_slice %arg5[%mul3A_7] : memref<160000xi32, #tpu.memory_space<hbm>> -> memref<128xi32, #tpu.memory_space<hbm>>
      tpu.wait_dma2 semaphore(%arg19 : memref<!tpu.dma_semaphore, #tpu.memory_space<semaphore_mem>>) src(%dma_wait3A_19 : memref<128xi32, #tpu.memory_space<hbm>>) dst(%arg10 : memref<128xi32, #tpu.memory_space<vmem>>)
      %barrier3A = arith.constant 0 : index
      tpu.barrier barrier_id(%barrier3A)
      %scan3A = arith.constant 0 : i32
      %scan3A_20 = arith.constant 0 : i32
      %scan3A_21 = arith.constant 39 : i32
      %scan3A_22 = arith.addi %scan3A_20, %scan3A_21 : i32
      %scan3A_23 = arith.constant 1 : i32
      scf.for %scan3A_48 = %scan3A_20 to %scan3A_22 step %scan3A_23  : i32 {
        %mul3A_49 = arith.constant 2 : i32
        %mul3A_50 = arith.muli %mul3A_49, %scan3A_48 : i32
        %add3A_51 = arith.constant 1 : i32
        %add3A_52 = arith.addi %mul3A_50, %add3A_51 : i32
        %mul3A_53 = arith.constant 128 : i32
        %mul3A_54 = arith.muli %add3A_52, %mul3A_53 : i32
        %add3A_55 = arith.addi %mul3A_7, %mul3A_54 : i32
        %dma_start3A_56 = tpu.memref_slice %arg4[%add3A_55] : memref<160000xi32, #tpu.memory_space<hbm>> -> memref<128xi32, #tpu.memory_space<hbm>>
        %dma_start3A_57 = tpu.memref_slice %arg4[%add3A_55] : memref<160000xi32, #tpu.memory_space<hbm>> -> memref<128xi32, #tpu.memory_space<hbm>>
        tpu.enqueue_dma source(%dma_start3A_57 : memref<128xi32, #tpu.memory_space<hbm>>) target(%arg11 : memref<128xi32, #tpu.memory_space<vmem>>) target_semaphore(%arg20 : memref<!tpu.dma_semaphore, #tpu.memory_space<semaphore_mem>>)
        %mul3A_58 = arith.constant 128 : i32
        %mul3A_59 = arith.muli %add3A_52, %mul3A_58 : i32
        %add3A_60 = arith.addi %mul3A_7, %mul3A_59 : i32
        %dma_start3A_61 = tpu.memref_slice %arg5[%add3A_60] : memref<160000xi32, #tpu.memory_space<hbm>> -> memref<128xi32, #tpu.memory_space<hbm>>
        %dma_start3A_62 = tpu.memref_slice %arg5[%add3A_60] : memref<160000xi32, #tpu.memory_space<hbm>> -> memref<128xi32, #tpu.memory_space<hbm>>
        tpu.enqueue_dma source(%dma_start3A_62 : memref<128xi32, #tpu.memory_space<hbm>>) target(%arg12 : memref<128xi32, #tpu.memory_space<vmem>>) target_semaphore(%arg20 : memref<!tpu.dma_semaphore, #tpu.memory_space<semaphore_mem>>)
        %dma_wait3A_63 = arith.constant 0 : i32
        %dma_wait3A_64 = arith.constant 0 : i32
        %dma_wait3A_65 = tpu.memref_slice %arg2[%dma_wait3A_63, %dma_wait3A_64] : memref<10000x128xf32, #tpu.memory_space<hbm>> -> memref<10000x128xf32, #tpu.memory_space<hbm>>
        tpu.wait_indirect_dma semaphore(%arg17 : memref<!tpu.dma_semaphore, #tpu.memory_space<semaphore_mem>>) src(%dma_wait3A_65 : memref<10000x128xf32, #tpu.memory_space<hbm>>) dst(%arg15 : memref<128x128xf32, #tpu.memory_space<vmem>>)
        %add3A_66 = arith.constant 1 : i32
        %add3A_67 = arith.addi %mul3A_50, %add3A_66 : i32
        %mul3A_68 = arith.constant 128 : i32
        %mul3A_69 = arith.muli %add3A_67, %mul3A_68 : i32
        %add3A_70 = arith.addi %mul3A_7, %mul3A_69 : i32
        %dma_wait3A_71 = tpu.memref_slice %arg4[%add3A_70] : memref<160000xi32, #tpu.memory_space<hbm>> -> memref<128xi32, #tpu.memory_space<hbm>>
        %dma_wait3A_72 = tpu.memref_slice %arg4[%add3A_70] : memref<160000xi32, #tpu.memory_space<hbm>> -> memref<128xi32, #tpu.memory_space<hbm>>
        tpu.wait_dma2 semaphore(%arg20 : memref<!tpu.dma_semaphore, #tpu.memory_space<semaphore_mem>>) src(%dma_wait3A_72 : memref<128xi32, #tpu.memory_space<hbm>>) dst(%arg11 : memref<128xi32, #tpu.memory_space<vmem>>)
        %mul3A_73 = arith.constant 128 : i32
        %mul3A_74 = arith.muli %add3A_67, %mul3A_73 : i32
        %add3A_75 = arith.addi %mul3A_7, %mul3A_74 : i32
        %dma_wait3A_76 = tpu.memref_slice %arg5[%add3A_75] : memref<160000xi32, #tpu.memory_space<hbm>> -> memref<128xi32, #tpu.memory_space<hbm>>
        %dma_wait3A_77 = tpu.memref_slice %arg5[%add3A_75] : memref<160000xi32, #tpu.memory_space<hbm>> -> memref<128xi32, #tpu.memory_space<hbm>>
        tpu.wait_dma2 semaphore(%arg20 : memref<!tpu.dma_semaphore, #tpu.memory_space<semaphore_mem>>) src(%dma_wait3A_77 : memref<128xi32, #tpu.memory_space<hbm>>) dst(%arg12 : memref<128xi32, #tpu.memory_space<vmem>>)
        %dma_start3A_78 = arith.constant 0 : i32
        %dma_start3A_79 = arith.constant 0 : i32
        %dma_start3A_80 = tpu.memref_slice %arg2[%dma_start3A_78, %dma_start3A_79] : memref<10000x128xf32, #tpu.memory_space<hbm>> -> memref<10000x128xf32, #tpu.memory_space<hbm>>
        tpu.enqueue_indirect_dma source(%dma_start3A_80 : memref<10000x128xf32, #tpu.memory_space<hbm>>) target(%arg16 : memref<128x128xf32, #tpu.memory_space<vmem>>) offsets(%arg11 : memref<128xi32, #tpu.memory_space<vmem>>) semaphore(%arg18 : memref<!tpu.dma_semaphore, #tpu.memory_space<semaphore_mem>>)
        "tpu.region"() ({
          %run_scoped3A = tpu.sem_alloc : memref<!tpu.dma_semaphore, #tpu.memory_space<semaphore_mem>>
          %dma_start3A_88 = arith.constant 0 : i32
          %dma_start3A_89 = arith.constant 0 : i32
          %dma_start3A_90 = tpu.memref_slice %arg21[%dma_start3A_88, %dma_start3A_89] : memref<10000x128xf32, #tpu.memory_space<vmem_shared>> -> memref<10000x128xf32, #tpu.memory_space<vmem_shared>>
          tpu.enqueue_indirect_dma source(%arg15 : memref<128x128xf32, #tpu.memory_space<vmem>>) target(%dma_start3A_90 : memref<10000x128xf32, #tpu.memory_space<vmem_shared>>) offsets(%arg10 : memref<128xi32, #tpu.memory_space<vmem>>) semaphore(%run_scoped3A : memref<!tpu.dma_semaphore, #tpu.memory_space<semaphore_mem>>) {add = true}
          %dma_wait3A_91 = arith.constant 0 : i32
          %dma_wait3A_92 = arith.constant 0 : i32
          %dma_wait3A_93 = tpu.memref_slice %arg21[%dma_wait3A_91, %dma_wait3A_92] : memref<10000x128xf32, #tpu.memory_space<vmem_shared>> -> memref<10000x128xf32, #tpu.memory_space<vmem_shared>>
          tpu.wait_indirect_dma semaphore(%run_scoped3A : memref<!tpu.dma_semaphore, #tpu.memory_space<semaphore_mem>>) src(%arg15 : memref<128x128xf32, #tpu.memory_space<vmem>>) dst(%dma_wait3A_93 : memref<10000x128xf32, #tpu.memory_space<vmem_shared>>)
          tpu.yield
        }) : () -> ()
        %lt3A = arith.constant 38 : i32
        %lt3A_81 = arith.cmpi slt, %scan3A_48, %lt3A : i32
        %convert_element_type3A_82 = arith.extui %lt3A_81 : i1 to i32
        %cond3A_83 = arith.constant 0 : i32
        %cond3A_84 = arith.cmpi ne, %convert_element_type3A_82, %cond3A_83 : i32
        scf.if %cond3A_84 {
          %add3A_88 = arith.constant 2 : i32
          %add3A_89 = arith.addi %mul3A_50, %add3A_88 : i32
          %mul3A_90 = arith.constant 128 : i32
          %mul3A_91 = arith.muli %add3A_89, %mul3A_90 : i32
          %add3A_92 = arith.addi %mul3A_7, %mul3A_91 : i32
          %dma_start3A_93 = tpu.memref_slice %arg4[%add3A_92] : memref<160000xi32, #tpu.memory_space<hbm>> -> memref<128xi32, #tpu.memory_space<hbm>>
          %dma_start3A_94 = tpu.memref_slice %arg4[%add3A_92] : memref<160000xi32, #tpu.memory_space<hbm>> -> memref<128xi32, #tpu.memory_space<hbm>>
          tpu.enqueue_dma source(%dma_start3A_94 : memref<128xi32, #tpu.memory_space<hbm>>) target(%arg9 : memref<128xi32, #tpu.memory_space<vmem>>) target_semaphore(%arg19 : memref<!tpu.dma_semaphore, #tpu.memory_space<semaphore_mem>>)
          %mul3A_95 = arith.constant 128 : i32
          %mul3A_96 = arith.muli %add3A_89, %mul3A_95 : i32
          %add3A_97 = arith.addi %mul3A_7, %mul3A_96 : i32
          %dma_start3A_98 = tpu.memref_slice %arg5[%add3A_97] : memref<160000xi32, #tpu.memory_space<hbm>> -> memref<128xi32, #tpu.memory_space<hbm>>
          %dma_start3A_99 = tpu.memref_slice %arg5[%add3A_97] : memref<160000xi32, #tpu.memory_space<hbm>> -> memref<128xi32, #tpu.memory_space<hbm>>
          tpu.enqueue_dma source(%dma_start3A_99 : memref<128xi32, #tpu.memory_space<hbm>>) target(%arg10 : memref<128xi32, #tpu.memory_space<vmem>>) target_semaphore(%arg19 : memref<!tpu.dma_semaphore, #tpu.memory_space<semaphore_mem>>)
          %add3A_100 = arith.constant 2 : i32
          %add3A_101 = arith.addi %mul3A_50, %add3A_100 : i32
          %mul3A_102 = arith.constant 128 : i32
          %mul3A_103 = arith.muli %add3A_101, %mul3A_102 : i32
          %add3A_104 = arith.addi %mul3A_7, %mul3A_103 : i32
          %dma_wait3A_105 = tpu.memref_slice %arg4[%add3A_104] : memref<160000xi32, #tpu.memory_space<hbm>> -> memref<128xi32, #tpu.memory_space<hbm>>
          %dma_wait3A_106 = tpu.memref_slice %arg4[%add3A_104] : memref<160000xi32, #tpu.memory_space<hbm>> -> memref<128xi32, #tpu.memory_space<hbm>>
          tpu.wait_dma2 semaphore(%arg19 : memref<!tpu.dma_semaphore, #tpu.memory_space<semaphore_mem>>) src(%dma_wait3A_106 : memref<128xi32, #tpu.memory_space<hbm>>) dst(%arg9 : memref<128xi32, #tpu.memory_space<vmem>>)
          %mul3A_107 = arith.constant 128 : i32
          %mul3A_108 = arith.muli %add3A_101, %mul3A_107 : i32
          %add3A_109 = arith.addi %mul3A_7, %mul3A_108 : i32
          %dma_wait3A_110 = tpu.memref_slice %arg5[%add3A_109] : memref<160000xi32, #tpu.memory_space<hbm>> -> memref<128xi32, #tpu.memory_space<hbm>>
          %dma_wait3A_111 = tpu.memref_slice %arg5[%add3A_109] : memref<160000xi32, #tpu.memory_space<hbm>> -> memref<128xi32, #tpu.memory_space<hbm>>
          tpu.wait_dma2 semaphore(%arg19 : memref<!tpu.dma_semaphore, #tpu.memory_space<semaphore_mem>>) src(%dma_wait3A_111 : memref<128xi32, #tpu.memory_space<hbm>>) dst(%arg10 : memref<128xi32, #tpu.memory_space<vmem>>)
          %dma_start3A_112 = arith.constant 0 : i32
          %dma_start3A_113 = arith.constant 0 : i32
          %dma_start3A_114 = tpu.memref_slice %arg2[%dma_start3A_112, %dma_start3A_113] : memref<10000x128xf32, #tpu.memory_space<hbm>> -> memref<10000x128xf32, #tpu.memory_space<hbm>>
          tpu.enqueue_indirect_dma source(%dma_start3A_114 : memref<10000x128xf32, #tpu.memory_space<hbm>>) target(%arg15 : memref<128x128xf32, #tpu.memory_space<vmem>>) offsets(%arg9 : memref<128xi32, #tpu.memory_space<vmem>>) semaphore(%arg17 : memref<!tpu.dma_semaphore, #tpu.memory_space<semaphore_mem>>)
        } else {
        }
        %dma_wait3A_85 = arith.constant 0 : i32
        %dma_wait3A_86 = arith.constant 0 : i32
        %dma_wait3A_87 = tpu.memref_slice %arg2[%dma_wait3A_85, %dma_wait3A_86] : memref<10000x128xf32, #tpu.memory_space<hbm>> -> memref<10000x128xf32, #tpu.memory_space<hbm>>
        tpu.wait_indirect_dma semaphore(%arg18 : memref<!tpu.dma_semaphore, #tpu.memory_space<semaphore_mem>>) src(%dma_wait3A_87 : memref<10000x128xf32, #tpu.memory_space<hbm>>) dst(%arg16 : memref<128x128xf32, #tpu.memory_space<vmem>>)
        "tpu.region"() ({
          %run_scoped3A = tpu.sem_alloc : memref<!tpu.dma_semaphore, #tpu.memory_space<semaphore_mem>>
          %dma_start3A_88 = arith.constant 0 : i32
          %dma_start3A_89 = arith.constant 0 : i32
          %dma_start3A_90 = tpu.memref_slice %arg21[%dma_start3A_88, %dma_start3A_89] : memref<10000x128xf32, #tpu.memory_space<vmem_shared>> -> memref<10000x128xf32, #tpu.memory_space<vmem_shared>>
          tpu.enqueue_indirect_dma source(%arg16 : memref<128x128xf32, #tpu.memory_space<vmem>>) target(%dma_start3A_90 : memref<10000x128xf32, #tpu.memory_space<vmem_shared>>) offsets(%arg12 : memref<128xi32, #tpu.memory_space<vmem>>) semaphore(%run_scoped3A : memref<!tpu.dma_semaphore, #tpu.memory_space<semaphore_mem>>) {add = true}
          %dma_wait3A_91 = arith.constant 0 : i32
          %dma_wait3A_92 = arith.constant 0 : i32
          %dma_wait3A_93 = tpu.memref_slice %arg21[%dma_wait3A_91, %dma_wait3A_92] : memref<10000x128xf32, #tpu.memory_space<vmem_shared>> -> memref<10000x128xf32, #tpu.memory_space<vmem_shared>>
          tpu.wait_indirect_dma semaphore(%run_scoped3A : memref<!tpu.dma_semaphore, #tpu.memory_space<semaphore_mem>>) src(%arg16 : memref<128x128xf32, #tpu.memory_space<vmem>>) dst(%dma_wait3A_93 : memref<10000x128xf32, #tpu.memory_space<vmem_shared>>)
          tpu.yield
        }) : () -> ()
      }
      %scan3A_24 = arith.constant 39 : i32
      %add3A = arith.constant 9984 : i32
      %add3A_25 = arith.addi %mul3A_7, %add3A : i32
      "tpu.region"() ({
        %run_scoped3A = tpu.sem_alloc : memref<!tpu.dma_semaphore, #tpu.memory_space<semaphore_mem>>
        %dma_start3A_48 = tpu.memref_slice %arg4[%add3A_25] : memref<160000xi32, #tpu.memory_space<hbm>> -> memref<16xi32, #tpu.memory_space<hbm>>
        %dma_start3A_49 = tpu.memref_slice %arg4[%add3A_25] : memref<160000xi32, #tpu.memory_space<hbm>> -> memref<16xi32, #tpu.memory_space<hbm>>
        tpu.enqueue_dma source(%dma_start3A_49 : memref<16xi32, #tpu.memory_space<hbm>>) target(%arg13 : memref<16xi32, #tpu.memory_space<vmem>>) target_semaphore(%run_scoped3A : memref<!tpu.dma_semaphore, #tpu.memory_space<semaphore_mem>>)
        %dma_wait3A_50 = tpu.memref_slice %arg4[%add3A_25] : memref<160000xi32, #tpu.memory_space<hbm>> -> memref<16xi32, #tpu.memory_space<hbm>>
        %dma_wait3A_51 = tpu.memref_slice %arg4[%add3A_25] : memref<160000xi32, #tpu.memory_space<hbm>> -> memref<16xi32, #tpu.memory_space<hbm>>
        tpu.wait_dma2 semaphore(%run_scoped3A : memref<!tpu.dma_semaphore, #tpu.memory_space<semaphore_mem>>) src(%dma_wait3A_51 : memref<16xi32, #tpu.memory_space<hbm>>) dst(%arg13 : memref<16xi32, #tpu.memory_space<vmem>>)
        tpu.yield
      }) : () -> ()
      %add3A_26 = arith.constant 9984 : i32
      %add3A_27 = arith.addi %mul3A_7, %add3A_26 : i32
      "tpu.region"() ({
        %run_scoped3A = tpu.sem_alloc : memref<!tpu.dma_semaphore, #tpu.memory_space<semaphore_mem>>
        %dma_start3A_48 = tpu.memref_slice %arg5[%add3A_27] : memref<160000xi32, #tpu.memory_space<hbm>> -> memref<16xi32, #tpu.memory_space<hbm>>
        %dma_start3A_49 = tpu.memref_slice %arg5[%add3A_27] : memref<160000xi32, #tpu.memory_space<hbm>> -> memref<16xi32, #tpu.memory_space<hbm>>
        tpu.enqueue_dma source(%dma_start3A_49 : memref<16xi32, #tpu.memory_space<hbm>>) target(%arg14 : memref<16xi32, #tpu.memory_space<vmem>>) target_semaphore(%run_scoped3A : memref<!tpu.dma_semaphore, #tpu.memory_space<semaphore_mem>>)
        %dma_wait3A_50 = tpu.memref_slice %arg5[%add3A_27] : memref<160000xi32, #tpu.memory_space<hbm>> -> memref<16xi32, #tpu.memory_space<hbm>>
        %dma_wait3A_51 = tpu.memref_slice %arg5[%add3A_27] : memref<160000xi32, #tpu.memory_space<hbm>> -> memref<16xi32, #tpu.memory_space<hbm>>
        tpu.wait_dma2 semaphore(%run_scoped3A : memref<!tpu.dma_semaphore, #tpu.memory_space<semaphore_mem>>) src(%dma_wait3A_51 : memref<16xi32, #tpu.memory_space<hbm>>) dst(%arg14 : memref<16xi32, #tpu.memory_space<vmem>>)
        tpu.yield
      }) : () -> ()
      %dma_start3A_28 = arith.constant 0 : i32
      %dma_start3A_29 = arith.constant 0 : i32
      %dma_start3A_30 = tpu.memref_slice %arg15[%dma_start3A_28, %dma_start3A_29] : memref<128x128xf32, #tpu.memory_space<vmem>> -> memref<16x128xf32, #tpu.memory_space<vmem>>
      %dma_start3A_31 = arith.constant 0 : i32
      %dma_start3A_32 = arith.constant 0 : i32
      %dma_start3A_33 = tpu.memref_slice %arg2[%dma_start3A_31, %dma_start3A_32] : memref<10000x128xf32, #tpu.memory_space<hbm>> -> memref<10000x128xf32, #tpu.memory_space<hbm>>
      tpu.enqueue_indirect_dma source(%dma_start3A_33 : memref<10000x128xf32, #tpu.memory_space<hbm>>) target(%dma_start3A_30 : memref<16x128xf32, #tpu.memory_space<vmem>>) offsets(%arg13 : memref<16xi32, #tpu.memory_space<vmem>>) semaphore(%arg17 : memref<!tpu.dma_semaphore, #tpu.memory_space<semaphore_mem>>)
      %dma_wait3A_34 = arith.constant 0 : i32
      %dma_wait3A_35 = arith.constant 0 : i32
      %dma_wait3A_36 = tpu.memref_slice %arg15[%dma_wait3A_34, %dma_wait3A_35] : memref<128x128xf32, #tpu.memory_space<vmem>> -> memref<16x128xf32, #tpu.memory_space<vmem>>
      %dma_wait3A_37 = arith.constant 0 : i32
      %dma_wait3A_38 = arith.constant 0 : i32
      %dma_wait3A_39 = tpu.memref_slice %arg2[%dma_wait3A_37, %dma_wait3A_38] : memref<10000x128xf32, #tpu.memory_space<hbm>> -> memref<10000x128xf32, #tpu.memory_space<hbm>>
      tpu.wait_indirect_dma semaphore(%arg17 : memref<!tpu.dma_semaphore, #tpu.memory_space<semaphore_mem>>) src(%dma_wait3A_39 : memref<10000x128xf32, #tpu.memory_space<hbm>>) dst(%dma_wait3A_36 : memref<16x128xf32, #tpu.memory_space<vmem>>)
      "tpu.region"() ({
        %run_scoped3A = tpu.sem_alloc : memref<!tpu.dma_semaphore, #tpu.memory_space<semaphore_mem>>
        %dma_start3A_48 = arith.constant 0 : i32
        %dma_start3A_49 = arith.constant 0 : i32
        %dma_start3A_50 = tpu.memref_slice %arg15[%dma_start3A_48, %dma_start3A_49] : memref<128x128xf32, #tpu.memory_space<vmem>> -> memref<16x128xf32, #tpu.memory_space<vmem>>
        %dma_start3A_51 = arith.constant 0 : i32
        %dma_start3A_52 = arith.constant 0 : i32
        %dma_start3A_53 = tpu.memref_slice %arg21[%dma_start3A_51, %dma_start3A_52] : memref<10000x128xf32, #tpu.memory_space<vmem_shared>> -> memref<10000x128xf32, #tpu.memory_space<vmem_shared>>
        tpu.enqueue_indirect_dma source(%dma_start3A_50 : memref<16x128xf32, #tpu.memory_space<vmem>>) target(%dma_start3A_53 : memref<10000x128xf32, #tpu.memory_space<vmem_shared>>) offsets(%arg14 : memref<16xi32, #tpu.memory_space<vmem>>) semaphore(%run_scoped3A : memref<!tpu.dma_semaphore, #tpu.memory_space<semaphore_mem>>) {add = true}
        %dma_wait3A_54 = arith.constant 0 : i32
        %dma_wait3A_55 = arith.constant 0 : i32
        %dma_wait3A_56 = tpu.memref_slice %arg15[%dma_wait3A_54, %dma_wait3A_55] : memref<128x128xf32, #tpu.memory_space<vmem>> -> memref<16x128xf32, #tpu.memory_space<vmem>>
        %dma_wait3A_57 = arith.constant 0 : i32
        %dma_wait3A_58 = arith.constant 0 : i32
        %dma_wait3A_59 = tpu.memref_slice %arg21[%dma_wait3A_57, %dma_wait3A_58] : memref<10000x128xf32, #tpu.memory_space<vmem_shared>> -> memref<10000x128xf32, #tpu.memory_space<vmem_shared>>
        tpu.wait_indirect_dma semaphore(%run_scoped3A : memref<!tpu.dma_semaphore, #tpu.memory_space<semaphore_mem>>) src(%dma_wait3A_56 : memref<16x128xf32, #tpu.memory_space<vmem>>) dst(%dma_wait3A_59 : memref<10000x128xf32, #tpu.memory_space<vmem_shared>>)
        tpu.yield
      }) : () -> ()
      %barrier3A_40 = arith.constant 0 : index
      tpu.barrier barrier_id(%barrier3A_40)
      %mul3A_41 = arith.constant 624 : i32
      %mul3A_42 = arith.muli %arg1, %mul3A_41 : i32
      "tpu.region"() ({
        %run_scoped3A = tpu.sem_alloc : memref<!tpu.dma_semaphore, #tpu.memory_space<semaphore_mem>>
        %dma_start3A_48 = arith.constant 0 : i32
        %dma_start3A_49 = tpu.memref_slice %arg7[%mul3A_42, %dma_start3A_48] : memref<10000x128xf32, #tpu.memory_space<hbm>> -> memref<624x128xf32, #tpu.memory_space<hbm>>
        %dma_start3A_50 = arith.constant 0 : i32
        %dma_start3A_51 = tpu.memref_slice %arg21[%mul3A_42, %dma_start3A_50] : memref<10000x128xf32, #tpu.memory_space<vmem_shared>> -> memref<624x128xf32, #tpu.memory_space<vmem_shared>>
        tpu.enqueue_dma source(%dma_start3A_51 : memref<624x128xf32, #tpu.memory_space<vmem_shared>>) target(%dma_start3A_49 : memref<624x128xf32, #tpu.memory_space<hbm>>) target_semaphore(%run_scoped3A : memref<!tpu.dma_semaphore, #tpu.memory_space<semaphore_mem>>)
        %dma_wait3A_52 = arith.constant 0 : i32
        %dma_wait3A_53 = tpu.memref_slice %arg7[%mul3A_42, %dma_wait3A_52] : memref<10000x128xf32, #tpu.memory_space<hbm>> -> memref<624x128xf32, #tpu.memory_space<hbm>>
        %dma_wait3A_54 = arith.constant 0 : i32
        %dma_wait3A_55 = tpu.memref_slice %arg21[%mul3A_42, %dma_wait3A_54] : memref<10000x128xf32, #tpu.memory_space<vmem_shared>> -> memref<624x128xf32, #tpu.memory_space<vmem_shared>>
        tpu.wait_dma2 semaphore(%run_scoped3A : memref<!tpu.dma_semaphore, #tpu.memory_space<semaphore_mem>>) src(%dma_wait3A_55 : memref<624x128xf32, #tpu.memory_space<vmem_shared>>) dst(%dma_wait3A_53 : memref<624x128xf32, #tpu.memory_space<hbm>>)
        tpu.yield
      }) : () -> ()
      %eq3A_43 = arith.constant 15 : i32
      %eq3A_44 = arith.cmpi eq, %arg1, %eq3A_43 : i32
      %convert_element_type3A_45 = arith.extui %eq3A_44 : i1 to i32
      %cond3A_46 = arith.constant 0 : i32
      %cond3A_47 = arith.cmpi ne, %convert_element_type3A_45, %cond3A_46 : i32
      scf.if %cond3A_47 {
        "tpu.region"() ({
          %run_scoped3A = tpu.sem_alloc : memref<!tpu.dma_semaphore, #tpu.memory_space<semaphore_mem>>
          %dma_start3A_48 = arith.constant 9984 : i32
          %dma_start3A_49 = arith.constant 0 : i32
          %dma_start3A_50 = tpu.memref_slice %arg7[%dma_start3A_48, %dma_start3A_49] : memref<10000x128xf32, #tpu.memory_space<hbm>> -> memref<16x128xf32, #tpu.memory_space<hbm>>
          %dma_start3A_51 = arith.constant 9984 : i32
          %dma_start3A_52 = arith.constant 0 : i32
          %dma_start3A_53 = tpu.memref_slice %arg21[%dma_start3A_51, %dma_start3A_52] : memref<10000x128xf32, #tpu.memory_space<vmem_shared>> -> memref<16x128xf32, #tpu.memory_space<vmem_shared>>
          tpu.enqueue_dma source(%dma_start3A_53 : memref<16x128xf32, #tpu.memory_space<vmem_shared>>) target(%dma_start3A_50 : memref<16x128xf32, #tpu.memory_space<hbm>>) target_semaphore(%run_scoped3A : memref<!tpu.dma_semaphore, #tpu.memory_space<semaphore_mem>>)
          %dma_wait3A_54 = arith.constant 9984 : i32
          %dma_wait3A_55 = arith.constant 0 : i32
          %dma_wait3A_56 = tpu.memref_slice %arg7[%dma_wait3A_54, %dma_wait3A_55] : memref<10000x128xf32, #tpu.memory_space<hbm>> -> memref<16x128xf32, #tpu.memory_space<hbm>>
          %dma_wait3A_57 = arith.constant 9984 : i32
          %dma_wait3A_58 = arith.constant 0 : i32
          %dma_wait3A_59 = tpu.memref_slice %arg21[%dma_wait3A_57, %dma_wait3A_58] : memref<10000x128xf32, #tpu.memory_space<vmem_shared>> -> memref<16x128xf32, #tpu.memory_space<vmem_shared>>
          tpu.wait_dma2 semaphore(%run_scoped3A : memref<!tpu.dma_semaphore, #tpu.memory_space<semaphore_mem>>) src(%dma_wait3A_59 : memref<16x128xf32, #tpu.memory_space<vmem_shared>>) dst(%dma_wait3A_56 : memref<16x128xf32, #tpu.memory_space<hbm>>)
          tpu.yield
        }) : () -> ()
      } else {
      }
    } else {
    }
    %eq3A_2 = arith.constant 1 : i32
    %eq3A_3 = arith.cmpi eq, %arg0, %eq3A_2 : i32
    %convert_element_type3A_4 = arith.extui %eq3A_3 : i1 to i32
    %cond3A_5 = arith.constant 0 : i32
    %cond3A_6 = arith.cmpi ne, %convert_element_type3A_4, %cond3A_5 : i32
    scf.if %cond3A_6 {
      %mul3A = arith.constant 10000 : i32
      %mul3A_7 = arith.muli %arg1, %mul3A : i32
      "tpu.region"() ({
        %run_scoped3A = tpu.sem_alloc : memref<!tpu.dma_semaphore, #tpu.memory_space<semaphore_mem>>
        %dma_start3A_48 = tpu.memref_slice %arg4[%mul3A_7] : memref<160000xi32, #tpu.memory_space<hbm>> -> memref<128xi32, #tpu.memory_space<hbm>>
        %dma_start3A_49 = tpu.memref_slice %arg4[%mul3A_7] : memref<160000xi32, #tpu.memory_space<hbm>> -> memref<128xi32, #tpu.memory_space<hbm>>
        tpu.enqueue_dma source(%dma_start3A_49 : memref<128xi32, #tpu.memory_space<hbm>>) target(%arg9 : memref<128xi32, #tpu.memory_space<vmem>>) target_semaphore(%run_scoped3A : memref<!tpu.dma_semaphore, #tpu.memory_space<semaphore_mem>>)
        %dma_wait3A_50 = tpu.memref_slice %arg4[%mul3A_7] : memref<160000xi32, #tpu.memory_space<hbm>> -> memref<128xi32, #tpu.memory_space<hbm>>
        %dma_wait3A_51 = tpu.memref_slice %arg4[%mul3A_7] : memref<160000xi32, #tpu.memory_space<hbm>> -> memref<128xi32, #tpu.memory_space<hbm>>
        tpu.wait_dma2 semaphore(%run_scoped3A : memref<!tpu.dma_semaphore, #tpu.memory_space<semaphore_mem>>) src(%dma_wait3A_51 : memref<128xi32, #tpu.memory_space<hbm>>) dst(%arg9 : memref<128xi32, #tpu.memory_space<vmem>>)
        tpu.yield
      }) : () -> ()
      %dma_start3A = tpu.memref_slice %arg5[%mul3A_7] : memref<160000xi32, #tpu.memory_space<hbm>> -> memref<128xi32, #tpu.memory_space<hbm>>
      %dma_start3A_8 = tpu.memref_slice %arg5[%mul3A_7] : memref<160000xi32, #tpu.memory_space<hbm>> -> memref<128xi32, #tpu.memory_space<hbm>>
      tpu.enqueue_dma source(%dma_start3A_8 : memref<128xi32, #tpu.memory_space<hbm>>) target(%arg10 : memref<128xi32, #tpu.memory_space<vmem>>) target_semaphore(%arg19 : memref<!tpu.dma_semaphore, #tpu.memory_space<semaphore_mem>>)
      %dma_start3A_9 = arith.constant 0 : i32
      %dma_start3A_10 = arith.constant 0 : i32
      %dma_start3A_11 = tpu.memref_slice %arg3[%dma_start3A_9, %dma_start3A_10] : memref<10000x128xf32, #tpu.memory_space<hbm>> -> memref<10000x128xf32, #tpu.memory_space<hbm>>
      tpu.enqueue_indirect_dma source(%dma_start3A_11 : memref<10000x128xf32, #tpu.memory_space<hbm>>) target(%arg15 : memref<128x128xf32, #tpu.memory_space<vmem>>) offsets(%arg9 : memref<128xi32, #tpu.memory_space<vmem>>) semaphore(%arg17 : memref<!tpu.dma_semaphore, #tpu.memory_space<semaphore_mem>>)
      %mul3A_12 = arith.constant 624 : i32
      %mul3A_13 = arith.muli %arg1, %mul3A_12 : i32
      "tpu.region"() ({
        %run_scoped3A = tpu.sem_alloc : memref<!tpu.dma_semaphore, #tpu.memory_space<semaphore_mem>>
        %dma_start3A_48 = arith.constant 0 : i32
        %dma_start3A_49 = tpu.memref_slice %arg21[%mul3A_13, %dma_start3A_48] : memref<10000x128xf32, #tpu.memory_space<vmem_shared>> -> memref<624x128xf32, #tpu.memory_space<vmem_shared>>
        %dma_start3A_50 = arith.constant 0 : i32
        %dma_start3A_51 = tpu.memref_slice %arg6[%mul3A_13, %dma_start3A_50] : memref<10000x128xf32, #tpu.memory_space<hbm>> -> memref<624x128xf32, #tpu.memory_space<hbm>>
        tpu.enqueue_dma source(%dma_start3A_51 : memref<624x128xf32, #tpu.memory_space<hbm>>) target(%dma_start3A_49 : memref<624x128xf32, #tpu.memory_space<vmem_shared>>) target_semaphore(%run_scoped3A : memref<!tpu.dma_semaphore, #tpu.memory_space<semaphore_mem>>)
        %dma_wait3A_52 = arith.constant 0 : i32
        %dma_wait3A_53 = tpu.memref_slice %arg21[%mul3A_13, %dma_wait3A_52] : memref<10000x128xf32, #tpu.memory_space<vmem_shared>> -> memref<624x128xf32, #tpu.memory_space<vmem_shared>>
        %dma_wait3A_54 = arith.constant 0 : i32
        %dma_wait3A_55 = tpu.memref_slice %arg6[%mul3A_13, %dma_wait3A_54] : memref<10000x128xf32, #tpu.memory_space<hbm>> -> memref<624x128xf32, #tpu.memory_space<hbm>>
        tpu.wait_dma2 semaphore(%run_scoped3A : memref<!tpu.dma_semaphore, #tpu.memory_space<semaphore_mem>>) src(%dma_wait3A_55 : memref<624x128xf32, #tpu.memory_space<hbm>>) dst(%dma_wait3A_53 : memref<624x128xf32, #tpu.memory_space<vmem_shared>>)
        tpu.yield
      }) : () -> ()
      %eq3A_14 = arith.constant 15 : i32
      %eq3A_15 = arith.cmpi eq, %arg1, %eq3A_14 : i32
      %convert_element_type3A_16 = arith.extui %eq3A_15 : i1 to i32
      %cond3A_17 = arith.constant 0 : i32
      %cond3A_18 = arith.cmpi ne, %convert_element_type3A_16, %cond3A_17 : i32
      scf.if %cond3A_18 {
        "tpu.region"() ({
          %run_scoped3A = tpu.sem_alloc : memref<!tpu.dma_semaphore, #tpu.memory_space<semaphore_mem>>
          %dma_start3A_48 = arith.constant 9984 : i32
          %dma_start3A_49 = arith.constant 0 : i32
          %dma_start3A_50 = tpu.memref_slice %arg21[%dma_start3A_48, %dma_start3A_49] : memref<10000x128xf32, #tpu.memory_space<vmem_shared>> -> memref<16x128xf32, #tpu.memory_space<vmem_shared>>
          %dma_start3A_51 = arith.constant 9984 : i32
          %dma_start3A_52 = arith.constant 0 : i32
          %dma_start3A_53 = tpu.memref_slice %arg6[%dma_start3A_51, %dma_start3A_52] : memref<10000x128xf32, #tpu.memory_space<hbm>> -> memref<16x128xf32, #tpu.memory_space<hbm>>
          tpu.enqueue_dma source(%dma_start3A_53 : memref<16x128xf32, #tpu.memory_space<hbm>>) target(%dma_start3A_50 : memref<16x128xf32, #tpu.memory_space<vmem_shared>>) target_semaphore(%run_scoped3A : memref<!tpu.dma_semaphore, #tpu.memory_space<semaphore_mem>>)
          %dma_wait3A_54 = arith.constant 9984 : i32
          %dma_wait3A_55 = arith.constant 0 : i32
          %dma_wait3A_56 = tpu.memref_slice %arg21[%dma_wait3A_54, %dma_wait3A_55] : memref<10000x128xf32, #tpu.memory_space<vmem_shared>> -> memref<16x128xf32, #tpu.memory_space<vmem_shared>>
          %dma_wait3A_57 = arith.constant 9984 : i32
          %dma_wait3A_58 = arith.constant 0 : i32
          %dma_wait3A_59 = tpu.memref_slice %arg6[%dma_wait3A_57, %dma_wait3A_58] : memref<10000x128xf32, #tpu.memory_space<hbm>> -> memref<16x128xf32, #tpu.memory_space<hbm>>
          tpu.wait_dma2 semaphore(%run_scoped3A : memref<!tpu.dma_semaphore, #tpu.memory_space<semaphore_mem>>) src(%dma_wait3A_59 : memref<16x128xf32, #tpu.memory_space<hbm>>) dst(%dma_wait3A_56 : memref<16x128xf32, #tpu.memory_space<vmem_shared>>)
          tpu.yield
        }) : () -> ()
      } else {
      }
      %dma_wait3A = tpu.memref_slice %arg5[%mul3A_7] : memref<160000xi32, #tpu.memory_space<hbm>> -> memref<128xi32, #tpu.memory_space<hbm>>
      %dma_wait3A_19 = tpu.memref_slice %arg5[%mul3A_7] : memref<160000xi32, #tpu.memory_space<hbm>> -> memref<128xi32, #tpu.memory_space<hbm>>
      tpu.wait_dma2 semaphore(%arg19 : memref<!tpu.dma_semaphore, #tpu.memory_space<semaphore_mem>>) src(%dma_wait3A_19 : memref<128xi32, #tpu.memory_space<hbm>>) dst(%arg10 : memref<128xi32, #tpu.memory_space<vmem>>)
      %barrier3A = arith.constant 0 : index
      tpu.barrier barrier_id(%barrier3A)
      %scan3A = arith.constant 0 : i32
      %scan3A_20 = arith.constant 0 : i32
      %scan3A_21 = arith.constant 39 : i32
      %scan3A_22 = arith.addi %scan3A_20, %scan3A_21 : i32
      %scan3A_23 = arith.constant 1 : i32
      scf.for %scan3A_48 = %scan3A_20 to %scan3A_22 step %scan3A_23  : i32 {
        %mul3A_49 = arith.constant 2 : i32
        %mul3A_50 = arith.muli %mul3A_49, %scan3A_48 : i32
        %add3A_51 = arith.constant 1 : i32
        %add3A_52 = arith.addi %mul3A_50, %add3A_51 : i32
        %mul3A_53 = arith.constant 128 : i32
        %mul3A_54 = arith.muli %add3A_52, %mul3A_53 : i32
        %add3A_55 = arith.addi %mul3A_7, %mul3A_54 : i32
        %dma_start3A_56 = tpu.memref_slice %arg4[%add3A_55] : memref<160000xi32, #tpu.memory_space<hbm>> -> memref<128xi32, #tpu.memory_space<hbm>>
        %dma_start3A_57 = tpu.memref_slice %arg4[%add3A_55] : memref<160000xi32, #tpu.memory_space<hbm>> -> memref<128xi32, #tpu.memory_space<hbm>>
        tpu.enqueue_dma source(%dma_start3A_57 : memref<128xi32, #tpu.memory_space<hbm>>) target(%arg11 : memref<128xi32, #tpu.memory_space<vmem>>) target_semaphore(%arg20 : memref<!tpu.dma_semaphore, #tpu.memory_space<semaphore_mem>>)
        %mul3A_58 = arith.constant 128 : i32
        %mul3A_59 = arith.muli %add3A_52, %mul3A_58 : i32
        %add3A_60 = arith.addi %mul3A_7, %mul3A_59 : i32
        %dma_start3A_61 = tpu.memref_slice %arg5[%add3A_60] : memref<160000xi32, #tpu.memory_space<hbm>> -> memref<128xi32, #tpu.memory_space<hbm>>
        %dma_start3A_62 = tpu.memref_slice %arg5[%add3A_60] : memref<160000xi32, #tpu.memory_space<hbm>> -> memref<128xi32, #tpu.memory_space<hbm>>
        tpu.enqueue_dma source(%dma_start3A_62 : memref<128xi32, #tpu.memory_space<hbm>>) target(%arg12 : memref<128xi32, #tpu.memory_space<vmem>>) target_semaphore(%arg20 : memref<!tpu.dma_semaphore, #tpu.memory_space<semaphore_mem>>)
        %dma_wait3A_63 = arith.constant 0 : i32
        %dma_wait3A_64 = arith.constant 0 : i32
        %dma_wait3A_65 = tpu.memref_slice %arg3[%dma_wait3A_63, %dma_wait3A_64] : memref<10000x128xf32, #tpu.memory_space<hbm>> -> memref<10000x128xf32, #tpu.memory_space<hbm>>
        tpu.wait_indirect_dma semaphore(%arg17 : memref<!tpu.dma_semaphore, #tpu.memory_space<semaphore_mem>>) src(%dma_wait3A_65 : memref<10000x128xf32, #tpu.memory_space<hbm>>) dst(%arg15 : memref<128x128xf32, #tpu.memory_space<vmem>>)
        %add3A_66 = arith.constant 1 : i32
        %add3A_67 = arith.addi %mul3A_50, %add3A_66 : i32
        %mul3A_68 = arith.constant 128 : i32
        %mul3A_69 = arith.muli %add3A_67, %mul3A_68 : i32
        %add3A_70 = arith.addi %mul3A_7, %mul3A_69 : i32
        %dma_wait3A_71 = tpu.memref_slice %arg4[%add3A_70] : memref<160000xi32, #tpu.memory_space<hbm>> -> memref<128xi32, #tpu.memory_space<hbm>>
        %dma_wait3A_72 = tpu.memref_slice %arg4[%add3A_70] : memref<160000xi32, #tpu.memory_space<hbm>> -> memref<128xi32, #tpu.memory_space<hbm>>
        tpu.wait_dma2 semaphore(%arg20 : memref<!tpu.dma_semaphore, #tpu.memory_space<semaphore_mem>>) src(%dma_wait3A_72 : memref<128xi32, #tpu.memory_space<hbm>>) dst(%arg11 : memref<128xi32, #tpu.memory_space<vmem>>)
        %mul3A_73 = arith.constant 128 : i32
        %mul3A_74 = arith.muli %add3A_67, %mul3A_73 : i32
        %add3A_75 = arith.addi %mul3A_7, %mul3A_74 : i32
        %dma_wait3A_76 = tpu.memref_slice %arg5[%add3A_75] : memref<160000xi32, #tpu.memory_space<hbm>> -> memref<128xi32, #tpu.memory_space<hbm>>
        %dma_wait3A_77 = tpu.memref_slice %arg5[%add3A_75] : memref<160000xi32, #tpu.memory_space<hbm>> -> memref<128xi32, #tpu.memory_space<hbm>>
        tpu.wait_dma2 semaphore(%arg20 : memref<!tpu.dma_semaphore, #tpu.memory_space<semaphore_mem>>) src(%dma_wait3A_77 : memref<128xi32, #tpu.memory_space<hbm>>) dst(%arg12 : memref<128xi32, #tpu.memory_space<vmem>>)
        %dma_start3A_78 = arith.constant 0 : i32
        %dma_start3A_79 = arith.constant 0 : i32
        %dma_start3A_80 = tpu.memref_slice %arg3[%dma_start3A_78, %dma_start3A_79] : memref<10000x128xf32, #tpu.memory_space<hbm>> -> memref<10000x128xf32, #tpu.memory_space<hbm>>
        tpu.enqueue_indirect_dma source(%dma_start3A_80 : memref<10000x128xf32, #tpu.memory_space<hbm>>) target(%arg16 : memref<128x128xf32, #tpu.memory_space<vmem>>) offsets(%arg11 : memref<128xi32, #tpu.memory_space<vmem>>) semaphore(%arg18 : memref<!tpu.dma_semaphore, #tpu.memory_space<semaphore_mem>>)
        "tpu.region"() ({
          %run_scoped3A = tpu.sem_alloc : memref<!tpu.dma_semaphore, #tpu.memory_space<semaphore_mem>>
          %dma_start3A_88 = arith.constant 0 : i32
          %dma_start3A_89 = arith.constant 0 : i32
          %dma_start3A_90 = tpu.memref_slice %arg21[%dma_start3A_88, %dma_start3A_89] : memref<10000x128xf32, #tpu.memory_space<vmem_shared>> -> memref<10000x128xf32, #tpu.memory_space<vmem_shared>>
          tpu.enqueue_indirect_dma source(%arg15 : memref<128x128xf32, #tpu.memory_space<vmem>>) target(%dma_start3A_90 : memref<10000x128xf32, #tpu.memory_space<vmem_shared>>) offsets(%arg10 : memref<128xi32, #tpu.memory_space<vmem>>) semaphore(%run_scoped3A : memref<!tpu.dma_semaphore, #tpu.memory_space<semaphore_mem>>) {add = true}
          %dma_wait3A_91 = arith.constant 0 : i32
          %dma_wait3A_92 = arith.constant 0 : i32
          %dma_wait3A_93 = tpu.memref_slice %arg21[%dma_wait3A_91, %dma_wait3A_92] : memref<10000x128xf32, #tpu.memory_space<vmem_shared>> -> memref<10000x128xf32, #tpu.memory_space<vmem_shared>>
          tpu.wait_indirect_dma semaphore(%run_scoped3A : memref<!tpu.dma_semaphore, #tpu.memory_space<semaphore_mem>>) src(%arg15 : memref<128x128xf32, #tpu.memory_space<vmem>>) dst(%dma_wait3A_93 : memref<10000x128xf32, #tpu.memory_space<vmem_shared>>)
          tpu.yield
        }) : () -> ()
        %lt3A = arith.constant 38 : i32
        %lt3A_81 = arith.cmpi slt, %scan3A_48, %lt3A : i32
        %convert_element_type3A_82 = arith.extui %lt3A_81 : i1 to i32
        %cond3A_83 = arith.constant 0 : i32
        %cond3A_84 = arith.cmpi ne, %convert_element_type3A_82, %cond3A_83 : i32
        scf.if %cond3A_84 {
          %add3A_88 = arith.constant 2 : i32
          %add3A_89 = arith.addi %mul3A_50, %add3A_88 : i32
          %mul3A_90 = arith.constant 128 : i32
          %mul3A_91 = arith.muli %add3A_89, %mul3A_90 : i32
          %add3A_92 = arith.addi %mul3A_7, %mul3A_91 : i32
          %dma_start3A_93 = tpu.memref_slice %arg4[%add3A_92] : memref<160000xi32, #tpu.memory_space<hbm>> -> memref<128xi32, #tpu.memory_space<hbm>>
          %dma_start3A_94 = tpu.memref_slice %arg4[%add3A_92] : memref<160000xi32, #tpu.memory_space<hbm>> -> memref<128xi32, #tpu.memory_space<hbm>>
          tpu.enqueue_dma source(%dma_start3A_94 : memref<128xi32, #tpu.memory_space<hbm>>) target(%arg9 : memref<128xi32, #tpu.memory_space<vmem>>) target_semaphore(%arg19 : memref<!tpu.dma_semaphore, #tpu.memory_space<semaphore_mem>>)
          %mul3A_95 = arith.constant 128 : i32
          %mul3A_96 = arith.muli %add3A_89, %mul3A_95 : i32
          %add3A_97 = arith.addi %mul3A_7, %mul3A_96 : i32
          %dma_start3A_98 = tpu.memref_slice %arg5[%add3A_97] : memref<160000xi32, #tpu.memory_space<hbm>> -> memref<128xi32, #tpu.memory_space<hbm>>
          %dma_start3A_99 = tpu.memref_slice %arg5[%add3A_97] : memref<160000xi32, #tpu.memory_space<hbm>> -> memref<128xi32, #tpu.memory_space<hbm>>
          tpu.enqueue_dma source(%dma_start3A_99 : memref<128xi32, #tpu.memory_space<hbm>>) target(%arg10 : memref<128xi32, #tpu.memory_space<vmem>>) target_semaphore(%arg19 : memref<!tpu.dma_semaphore, #tpu.memory_space<semaphore_mem>>)
          %add3A_100 = arith.constant 2 : i32
          %add3A_101 = arith.addi %mul3A_50, %add3A_100 : i32
          %mul3A_102 = arith.constant 128 : i32
          %mul3A_103 = arith.muli %add3A_101, %mul3A_102 : i32
          %add3A_104 = arith.addi %mul3A_7, %mul3A_103 : i32
          %dma_wait3A_105 = tpu.memref_slice %arg4[%add3A_104] : memref<160000xi32, #tpu.memory_space<hbm>> -> memref<128xi32, #tpu.memory_space<hbm>>
          %dma_wait3A_106 = tpu.memref_slice %arg4[%add3A_104] : memref<160000xi32, #tpu.memory_space<hbm>> -> memref<128xi32, #tpu.memory_space<hbm>>
          tpu.wait_dma2 semaphore(%arg19 : memref<!tpu.dma_semaphore, #tpu.memory_space<semaphore_mem>>) src(%dma_wait3A_106 : memref<128xi32, #tpu.memory_space<hbm>>) dst(%arg9 : memref<128xi32, #tpu.memory_space<vmem>>)
          %mul3A_107 = arith.constant 128 : i32
          %mul3A_108 = arith.muli %add3A_101, %mul3A_107 : i32
          %add3A_109 = arith.addi %mul3A_7, %mul3A_108 : i32
          %dma_wait3A_110 = tpu.memref_slice %arg5[%add3A_109] : memref<160000xi32, #tpu.memory_space<hbm>> -> memref<128xi32, #tpu.memory_space<hbm>>
          %dma_wait3A_111 = tpu.memref_slice %arg5[%add3A_109] : memref<160000xi32, #tpu.memory_space<hbm>> -> memref<128xi32, #tpu.memory_space<hbm>>
          tpu.wait_dma2 semaphore(%arg19 : memref<!tpu.dma_semaphore, #tpu.memory_space<semaphore_mem>>) src(%dma_wait3A_111 : memref<128xi32, #tpu.memory_space<hbm>>) dst(%arg10 : memref<128xi32, #tpu.memory_space<vmem>>)
          %dma_start3A_112 = arith.constant 0 : i32
          %dma_start3A_113 = arith.constant 0 : i32
          %dma_start3A_114 = tpu.memref_slice %arg3[%dma_start3A_112, %dma_start3A_113] : memref<10000x128xf32, #tpu.memory_space<hbm>> -> memref<10000x128xf32, #tpu.memory_space<hbm>>
          tpu.enqueue_indirect_dma source(%dma_start3A_114 : memref<10000x128xf32, #tpu.memory_space<hbm>>) target(%arg15 : memref<128x128xf32, #tpu.memory_space<vmem>>) offsets(%arg9 : memref<128xi32, #tpu.memory_space<vmem>>) semaphore(%arg17 : memref<!tpu.dma_semaphore, #tpu.memory_space<semaphore_mem>>)
        } else {
        }
        %dma_wait3A_85 = arith.constant 0 : i32
        %dma_wait3A_86 = arith.constant 0 : i32
        %dma_wait3A_87 = tpu.memref_slice %arg3[%dma_wait3A_85, %dma_wait3A_86] : memref<10000x128xf32, #tpu.memory_space<hbm>> -> memref<10000x128xf32, #tpu.memory_space<hbm>>
        tpu.wait_indirect_dma semaphore(%arg18 : memref<!tpu.dma_semaphore, #tpu.memory_space<semaphore_mem>>) src(%dma_wait3A_87 : memref<10000x128xf32, #tpu.memory_space<hbm>>) dst(%arg16 : memref<128x128xf32, #tpu.memory_space<vmem>>)
        "tpu.region"() ({
          %run_scoped3A = tpu.sem_alloc : memref<!tpu.dma_semaphore, #tpu.memory_space<semaphore_mem>>
          %dma_start3A_88 = arith.constant 0 : i32
          %dma_start3A_89 = arith.constant 0 : i32
          %dma_start3A_90 = tpu.memref_slice %arg21[%dma_start3A_88, %dma_start3A_89] : memref<10000x128xf32, #tpu.memory_space<vmem_shared>> -> memref<10000x128xf32, #tpu.memory_space<vmem_shared>>
          tpu.enqueue_indirect_dma source(%arg16 : memref<128x128xf32, #tpu.memory_space<vmem>>) target(%dma_start3A_90 : memref<10000x128xf32, #tpu.memory_space<vmem_shared>>) offsets(%arg12 : memref<128xi32, #tpu.memory_space<vmem>>) semaphore(%run_scoped3A : memref<!tpu.dma_semaphore, #tpu.memory_space<semaphore_mem>>) {add = true}
          %dma_wait3A_91 = arith.constant 0 : i32
          %dma_wait3A_92 = arith.constant 0 : i32
          %dma_wait3A_93 = tpu.memref_slice %arg21[%dma_wait3A_91, %dma_wait3A_92] : memref<10000x128xf32, #tpu.memory_space<vmem_shared>> -> memref<10000x128xf32, #tpu.memory_space<vmem_shared>>
          tpu.wait_indirect_dma semaphore(%run_scoped3A : memref<!tpu.dma_semaphore, #tpu.memory_space<semaphore_mem>>) src(%arg16 : memref<128x128xf32, #tpu.memory_space<vmem>>) dst(%dma_wait3A_93 : memref<10000x128xf32, #tpu.memory_space<vmem_shared>>)
          tpu.yield
        }) : () -> ()
      }
      %scan3A_24 = arith.constant 39 : i32
      %add3A = arith.constant 9984 : i32
      %add3A_25 = arith.addi %mul3A_7, %add3A : i32
      "tpu.region"() ({
        %run_scoped3A = tpu.sem_alloc : memref<!tpu.dma_semaphore, #tpu.memory_space<semaphore_mem>>
        %dma_start3A_48 = tpu.memref_slice %arg4[%add3A_25] : memref<160000xi32, #tpu.memory_space<hbm>> -> memref<16xi32, #tpu.memory_space<hbm>>
        %dma_start3A_49 = tpu.memref_slice %arg4[%add3A_25] : memref<160000xi32, #tpu.memory_space<hbm>> -> memref<16xi32, #tpu.memory_space<hbm>>
        tpu.enqueue_dma source(%dma_start3A_49 : memref<16xi32, #tpu.memory_space<hbm>>) target(%arg13 : memref<16xi32, #tpu.memory_space<vmem>>) target_semaphore(%run_scoped3A : memref<!tpu.dma_semaphore, #tpu.memory_space<semaphore_mem>>)
        %dma_wait3A_50 = tpu.memref_slice %arg4[%add3A_25] : memref<160000xi32, #tpu.memory_space<hbm>> -> memref<16xi32, #tpu.memory_space<hbm>>
        %dma_wait3A_51 = tpu.memref_slice %arg4[%add3A_25] : memref<160000xi32, #tpu.memory_space<hbm>> -> memref<16xi32, #tpu.memory_space<hbm>>
        tpu.wait_dma2 semaphore(%run_scoped3A : memref<!tpu.dma_semaphore, #tpu.memory_space<semaphore_mem>>) src(%dma_wait3A_51 : memref<16xi32, #tpu.memory_space<hbm>>) dst(%arg13 : memref<16xi32, #tpu.memory_space<vmem>>)
        tpu.yield
      }) : () -> ()
      %add3A_26 = arith.constant 9984 : i32
      %add3A_27 = arith.addi %mul3A_7, %add3A_26 : i32
      "tpu.region"() ({
        %run_scoped3A = tpu.sem_alloc : memref<!tpu.dma_semaphore, #tpu.memory_space<semaphore_mem>>
        %dma_start3A_48 = tpu.memref_slice %arg5[%add3A_27] : memref<160000xi32, #tpu.memory_space<hbm>> -> memref<16xi32, #tpu.memory_space<hbm>>
        %dma_start3A_49 = tpu.memref_slice %arg5[%add3A_27] : memref<160000xi32, #tpu.memory_space<hbm>> -> memref<16xi32, #tpu.memory_space<hbm>>
        tpu.enqueue_dma source(%dma_start3A_49 : memref<16xi32, #tpu.memory_space<hbm>>) target(%arg14 : memref<16xi32, #tpu.memory_space<vmem>>) target_semaphore(%run_scoped3A : memref<!tpu.dma_semaphore, #tpu.memory_space<semaphore_mem>>)
        %dma_wait3A_50 = tpu.memref_slice %arg5[%add3A_27] : memref<160000xi32, #tpu.memory_space<hbm>> -> memref<16xi32, #tpu.memory_space<hbm>>
        %dma_wait3A_51 = tpu.memref_slice %arg5[%add3A_27] : memref<160000xi32, #tpu.memory_space<hbm>> -> memref<16xi32, #tpu.memory_space<hbm>>
        tpu.wait_dma2 semaphore(%run_scoped3A : memref<!tpu.dma_semaphore, #tpu.memory_space<semaphore_mem>>) src(%dma_wait3A_51 : memref<16xi32, #tpu.memory_space<hbm>>) dst(%arg14 : memref<16xi32, #tpu.memory_space<vmem>>)
        tpu.yield
      }) : () -> ()
      %dma_start3A_28 = arith.constant 0 : i32
      %dma_start3A_29 = arith.constant 0 : i32
      %dma_start3A_30 = tpu.memref_slice %arg15[%dma_start3A_28, %dma_start3A_29] : memref<128x128xf32, #tpu.memory_space<vmem>> -> memref<16x128xf32, #tpu.memory_space<vmem>>
      %dma_start3A_31 = arith.constant 0 : i32
      %dma_start3A_32 = arith.constant 0 : i32
      %dma_start3A_33 = tpu.memref_slice %arg3[%dma_start3A_31, %dma_start3A_32] : memref<10000x128xf32, #tpu.memory_space<hbm>> -> memref<10000x128xf32, #tpu.memory_space<hbm>>
      tpu.enqueue_indirect_dma source(%dma_start3A_33 : memref<10000x128xf32, #tpu.memory_space<hbm>>) target(%dma_start3A_30 : memref<16x128xf32, #tpu.memory_space<vmem>>) offsets(%arg13 : memref<16xi32, #tpu.memory_space<vmem>>) semaphore(%arg17 : memref<!tpu.dma_semaphore, #tpu.memory_space<semaphore_mem>>)
      %dma_wait3A_34 = arith.constant 0 : i32
      %dma_wait3A_35 = arith.constant 0 : i32
      %dma_wait3A_36 = tpu.memref_slice %arg15[%dma_wait3A_34, %dma_wait3A_35] : memref<128x128xf32, #tpu.memory_space<vmem>> -> memref<16x128xf32, #tpu.memory_space<vmem>>
      %dma_wait3A_37 = arith.constant 0 : i32
      %dma_wait3A_38 = arith.constant 0 : i32
      %dma_wait3A_39 = tpu.memref_slice %arg3[%dma_wait3A_37, %dma_wait3A_38] : memref<10000x128xf32, #tpu.memory_space<hbm>> -> memref<10000x128xf32, #tpu.memory_space<hbm>>
      tpu.wait_indirect_dma semaphore(%arg17 : memref<!tpu.dma_semaphore, #tpu.memory_space<semaphore_mem>>) src(%dma_wait3A_39 : memref<10000x128xf32, #tpu.memory_space<hbm>>) dst(%dma_wait3A_36 : memref<16x128xf32, #tpu.memory_space<vmem>>)
      "tpu.region"() ({
        %run_scoped3A = tpu.sem_alloc : memref<!tpu.dma_semaphore, #tpu.memory_space<semaphore_mem>>
        %dma_start3A_48 = arith.constant 0 : i32
        %dma_start3A_49 = arith.constant 0 : i32
        %dma_start3A_50 = tpu.memref_slice %arg15[%dma_start3A_48, %dma_start3A_49] : memref<128x128xf32, #tpu.memory_space<vmem>> -> memref<16x128xf32, #tpu.memory_space<vmem>>
        %dma_start3A_51 = arith.constant 0 : i32
        %dma_start3A_52 = arith.constant 0 : i32
        %dma_start3A_53 = tpu.memref_slice %arg21[%dma_start3A_51, %dma_start3A_52] : memref<10000x128xf32, #tpu.memory_space<vmem_shared>> -> memref<10000x128xf32, #tpu.memory_space<vmem_shared>>
        tpu.enqueue_indirect_dma source(%dma_start3A_50 : memref<16x128xf32, #tpu.memory_space<vmem>>) target(%dma_start3A_53 : memref<10000x128xf32, #tpu.memory_space<vmem_shared>>) offsets(%arg14 : memref<16xi32, #tpu.memory_space<vmem>>) semaphore(%run_scoped3A : memref<!tpu.dma_semaphore, #tpu.memory_space<semaphore_mem>>) {add = true}
        %dma_wait3A_54 = arith.constant 0 : i32
        %dma_wait3A_55 = arith.constant 0 : i32
        %dma_wait3A_56 = tpu.memref_slice %arg15[%dma_wait3A_54, %dma_wait3A_55] : memref<128x128xf32, #tpu.memory_space<vmem>> -> memref<16x128xf32, #tpu.memory_space<vmem>>
        %dma_wait3A_57 = arith.constant 0 : i32
        %dma_wait3A_58 = arith.constant 0 : i32
        %dma_wait3A_59 = tpu.memref_slice %arg21[%dma_wait3A_57, %dma_wait3A_58] : memref<10000x128xf32, #tpu.memory_space<vmem_shared>> -> memref<10000x128xf32, #tpu.memory_space<vmem_shared>>
        tpu.wait_indirect_dma semaphore(%run_scoped3A : memref<!tpu.dma_semaphore, #tpu.memory_space<semaphore_mem>>) src(%dma_wait3A_56 : memref<16x128xf32, #tpu.memory_space<vmem>>) dst(%dma_wait3A_59 : memref<10000x128xf32, #tpu.memory_space<vmem_shared>>)
        tpu.yield
      }) : () -> ()
      %barrier3A_40 = arith.constant 0 : index
      tpu.barrier barrier_id(%barrier3A_40)
      %mul3A_41 = arith.constant 624 : i32
      %mul3A_42 = arith.muli %arg1, %mul3A_41 : i32
      "tpu.region"() ({
        %run_scoped3A = tpu.sem_alloc : memref<!tpu.dma_semaphore, #tpu.memory_space<semaphore_mem>>
        %dma_start3A_48 = arith.constant 0 : i32
        %dma_start3A_49 = tpu.memref_slice %arg8[%mul3A_42, %dma_start3A_48] : memref<10000x128xf32, #tpu.memory_space<hbm>> -> memref<624x128xf32, #tpu.memory_space<hbm>>
        %dma_start3A_50 = arith.constant 0 : i32
        %dma_start3A_51 = tpu.memref_slice %arg21[%mul3A_42, %dma_start3A_50] : memref<10000x128xf32, #tpu.memory_space<vmem_shared>> -> memref<624x128xf32, #tpu.memory_space<vmem_shared>>
        tpu.enqueue_dma source(%dma_start3A_51 : memref<624x128xf32, #tpu.memory_space<vmem_shared>>) target(%dma_start3A_49 : memref<624x128xf32, #tpu.memory_space<hbm>>) target_semaphore(%run_scoped3A : memref<!tpu.dma_semaphore, #tpu.memory_space<semaphore_mem>>)
        %dma_wait3A_52 = arith.constant 0 : i32
        %dma_wait3A_53 = tpu.memref_slice %arg8[%mul3A_42, %dma_wait3A_52] : memref<10000x128xf32, #tpu.memory_space<hbm>> -> memref<624x128xf32, #tpu.memory_space<hbm>>
        %dma_wait3A_54 = arith.constant 0 : i32
        %dma_wait3A_55 = tpu.memref_slice %arg21[%mul3A_42, %dma_wait3A_54] : memref<10000x128xf32, #tpu.memory_space<vmem_shared>> -> memref<624x128xf32, #tpu.memory_space<vmem_shared>>
        tpu.wait_dma2 semaphore(%run_scoped3A : memref<!tpu.dma_semaphore, #tpu.memory_space<semaphore_mem>>) src(%dma_wait3A_55 : memref<624x128xf32, #tpu.memory_space<vmem_shared>>) dst(%dma_wait3A_53 : memref<624x128xf32, #tpu.memory_space<hbm>>)
        tpu.yield
      }) : () -> ()
      %eq3A_43 = arith.constant 15 : i32
      %eq3A_44 = arith.cmpi eq, %arg1, %eq3A_43 : i32
      %convert_element_type3A_45 = arith.extui %eq3A_44 : i1 to i32
      %cond3A_46 = arith.constant 0 : i32
      %cond3A_47 = arith.cmpi ne, %convert_element_type3A_45, %cond3A_46 : i32
      scf.if %cond3A_47 {
        "tpu.region"() ({
          %run_scoped3A = tpu.sem_alloc : memref<!tpu.dma_semaphore, #tpu.memory_space<semaphore_mem>>
          %dma_start3A_48 = arith.constant 9984 : i32
          %dma_start3A_49 = arith.constant 0 : i32
          %dma_start3A_50 = tpu.memref_slice %arg8[%dma_start3A_48, %dma_start3A_49] : memref<10000x128xf32, #tpu.memory_space<hbm>> -> memref<16x128xf32, #tpu.memory_space<hbm>>
          %dma_start3A_51 = arith.constant 9984 : i32
          %dma_start3A_52 = arith.constant 0 : i32
          %dma_start3A_53 = tpu.memref_slice %arg21[%dma_start3A_51, %dma_start3A_52] : memref<10000x128xf32, #tpu.memory_space<vmem_shared>> -> memref<16x128xf32, #tpu.memory_space<vmem_shared>>
          tpu.enqueue_dma source(%dma_start3A_53 : memref<16x128xf32, #tpu.memory_space<vmem_shared>>) target(%dma_start3A_50 : memref<16x128xf32, #tpu.memory_space<hbm>>) target_semaphore(%run_scoped3A : memref<!tpu.dma_semaphore, #tpu.memory_space<semaphore_mem>>)
          %dma_wait3A_54 = arith.constant 9984 : i32
          %dma_wait3A_55 = arith.constant 0 : i32
          %dma_wait3A_56 = tpu.memref_slice %arg8[%dma_wait3A_54, %dma_wait3A_55] : memref<10000x128xf32, #tpu.memory_space<hbm>> -> memref<16x128xf32, #tpu.memory_space<hbm>>
          %dma_wait3A_57 = arith.constant 9984 : i32
          %dma_wait3A_58 = arith.constant 0 : i32
          %dma_wait3A_59 = tpu.memref_slice %arg21[%dma_wait3A_57, %dma_wait3A_58] : memref<10000x128xf32, #tpu.memory_space<vmem_shared>> -> memref<16x128xf32, #tpu.memory_space<vmem_shared>>
          tpu.wait_dma2 semaphore(%run_scoped3A : memref<!tpu.dma_semaphore, #tpu.memory_space<semaphore_mem>>) src(%dma_wait3A_59 : memref<16x128xf32, #tpu.memory_space<vmem_shared>>) dst(%dma_wait3A_56 : memref<16x128xf32, #tpu.memory_space<hbm>>)
          tpu.yield
        }) : () -> ()
      } else {
      }
    } else {
    }
    return
  }
}

module attributes {stable_mosaic.version = 14 : i64} {
  func.func @_mm_body(%arg0: i32, %arg1: memref<1000x256xf32, #tpu.memory_space<vmem>>, %arg2: memref<256x256xf32, #tpu.memory_space<vmem>>, %arg3: memref<1000x128xf32, #tpu.memory_space<vmem>>, %arg4: memref<1000x128xf32, #tpu.memory_space<vmem>>, %arg5: memref<1000x128xf32, #tpu.memory_space<vmem>>, %arg6: memref<1000x128xf32, #tpu.memory_space<vmem>>) attributes {dimension_semantics = [#tpu.dimension_semantics<arbitrary>], iteration_bounds = array<i64: 10>, scalar_prefetch = 0 : i64, scratch_operands = 0 : i64, tpu.core_type = #tpu.core_type<tc>, window_params = [{transform_indices = @transform_0, window_bounds = array<i64: 1000, 256>}, {pipeline_mode = #tpu.pipeline_mode<synchronous>, transform_indices = @transform_1, window_bounds = array<i64: 256, 256>}, {transform_indices = @transform_2, window_bounds = array<i64: 1000, 128>}, {transform_indices = @transform_3, window_bounds = array<i64: 1000, 128>}, {transform_indices = @transform_4, window_bounds = array<i64: 1000, 128>}, {transform_indices = @transform_5, window_bounds = array<i64: 1000, 128>}]} {
    %get3A = arith.constant 0 : index
    %get3A_0 = arith.constant 0 : index
    %get3A_1 = vector.load %arg1[%get3A, %get3A_0] : memref<1000x256xf32, #tpu.memory_space<vmem>>, vector<1000x256xf32>
    %get3A_2 = arith.constant 0 : index
    %get3A_3 = arith.constant 0 : index
    %get3A_4 = vector.load %arg2[%get3A_2, %get3A_3] : memref<256x256xf32, #tpu.memory_space<vmem>>, vector<256x256xf32>
    %dot_general3A = arith.constant dense<0.000000e+00> : vector<1000x256xf32>
    %dot_general3A_5 = tpu.matmul %get3A_1, %get3A_4, %dot_general3A {dimension_numbers = #tpu.dot_dimension_numbers<[1], [0], [0], [1], [0, 0, 1, 1], [], []>, transpose_lhs_hint = false} : vector<1000x256xf32>, vector<256x256xf32>, vector<1000x256xf32> -> vector<1000x256xf32>
    %get3A_6 = arith.constant 0 : index
    %get3A_7 = arith.constant 0 : index
    %get3A_8 = vector.load %arg3[%get3A_6, %get3A_7] : memref<1000x128xf32, #tpu.memory_space<vmem>>, vector<1000x1xf32>
    %get3A_9 = arith.constant 0 : index
    %get3A_10 = arith.constant 0 : index
    %get3A_11 = vector.load %arg4[%get3A_9, %get3A_10] : memref<1000x128xf32, #tpu.memory_space<vmem>>, vector<1000x1xf32>
    %add3A = arith.addf %get3A_8, %get3A_11 : vector<1000x1xf32>
    %add3A_12 = arith.constant 1.000000e+00 : f32
    %add3A_13 = vector.broadcast %add3A_12 : f32 to vector<1000x1xf32>
    %add3A_14 = arith.addf %add3A, %add3A_13 : vector<1000x1xf32>
    %rsqrt3A = math.rsqrt %add3A_14 : vector<1000x1xf32>
    %mul3A = vector.broadcast %rsqrt3A : vector<1000x1xf32> to vector<1000x256xf32>
    %mul3A_15 = arith.mulf %dot_general3A_5, %mul3A : vector<1000x256xf32>
    %slice3A = vector.extract_strided_slice %mul3A_15 {offsets = [0, 0], sizes = [1000, 128], strides = [1, 1]} : vector<1000x256xf32> to vector<1000x128xf32>
    %swap3A = arith.constant 0 : index
    %swap3A_16 = arith.constant 0 : index
    %swap3A_17 = vector.load %arg5[%swap3A, %swap3A_16] : memref<1000x128xf32, #tpu.memory_space<vmem>>, vector<1000x128xf32>
    tpu.vector_store %arg5[%swap3A, %swap3A_16], %slice3A {strides = array<i32>} : memref<1000x128xf32, #tpu.memory_space<vmem>>, vector<1000x128xf32>,
    %slice3A_18 = vector.extract_strided_slice %mul3A_15 {offsets = [0, 128], sizes = [1000, 128], strides = [1, 1]} : vector<1000x256xf32> to vector<1000x128xf32>
    %swap3A_19 = arith.constant 0 : index
    %swap3A_20 = arith.constant 0 : index
    %swap3A_21 = vector.load %arg6[%swap3A_19, %swap3A_20] : memref<1000x128xf32, #tpu.memory_space<vmem>>, vector<1000x128xf32>
    tpu.vector_store %arg6[%swap3A_19, %swap3A_20], %slice3A_18 {strides = array<i32>} : memref<1000x128xf32, #tpu.memory_space<vmem>>, vector<1000x128xf32>,
    return
  }
  func.func @transform_0(%arg0: i32) -> (i32, i32) {
    %c0_i32 = arith.constant 0 : i32
    %c0_i32_0 = arith.constant 0 : i32
    return %arg0, %c0_i32 : i32, i32
  }
  func.func @transform_1(%arg0: i32) -> (i32, i32) {
    %c0_i32 = arith.constant 0 : i32
    %c0_i32_0 = arith.constant 0 : i32
    %c0_i32_1 = arith.constant 0 : i32
    return %c0_i32, %c0_i32_0 : i32, i32
  }
  func.func @transform_2(%arg0: i32) -> (i32, i32) {
    %c0_i32 = arith.constant 0 : i32
    %c0_i32_0 = arith.constant 0 : i32
    return %arg0, %c0_i32 : i32, i32
  }
  func.func @transform_3(%arg0: i32) -> (i32, i32) {
    %c0_i32 = arith.constant 0 : i32
    %c0_i32_0 = arith.constant 0 : i32
    return %arg0, %c0_i32 : i32, i32
  }
  func.func @transform_4(%arg0: i32) -> (i32, i32) {
    %c0_i32 = arith.constant 0 : i32
    %c0_i32_0 = arith.constant 0 : i32
    return %arg0, %c0_i32 : i32, i32
  }
  func.func @transform_5(%arg0: i32) -> (i32, i32) {
    %c0_i32 = arith.constant 0 : i32
    %c0_i32_0 = arith.constant 0 : i32
    return %arg0, %c0_i32 : i32, i32
  }
}

module attributes {stable_mosaic.version = 14 : i64} {
  func.func @_cmm_body(%arg0: i32, %arg1: memref<1000x128xf32, #tpu.memory_space<vmem>>, %arg2: memref<1000x128xf32, #tpu.memory_space<vmem>>, %arg3: memref<1000x128xf32, #tpu.memory_space<vmem>>, %arg4: memref<1000x128xf32, #tpu.memory_space<vmem>>, %arg5: memref<1000x128xf32, #tpu.memory_space<vmem>>, %arg6: memref<1000x128xf32, #tpu.memory_space<vmem>>, %arg7: memref<1x256xf32, #tpu.memory_space<vmem>>, %arg8: memref<256x256xf32, #tpu.memory_space<vmem>>, %arg9: memref<1000x128xf32, #tpu.memory_space<vmem>>, %arg10: memref<1000x128xf32, #tpu.memory_space<vmem>>) attributes {dimension_semantics = [#tpu.dimension_semantics<arbitrary>], iteration_bounds = array<i64: 10>, scalar_prefetch = 0 : i64, scratch_operands = 0 : i64, tpu.core_type = #tpu.core_type<tc>, window_params = [{transform_indices = @transform_0, window_bounds = array<i64: 1000, 128>}, {transform_indices = @transform_1, window_bounds = array<i64: 1000, 128>}, {transform_indices = @transform_2, window_bounds = array<i64: 1000, 128>}, {transform_indices = @transform_3, window_bounds = array<i64: 1000, 128>}, {transform_indices = @transform_4, window_bounds = array<i64: 1000, 128>}, {transform_indices = @transform_5, window_bounds = array<i64: 1000, 128>}, {pipeline_mode = #tpu.pipeline_mode<synchronous>, transform_indices = @transform_6, window_bounds = array<i64: 1, 256>}, {pipeline_mode = #tpu.pipeline_mode<synchronous>, transform_indices = @transform_7, window_bounds = array<i64: 256, 256>}, {transform_indices = @transform_8, window_bounds = array<i64: 1000, 128>}, {transform_indices = @transform_9, window_bounds = array<i64: 1000, 128>}]} {
    %get3A = arith.constant 0 : index
    %get3A_0 = arith.constant 0 : index
    %get3A_1 = vector.load %arg5[%get3A, %get3A_0] : memref<1000x128xf32, #tpu.memory_space<vmem>>, vector<1000x1xf32>
    %get3A_2 = arith.constant 0 : index
    %get3A_3 = arith.constant 0 : index
    %get3A_4 = vector.load %arg6[%get3A_2, %get3A_3] : memref<1000x128xf32, #tpu.memory_space<vmem>>, vector<1000x1xf32>
    %add3A = arith.addf %get3A_1, %get3A_4 : vector<1000x1xf32>
    %add3A_5 = arith.constant 1.000000e+00 : f32
    %add3A_6 = vector.broadcast %add3A_5 : f32 to vector<1000x1xf32>
    %add3A_7 = arith.addf %add3A, %add3A_6 : vector<1000x1xf32>
    %rsqrt3A = math.rsqrt %add3A_7 : vector<1000x1xf32>
    %get3A_8 = arith.constant 0 : index
    %get3A_9 = arith.constant 0 : index
    %get3A_10 = vector.load %arg7[%get3A_8, %get3A_9] : memref<1x256xf32, #tpu.memory_space<vmem>>, vector<1x256xf32>
    %get3A_11 = arith.constant 0 : index
    %get3A_12 = arith.constant 0 : index
    %get3A_13 = vector.load %arg1[%get3A_11, %get3A_12] : memref<1000x128xf32, #tpu.memory_space<vmem>>, vector<1000x128xf32>
    %get3A_14 = arith.constant 0 : index
    %get3A_15 = arith.constant 0 : index
    %get3A_16 = vector.load %arg3[%get3A_14, %get3A_15] : memref<1000x128xf32, #tpu.memory_space<vmem>>, vector<1000x128xf32>
    %add3A_17 = arith.addf %get3A_13, %get3A_16 : vector<1000x128xf32>
    %mul3A = vector.broadcast %rsqrt3A : vector<1000x1xf32> to vector<1000x128xf32>
    %mul3A_18 = arith.mulf %add3A_17, %mul3A : vector<1000x128xf32>
    %slice3A = vector.extract_strided_slice %get3A_10 {offsets = [0, 0], sizes = [1, 128], strides = [1, 1]} : vector<1x256xf32> to vector<1x128xf32>
    %add3A_19 = vector.broadcast %slice3A : vector<1x128xf32> to vector<1000x128xf32>
    %add3A_20 = arith.addf %mul3A_18, %add3A_19 : vector<1000x128xf32>
    %max3A = arith.constant 0.000000e+00 : f32
    %max3A_21 = vector.broadcast %max3A : f32 to vector<1000x128xf32>
    %max3A_22 = arith.maximumf %add3A_20, %max3A_21 : vector<1000x128xf32>
    %get3A_23 = arith.constant 0 : index
    %get3A_24 = arith.constant 0 : index
    %get3A_25 = vector.load %arg2[%get3A_23, %get3A_24] : memref<1000x128xf32, #tpu.memory_space<vmem>>, vector<1000x128xf32>
    %get3A_26 = arith.constant 0 : index
    %get3A_27 = arith.constant 0 : index
    %get3A_28 = vector.load %arg4[%get3A_26, %get3A_27] : memref<1000x128xf32, #tpu.memory_space<vmem>>, vector<1000x128xf32>
    %add3A_29 = arith.addf %get3A_25, %get3A_28 : vector<1000x128xf32>
    %mul3A_30 = vector.broadcast %rsqrt3A : vector<1000x1xf32> to vector<1000x128xf32>
    %mul3A_31 = arith.mulf %add3A_29, %mul3A_30 : vector<1000x128xf32>
    %slice3A_32 = vector.extract_strided_slice %get3A_10 {offsets = [0, 128], sizes = [1, 128], strides = [1, 1]} : vector<1x256xf32> to vector<1x128xf32>
    %add3A_33 = vector.broadcast %slice3A_32 : vector<1x128xf32> to vector<1000x128xf32>
    %add3A_34 = arith.addf %mul3A_31, %add3A_33 : vector<1000x128xf32>
    %max3A_35 = arith.constant 0.000000e+00 : f32
    %max3A_36 = vector.broadcast %max3A_35 : f32 to vector<1000x128xf32>
    %max3A_37 = arith.maximumf %add3A_34, %max3A_36 : vector<1000x128xf32>
    %concatenate3A = tpu.concatenate %max3A_22, %max3A_37 in 1 : vector<1000x128xf32>, vector<1000x128xf32> -> vector<1000x256xf32>
    %get3A_38 = arith.constant 0 : index
    %get3A_39 = arith.constant 0 : index
    %get3A_40 = vector.load %arg8[%get3A_38, %get3A_39] : memref<256x256xf32, #tpu.memory_space<vmem>>, vector<256x256xf32>
    %dot_general3A = arith.constant dense<0.000000e+00> : vector<1000x256xf32>
    %dot_general3A_41 = tpu.matmul %concatenate3A, %get3A_40, %dot_general3A {dimension_numbers = #tpu.dot_dimension_numbers<[1], [0], [0], [1], [0, 0, 1, 1], [], []>, transpose_lhs_hint = false} : vector<1000x256xf32>, vector<256x256xf32>, vector<1000x256xf32> -> vector<1000x256xf32>
    %mul3A_42 = vector.broadcast %rsqrt3A : vector<1000x1xf32> to vector<1000x256xf32>
    %mul3A_43 = arith.mulf %dot_general3A_41, %mul3A_42 : vector<1000x256xf32>
    %slice3A_44 = vector.extract_strided_slice %mul3A_43 {offsets = [0, 0], sizes = [1000, 128], strides = [1, 1]} : vector<1000x256xf32> to vector<1000x128xf32>
    %swap3A = arith.constant 0 : index
    %swap3A_45 = arith.constant 0 : index
    %swap3A_46 = vector.load %arg9[%swap3A, %swap3A_45] : memref<1000x128xf32, #tpu.memory_space<vmem>>, vector<1000x128xf32>
    tpu.vector_store %arg9[%swap3A, %swap3A_45], %slice3A_44 {strides = array<i32>} : memref<1000x128xf32, #tpu.memory_space<vmem>>, vector<1000x128xf32>,
    %slice3A_47 = vector.extract_strided_slice %mul3A_43 {offsets = [0, 128], sizes = [1000, 128], strides = [1, 1]} : vector<1000x256xf32> to vector<1000x128xf32>
    %swap3A_48 = arith.constant 0 : index
    %swap3A_49 = arith.constant 0 : index
    %swap3A_50 = vector.load %arg10[%swap3A_48, %swap3A_49] : memref<1000x128xf32, #tpu.memory_space<vmem>>, vector<1000x128xf32>
    tpu.vector_store %arg10[%swap3A_48, %swap3A_49], %slice3A_47 {strides = array<i32>} : memref<1000x128xf32, #tpu.memory_space<vmem>>, vector<1000x128xf32>,
    return
  }
  func.func @transform_0(%arg0: i32) -> (i32, i32) {
    %c0_i32 = arith.constant 0 : i32
    %c0_i32_0 = arith.constant 0 : i32
    return %arg0, %c0_i32 : i32, i32
  }
  func.func @transform_1(%arg0: i32) -> (i32, i32) {
    %c0_i32 = arith.constant 0 : i32
    %c0_i32_0 = arith.constant 0 : i32
    return %arg0, %c0_i32 : i32, i32
  }
  func.func @transform_2(%arg0: i32) -> (i32, i32) {
    %c0_i32 = arith.constant 0 : i32
    %c0_i32_0 = arith.constant 0 : i32
    return %arg0, %c0_i32 : i32, i32
  }
  func.func @transform_3(%arg0: i32) -> (i32, i32) {
    %c0_i32 = arith.constant 0 : i32
    %c0_i32_0 = arith.constant 0 : i32
    return %arg0, %c0_i32 : i32, i32
  }
  func.func @transform_4(%arg0: i32) -> (i32, i32) {
    %c0_i32 = arith.constant 0 : i32
    %c0_i32_0 = arith.constant 0 : i32
    return %arg0, %c0_i32 : i32, i32
  }
  func.func @transform_5(%arg0: i32) -> (i32, i32) {
    %c0_i32 = arith.constant 0 : i32
    %c0_i32_0 = arith.constant 0 : i32
    return %arg0, %c0_i32 : i32, i32
  }
  func.func @transform_6(%arg0: i32) -> (i32, i32) {
    %c0_i32 = arith.constant 0 : i32
    %c0_i32_0 = arith.constant 0 : i32
    %c0_i32_1 = arith.constant 0 : i32
    return %c0_i32, %c0_i32_0 : i32, i32
  }
  func.func @transform_7(%arg0: i32) -> (i32, i32) {
    %c0_i32 = arith.constant 0 : i32
    %c0_i32_0 = arith.constant 0 : i32
    %c0_i32_1 = arith.constant 0 : i32
    return %c0_i32, %c0_i32_0 : i32, i32
  }
  func.func @transform_8(%arg0: i32) -> (i32, i32) {
    %c0_i32 = arith.constant 0 : i32
    %c0_i32_0 = arith.constant 0 : i32
    return %arg0, %c0_i32 : i32, i32
  }
  func.func @transform_9(%arg0: i32) -> (i32, i32) {
    %c0_i32 = arith.constant 0 : i32
    %c0_i32_0 = arith.constant 0 : i32
    return %arg0, %c0_i32 : i32, i32
  }
}

module attributes {stable_mosaic.version = 14 : i64} {
  func.func @_comb_body(%arg0: i32, %arg1: memref<1000x128xf32, #tpu.memory_space<vmem>>, %arg2: memref<1000x128xf32, #tpu.memory_space<vmem>>, %arg3: memref<1000x128xf32, #tpu.memory_space<vmem>>, %arg4: memref<1000x128xf32, #tpu.memory_space<vmem>>, %arg5: memref<1000x128xf32, #tpu.memory_space<vmem>>, %arg6: memref<1000x128xf32, #tpu.memory_space<vmem>>, %arg7: memref<1x256xf32, #tpu.memory_space<vmem>>, %arg8: memref<1000x256xf32, #tpu.memory_space<vmem>>) attributes {dimension_semantics = [#tpu.dimension_semantics<arbitrary>], iteration_bounds = array<i64: 10>, scalar_prefetch = 0 : i64, scratch_operands = 0 : i64, tpu.core_type = #tpu.core_type<tc>, window_params = [{transform_indices = @transform_0, window_bounds = array<i64: 1000, 128>}, {transform_indices = @transform_1, window_bounds = array<i64: 1000, 128>}, {transform_indices = @transform_2, window_bounds = array<i64: 1000, 128>}, {transform_indices = @transform_3, window_bounds = array<i64: 1000, 128>}, {transform_indices = @transform_4, window_bounds = array<i64: 1000, 128>}, {transform_indices = @transform_5, window_bounds = array<i64: 1000, 128>}, {pipeline_mode = #tpu.pipeline_mode<synchronous>, transform_indices = @transform_6, window_bounds = array<i64: 1, 256>}, {transform_indices = @transform_7, window_bounds = array<i64: 1000, 256>}]} {
    %get3A = arith.constant 0 : index
    %get3A_0 = arith.constant 0 : index
    %get3A_1 = vector.load %arg5[%get3A, %get3A_0] : memref<1000x128xf32, #tpu.memory_space<vmem>>, vector<1000x1xf32>
    %get3A_2 = arith.constant 0 : index
    %get3A_3 = arith.constant 0 : index
    %get3A_4 = vector.load %arg6[%get3A_2, %get3A_3] : memref<1000x128xf32, #tpu.memory_space<vmem>>, vector<1000x1xf32>
    %add3A = arith.addf %get3A_1, %get3A_4 : vector<1000x1xf32>
    %add3A_5 = arith.constant 1.000000e+00 : f32
    %add3A_6 = vector.broadcast %add3A_5 : f32 to vector<1000x1xf32>
    %add3A_7 = arith.addf %add3A, %add3A_6 : vector<1000x1xf32>
    %rsqrt3A = math.rsqrt %add3A_7 : vector<1000x1xf32>
    %get3A_8 = arith.constant 0 : index
    %get3A_9 = arith.constant 0 : index
    %get3A_10 = vector.load %arg7[%get3A_8, %get3A_9] : memref<1x256xf32, #tpu.memory_space<vmem>>, vector<1x256xf32>
    %get3A_11 = arith.constant 0 : index
    %get3A_12 = arith.constant 0 : index
    %get3A_13 = vector.load %arg1[%get3A_11, %get3A_12] : memref<1000x128xf32, #tpu.memory_space<vmem>>, vector<1000x128xf32>
    %get3A_14 = arith.constant 0 : index
    %get3A_15 = arith.constant 0 : index
    %get3A_16 = vector.load %arg3[%get3A_14, %get3A_15] : memref<1000x128xf32, #tpu.memory_space<vmem>>, vector<1000x128xf32>
    %add3A_17 = arith.addf %get3A_13, %get3A_16 : vector<1000x128xf32>
    %mul3A = vector.broadcast %rsqrt3A : vector<1000x1xf32> to vector<1000x128xf32>
    %mul3A_18 = arith.mulf %add3A_17, %mul3A : vector<1000x128xf32>
    %slice3A = vector.extract_strided_slice %get3A_10 {offsets = [0, 0], sizes = [1, 128], strides = [1, 1]} : vector<1x256xf32> to vector<1x128xf32>
    %add3A_19 = vector.broadcast %slice3A : vector<1x128xf32> to vector<1000x128xf32>
    %add3A_20 = arith.addf %mul3A_18, %add3A_19 : vector<1000x128xf32>
    %max3A = arith.constant 0.000000e+00 : f32
    %max3A_21 = vector.broadcast %max3A : f32 to vector<1000x128xf32>
    %max3A_22 = arith.maximumf %add3A_20, %max3A_21 : vector<1000x128xf32>
    %get3A_23 = arith.constant 0 : index
    %get3A_24 = arith.constant 0 : index
    %get3A_25 = vector.load %arg2[%get3A_23, %get3A_24] : memref<1000x128xf32, #tpu.memory_space<vmem>>, vector<1000x128xf32>
    %get3A_26 = arith.constant 0 : index
    %get3A_27 = arith.constant 0 : index
    %get3A_28 = vector.load %arg4[%get3A_26, %get3A_27] : memref<1000x128xf32, #tpu.memory_space<vmem>>, vector<1000x128xf32>
    %add3A_29 = arith.addf %get3A_25, %get3A_28 : vector<1000x128xf32>
    %mul3A_30 = vector.broadcast %rsqrt3A : vector<1000x1xf32> to vector<1000x128xf32>
    %mul3A_31 = arith.mulf %add3A_29, %mul3A_30 : vector<1000x128xf32>
    %slice3A_32 = vector.extract_strided_slice %get3A_10 {offsets = [0, 128], sizes = [1, 128], strides = [1, 1]} : vector<1x256xf32> to vector<1x128xf32>
    %add3A_33 = vector.broadcast %slice3A_32 : vector<1x128xf32> to vector<1000x128xf32>
    %add3A_34 = arith.addf %mul3A_31, %add3A_33 : vector<1000x128xf32>
    %max3A_35 = arith.constant 0.000000e+00 : f32
    %max3A_36 = vector.broadcast %max3A_35 : f32 to vector<1000x128xf32>
    %max3A_37 = arith.maximumf %add3A_34, %max3A_36 : vector<1000x128xf32>
    %concatenate3A = tpu.concatenate %max3A_22, %max3A_37 in 1 : vector<1000x128xf32>, vector<1000x128xf32> -> vector<1000x256xf32>
    %swap3A = arith.constant 0 : index
    %swap3A_38 = arith.constant 0 : index
    %swap3A_39 = vector.load %arg8[%swap3A, %swap3A_38] : memref<1000x256xf32, #tpu.memory_space<vmem>>, vector<1000x256xf32>
    tpu.vector_store %arg8[%swap3A, %swap3A_38], %concatenate3A {strides = array<i32>} : memref<1000x256xf32, #tpu.memory_space<vmem>>, vector<1000x256xf32>,
    return
  }
  func.func @transform_0(%arg0: i32) -> (i32, i32) {
    %c0_i32 = arith.constant 0 : i32
    %c0_i32_0 = arith.constant 0 : i32
    return %arg0, %c0_i32 : i32, i32
  }
  func.func @transform_1(%arg0: i32) -> (i32, i32) {
    %c0_i32 = arith.constant 0 : i32
    %c0_i32_0 = arith.constant 0 : i32
    return %arg0, %c0_i32 : i32, i32
  }
  func.func @transform_2(%arg0: i32) -> (i32, i32) {
    %c0_i32 = arith.constant 0 : i32
    %c0_i32_0 = arith.constant 0 : i32
    return %arg0, %c0_i32 : i32, i32
  }
  func.func @transform_3(%arg0: i32) -> (i32, i32) {
    %c0_i32 = arith.constant 0 : i32
    %c0_i32_0 = arith.constant 0 : i32
    return %arg0, %c0_i32 : i32, i32
  }
  func.func @transform_4(%arg0: i32) -> (i32, i32) {
    %c0_i32 = arith.constant 0 : i32
    %c0_i32_0 = arith.constant 0 : i32
    return %arg0, %c0_i32 : i32, i32
  }
  func.func @transform_5(%arg0: i32) -> (i32, i32) {
    %c0_i32 = arith.constant 0 : i32
    %c0_i32_0 = arith.constant 0 : i32
    return %arg0, %c0_i32 : i32, i32
  }
  func.func @transform_6(%arg0: i32) -> (i32, i32) {
    %c0_i32 = arith.constant 0 : i32
    %c0_i32_0 = arith.constant 0 : i32
    %c0_i32_1 = arith.constant 0 : i32
    return %c0_i32, %c0_i32_0 : i32, i32
  }
  func.func @transform_7(%arg0: i32) -> (i32, i32) {
    %c0_i32 = arith.constant 0 : i32
    %c0_i32_0 = arith.constant 0 : i32
    return %arg0, %c0_i32 : i32, i32
  }
}

</mosaic_0001>

<sc_bundles>
// kernel: kernel.10.cloned.1.call-start
scs
__scs_entry_jumppad:
0x0: {  	(pc) =	sbr.rel $0x88, $3  }
0x1: {  	(tag) =	ssettag $0x0;
	lr =	simm.s32 $0x1  }
0x2: {  	[smem:$0x3F99] =	sst lr;
	_ =	strace $0xD0000000  }
0x3: {  	_ = 	snop  }
0x4: {  	_ = 	snop  }
0x5: {  	_ = 	snop  }
0x6: {  	_ = 	snop  }
0x7: {  	_ = 	snop  }
__scs_overlays_trampoline_lowered:
0x8: {  	[smem:$0x3FA8] =	sst s0  }
0x9: {  	[smem:$0x3FA9] =	sst s1  }
0xa: {  	[smem:$0x3FAA] =	sst s2  }
0xb: {  	[smem:$0x3FAB] =	sst s3  }
0xc: {  	[smem:$0x3FAC] =	sst s4  }
0xd: {  	[smem:$0x3FAD] =	sst s5  }
0xe: {  	[smem:$0x3FAE] =	sst s6  }
0xf: {  	[smem:$0x3FAF] =	sst s7  }
0x10: {  	[smem:$0x3FB0] =	sst s8  }
0x11: {  	[smem:$0x3FB1] =	sst s9;
	s0 =	simm.s32 @!p0 $0x0  }
0x12: {  	s1 =	sld [smem:$0x3F97];
	s0 =	simm.s32 @p0 $0x1  }
0x13: {  	[smem:$0x3FB2] =	sst s0;
	s0 =	simm.s32 @!p1 $0x0  }
0x14: {  	s2 =	sld [smem:$0x3F96];
	s0 =	simm.s32 @p1 $0x1  }
0x15: {  	[smem:$0x3FB3] =	sst s0;
	s0 =	simm.s32 @!p2 $0x0  }
0x16: {  	s3 =	sld [smem:$0x3FDB];
	s0 =	simm.s32 @p2 $0x1  }
0x17: {  	s4 =	simm.s32 $0x1BF5;
	[smem:$0x3FB5] =	sst s0  }
0x18: {  	s0 =	sld [smem:$0x3F98];
	_ =	swait.ge [sflag:s4], $0x0  }
0x19: {  	s7 =	sld [smem:$0x3F99]  }
0x1a: {  	s8 =	sadd.s32 $0xFFFFE003, lr  }
0x1b: {  	s9 =	sadd.s32 $0xFFFFFEF7, lr;
	s5 =	simm.s32 $0xFFFFFFFF;
	p2 =	slt.u32 s8, $0xFFFFF086  }
0x1c: {  	p1 =	slt.u32 s9, $0xF7A;
	s5 =	simm.s32 @!p2 $0x0  }
0x1d: {  	s5 =	simm.s32 @p1 $0x1;
	p0 =	seq.s32 s7, s2  }
0x1e: {  	s7 =	smul.u32 @!p0 $0xF7A, s2;
	p2 =	seq.s32 @!p0 s5, $0x0  }
0x1f: {  	s9 =	smul.u32 $0xF7A, s1;
	s8 =	simm.s32 @!p0 $0x1BF5;
	p2 =	por !p2, p0  }
0x20: {  	[sflag:s8] =	ssyncset.s32 @!p0 $0xFFFFF086;
	s6 =	sadd.s32 @!p0 s3, s7;
	s7 =	simm.s32 @!p0 $0x108  }
0x21: {  	s3 =	sadd.s32 s3, s9;
	s6 =	sadd.s32 @!p0 $0x88, s6;
	s7 =	simm.s32 @p2 $0x1082  }
0x22: {  	[simem:s7], [sflag:s8] =	dma.local @!p0 [hbm:s6], $0xF7A  }
0x23: {  	s9 =	sor.u32 $0xD0000000, s2;
	s6 =	simm.s32 $0x108;
	_ =	swait.ge @!p0 [sflag:s8], $0x0  }
0x24: {  	s3 =	sadd.s32 $0x88, s3;
	s6 =	simm.s32 @!p1 $0x1082;
	[sflag:s4] =	ssyncset.s32 $0xFFFFF086  }
0x25: {  	[simem:s6], [sflag:s4] =	dma.local [hbm:s3], $0xF7A  }
0x26: {  	[smem:$0x3F99] =	sst s1;
	(tag) =	ssettag s2;
	_ =	strace s9  }
0x27: {  	s1 =	sld [smem:$0x3FA9]  }
0x28: {  	s2 =	sld [smem:$0x3FAA]  }
0x29: {  	s4 =	sld [smem:$0x3FAC]  }
0x2a: {  	p0 =	seq.s32 s5, $0x0;
	s5 =	sld [smem:$0x3FAD]  }
0x2b: {  	s6 =	sld [smem:$0x3FAE]  }
0x2c: {  	s7 =	sld [smem:$0x3FAF]  }
0x2d: {  	s3 =	simm.s32 $0x108;
	s8 =	sld [smem:$0x3FB0]  }
0x2e: {  	s3 =	simm.s32 @!p0 $0x1082;
	s9 =	sld [smem:$0x3FB1]  }
0x2f: {  	lr =	sadd.s32 s0, s3;
	s0 =	sld [smem:$0x3FA8]  }
0x30: {  	s3 =	sld [smem:$0x3FAB]  }
0x31: {  	[smem:$0x3FB4] =	sst s10  }
0x32: {  	s10 =	sld [smem:$0x3FB2];
	_ =	sdelay $0x3  }
0x33: {  	p0 =	seq.s32 s10, $0x1;
	s10 =	sld [smem:$0x3FB4];
	_ =	sdelay $0x3  }
0x34: {  	[smem:$0x3FB4] =	sst s10  }
0x35: {  	s10 =	sld [smem:$0x3FB3];
	_ =	sdelay $0x3  }
0x36: {  	p1 =	seq.s32 s10, $0x1;
	s10 =	sld [smem:$0x3FB4];
	_ =	sdelay $0x3  }
0x37: {  	[smem:$0x3FB4] =	sst s10  }
0x38: {  	s10 =	sld [smem:$0x3FB5]  }
0x39: {  	_ = 	snop;
	(pc) =	sbr.ind lr, $3  }
0x3a: {  	_ = 	snop  }
0x3b: {  	_ = 	snop  }
0x3c: {  	p2 =	seq.s32 s10, $0x1;
	s10 =	sld [smem:$0x3FB4]  }
0x3d: {  	_ =	shalt  }
0x3e: {  	_ =	shalt  }
0x3f: {  	_ =	shalt  }
0x40: {  	_ =	shalt  }
0x41: {  	_ =	shalt  }
0x42: {  	_ =	shalt  }
0x43: {  	_ =	shalt  }
0x44: {  	_ =	shalt  }
0x45: {  	_ =	shalt  }
0x46: {  	_ =	shalt  }
0x47: {  	_ =	shalt  }
0x48: {  	_ =	shalt  }
0x49: {  	_ =	shalt  }
0x4a: {  	_ =	shalt  }
0x4b: {  	_ =	shalt  }
0x4c: {  	_ =	shalt  }
0x4d: {  	_ =	shalt  }
0x4e: {  	_ =	shalt  }
0x4f: {  	_ =	shalt  }
0x50: {  	_ =	shalt  }
0x51: {  	_ =	shalt  }
0x52: {  	_ =	shalt  }
0x53: {  	_ =	shalt  }
0x54: {  	_ =	shalt  }
0x55: {  	_ =	shalt  }
0x56: {  	_ =	shalt  }
0x57: {  	_ =	shalt  }
0x58: {  	_ =	shalt  }
0x59: {  	_ =	shalt  }
0x5a: {  	_ =	shalt  }
0x5b: {  	_ =	shalt  }
0x5c: {  	_ =	shalt  }
0x5d: {  	_ =	shalt  }
0x5e: {  	_ =	shalt  }
0x5f: {  	_ =	shalt  }
0x60: {  	_ =	shalt  }
0x61: {  	_ =	shalt  }
0x62: {  	_ =	shalt  }
0x63: {  	_ =	shalt  }
0x64: {  	_ =	shalt  }
0x65: {  	_ =	shalt  }
0x66: {  	_ =	shalt  }
0x67: {  	_ =	shalt  }
0x68: {  	_ =	shalt  }
0x69: {  	_ =	shalt  }
0x6a: {  	_ =	shalt  }
0x6b: {  	_ =	shalt  }
0x6c: {  	_ =	shalt  }
0x6d: {  	_ =	shalt  }
0x6e: {  	_ =	shalt  }
0x6f: {  	_ =	shalt  }
0x70: {  	_ =	shalt  }
0x71: {  	_ =	shalt  }
0x72: {  	_ =	shalt  }
0x73: {  	_ =	shalt  }
0x74: {  	_ =	shalt  }
0x75: {  	_ =	shalt  }
0x76: {  	_ =	shalt  }
0x77: {  	_ =	shalt  }
0x78: {  	_ =	shalt  }
0x79: {  	_ =	shalt  }
0x7a: {  	_ =	shalt  }
0x7b: {  	_ =	shalt  }
0x7c: {  	_ =	shalt  }
0x7d: {  	_ =	shalt  }
0x7e: {  	_ =	shalt  }
0x7f: {  	_ =	shalt  }
0x80: {  	_ =	shalt  }
0x81: {  	_ =	shalt  }
0x82: {  	_ =	shalt  }
0x83: {  	_ =	shalt  }
0x84: {  	_ =	shalt  }
0x85: {  	_ =	shalt  }
0x86: {  	_ =	shalt  }
0x87: {  	_ =	shalt  }
.Lfunc_end0:
.L_simem_size_0:
called_computation_lowered:
.L_overlay_start_0:
0x88: {  	s2 =	sld [smem:$0x3FD9]  }
0x89: {  	s3 =	sld [smem:$0x3FFE];
	_ =	sdelay $0x1  }
0x8a: {  	s1 =	srdreg.scid  }
0x8b: {  	s0 =	sand.u32 $0x1, s1  }
0x8c: {  	s17 =	sshll.u32 s0, $0xA;
	s2 =	sadd.s32 s3, s2  }
0x8d: {  	s2 =	sadd.s32 s2, s17  }
0x8e: {  	[smem:$0x3FC0] =	sst s2  }
0x8f: {  	_ = 	snop  }
0x90: {  	s2 =	sld [smem:$0x3FD0];
	(tm) =	ssettm $0x1  }
0x91: {  	s18 =	sld [smem:$0x3FFB];
	_ =	sdelay $0x3  }
0x92: {  	_ =	strace s18  }
0x93: {  	s3 =	sld [smem:$0x3FFC];
	_ =	sdelay $0x3  }
0x94: {  	_ =	strace s3  }
0x95: {  	s3 =	sld [smem:$0x3FFD];
	_ =	sdelay $0x3  }
0x96: {  	_ =	strace s3  }
0x97: {  	_ =	strace $0x8FFFFFFF  }
0x98: {  	s19 =	sld [smem:$0x3FDB];
	_ =	sdelay $0x1  }
0x99: {  	s4 =	simm.s32 $_scs_section_size  }
0x9a: {  	s5 =	simm.s32 $_size__tile_overlayer_lowered;
	s6 =	simm.s32 $_tile_overlayer_lowered  }
0x9b: {  	s22 =	simm.s32 $0x1BFF;
	s21 =	sshll.u32 s6, $0x1;
	s3 =	sadd.s32 s4, s19  }
0x9c: {  	s7 =	simm.s32 $0x0;
	s20 =	sshll.u32 s5, $0x1;
	s5 =	sadd.s32 s21, s3  }
0x9d: {  	[timem:s7], [sflag:s22] =	dma.local [hbm:s5], s20  }
0x9e: {  	_ =	swait.ge [sflag:s22], s20  }
0x9f: {  	s4 =	ssub.s32 $0x0, s20;
	[sflag:s22] =	ssyncset.done $0x0  }
0xa0: {  	[sflag:s22] =	ssyncadd.s32 s4;
	_ =	sdelay $0x1  }
0xa1: {  	s23 =	simm.s32 $0x1B8B  }
0xa2: {  	_ =	swait.ge [sflag:s23], $0x1  }
0xa3: {  	[sflag:s23] =	ssyncset.done $0x0  }
0xa4: {  	s25 =	simm.s32 $0x1B8E;
	s24 =	sld [smem:$0x3FFE];
	[sflag:s23] =	ssyncadd.s32 $0xFFFFFFFF  }
0xa5: {  	s26 =	simm.s32 $execute0_lowered;
	[smem:$0x3FD2] =	sst s25  }
0xa6: {  	s5 =	sshll.u32 s26, $0x1;
	_ =	strace $0x80000046;
	[dreg:$0x1] =	wrdreg $0xFFFFFFFF  }
0xa7: {  	s28 =	simm.s32 $_size_execute0_lowered;
	s3 =	sadd.s32 s3, s5;
	[dreg:$0x0] =	wrdreg $0x0  }
0xa8: {  	s5 =	sshll.u32 s28, $0x1;
	[dreg:$0x2] =	wrdreg s3  }
0xa9: {  	[dreg:$0x3] =	wrdreg s5  }
0xaa: {  	[dreg:$0x4] =	wrdreg $0xC0  }
0xab: {  	_ =	task [dreg:s7], $0x5FFFF  }
0xac: {  	[dreg:$0x1] =	wrdreg $0xFFFFFFFF  }
0xad: {  	[dreg:$0x0] =	wrdreg $0x60  }
0xae: {  	[dreg:$0x2] =	wrdreg s24  }
0xaf: {  	[dreg:$0x3] =	wrdreg s2  }
0xb0: {  	[dreg:$0x4] =	wrdreg $0x41800  }
0xb1: {  	[dreg:$0x5] =	wrdreg $0x9  }
0xb2: {  	_ =	task.clear_ibuf [dreg:s7], $0x6FFFF;
	_ =	strace $0x90000046  }
0xb3: {  	s29 =	simm.s32 $0x9;
	_ =	strace $0x80000048  }
0xb4: {  	_ =	swait.ge [sflag:s29], $0x1  }
0xb5: {  	[sflag:s29] =	ssyncadd.s32 $0xFFFFFFFF  }
0xb6: {  	_ =	strace $0x90000048  }
0xb7: {  	_ =	sfence  }
0xb8: {  	s30 =	sld [smem:$0x0];
	_ =	sdelay $0x2  }
0xb9: {  	s31 =	sshll.u32 s1, $0xD;
	s1 =	sshrl.u32 s1, $0x2  }
0xba: {  	s3 =	sand.u32 $0x4000, s31;
	s1 =	sadd.s32 s1, s30  }
0xbb: {  	s0 =	sor.u32 s3, s0;
	s1 =	sshll.u32 s1, $0x11  }
0xbc: {  	s0 =	sor.u32 s1, s0  }
0xbd: {  	s0 =	sadd.s32 $0x8F2B, s0  }
0xbe: {  	[sflag:s0] =	ssyncadd.remote.s32 $0x1  }
0xbf: {  	_ =	sfence.sel $0xFFFF  }
0xc0: {  	[dreg:$0x0] =	wrdreg $0xFFFFFFFF;
	(pc) =	sbr.abs _section_cstart, $3  }
0xc1: {  	[dreg:$0x1] =	wrdreg $0xFFFFFFFF  }
0xc2: {  	_ =	task.clear_ibuf [dreg:s7], $0x2FFFF;
	_ =	strace $0x9FFFFFFF  }
0xc3: {  	(tm) =	ssettm $0x7FFFFFFF  }
tec
execute0_lowered:
.L_overlay_start_1:
0x0: {  	(tag) =	ssettag $0x1  }
0x1: {  	s0 =	rddreg [dreg:$0x0]  }
0x2: {  	s12 =	rddreg [dreg:$0x1]  }
0x3: {  	s1 =	rddreg [dreg:$0x2];
	s2 =	simm.s32 $0x0  }
0x4: {  	s5 =	srdreg.scid;
	s3 =	stileid.u32;
	s28 =	simm.s32 $0x100  }
0x5: {  	s29 =	simm.s32 $0x8;
	s30 =	simm.s32 $0x0;
	s13 =	smul.u32 $0x1388, s3  }
0x6: {  	[smem:$0x7FF] =	sst s2;
	s4 =	sadd.s32 $0x9A00, s0;
	s11 =	smul.u32 $0x4E000, s3  }
0x7: {  	s8 =	sand.u32 $0x1, s5;
	s5 =	sadd.s32 $0xEA00, s0;
	s14 =	smul.u32 $0x2700, s3  }
0x8: {  	s6 =	sadd.s32 $0xF200, s0;
	s7 =	sadd.s32 $0x36400, s0;
	s16 =	smul.u32 $0x271, s3  }
0x9: {  	p1 =	sne.s32 s3, $0xF;
	p2 =	seq.s32 s3, $0xF;
	_ =	strace $0x80000047  }
0xa: {  	s9 =	ssub.s32 $0x2, s8;
	s15 =	smul.u32 $0x13880, s8;
	p0 =	seq.s32 s8, $0x1  }
0xb: {  	[dreg:$0x4] =	wrdreg s6;
	s10 =	sshrl.u32 s9, $0x1;
	s20 =	sshrl.u32 s13, $0x3  }
0xc: {  	s21 =	sshrl.u32 s11, $0x2;
	s11 =	sadd.s32 $0x138000, s1;
	s6 =	sadd.s32 s6, s14  }
0xd: {  	s25 =	sadd.s32 s7, s14;
	s19 =	ssub.s32 s9, s10;
	s8 =	sadd.s32 s4, s20  }
0xe: {  	s9 =	sadd.s32 s21, s1;
	s10 =	sadd.s32 s12, s14;
	[dreg:$0x6] =	wrdreg s6  }
0xf: {  	s13 =	sadd.s32 s13, s15;
	s12 =	sadd.s32 $0x27000, s12;
	[dreg:$0x8] =	wrdreg s25  }
0x10: {  	s25 =	simm.s32 $0x2;
	s22 =	sadd.s32 $0x270, s8;
	s23 =	sshrl.u32 s13, $0x3  }
.Ltmp0:
0x11: {  	s26 =	sadd.s32 $0x80, s13;
	s18 =	smax.u32 s19, $0x1;
	(pc) =	sbr.rel .LBB2_1-.Ltmp0, $4  }
0x12: {  	s19 =	sadd.s32 s16, s4;
	s20 =	sadd.s32 $0x100, s13;
	[dreg:$0x5] =	wrdreg s22  }
0x13: {  	s15 =	sadd.s32 s4, s23;
	s31 =	sshrl.u32 s26, $0x3;
	s22 =	simm.s32 $0x180  }
0x14: {  	s23 =	simm.s32 $0x3;
	s26 =	simm.s32 $0x80;
	s24 =	sadd.s32 $0x270, s15  }
0x15: {  	s21 =	sadd.s32 s31, s4;
	[dreg:$0x7] =	wrdreg s24;
	s24 =	simm.s32 $0x1  }
.LBB2_8:
0x16: {  	s0 =	sadd.s32 $0x27000, s0;
	s6 =	sshrl.u32 s11, $0x3  }
0x17: {  	[hbm:s0], [sflag:s31] =	dma.local [spmem:s6], $0x100  }
0x18: {  	_ =	swait.ge [sflag:s23], $0x100  }
0x19: {  	[sflag:s23] =	ssyncset.done $0x0  }
0x1a: {  	[sflag:s23] =	ssyncadd.s32 $0xFFFFFF00  }
.LBB2_9:
0x1b: {  	s30 =	sadd.s32 $0x1, s30  }
0x1c: {  	p3 =	sne.s32 s30, s18  }
.Ltmp1:
0x1d: {  	_ = 	snop;
	(pc) =	sbr.rel @!p3 .LBB2_10-.Ltmp1, $1  }
0x1e: {  	_ =	sdelay $0x3  }
.LBB2_1:
.Ltmp2:
0x1f: {  	(pc) =	sbr.rel @!p0 .LBB2_2-.Ltmp2, $3  }
0x20: {  	_ =	sdelay $0x1  }
0x21: {  	s14 =	sshll.u32 s3, $0x6  }
0x22: {  	s13 =	sshrl.u32 @!p1 s11, $0x3;
	s0 =	sshrl.u32 s9, $0x3;
	s31 =	sor.u32 $0x1C03, s14  }
0x23: {  	[tilespmem:s2], [sflag:$0x1] =	stream.linear.gather [hbm4b:s15+s2], $0x80, $0x38;
	[tilespmem:$0x17A00] =	vst v63  }
0x24: {  	s31 =	sor.u32 $0x1C03, s14  }
0x25: {  	[tilespmem:s22], [sflag:$0x2] =	stream.linear.gather [hbm4b:s5+s2], $0x4000, $0x38;
	[tilespmem:$0x17A00] =	vst v63  }
0x26: {  	[spmem:s0], [sflag:s31] =	dma.local [hbm:s10], $0x2700  }
0x27: {  	_ =	swait.ge [sflag:s23], $0x2700  }
0x28: {  	[sflag:s23] =	ssyncset.done $0x0  }
0x29: {  	s6 =	simm.s32 @!p1 $0x3;
	[sflag:s23] =	ssyncadd.s32 $0xFFFFD900  }
0x2a: {  	[spmem:s13], [sflag:s31] =	dma.local @!p1 [hbm:s12], $0x100  }
0x2b: {  	_ =	swait.ge @!p1 [sflag:s6], $0x100  }
0x2c: {  	[sflag:s6] =	ssyncset.done @!p1 $0x0  }
0x2d: {  	[sflag:s6] =	ssyncadd.s32 @!p1 $0xFFFFFF00  }
0x2e: {  	_ =	swait.ge [sflag:s24], $0x80  }
0x2f: {  	[sflag:s24] =	ssyncset.done $0x0  }
0x30: {  	[sflag:s24] =	ssyncadd.s32 $0xFFFFFF80  }
0x31: {  	_ =	swait.ge [sflag:s25], $0x4000  }
0x32: {  	[sflag:s25] =	ssyncset.done $0x0  }
0x33: {  	[sflag:s25] =	ssyncadd.s32 $0xFFFFC000  }
0x34: {  	s16 =	sadd.s32 $0x0, s21;
	[bflag:$0x0] =	sbarrier.arrive $0xFFFF  }
0x35: {  	[tilespmem:s26], [sflag:$0x2] =	stream.linear.gather [hbm4b:s16+s2], $0x80, $0x38;
	[tilespmem:$0x17A00] =	vst v63  }
0x36: {  	_ = 	snop  }
0x37: {  	[spmem:s1] =	stream.indirect.scatter.add.f32 [tilespmem:s22], [sflag:$0x3], $0x80, s2, s26, $0xb8;
	[tilespmem:$0x17A00] =	vst v63  }
0x38: {  	_ =	swait.ge [sflag:s23], $0x4000  }
0x39: {  	[sflag:s23] =	ssyncset.done $0x0  }
0x3a: {  	[sflag:s23] =	ssyncadd.s32 $0xFFFFC000  }
0x3b: {  	_ =	swait.ge [sflag:s25], $0x80  }
0x3c: {  	s17 =	sshrl.u32 s20, $0x3;
	[sflag:s25] =	ssyncset.done $0x0  }
0x3d: {  	s6 =	sadd.s32 s4, s17;
	[sflag:s25] =	ssyncadd.s32 $0xFFFFFF80  }
0x3e: {  	[tilespmem:s2], [sflag:$0x1] =	stream.linear.gather [hbm4b:s6+s2], $0x80, $0x38;
	[tilespmem:$0x17A00] =	vst v63  }
0x3f: {  	_ = 	snop  }
0x40: {  	[spmem:s1] =	stream.indirect.scatter.add.f32 [tilespmem:s22], [sflag:$0x3], $0x80, s26, s26, $0xb8;
	[tilespmem:$0x17A00] =	vst v63  }
0x41: {  	_ =	swait.ge [sflag:s23], $0x4000  }
0x42: {  	[sflag:s23] =	ssyncset.done $0x0  }
0x43: {  	[sflag:s23] =	ssyncadd.s32 $0xFFFFC000  }
0x44: {  	s14 =	simm.s32 $0x20;
	_ =	swait.ge [sflag:s24], $0x80  }
0x45: {  	s13 =	sadd.s32 $0x100, s20;
	s16 =	simm.s32 $0x40;
	[sflag:s24] =	ssyncset.done $0x0  }
.LBB2_6:
0x46: {  	s6 =	sadd.s32 s14, s21  }
0x47: {  	[sflag:s24] =	ssyncadd.s32 $0xFFFFFF80;
	s14 =	smov.u32 s16;
	s17 =	sadd.s32 $0x20, s16  }
0x48: {  	[tilespmem:s26], [sflag:$0x2] =	stream.linear.gather [hbm4b:s6+s2], $0x80, $0x38;
	[tilespmem:$0x17A00] =	vst v63  }
0x49: {  	p3 =	sne.s32 s16, $0x240  }
0x4a: {  	[spmem:s1] =	stream.indirect.scatter.add.f32 [tilespmem:s22], [sflag:$0x3], $0x80, s2, s26, $0xb8;
	[tilespmem:$0x17A00] =	vst v63  }
0x4b: {  	_ =	swait.ge [sflag:s23], $0x4000  }
0x4c: {  	[sflag:s23] =	ssyncset.done $0x0  }
0x4d: {  	[sflag:s23] =	ssyncadd.s32 $0xFFFFC000  }
0x4e: {  	_ =	swait.ge [sflag:s25], $0x80  }
0x4f: {  	s6 =	sshrl.u32 s13, $0x3;
	[sflag:s25] =	ssyncset.done $0x0  }
0x50: {  	s6 =	sadd.s32 s4, s6;
	[sflag:s25] =	ssyncadd.s32 $0xFFFFFF80  }
0x51: {  	[tilespmem:s2], [sflag:$0x1] =	stream.linear.gather [hbm4b:s6+s2], $0x80, $0x38;
	[tilespmem:$0x17A00] =	vst v63  }
0x52: {  	_ = 	snop  }
0x53: {  	[spmem:s1] =	stream.indirect.scatter.add.f32 [tilespmem:s22], [sflag:$0x3], $0x80, s26, s26, $0xb8;
	[tilespmem:$0x17A00] =	vst v63  }
.Ltmp3:
0x54: {  	_ =	swait.ge [sflag:s23], $0x4000;
	(pc) =	sbr.rel @p3 .LBB2_6-.Ltmp3, $4  }
0x55: {  	[sflag:s23] =	ssyncset.done $0x0  }
0x56: {  	[sflag:s23] =	ssyncadd.s32 $0xFFFFC000  }
0x57: {  	_ =	swait.ge [sflag:s24], $0x80  }
0x58: {  	s13 =	sadd.s32 $0x100, s13;
	s16 =	smov.u32 s17;
	[sflag:s24] =	ssyncset.done $0x0  }
0x59: {  	s6 =	sadd.s32 s14, s21;
	[sflag:s24] =	ssyncadd.s32 $0xFFFFFF80  }
0x5a: {  	[tilespmem:s26], [sflag:$0x2] =	stream.linear.gather [hbm4b:s6+s2], $0x80, $0x38;
	[tilespmem:$0x17A00] =	vst v63  }
0x5b: {  	_ = 	snop  }
0x5c: {  	[spmem:s1] =	stream.indirect.scatter.add.f32 [tilespmem:s22], [sflag:$0x3], $0x80, s2, s26, $0xb8;
	[tilespmem:$0x17A00] =	vst v63  }
0x5d: {  	_ =	swait.ge [sflag:s23], $0x4000  }
0x5e: {  	[sflag:s23] =	ssyncset.done $0x0  }
0x5f: {  	[sflag:s23] =	ssyncadd.s32 $0xFFFFC000  }
0x60: {  	_ =	swait.ge [sflag:s25], $0x80  }
0x61: {  	s14 =	sshrl.u32 s13, $0x3;
	[sflag:s25] =	ssyncset.done $0x0  }
0x62: {  	s6 =	sadd.s32 s4, s14;
	[sflag:s25] =	ssyncadd.s32 $0xFFFFFF80  }
0x63: {  	[tilespmem:s2], [sflag:$0x1] =	stream.linear.gather [hbm4b:s6+s2], $0x80, $0x38;
	[tilespmem:$0x17A00] =	vst v63  }
0x64: {  	_ = 	snop  }
0x65: {  	[spmem:s1] =	stream.indirect.scatter.add.f32 [tilespmem:s22], [sflag:$0x3], $0x80, s26, s26, $0xb8;
	[tilespmem:$0x17A00] =	vst v63  }
0x66: {  	_ =	swait.ge [sflag:s23], $0x4000  }
0x67: {  	[sflag:s23] =	ssyncset.done $0x0  }
0x68: {  	[sflag:s23] =	ssyncadd.s32 $0xFFFFC000  }
0x69: {  	_ =	swait.ge [sflag:s24], $0x80  }
0x6a: {  	[sflag:s24] =	ssyncset.done $0x0  }
0x6b: {  	[sflag:s24] =	ssyncadd.s32 $0xFFFFFF80  }
0x6c: {  	[spmem:s1] =	stream.indirect.scatter.add.f32 [tilespmem:s22], [sflag:$0x3], $0x80, s2, s26, $0xb8;
	[tilespmem:$0x17A00] =	vst v63  }
0x6d: {  	_ =	swait.ge [sflag:s23], $0x4000  }
0x6e: {  	[sflag:s23] =	ssyncset.done $0x0  }
0x6f: {  	s16 =	rddreg [dreg:$0x7];
	[sflag:s23] =	ssyncadd.s32 $0xFFFFC000  }
0x70: {  	[tilespmem:s28], [sflag:$0x3] =	stream.linear.gather [hbm4b:s16+s2], $0x8, $0x38;
	[tilespmem:$0x17A00] =	vst v63  }
0x71: {  	_ =	swait.ge [sflag:s23], $0x8  }
0x72: {  	[sflag:s23] =	ssyncset.done $0x0  }
0x73: {  	[sflag:s23] =	ssyncadd.s32 $0xFFFFFFF8  }
0x74: {  	[spmem:s1] =	stream.indirect.scatter.add.f32 [tilespmem:s22], [sflag:$0x3], $0x80, s28, s29, $0xb8;
	[tilespmem:$0x17A00] =	vst v63  }
0x75: {  	_ =	swait.ge [sflag:s23], $0x400  }
0x76: {  	[sflag:s23] =	ssyncset.done $0x0  }
0x77: {  	[sflag:s23] =	ssyncadd.s32 $0xFFFFFC00  }
0x78: {  	[bflag:$0x0] =	sbarrier.arrive $0xFFFF  }
0x79: {  	s17 =	rddreg [dreg:$0x8]  }
0x7a: {  	[hbm:s17], [sflag:s31] =	dma.local [spmem:s0], $0x2700  }
.Ltmp4:
0x7b: {  	_ = 	snop;
	(pc) =	sbr.rel @p1 .LBB2_9-.Ltmp4, $4  }
.Ltmp5:
0x7c: {  	_ = 	snop;
	(pc) =	sbr.rel @!p1 .LBB2_8-.Ltmp5, $4  }
0x7d: {  	_ =	swait.ge [sflag:s23], $0x2700  }
0x7e: {  	[sflag:s23] =	ssyncset.done $0x0  }
0x7f: {  	s0 =	smov.u32 s7;
	[sflag:s23] =	ssyncadd.s32 $0xFFFFD900  }
0x80: {  	_ = 	snop  }
.LBB2_2:
0x81: {  	[tilespmem:s2], [sflag:$0x1] =	stream.linear.gather [hbm4b:s8+s2], $0x80, $0x38;
	[tilespmem:$0x17A00] =	vst v63  }
0x82: {  	_ = 	snop  }
0x83: {  	[tilespmem:s22], [sflag:$0x2] =	stream.linear.gather [hbm4b:s5+s2], $0x4000, $0x38;
	[tilespmem:$0x17A00] =	vst v63  }
0x84: {  	[spmem:s0], [sflag:s31] =	dma.local [hbm:s10], $0x2700  }
0x85: {  	_ =	swait.ge [sflag:s23], $0x2700  }
0x86: {  	[sflag:s23] =	ssyncset.done $0x0  }
0x87: {  	[sflag:s23] =	ssyncadd.s32 $0xFFFFD900  }
0x88: {  	[spmem:s13], [sflag:s31] =	dma.local @!p1 [hbm:s12], $0x100  }
0x89: {  	s13 =	simm.s32 @!p1 $0x3  }
0x8a: {  	_ =	swait.ge @!p1 [sflag:s13], $0x100  }
0x8b: {  	[sflag:s13] =	ssyncset.done @!p1 $0x0  }
0x8c: {  	[sflag:s13] =	ssyncadd.s32 @!p1 $0xFFFFFF00  }
0x8d: {  	_ =	swait.ge [sflag:s24], $0x80  }
0x8e: {  	[sflag:s24] =	ssyncset.done $0x0  }
0x8f: {  	[sflag:s24] =	ssyncadd.s32 $0xFFFFFF80  }
0x90: {  	_ =	swait.ge [sflag:s25], $0x4000  }
0x91: {  	[sflag:s25] =	ssyncset.done $0x0  }
0x92: {  	s17 =	sadd.s32 $0xFFFFFDA0, s19;
	[sflag:s25] =	ssyncadd.s32 $0xFFFFC000  }
0x93: {  	s14 =	sadd.s32 $0x270, s17;
	[bflag:$0x0] =	sbarrier.arrive $0xFFFF  }
0x94: {  	[tilespmem:s26], [sflag:$0x2] =	stream.linear.gather [hbm4b:s14+s2], $0x80, $0x38;
	[tilespmem:$0x17A00] =	vst v63  }
0x95: {  	_ = 	snop  }
0x96: {  	[spmem:s1] =	stream.indirect.scatter.add.f32 [tilespmem:s22], [sflag:$0x3], $0x80, s2, s26, $0xb8;
	[tilespmem:$0x17A00] =	vst v63  }
0x97: {  	_ =	swait.ge [sflag:s23], $0x4000  }
0x98: {  	[sflag:s23] =	ssyncset.done $0x0  }
0x99: {  	[sflag:s23] =	ssyncadd.s32 $0xFFFFC000  }
0x9a: {  	_ =	swait.ge [sflag:s25], $0x80  }
0x9b: {  	[sflag:s25] =	ssyncset.done $0x0  }
0x9c: {  	s13 =	sadd.s32 $0x280, s17;
	[sflag:s25] =	ssyncadd.s32 $0xFFFFFF80  }
0x9d: {  	[tilespmem:s2], [sflag:$0x1] =	stream.linear.gather [hbm4b:s13+s2], $0x80, $0x38;
	[tilespmem:$0x17A00] =	vst v63  }
0x9e: {  	_ = 	snop  }
0x9f: {  	[spmem:s1] =	stream.indirect.scatter.add.f32 [tilespmem:s22], [sflag:$0x3], $0x80, s26, s26, $0xb8;
	[tilespmem:$0x17A00] =	vst v63  }
0xa0: {  	_ =	swait.ge [sflag:s23], $0x4000  }
0xa1: {  	[sflag:s23] =	ssyncset.done $0x0  }
0xa2: {  	[sflag:s23] =	ssyncadd.s32 $0xFFFFC000  }
0xa3: {  	_ =	swait.ge [sflag:s24], $0x80  }
0xa4: {  	s14 =	simm.s32 $0xFFFFFDE0;
	s13 =	sadd.s32 $0xFFFFFDC0, s19;
	[sflag:s24] =	ssyncset.done $0x0  }
.LBB2_3:
0xa5: {  	s16 =	sadd.s32 $0x270, s13  }
0xa6: {  	[sflag:s24] =	ssyncadd.s32 $0xFFFFFF80;
	s6 =	smov.u32 s14;
	s17 =	sadd.s32 $0x20, s14  }
0xa7: {  	[tilespmem:s26], [sflag:$0x2] =	stream.linear.gather [hbm4b:s16+s2], $0x80, $0x38;
	[tilespmem:$0x17A00] =	vst v63  }
0xa8: {  	p3 =	sne.s32 s14, $0xFFFFFFE0  }
0xa9: {  	[spmem:s1] =	stream.indirect.scatter.add.f32 [tilespmem:s22], [sflag:$0x3], $0x80, s2, s26, $0xb8;
	[tilespmem:$0x17A00] =	vst v63  }
0xaa: {  	_ =	swait.ge [sflag:s23], $0x4000  }
0xab: {  	[sflag:s23] =	ssyncset.done $0x0  }
0xac: {  	[sflag:s23] =	ssyncadd.s32 $0xFFFFC000  }
0xad: {  	_ =	swait.ge [sflag:s25], $0x80  }
0xae: {  	[sflag:s25] =	ssyncset.done $0x0  }
0xaf: {  	s13 =	sadd.s32 $0x280, s13;
	[sflag:s25] =	ssyncadd.s32 $0xFFFFFF80  }
0xb0: {  	[tilespmem:s2], [sflag:$0x1] =	stream.linear.gather [hbm4b:s13+s2], $0x80, $0x38;
	[tilespmem:$0x17A00] =	vst v63  }
0xb1: {  	_ = 	snop  }
0xb2: {  	[spmem:s1] =	stream.indirect.scatter.add.f32 [tilespmem:s22], [sflag:$0x3], $0x80, s26, s26, $0xb8;
	[tilespmem:$0x17A00] =	vst v63  }
.Ltmp6:
0xb3: {  	_ =	swait.ge [sflag:s23], $0x4000;
	(pc) =	sbr.rel @p3 .LBB2_3-.Ltmp6, $4  }
0xb4: {  	[sflag:s23] =	ssyncset.done $0x0  }
0xb5: {  	[sflag:s23] =	ssyncadd.s32 $0xFFFFC000  }
0xb6: {  	_ =	swait.ge [sflag:s24], $0x80  }
0xb7: {  	s14 =	smov.u32 s17;
	s13 =	sadd.s32 s6, s19;
	[sflag:s24] =	ssyncset.done $0x0  }
0xb8: {  	s6 =	sadd.s32 $0x270, s13;
	[sflag:s24] =	ssyncadd.s32 $0xFFFFFF80  }
0xb9: {  	[tilespmem:s26], [sflag:$0x2] =	stream.linear.gather [hbm4b:s6+s2], $0x80, $0x38;
	[tilespmem:$0x17A00] =	vst v63  }
0xba: {  	_ = 	snop  }
0xbb: {  	[spmem:s1] =	stream.indirect.scatter.add.f32 [tilespmem:s22], [sflag:$0x3], $0x80, s2, s26, $0xb8;
	[tilespmem:$0x17A00] =	vst v63  }
0xbc: {  	_ =	swait.ge [sflag:s23], $0x4000  }
0xbd: {  	[sflag:s23] =	ssyncset.done $0x0  }
0xbe: {  	[sflag:s23] =	ssyncadd.s32 $0xFFFFC000  }
0xbf: {  	_ =	swait.ge [sflag:s25], $0x80  }
0xc0: {  	[sflag:s25] =	ssyncset.done $0x0  }
0xc1: {  	s14 =	sadd.s32 $0x280, s13;
	[sflag:s25] =	ssyncadd.s32 $0xFFFFFF80  }
0xc2: {  	[tilespmem:s2], [sflag:$0x1] =	stream.linear.gather [hbm4b:s14+s2], $0x80, $0x38;
	[tilespmem:$0x17A00] =	vst v63  }
0xc3: {  	_ = 	snop  }
0xc4: {  	[spmem:s1] =	stream.indirect.scatter.add.f32 [tilespmem:s22], [sflag:$0x3], $0x80, s26, s26, $0xb8;
	[tilespmem:$0x17A00] =	vst v63  }
0xc5: {  	_ =	swait.ge [sflag:s23], $0x4000  }
0xc6: {  	[sflag:s23] =	ssyncset.done $0x0  }
0xc7: {  	[sflag:s23] =	ssyncadd.s32 $0xFFFFC000  }
0xc8: {  	_ =	swait.ge [sflag:s24], $0x80  }
0xc9: {  	[sflag:s24] =	ssyncset.done $0x0  }
0xca: {  	[sflag:s24] =	ssyncadd.s32 $0xFFFFFF80  }
0xcb: {  	[spmem:s1] =	stream.indirect.scatter.add.f32 [tilespmem:s22], [sflag:$0x3], $0x80, s2, s26, $0xb8;
	[tilespmem:$0x17A00] =	vst v63  }
0xcc: {  	_ =	swait.ge [sflag:s23], $0x4000  }
0xcd: {  	[sflag:s23] =	ssyncset.done $0x0  }
0xce: {  	s16 =	rddreg [dreg:$0x5];
	[sflag:s23] =	ssyncadd.s32 $0xFFFFC000  }
0xcf: {  	[tilespmem:s28], [sflag:$0x3] =	stream.linear.gather [hbm4b:s16+s2], $0x8, $0x38;
	[tilespmem:$0x17A00] =	vst v63  }
0xd0: {  	_ =	swait.ge [sflag:s23], $0x8  }
0xd1: {  	[sflag:s23] =	ssyncset.done $0x0  }
0xd2: {  	[sflag:s23] =	ssyncadd.s32 $0xFFFFFFF8  }
0xd3: {  	[spmem:s1] =	stream.indirect.scatter.add.f32 [tilespmem:s22], [sflag:$0x3], $0x80, s28, s29, $0xb8;
	[tilespmem:$0x17A00] =	vst v63  }
0xd4: {  	_ =	swait.ge [sflag:s23], $0x400  }
0xd5: {  	[sflag:s23] =	ssyncset.done $0x0  }
0xd6: {  	[sflag:s23] =	ssyncadd.s32 $0xFFFFFC00  }
0xd7: {  	[bflag:$0x0] =	sbarrier.arrive $0xFFFF  }
0xd8: {  	s17 =	rddreg [dreg:$0x6]  }
0xd9: {  	[hbm:s17], [sflag:s31] =	dma.local [spmem:s0], $0x2700  }
.Ltmp7:
0xda: {  	_ = 	snop;
	(pc) =	sbr.rel @p2 .LBB2_8-.Ltmp7, $4  }
.Ltmp8:
0xdb: {  	_ = 	snop;
	(pc) =	sbr.rel @!p2 .LBB2_9-.Ltmp8, $4  }
0xdc: {  	_ =	swait.ge [sflag:s23], $0x2700  }
0xdd: {  	[sflag:s23] =	ssyncset.done $0x0  }
0xde: {  	s0 =	rddreg [dreg:$0x4];
	[sflag:s23] =	ssyncadd.s32 $0xFFFFD900  }
0xdf: {  	_ = 	snop  }
.LBB2_10:
0xe0: {  	_ =	sfence.sel $0x180000  }
0xe1: {  	[bflag:$0x0] =	sbarrier.arrive $0xFFFF  }
0xe2: {  	_ =	strace $0x90000047  }
0xe3: {  	[bflag:$0x2] =	sbarrier.arrive $0xFFFF  }
0xe4: {  	p0 =	sne.s32 s3, $0x0;
	s0 =	rddreg [dreg:$0x3]  }
0xe5: {  	s0 =	sadd.s32 @!p0 $0x100000, s0  }
0xe6: {  	[sflag:s0] =	ssyncadd.tile.s32 @!p0 $0x1;
	_ =	shalt  }
.Lfunc_end2:
_tile_overlayer_lowered:
.L_overlay_start_2:
0xe7: {  	(tag) =	ssettag $0x2  }
0xe8: {  	s0 =	rddreg [dreg:$0x0];
	s2 =	stileid.u32  }
0xe9: {  	s1 =	rddreg [dreg:$0x1];
	p0 =	sne.s32 s2, $0x0  }
0xea: {  	s3 =	rddreg [dreg:$0x2];
	[bflag:$0x3] =	sbarrier.arrive $0xFFFF;
	s2 =	simm.s32 @!p0 $0x1C03  }
0xeb: {  	[timem:s3], [sflag:s2] =	dma.local @!p0 [hbm:s0], s1  }
0xec: {  	s0 =	simm.s32 @!p0 $0x3  }
0xed: {  	_ =	swait.ge @!p0 [sflag:s0], s1  }
0xee: {  	s1 =	ssub.s32 @!p0 $0x0, s1;
	[sflag:s0] =	ssyncset.done @!p0 $0x0  }
0xef: {  	[sflag:s0] =	ssyncadd.s32 @!p0 s1  }
0xf0: {  	[bflag:$0x3] =	sbarrier.arrive $0xFFFF  }
0xf1: {  	_ =	shalt  }

// kernel: kernel.13.cloned.1.call-start
scs
__scs_entry_jumppad:
0x0: {  	(pc) =	sbr.rel $0x88, $3  }
0x1: {  	(tag) =	ssettag $0x0;
	lr =	simm.s32 $0x1  }
0x2: {  	[smem:$0x3F99] =	sst lr;
	_ =	strace $0xD0000000  }
0x3: {  	_ = 	snop  }
0x4: {  	_ = 	snop  }
0x5: {  	_ = 	snop  }
0x6: {  	_ = 	snop  }
0x7: {  	_ = 	snop  }
__scs_overlays_trampoline_lowered:
0x8: {  	[smem:$0x3FA8] =	sst s0  }
0x9: {  	[smem:$0x3FA9] =	sst s1  }
0xa: {  	[smem:$0x3FAA] =	sst s2  }
0xb: {  	[smem:$0x3FAB] =	sst s3  }
0xc: {  	[smem:$0x3FAC] =	sst s4  }
0xd: {  	[smem:$0x3FAD] =	sst s5  }
0xe: {  	[smem:$0x3FAE] =	sst s6  }
0xf: {  	[smem:$0x3FAF] =	sst s7  }
0x10: {  	[smem:$0x3FB0] =	sst s8  }
0x11: {  	[smem:$0x3FB1] =	sst s9;
	s0 =	simm.s32 @!p0 $0x0  }
0x12: {  	s1 =	sld [smem:$0x3F97];
	s0 =	simm.s32 @p0 $0x1  }
0x13: {  	[smem:$0x3FB2] =	sst s0;
	s0 =	simm.s32 @!p1 $0x0  }
0x14: {  	s2 =	sld [smem:$0x3F96];
	s0 =	simm.s32 @p1 $0x1  }
0x15: {  	[smem:$0x3FB3] =	sst s0;
	s0 =	simm.s32 @!p2 $0x0  }
0x16: {  	s3 =	sld [smem:$0x3FDB];
	s0 =	simm.s32 @p2 $0x1  }
0x17: {  	s4 =	simm.s32 $0x1BF5;
	[smem:$0x3FB5] =	sst s0  }
0x18: {  	s0 =	sld [smem:$0x3F98];
	_ =	swait.ge [sflag:s4], $0x0  }
0x19: {  	s7 =	sld [smem:$0x3F99]  }
0x1a: {  	s8 =	sadd.s32 $0xFFFFE003, lr  }
0x1b: {  	s9 =	sadd.s32 $0xFFFFFEF7, lr;
	s5 =	simm.s32 $0xFFFFFFFF;
	p2 =	slt.u32 s8, $0xFFFFF086  }
0x1c: {  	p1 =	slt.u32 s9, $0xF7A;
	s5 =	simm.s32 @!p2 $0x0  }
0x1d: {  	s5 =	simm.s32 @p1 $0x1;
	p0 =	seq.s32 s7, s2  }
0x1e: {  	s7 =	smul.u32 @!p0 $0xF7A, s2;
	p2 =	seq.s32 @!p0 s5, $0x0  }
0x1f: {  	s9 =	smul.u32 $0xF7A, s1;
	s8 =	simm.s32 @!p0 $0x1BF5;
	p2 =	por !p2, p0  }
0x20: {  	[sflag:s8] =	ssyncset.s32 @!p0 $0xFFFFF086;
	s6 =	sadd.s32 @!p0 s3, s7;
	s7 =	simm.s32 @!p0 $0x108  }
0x21: {  	s3 =	sadd.s32 s3, s9;
	s6 =	sadd.s32 @!p0 $0x88, s6;
	s7 =	simm.s32 @p2 $0x1082  }
0x22: {  	[simem:s7], [sflag:s8] =	dma.local @!p0 [hbm:s6], $0xF7A  }
0x23: {  	s9 =	sor.u32 $0xD0000000, s2;
	s6 =	simm.s32 $0x108;
	_ =	swait.ge @!p0 [sflag:s8], $0x0  }
0x24: {  	s3 =	sadd.s32 $0x88, s3;
	s6 =	simm.s32 @!p1 $0x1082;
	[sflag:s4] =	ssyncset.s32 $0xFFFFF086  }
0x25: {  	[simem:s6], [sflag:s4] =	dma.local [hbm:s3], $0xF7A  }
0x26: {  	[smem:$0x3F99] =	sst s1;
	(tag) =	ssettag s2;
	_ =	strace s9  }
0x27: {  	s1 =	sld [smem:$0x3FA9]  }
0x28: {  	s2 =	sld [smem:$0x3FAA]  }
0x29: {  	s4 =	sld [smem:$0x3FAC]  }
0x2a: {  	p0 =	seq.s32 s5, $0x0;
	s5 =	sld [smem:$0x3FAD]  }
0x2b: {  	s6 =	sld [smem:$0x3FAE]  }
0x2c: {  	s7 =	sld [smem:$0x3FAF]  }
0x2d: {  	s3 =	simm.s32 $0x108;
	s8 =	sld [smem:$0x3FB0]  }
0x2e: {  	s3 =	simm.s32 @!p0 $0x1082;
	s9 =	sld [smem:$0x3FB1]  }
0x2f: {  	lr =	sadd.s32 s0, s3;
	s0 =	sld [smem:$0x3FA8]  }
0x30: {  	s3 =	sld [smem:$0x3FAB]  }
0x31: {  	[smem:$0x3FB4] =	sst s10  }
0x32: {  	s10 =	sld [smem:$0x3FB2];
	_ =	sdelay $0x3  }
0x33: {  	p0 =	seq.s32 s10, $0x1;
	s10 =	sld [smem:$0x3FB4];
	_ =	sdelay $0x3  }
0x34: {  	[smem:$0x3FB4] =	sst s10  }
0x35: {  	s10 =	sld [smem:$0x3FB3];
	_ =	sdelay $0x3  }
0x36: {  	p1 =	seq.s32 s10, $0x1;
	s10 =	sld [smem:$0x3FB4];
	_ =	sdelay $0x3  }
0x37: {  	[smem:$0x3FB4] =	sst s10  }
0x38: {  	s10 =	sld [smem:$0x3FB5]  }
0x39: {  	_ = 	snop;
	(pc) =	sbr.ind lr, $3  }
0x3a: {  	_ = 	snop  }
0x3b: {  	_ = 	snop  }
0x3c: {  	p2 =	seq.s32 s10, $0x1;
	s10 =	sld [smem:$0x3FB4]  }
0x3d: {  	_ =	shalt  }
0x3e: {  	_ =	shalt  }
0x3f: {  	_ =	shalt  }
0x40: {  	_ =	shalt  }
0x41: {  	_ =	shalt  }
0x42: {  	_ =	shalt  }
0x43: {  	_ =	shalt  }
0x44: {  	_ =	shalt  }
0x45: {  	_ =	shalt  }
0x46: {  	_ =	shalt  }
0x47: {  	_ =	shalt  }
0x48: {  	_ =	shalt  }
0x49: {  	_ =	shalt  }
0x4a: {  	_ =	shalt  }
0x4b: {  	_ =	shalt  }
0x4c: {  	_ =	shalt  }
0x4d: {  	_ =	shalt  }
0x4e: {  	_ =	shalt  }
0x4f: {  	_ =	shalt  }
0x50: {  	_ =	shalt  }
0x51: {  	_ =	shalt  }
0x52: {  	_ =	shalt  }
0x53: {  	_ =	shalt  }
0x54: {  	_ =	shalt  }
0x55: {  	_ =	shalt  }
0x56: {  	_ =	shalt  }
0x57: {  	_ =	shalt  }
0x58: {  	_ =	shalt  }
0x59: {  	_ =	shalt  }
0x5a: {  	_ =	shalt  }
0x5b: {  	_ =	shalt  }
0x5c: {  	_ =	shalt  }
0x5d: {  	_ =	shalt  }
0x5e: {  	_ =	shalt  }
0x5f: {  	_ =	shalt  }
0x60: {  	_ =	shalt  }
0x61: {  	_ =	shalt  }
0x62: {  	_ =	shalt  }
0x63: {  	_ =	shalt  }
0x64: {  	_ =	shalt  }
0x65: {  	_ =	shalt  }
0x66: {  	_ =	shalt  }
0x67: {  	_ =	shalt  }
0x68: {  	_ =	shalt  }
0x69: {  	_ =	shalt  }
0x6a: {  	_ =	shalt  }
0x6b: {  	_ =	shalt  }
0x6c: {  	_ =	shalt  }
0x6d: {  	_ =	shalt  }
0x6e: {  	_ =	shalt  }
0x6f: {  	_ =	shalt  }
0x70: {  	_ =	shalt  }
0x71: {  	_ =	shalt  }
0x72: {  	_ =	shalt  }
0x73: {  	_ =	shalt  }
0x74: {  	_ =	shalt  }
0x75: {  	_ =	shalt  }
0x76: {  	_ =	shalt  }
0x77: {  	_ =	shalt  }
0x78: {  	_ =	shalt  }
0x79: {  	_ =	shalt  }
0x7a: {  	_ =	shalt  }
0x7b: {  	_ =	shalt  }
0x7c: {  	_ =	shalt  }
0x7d: {  	_ =	shalt  }
0x7e: {  	_ =	shalt  }
0x7f: {  	_ =	shalt  }
0x80: {  	_ =	shalt  }
0x81: {  	_ =	shalt  }
0x82: {  	_ =	shalt  }
0x83: {  	_ =	shalt  }
0x84: {  	_ =	shalt  }
0x85: {  	_ =	shalt  }
0x86: {  	_ =	shalt  }
0x87: {  	_ =	shalt  }
.Lfunc_end0:
.L_simem_size_0:
called_computation.1_lowered:
.L_overlay_start_0:
0x88: {  	s2 =	sld [smem:$0x3FD9]  }
0x89: {  	s3 =	sld [smem:$0x3FFE];
	_ =	sdelay $0x1  }
0x8a: {  	s1 =	srdreg.scid  }
0x8b: {  	s0 =	sand.u32 $0x1, s1  }
0x8c: {  	s17 =	sshll.u32 s0, $0xA;
	s2 =	sadd.s32 s3, s2  }
0x8d: {  	s2 =	sadd.s32 s2, s17  }
0x8e: {  	[smem:$0x3FC0] =	sst s2  }
0x8f: {  	_ = 	snop  }
0x90: {  	s2 =	sld [smem:$0x3FD0];
	(tm) =	ssettm $0x1  }
0x91: {  	s18 =	sld [smem:$0x3FFB];
	_ =	sdelay $0x3  }
0x92: {  	_ =	strace s18  }
0x93: {  	s3 =	sld [smem:$0x3FFC];
	_ =	sdelay $0x3  }
0x94: {  	_ =	strace s3  }
0x95: {  	s3 =	sld [smem:$0x3FFD];
	_ =	sdelay $0x3  }
0x96: {  	_ =	strace s3  }
0x97: {  	_ =	strace $0x8FFFFFFF  }
0x98: {  	s19 =	sld [smem:$0x3FDB];
	_ =	sdelay $0x1  }
0x99: {  	s4 =	simm.s32 $_scs_section_size  }
0x9a: {  	s5 =	simm.s32 $_size__tile_overlayer_lowered;
	s6 =	simm.s32 $_tile_overlayer_lowered  }
0x9b: {  	s22 =	simm.s32 $0x1BFF;
	s21 =	sshll.u32 s6, $0x1;
	s3 =	sadd.s32 s4, s19  }
0x9c: {  	s7 =	simm.s32 $0x0;
	s20 =	sshll.u32 s5, $0x1;
	s5 =	sadd.s32 s21, s3  }
0x9d: {  	[timem:s7], [sflag:s22] =	dma.local [hbm:s5], s20  }
0x9e: {  	_ =	swait.ge [sflag:s22], s20  }
0x9f: {  	s4 =	ssub.s32 $0x0, s20;
	[sflag:s22] =	ssyncset.done $0x0  }
0xa0: {  	[sflag:s22] =	ssyncadd.s32 s4;
	_ =	sdelay $0x1  }
0xa1: {  	s23 =	simm.s32 $0x1B8B  }
0xa2: {  	_ =	swait.ge [sflag:s23], $0x1  }
0xa3: {  	[sflag:s23] =	ssyncset.done $0x0  }
0xa4: {  	s25 =	simm.s32 $0x1B8E;
	s24 =	sld [smem:$0x3FFE];
	[sflag:s23] =	ssyncadd.s32 $0xFFFFFFFF  }
0xa5: {  	s26 =	simm.s32 $execute0_lowered;
	[smem:$0x3FD2] =	sst s25  }
0xa6: {  	s5 =	sshll.u32 s26, $0x1;
	_ =	strace $0x80000049;
	[dreg:$0x1] =	wrdreg $0xFFFFFFFF  }
0xa7: {  	s28 =	simm.s32 $_size_execute0_lowered;
	s3 =	sadd.s32 s3, s5;
	[dreg:$0x0] =	wrdreg $0x0  }
0xa8: {  	s5 =	sshll.u32 s28, $0x1;
	[dreg:$0x2] =	wrdreg s3  }
0xa9: {  	[dreg:$0x3] =	wrdreg s5  }
0xaa: {  	[dreg:$0x4] =	wrdreg $0xC0  }
0xab: {  	_ =	task [dreg:s7], $0x5FFFF  }
0xac: {  	[dreg:$0x1] =	wrdreg $0xFFFFFFFF  }
0xad: {  	[dreg:$0x0] =	wrdreg $0x60  }
0xae: {  	[dreg:$0x2] =	wrdreg s24  }
0xaf: {  	[dreg:$0x3] =	wrdreg s2  }
0xb0: {  	[dreg:$0x4] =	wrdreg $0x83000  }
0xb1: {  	[dreg:$0x5] =	wrdreg $0x9  }
0xb2: {  	_ =	task.clear_ibuf [dreg:s7], $0x6FFFF;
	_ =	strace $0x90000049  }
0xb3: {  	s29 =	simm.s32 $0x9;
	_ =	strace $0x8000004B  }
0xb4: {  	_ =	swait.ge [sflag:s29], $0x1  }
0xb5: {  	[sflag:s29] =	ssyncadd.s32 $0xFFFFFFFF  }
0xb6: {  	_ =	strace $0x9000004B  }
0xb7: {  	_ =	sfence  }
0xb8: {  	s30 =	sld [smem:$0x0];
	_ =	sdelay $0x2  }
0xb9: {  	s31 =	sshll.u32 s1, $0xD;
	s1 =	sshrl.u32 s1, $0x2  }
0xba: {  	s3 =	sand.u32 $0x4000, s31;
	s1 =	sadd.s32 s1, s30  }
0xbb: {  	s0 =	sor.u32 s3, s0;
	s1 =	sshll.u32 s1, $0x11  }
0xbc: {  	s0 =	sor.u32 s1, s0  }
0xbd: {  	s0 =	sadd.s32 $0x8F2B, s0  }
0xbe: {  	[sflag:s0] =	ssyncadd.remote.s32 $0x1  }
0xbf: {  	_ =	sfence.sel $0xFFFF  }
0xc0: {  	[dreg:$0x0] =	wrdreg $0xFFFFFFFF;
	(pc) =	sbr.abs _section_cstart, $3  }
0xc1: {  	[dreg:$0x1] =	wrdreg $0xFFFFFFFF  }
0xc2: {  	_ =	task.clear_ibuf [dreg:s7], $0x2FFFF;
	_ =	strace $0x9FFFFFFF  }
0xc3: {  	(tm) =	ssettm $0x7FFFFFFF  }
tec
execute0_lowered:
.L_overlay_start_1:
0x0: {  	(tag) =	ssettag $0x1  }
0x1: {  	s0 =	rddreg [dreg:$0x0]  }
0x2: {  	s4 =	rddreg [dreg:$0x1]  }
0x3: {  	s1 =	rddreg [dreg:$0x2];
	s2 =	simm.s32 $0x0  }
0x4: {  	s7 =	srdreg.scid;
	s13 =	stileid.u32;
	s28 =	simm.s32 $0x100  }
0x5: {  	s29 =	simm.s32 $0x180;
	s30 =	simm.s32 $0x1;
	s31 =	simm.s32 $0x4  }
0x6: {  	[smem:$0x7FF] =	sst s2;
	s3 =	sadd.s32 $0x5D600, s0;
	s5 =	sadd.s32 $0x84800, s0  }
0x7: {  	s6 =	sadd.s32 $0x4A00, s0;
	s8 =	sadd.s32 $0x9A00, s0;
	s10 =	smul.u32 $0x2710, s13  }
0x8: {  	s7 =	sand.u32 $0x1, s7;
	s14 =	sadd.s32 $0xABA00, s0;
	s11 =	smul.u32 $0x4E000, s13  }
0x9: {  	s15 =	sadd.s32 $0xD2C00, s0;
	s16 =	smul.u32 $0x2700, s13;
	s12 =	sadd.s32 $0x138000, s1  }
0xa: {  	p1 =	sne.s32 s13, $0xF;
	p2 =	seq.s32 s13, $0xF;
	_ =	strace $0x8000004A  }
0xb: {  	s9 =	ssub.s32 $0x2, s7;
	p0 =	seq.s32 s7, $0x1;
	[dreg:$0x4] =	wrdreg s14  }
0xc: {  	[dreg:$0x5] =	wrdreg s15;
	s25 =	sshrl.u32 s9, $0x1;
	s26 =	sshrl.u32 s10, $0x3  }
0xd: {  	s18 =	sshrl.u32 s11, $0x2;
	s20 =	sadd.s32 s4, s16;
	s4 =	sadd.s32 $0x27000, s4  }
0xe: {  	s23 =	sadd.s32 s14, s16;
	s24 =	sadd.s32 s15, s16;
	[dreg:$0x9] =	wrdreg s20  }
0xf: {  	s16 =	simm.s32 $0x2;
	s0 =	ssub.s32 s9, s25;
	[dreg:$0xa] =	wrdreg s4  }
0x10: {  	s17 =	sadd.s32 s6, s26;
	s19 =	sadd.s32 s8, s26;
	[dreg:$0xd] =	wrdreg s23  }
0x11: {  	s7 =	sadd.s32 s18, s1;
	s21 =	sadd.s32 $0x4E0, s26;
	[dreg:$0xe] =	wrdreg s24  }
0x12: {  	s25 =	sadd.s32 $0x4D0, s26;
	s26 =	smul.u32 $0x4E2, s13;
	[dreg:$0x6] =	wrdreg s17  }
0x13: {  	s23 =	simm.s32 $0x5;
	s24 =	simm.s32 $0x80;
	[dreg:$0x7] =	wrdreg s19  }
0x14: {  	[dreg:$0x8] =	wrdreg s7;
	s22 =	sadd.s32 s6, s21;
	s4 =	sadd.s32 s8, s21  }
.Ltmp0:
0x15: {  	s18 =	smax.u32 s0, $0x1;
	s19 =	sadd.s32 s6, s25;
	(pc) =	sbr.rel .LBB2_1-.Ltmp0, $4  }
0x16: {  	s20 =	sadd.s32 s8, s25;
	s25 =	simm.s32 $0x300;
	s0 =	simm.s32 $0x4300  }
0x17: {  	s17 =	simm.s32 $0x200;
	s7 =	simm.s32 $0x10;
	[dreg:$0xb] =	wrdreg s22  }
0x18: {  	[dreg:$0xc] =	wrdreg s4;
	s21 =	sadd.s32 s26, s8;
	s22 =	sadd.s32 s26, s6  }
0x19: {  	s26 =	simm.s32 $0x3;
	s6 =	simm.s32 $0x280;
	s4 =	simm.s32 $0x0  }
.LBB2_8:
0x1a: {  	s9 =	sadd.s32 $0x27000, s9;
	s10 =	sshrl.u32 s12, $0x3  }
0x1b: {  	[hbm:s9], [sflag:s8] =	dma.local [spmem:s10], $0x100  }
0x1c: {  	_ =	swait.ge [sflag:s23], $0x100  }
0x1d: {  	[sflag:s23] =	ssyncset.done $0x0  }
0x1e: {  	[sflag:s23] =	ssyncadd.s32 $0xFFFFFF00  }
.LBB2_9:
0x1f: {  	s4 =	sadd.s32 $0x1, s4  }
0x20: {  	p3 =	sne.s32 s4, s18  }
.Ltmp1:
0x21: {  	_ = 	snop;
	(pc) =	sbr.rel @!p3 .LBB2_10-.Ltmp1, $1  }
0x22: {  	_ =	sdelay $0x3  }
.LBB2_1:
0x23: {  	s8 =	rddreg [dreg:$0x6]  }
0x24: {  	[tilespmem:s2], [sflag:$0x5] =	stream.linear.gather [hbm4b:s8+s2], $0x80, $0x38;
	[tilespmem:$0x1BB80] =	vst v63  }
.Ltmp2:
0x25: {  	s14 =	stileid.u32;
	(pc) =	sbr.rel @!p0 .LBB2_2-.Ltmp2, $4  }
0x26: {  	s10 =	sshrl.u32 @!p1 s12, $0x3;
	s11 =	sshll.u32 s14, $0x6;
	_ =	swait.ge [sflag:s23], $0x80  }
0x27: {  	s8 =	sor.u32 $0x1C05, s11;
	[sflag:s23] =	ssyncset.done $0x0;
	s15 =	rddreg [dreg:$0x8]  }
0x28: {  	s13 =	rddreg [dreg:$0x7];
	[sflag:s23] =	ssyncadd.s32 $0xFFFFFF80;
	s9 =	sshrl.u32 s15, $0x3  }
0x29: {  	[tilespmem:s24], [sflag:$0x3] =	stream.linear.gather [hbm4b:s13+s2], $0x80, $0x38;
	[tilespmem:$0x1BB80] =	vst v63  }
0x2a: {  	[tilespmem:s25], [sflag:$0x1] =	stream.indirect.gather [hbm4b:s5+s24], $0x80, s2, s24, $0xb8;
	[tilespmem:$0x1BB80] =	vst v63  }
0x2b: {  	s8 =	sor.u32 $0x1C05, s11;
	s14 =	rddreg [dreg:$0x9]  }
0x2c: {  	[spmem:s9], [sflag:s8] =	dma.local [hbm:s14], $0x2700  }
0x2d: {  	_ =	swait.ge [sflag:s23], $0x2700  }
0x2e: {  	[sflag:s23] =	ssyncset.done $0x0  }
0x2f: {  	s11 =	rddreg [dreg:$0xa];
	[sflag:s23] =	ssyncadd.s32 $0xFFFFD900  }
0x30: {  	[spmem:s10], [sflag:s8] =	dma.local @!p1 [hbm:s11], $0x100  }
0x31: {  	s10 =	simm.s32 @!p1 $0x5  }
0x32: {  	_ =	swait.ge @!p1 [sflag:s10], $0x100  }
0x33: {  	[sflag:s10] =	ssyncset.done @!p1 $0x0  }
0x34: {  	[sflag:s10] =	ssyncadd.s32 @!p1 $0xFFFFFF00  }
0x35: {  	_ =	swait.ge [sflag:s26], $0x80  }
0x36: {  	[sflag:s26] =	ssyncset.done $0x0  }
0x37: {  	s10 =	sadd.s32 $0xFFFFFB40, s22;
	[sflag:s26] =	ssyncadd.s32 $0xFFFFFF80  }
0x38: {  	s13 =	sadd.s32 $0xFFFFFB40, s21;
	s15 =	sadd.s32 $0x4D0, s10;
	[bflag:$0x0] =	sbarrier.arrive $0xFFFF  }
0x39: {  	[tilespmem:s28], [sflag:$0x4] =	stream.linear.gather [hbm4b:s15+s2], $0x80, $0x38;
	[tilespmem:$0x1BB80] =	vst v63  }
0x3a: {  	s14 =	sadd.s32 $0x4D0, s13  }
0x3b: {  	[tilespmem:s29], [sflag:$0x4] =	stream.linear.gather [hbm4b:s14+s2], $0x80, $0x38;
	[tilespmem:$0x1BB80] =	vst v63  }
0x3c: {  	_ =	swait.ge [sflag:s30], $0x4000  }
0x3d: {  	[sflag:s30] =	ssyncset.done $0x0  }
0x3e: {  	[sflag:s30] =	ssyncadd.s32 $0xFFFFC000  }
0x3f: {  	_ =	swait.ge [sflag:s31], $0x80  }
0x40: {  	[sflag:s31] =	ssyncset.done $0x0  }
0x41: {  	[sflag:s31] =	ssyncadd.s32 $0xFFFFFF80  }
0x42: {  	_ =	swait.ge [sflag:s31], $0x80  }
0x43: {  	[sflag:s31] =	ssyncset.done $0x0  }
0x44: {  	[sflag:s31] =	ssyncadd.s32 $0xFFFFFF80  }
0x45: {  	[tilespmem:s0], [sflag:$0x2] =	stream.indirect.gather [hbm4b:s5+s24], $0x80, s28, s24, $0xb8;
	[tilespmem:$0x1BB80] =	vst v63  }
0x46: {  	_ = 	snop  }
0x47: {  	[spmem:s1] =	stream.indirect.scatter.add.f32 [tilespmem:s25], [sflag:$0x5], $0x80, s24, s24, $0xb8;
	[tilespmem:$0x1BB80] =	vst v63  }
0x48: {  	_ =	swait.ge [sflag:s23], $0x4000  }
0x49: {  	[sflag:s23] =	ssyncset.done $0x0  }
0x4a: {  	s10 =	sadd.s32 $0x4E0, s10;
	[sflag:s23] =	ssyncadd.s32 $0xFFFFC000  }
0x4b: {  	[tilespmem:s2], [sflag:$0x3] =	stream.linear.gather [hbm4b:s10+s2], $0x80, $0x38;
	[tilespmem:$0x1BB80] =	vst v63  }
0x4c: {  	s15 =	sadd.s32 $0x4E0, s13  }
0x4d: {  	[tilespmem:s24], [sflag:$0x3] =	stream.linear.gather [hbm4b:s15+s2], $0x80, $0x38;
	[tilespmem:$0x1BB80] =	vst v63  }
0x4e: {  	_ =	swait.ge [sflag:s26], $0x80  }
0x4f: {  	[sflag:s26] =	ssyncset.done $0x0  }
0x50: {  	[sflag:s26] =	ssyncadd.s32 $0xFFFFFF80  }
0x51: {  	_ =	swait.ge [sflag:s26], $0x80  }
0x52: {  	[sflag:s26] =	ssyncset.done $0x0  }
0x53: {  	[sflag:s26] =	ssyncadd.s32 $0xFFFFFF80  }
0x54: {  	[tilespmem:s25], [sflag:$0x1] =	stream.indirect.gather [hbm4b:s5+s24], $0x80, s2, s24, $0xb8;
	[tilespmem:$0x1BB80] =	vst v63  }
0x55: {  	_ =	swait.ge [sflag:s16], $0x4000  }
0x56: {  	[sflag:s16] =	ssyncset.done $0x0  }
0x57: {  	[sflag:s16] =	ssyncadd.s32 $0xFFFFC000  }
0x58: {  	[spmem:s1] =	stream.indirect.scatter.add.f32 [tilespmem:s0], [sflag:$0x5], $0x80, s29, s24, $0xb8;
	[tilespmem:$0x1BB80] =	vst v63  }
0x59: {  	s11 =	simm.s32 $0xFFFFFB80;
	_ =	swait.ge [sflag:s23], $0x4000  }
0x5a: {  	s13 =	sadd.s32 $0xFFFFFB60, s22;
	s10 =	simm.s32 $0xFFFFFB60;
	[sflag:s23] =	ssyncset.done $0x0  }
.LBB2_6:
0x5b: {  	s14 =	sadd.s32 $0x4D0, s13  }
0x5c: {  	s15 =	sadd.s32 s10, s21;
	[sflag:s23] =	ssyncadd.s32 $0xFFFFC000;
	s10 =	smov.u32 s11  }
0x5d: {  	[tilespmem:s28], [sflag:$0x4] =	stream.linear.gather [hbm4b:s14+s2], $0x80, $0x38;
	[tilespmem:$0x1BB80] =	vst v63  }
0x5e: {  	p3 =	sne.s32 s11, $0xFFFFFFE0;
	s11 =	sadd.s32 $0x20, s11;
	s14 =	sadd.s32 $0x4D0, s15  }
0x5f: {  	[tilespmem:s29], [sflag:$0x4] =	stream.linear.gather [hbm4b:s14+s2], $0x80, $0x38;
	[tilespmem:$0x1BB80] =	vst v63  }
0x60: {  	_ =	swait.ge [sflag:s30], $0x4000  }
0x61: {  	[sflag:s30] =	ssyncset.done $0x0  }
0x62: {  	[sflag:s30] =	ssyncadd.s32 $0xFFFFC000  }
0x63: {  	_ =	swait.ge [sflag:s31], $0x80  }
0x64: {  	[sflag:s31] =	ssyncset.done $0x0  }
0x65: {  	[sflag:s31] =	ssyncadd.s32 $0xFFFFFF80  }
0x66: {  	_ =	swait.ge [sflag:s31], $0x80  }
0x67: {  	[sflag:s31] =	ssyncset.done $0x0  }
0x68: {  	[sflag:s31] =	ssyncadd.s32 $0xFFFFFF80  }
0x69: {  	[tilespmem:s0], [sflag:$0x2] =	stream.indirect.gather [hbm4b:s5+s24], $0x80, s28, s24, $0xb8;
	[tilespmem:$0x1BB80] =	vst v63  }
0x6a: {  	_ = 	snop  }
0x6b: {  	[spmem:s1] =	stream.indirect.scatter.add.f32 [tilespmem:s25], [sflag:$0x5], $0x80, s24, s24, $0xb8;
	[tilespmem:$0x1BB80] =	vst v63  }
0x6c: {  	_ =	swait.ge [sflag:s23], $0x4000  }
0x6d: {  	[sflag:s23] =	ssyncset.done $0x0  }
0x6e: {  	s13 =	sadd.s32 $0x4E0, s13;
	[sflag:s23] =	ssyncadd.s32 $0xFFFFC000  }
0x6f: {  	[tilespmem:s2], [sflag:$0x3] =	stream.linear.gather [hbm4b:s13+s2], $0x80, $0x38;
	[tilespmem:$0x1BB80] =	vst v63  }
0x70: {  	s13 =	sadd.s32 $0x4E0, s15  }
0x71: {  	[tilespmem:s24], [sflag:$0x3] =	stream.linear.gather [hbm4b:s13+s2], $0x80, $0x38;
	[tilespmem:$0x1BB80] =	vst v63  }
0x72: {  	_ =	swait.ge [sflag:s26], $0x80  }
0x73: {  	[sflag:s26] =	ssyncset.done $0x0  }
0x74: {  	[sflag:s26] =	ssyncadd.s32 $0xFFFFFF80  }
0x75: {  	_ =	swait.ge [sflag:s26], $0x80  }
0x76: {  	[sflag:s26] =	ssyncset.done $0x0  }
0x77: {  	[sflag:s26] =	ssyncadd.s32 $0xFFFFFF80  }
0x78: {  	[tilespmem:s25], [sflag:$0x1] =	stream.indirect.gather [hbm4b:s5+s24], $0x80, s2, s24, $0xb8;
	[tilespmem:$0x1BB80] =	vst v63  }
0x79: {  	_ =	swait.ge [sflag:s16], $0x4000  }
.Ltmp3:
0x7a: {  	[sflag:s16] =	ssyncset.done $0x0;
	(pc) =	sbr.rel @p3 .LBB2_6-.Ltmp3, $4  }
0x7b: {  	[sflag:s16] =	ssyncadd.s32 $0xFFFFC000  }
0x7c: {  	[spmem:s1] =	stream.indirect.scatter.add.f32 [tilespmem:s0], [sflag:$0x5], $0x80, s29, s24, $0xb8;
	[tilespmem:$0x1BB80] =	vst v63  }
0x7d: {  	_ =	swait.ge [sflag:s23], $0x4000  }
0x7e: {  	s13 =	sadd.s32 s10, s22;
	[sflag:s23] =	ssyncset.done $0x0  }
0x7f: {  	s11 =	sadd.s32 $0x4D0, s13;
	s10 =	sadd.s32 s10, s21;
	[sflag:s23] =	ssyncadd.s32 $0xFFFFC000  }
0x80: {  	[tilespmem:s28], [sflag:$0x4] =	stream.linear.gather [hbm4b:s11+s2], $0x80, $0x38;
	[tilespmem:$0x1BB80] =	vst v63  }
0x81: {  	s14 =	sadd.s32 $0x4D0, s10  }
0x82: {  	[tilespmem:s29], [sflag:$0x4] =	stream.linear.gather [hbm4b:s14+s2], $0x80, $0x38;
	[tilespmem:$0x1BB80] =	vst v63  }
0x83: {  	_ =	swait.ge [sflag:s30], $0x4000  }
0x84: {  	[sflag:s30] =	ssyncset.done $0x0  }
0x85: {  	[sflag:s30] =	ssyncadd.s32 $0xFFFFC000  }
0x86: {  	_ =	swait.ge [sflag:s31], $0x80  }
0x87: {  	[sflag:s31] =	ssyncset.done $0x0  }
0x88: {  	[sflag:s31] =	ssyncadd.s32 $0xFFFFFF80  }
0x89: {  	_ =	swait.ge [sflag:s31], $0x80  }
0x8a: {  	[sflag:s31] =	ssyncset.done $0x0  }
0x8b: {  	[sflag:s31] =	ssyncadd.s32 $0xFFFFFF80  }
0x8c: {  	[tilespmem:s0], [sflag:$0x2] =	stream.indirect.gather [hbm4b:s5+s24], $0x80, s28, s24, $0xb8;
	[tilespmem:$0x1BB80] =	vst v63  }
0x8d: {  	_ = 	snop  }
0x8e: {  	[spmem:s1] =	stream.indirect.scatter.add.f32 [tilespmem:s25], [sflag:$0x5], $0x80, s24, s24, $0xb8;
	[tilespmem:$0x1BB80] =	vst v63  }
0x8f: {  	_ =	swait.ge [sflag:s23], $0x4000  }
0x90: {  	[sflag:s23] =	ssyncset.done $0x0  }
0x91: {  	s15 =	sadd.s32 $0x4E0, s13;
	[sflag:s23] =	ssyncadd.s32 $0xFFFFC000  }
0x92: {  	[tilespmem:s2], [sflag:$0x3] =	stream.linear.gather [hbm4b:s15+s2], $0x80, $0x38;
	[tilespmem:$0x1BB80] =	vst v63  }
0x93: {  	s10 =	sadd.s32 $0x4E0, s10  }
0x94: {  	[tilespmem:s24], [sflag:$0x3] =	stream.linear.gather [hbm4b:s10+s2], $0x80, $0x38;
	[tilespmem:$0x1BB80] =	vst v63  }
0x95: {  	_ =	swait.ge [sflag:s26], $0x80  }
0x96: {  	[sflag:s26] =	ssyncset.done $0x0  }
0x97: {  	[sflag:s26] =	ssyncadd.s32 $0xFFFFFF80  }
0x98: {  	_ =	swait.ge [sflag:s26], $0x80  }
0x99: {  	[sflag:s26] =	ssyncset.done $0x0  }
0x9a: {  	[sflag:s26] =	ssyncadd.s32 $0xFFFFFF80  }
0x9b: {  	[tilespmem:s25], [sflag:$0x1] =	stream.indirect.gather [hbm4b:s5+s24], $0x80, s2, s24, $0xb8;
	[tilespmem:$0x1BB80] =	vst v63  }
0x9c: {  	_ =	swait.ge [sflag:s16], $0x4000  }
0x9d: {  	[sflag:s16] =	ssyncset.done $0x0  }
0x9e: {  	[sflag:s16] =	ssyncadd.s32 $0xFFFFC000  }
0x9f: {  	[spmem:s1] =	stream.indirect.scatter.add.f32 [tilespmem:s0], [sflag:$0x5], $0x80, s29, s24, $0xb8;
	[tilespmem:$0x1BB80] =	vst v63  }
0xa0: {  	_ =	swait.ge [sflag:s23], $0x4000  }
0xa1: {  	[sflag:s23] =	ssyncset.done $0x0  }
0xa2: {  	[sflag:s23] =	ssyncadd.s32 $0xFFFFC000  }
0xa3: {  	[tilespmem:s28], [sflag:$0x4] =	stream.linear.gather [hbm4b:s19+s2], $0x80, $0x38;
	[tilespmem:$0x1BB80] =	vst v63  }
0xa4: {  	_ = 	snop  }
0xa5: {  	[tilespmem:s29], [sflag:$0x4] =	stream.linear.gather [hbm4b:s20+s2], $0x80, $0x38;
	[tilespmem:$0x1BB80] =	vst v63  }
0xa6: {  	_ =	swait.ge [sflag:s30], $0x4000  }
0xa7: {  	[sflag:s30] =	ssyncset.done $0x0  }
0xa8: {  	[sflag:s30] =	ssyncadd.s32 $0xFFFFC000  }
0xa9: {  	_ =	swait.ge [sflag:s31], $0x80  }
0xaa: {  	[sflag:s31] =	ssyncset.done $0x0  }
0xab: {  	[sflag:s31] =	ssyncadd.s32 $0xFFFFFF80  }
0xac: {  	_ =	swait.ge [sflag:s31], $0x80  }
0xad: {  	[sflag:s31] =	ssyncset.done $0x0  }
0xae: {  	[sflag:s31] =	ssyncadd.s32 $0xFFFFFF80  }
0xaf: {  	[tilespmem:s0], [sflag:$0x2] =	stream.indirect.gather [hbm4b:s5+s24], $0x80, s28, s24, $0xb8;
	[tilespmem:$0x1BB80] =	vst v63  }
0xb0: {  	_ = 	snop  }
0xb1: {  	[spmem:s1] =	stream.indirect.scatter.add.f32 [tilespmem:s25], [sflag:$0x5], $0x80, s24, s24, $0xb8;
	[tilespmem:$0x1BB80] =	vst v63  }
0xb2: {  	_ =	swait.ge [sflag:s23], $0x4000  }
0xb3: {  	[sflag:s23] =	ssyncset.done $0x0  }
0xb4: {  	[sflag:s23] =	ssyncadd.s32 $0xFFFFC000  }
0xb5: {  	_ =	swait.ge [sflag:s16], $0x4000  }
0xb6: {  	[sflag:s16] =	ssyncset.done $0x0  }
0xb7: {  	[sflag:s16] =	ssyncadd.s32 $0xFFFFC000  }
0xb8: {  	[spmem:s1] =	stream.indirect.scatter.add.f32 [tilespmem:s0], [sflag:$0x5], $0x80, s29, s24, $0xb8;
	[tilespmem:$0x1BB80] =	vst v63  }
0xb9: {  	_ =	swait.ge [sflag:s23], $0x4000  }
0xba: {  	[sflag:s23] =	ssyncset.done $0x0  }
0xbb: {  	s13 =	rddreg [dreg:$0xb];
	[sflag:s23] =	ssyncadd.s32 $0xFFFFC000  }
0xbc: {  	[tilespmem:s17], [sflag:$0x5] =	stream.linear.gather [hbm4b:s13+s2], $0x10, $0x38;
	[tilespmem:$0x1BB80] =	vst v63  }
0xbd: {  	_ =	swait.ge [sflag:s23], $0x10  }
0xbe: {  	[sflag:s23] =	ssyncset.done $0x0  }
0xbf: {  	s14 =	rddreg [dreg:$0xc];
	[sflag:s23] =	ssyncadd.s32 $0xFFFFFFF0  }
0xc0: {  	[tilespmem:s6], [sflag:$0x5] =	stream.linear.gather [hbm4b:s14+s2], $0x10, $0x38;
	[tilespmem:$0x1BB80] =	vst v63  }
0xc1: {  	_ =	swait.ge [sflag:s23], $0x10  }
0xc2: {  	[sflag:s23] =	ssyncset.done $0x0  }
0xc3: {  	[sflag:s23] =	ssyncadd.s32 $0xFFFFFFF0  }
0xc4: {  	[tilespmem:s25], [sflag:$0x1] =	stream.indirect.gather [hbm4b:s5+s7], $0x80, s17, s7, $0xb8;
	[tilespmem:$0x1BB80] =	vst v63  }
0xc5: {  	_ =	swait.ge [sflag:s30], $0x800  }
0xc6: {  	[sflag:s30] =	ssyncset.done $0x0  }
0xc7: {  	[sflag:s30] =	ssyncadd.s32 $0xFFFFF800  }
0xc8: {  	[spmem:s1] =	stream.indirect.scatter.add.f32 [tilespmem:s25], [sflag:$0x5], $0x80, s6, s7, $0xb8;
	[tilespmem:$0x1BB80] =	vst v63  }
0xc9: {  	_ =	swait.ge [sflag:s23], $0x800  }
0xca: {  	[sflag:s23] =	ssyncset.done $0x0  }
0xcb: {  	[sflag:s23] =	ssyncadd.s32 $0xFFFFF800  }
0xcc: {  	[bflag:$0x0] =	sbarrier.arrive $0xFFFF  }
0xcd: {  	s15 =	rddreg [dreg:$0xe]  }
0xce: {  	[hbm:s15], [sflag:s8] =	dma.local [spmem:s9], $0x2700  }
.Ltmp4:
0xcf: {  	_ = 	snop;
	(pc) =	sbr.rel @p1 .LBB2_9-.Ltmp4, $4  }
.Ltmp5:
0xd0: {  	_ = 	snop;
	(pc) =	sbr.rel @!p1 .LBB2_8-.Ltmp5, $4  }
0xd1: {  	_ =	swait.ge [sflag:s23], $0x2700  }
0xd2: {  	[sflag:s23] =	ssyncset.done $0x0  }
0xd3: {  	s9 =	rddreg [dreg:$0x5];
	[sflag:s23] =	ssyncadd.s32 $0xFFFFD900  }
0xd4: {  	_ = 	snop  }
.LBB2_2:
0xd5: {  	[tilespmem:s25], [sflag:$0x1] =	stream.indirect.gather [hbm4b:s3+s24], $0x80, s2, s24, $0xb8;
	[tilespmem:$0x1BB80] =	vst v63  }
0xd6: {  	s11 =	rddreg [dreg:$0x9]  }
0xd7: {  	[spmem:s9], [sflag:s8] =	dma.local [hbm:s11], $0x2700  }
0xd8: {  	_ =	swait.ge [sflag:s23], $0x2700  }
0xd9: {  	[sflag:s23] =	ssyncset.done $0x0  }
0xda: {  	s11 =	rddreg [dreg:$0xa];
	[sflag:s23] =	ssyncadd.s32 $0xFFFFD900  }
0xdb: {  	[spmem:s10], [sflag:s8] =	dma.local @!p1 [hbm:s11], $0x100  }
0xdc: {  	s10 =	simm.s32 @!p1 $0x5  }
0xdd: {  	_ =	swait.ge @!p1 [sflag:s10], $0x100  }
0xde: {  	[sflag:s10] =	ssyncset.done @!p1 $0x0  }
0xdf: {  	[sflag:s10] =	ssyncadd.s32 @!p1 $0xFFFFFF00  }
0xe0: {  	_ =	swait.ge [sflag:s26], $0x80  }
0xe1: {  	[sflag:s26] =	ssyncset.done $0x0  }
0xe2: {  	s10 =	sadd.s32 $0xFFFFFB40, s22;
	[sflag:s26] =	ssyncadd.s32 $0xFFFFFF80  }
0xe3: {  	s13 =	sadd.s32 $0xFFFFFB40, s21;
	s15 =	sadd.s32 $0x4D0, s10;
	[bflag:$0x0] =	sbarrier.arrive $0xFFFF  }
0xe4: {  	[tilespmem:s28], [sflag:$0x4] =	stream.linear.gather [hbm4b:s15+s2], $0x80, $0x38;
	[tilespmem:$0x1BB80] =	vst v63  }
0xe5: {  	s14 =	sadd.s32 $0x4D0, s13  }
0xe6: {  	[tilespmem:s29], [sflag:$0x4] =	stream.linear.gather [hbm4b:s14+s2], $0x80, $0x38;
	[tilespmem:$0x1BB80] =	vst v63  }
0xe7: {  	_ =	swait.ge [sflag:s30], $0x4000  }
0xe8: {  	[sflag:s30] =	ssyncset.done $0x0  }
0xe9: {  	[sflag:s30] =	ssyncadd.s32 $0xFFFFC000  }
0xea: {  	_ =	swait.ge [sflag:s31], $0x80  }
0xeb: {  	[sflag:s31] =	ssyncset.done $0x0  }
0xec: {  	[sflag:s31] =	ssyncadd.s32 $0xFFFFFF80  }
0xed: {  	_ =	swait.ge [sflag:s31], $0x80  }
0xee: {  	[sflag:s31] =	ssyncset.done $0x0  }
0xef: {  	[sflag:s31] =	ssyncadd.s32 $0xFFFFFF80  }
0xf0: {  	[tilespmem:s0], [sflag:$0x2] =	stream.indirect.gather [hbm4b:s3+s24], $0x80, s28, s24, $0xb8;
	[tilespmem:$0x1BB80] =	vst v63  }
0xf1: {  	_ = 	snop  }
0xf2: {  	[spmem:s1] =	stream.indirect.scatter.add.f32 [tilespmem:s25], [sflag:$0x5], $0x80, s24, s24, $0xb8;
	[tilespmem:$0x1BB80] =	vst v63  }
0xf3: {  	_ =	swait.ge [sflag:s23], $0x4000  }
0xf4: {  	[sflag:s23] =	ssyncset.done $0x0  }
0xf5: {  	s10 =	sadd.s32 $0x4E0, s10;
	[sflag:s23] =	ssyncadd.s32 $0xFFFFC000  }
0xf6: {  	[tilespmem:s2], [sflag:$0x3] =	stream.linear.gather [hbm4b:s10+s2], $0x80, $0x38;
	[tilespmem:$0x1BB80] =	vst v63  }
0xf7: {  	s15 =	sadd.s32 $0x4E0, s13  }
0xf8: {  	[tilespmem:s24], [sflag:$0x3] =	stream.linear.gather [hbm4b:s15+s2], $0x80, $0x38;
	[tilespmem:$0x1BB80] =	vst v63  }
0xf9: {  	_ =	swait.ge [sflag:s26], $0x80  }
0xfa: {  	[sflag:s26] =	ssyncset.done $0x0  }
0xfb: {  	[sflag:s26] =	ssyncadd.s32 $0xFFFFFF80  }
0xfc: {  	_ =	swait.ge [sflag:s26], $0x80  }
0xfd: {  	[sflag:s26] =	ssyncset.done $0x0  }
0xfe: {  	[sflag:s26] =	ssyncadd.s32 $0xFFFFFF80  }
0xff: {  	[tilespmem:s25], [sflag:$0x1] =	stream.indirect.gather [hbm4b:s3+s24], $0x80, s2, s24, $0xb8;
	[tilespmem:$0x1BB80] =	vst v63  }
0x100: {  	_ =	swait.ge [sflag:s16], $0x4000  }
0x101: {  	[sflag:s16] =	ssyncset.done $0x0  }
0x102: {  	[sflag:s16] =	ssyncadd.s32 $0xFFFFC000  }
0x103: {  	[spmem:s1] =	stream.indirect.scatter.add.f32 [tilespmem:s0], [sflag:$0x5], $0x80, s29, s24, $0xb8;
	[tilespmem:$0x1BB80] =	vst v63  }
0x104: {  	s11 =	simm.s32 $0xFFFFFB80;
	_ =	swait.ge [sflag:s23], $0x4000  }
0x105: {  	s13 =	sadd.s32 $0xFFFFFB60, s22;
	s10 =	simm.s32 $0xFFFFFB60;
	[sflag:s23] =	ssyncset.done $0x0  }
.LBB2_3:
0x106: {  	s14 =	sadd.s32 $0x4D0, s13  }
0x107: {  	s15 =	sadd.s32 s10, s21;
	[sflag:s23] =	ssyncadd.s32 $0xFFFFC000;
	s10 =	smov.u32 s11  }
0x108: {  	[tilespmem:s28], [sflag:$0x4] =	stream.linear.gather [hbm4b:s14+s2], $0x80, $0x38;
	[tilespmem:$0x1BB80] =	vst v63  }
0x109: {  	p3 =	sne.s32 s11, $0xFFFFFFE0;
	s11 =	sadd.s32 $0x20, s11;
	s14 =	sadd.s32 $0x4D0, s15  }
0x10a: {  	[tilespmem:s29], [sflag:$0x4] =	stream.linear.gather [hbm4b:s14+s2], $0x80, $0x38;
	[tilespmem:$0x1BB80] =	vst v63  }
0x10b: {  	_ =	swait.ge [sflag:s30], $0x4000  }
0x10c: {  	[sflag:s30] =	ssyncset.done $0x0  }
0x10d: {  	[sflag:s30] =	ssyncadd.s32 $0xFFFFC000  }
0x10e: {  	_ =	swait.ge [sflag:s31], $0x80  }
0x10f: {  	[sflag:s31] =	ssyncset.done $0x0  }
0x110: {  	[sflag:s31] =	ssyncadd.s32 $0xFFFFFF80  }
0x111: {  	_ =	swait.ge [sflag:s31], $0x80  }
0x112: {  	[sflag:s31] =	ssyncset.done $0x0  }
0x113: {  	[sflag:s31] =	ssyncadd.s32 $0xFFFFFF80  }
0x114: {  	[tilespmem:s0], [sflag:$0x2] =	stream.indirect.gather [hbm4b:s3+s24], $0x80, s28, s24, $0xb8;
	[tilespmem:$0x1BB80] =	vst v63  }
0x115: {  	_ = 	snop  }
0x116: {  	[spmem:s1] =	stream.indirect.scatter.add.f32 [tilespmem:s25], [sflag:$0x5], $0x80, s24, s24, $0xb8;
	[tilespmem:$0x1BB80] =	vst v63  }
0x117: {  	_ =	swait.ge [sflag:s23], $0x4000  }
0x118: {  	[sflag:s23] =	ssyncset.done $0x0  }
0x119: {  	s13 =	sadd.s32 $0x4E0, s13;
	[sflag:s23] =	ssyncadd.s32 $0xFFFFC000  }
0x11a: {  	[tilespmem:s2], [sflag:$0x3] =	stream.linear.gather [hbm4b:s13+s2], $0x80, $0x38;
	[tilespmem:$0x1BB80] =	vst v63  }
0x11b: {  	s13 =	sadd.s32 $0x4E0, s15  }
0x11c: {  	[tilespmem:s24], [sflag:$0x3] =	stream.linear.gather [hbm4b:s13+s2], $0x80, $0x38;
	[tilespmem:$0x1BB80] =	vst v63  }
0x11d: {  	_ =	swait.ge [sflag:s26], $0x80  }
0x11e: {  	[sflag:s26] =	ssyncset.done $0x0  }
0x11f: {  	[sflag:s26] =	ssyncadd.s32 $0xFFFFFF80  }
0x120: {  	_ =	swait.ge [sflag:s26], $0x80  }
0x121: {  	[sflag:s26] =	ssyncset.done $0x0  }
0x122: {  	[sflag:s26] =	ssyncadd.s32 $0xFFFFFF80  }
0x123: {  	[tilespmem:s25], [sflag:$0x1] =	stream.indirect.gather [hbm4b:s3+s24], $0x80, s2, s24, $0xb8;
	[tilespmem:$0x1BB80] =	vst v63  }
0x124: {  	_ =	swait.ge [sflag:s16], $0x4000  }
.Ltmp6:
0x125: {  	[sflag:s16] =	ssyncset.done $0x0;
	(pc) =	sbr.rel @p3 .LBB2_3-.Ltmp6, $4  }
0x126: {  	[sflag:s16] =	ssyncadd.s32 $0xFFFFC000  }
0x127: {  	[spmem:s1] =	stream.indirect.scatter.add.f32 [tilespmem:s0], [sflag:$0x5], $0x80, s29, s24, $0xb8;
	[tilespmem:$0x1BB80] =	vst v63  }
0x128: {  	_ =	swait.ge [sflag:s23], $0x4000  }
0x129: {  	s13 =	sadd.s32 s10, s22;
	[sflag:s23] =	ssyncset.done $0x0  }
0x12a: {  	s11 =	sadd.s32 $0x4D0, s13;
	s10 =	sadd.s32 s10, s21;
	[sflag:s23] =	ssyncadd.s32 $0xFFFFC000  }
0x12b: {  	[tilespmem:s28], [sflag:$0x4] =	stream.linear.gather [hbm4b:s11+s2], $0x80, $0x38;
	[tilespmem:$0x1BB80] =	vst v63  }
0x12c: {  	s14 =	sadd.s32 $0x4D0, s10  }
0x12d: {  	[tilespmem:s29], [sflag:$0x4] =	stream.linear.gather [hbm4b:s14+s2], $0x80, $0x38;
	[tilespmem:$0x1BB80] =	vst v63  }
0x12e: {  	_ =	swait.ge [sflag:s30], $0x4000  }
0x12f: {  	[sflag:s30] =	ssyncset.done $0x0  }
0x130: {  	[sflag:s30] =	ssyncadd.s32 $0xFFFFC000  }
0x131: {  	_ =	swait.ge [sflag:s31], $0x80  }
0x132: {  	[sflag:s31] =	ssyncset.done $0x0  }
0x133: {  	[sflag:s31] =	ssyncadd.s32 $0xFFFFFF80  }
0x134: {  	_ =	swait.ge [sflag:s31], $0x80  }
0x135: {  	[sflag:s31] =	ssyncset.done $0x0  }
0x136: {  	[sflag:s31] =	ssyncadd.s32 $0xFFFFFF80  }
0x137: {  	[tilespmem:s0], [sflag:$0x2] =	stream.indirect.gather [hbm4b:s3+s24], $0x80, s28, s24, $0xb8;
	[tilespmem:$0x1BB80] =	vst v63  }
0x138: {  	_ = 	snop  }
0x139: {  	[spmem:s1] =	stream.indirect.scatter.add.f32 [tilespmem:s25], [sflag:$0x5], $0x80, s24, s24, $0xb8;
	[tilespmem:$0x1BB80] =	vst v63  }
0x13a: {  	_ =	swait.ge [sflag:s23], $0x4000  }
0x13b: {  	[sflag:s23] =	ssyncset.done $0x0  }
0x13c: {  	s15 =	sadd.s32 $0x4E0, s13;
	[sflag:s23] =	ssyncadd.s32 $0xFFFFC000  }
0x13d: {  	[tilespmem:s2], [sflag:$0x3] =	stream.linear.gather [hbm4b:s15+s2], $0x80, $0x38;
	[tilespmem:$0x1BB80] =	vst v63  }
0x13e: {  	s10 =	sadd.s32 $0x4E0, s10  }
0x13f: {  	[tilespmem:s24], [sflag:$0x3] =	stream.linear.gather [hbm4b:s10+s2], $0x80, $0x38;
	[tilespmem:$0x1BB80] =	vst v63  }
0x140: {  	_ =	swait.ge [sflag:s26], $0x80  }
0x141: {  	[sflag:s26] =	ssyncset.done $0x0  }
0x142: {  	[sflag:s26] =	ssyncadd.s32 $0xFFFFFF80  }
0x143: {  	_ =	swait.ge [sflag:s26], $0x80  }
0x144: {  	[sflag:s26] =	ssyncset.done $0x0  }
0x145: {  	[sflag:s26] =	ssyncadd.s32 $0xFFFFFF80  }
0x146: {  	[tilespmem:s25], [sflag:$0x1] =	stream.indirect.gather [hbm4b:s3+s24], $0x80, s2, s24, $0xb8;
	[tilespmem:$0x1BB80] =	vst v63  }
0x147: {  	_ =	swait.ge [sflag:s16], $0x4000  }
0x148: {  	[sflag:s16] =	ssyncset.done $0x0  }
0x149: {  	[sflag:s16] =	ssyncadd.s32 $0xFFFFC000  }
0x14a: {  	[spmem:s1] =	stream.indirect.scatter.add.f32 [tilespmem:s0], [sflag:$0x5], $0x80, s29, s24, $0xb8;
	[tilespmem:$0x1BB80] =	vst v63  }
0x14b: {  	_ =	swait.ge [sflag:s23], $0x4000  }
0x14c: {  	[sflag:s23] =	ssyncset.done $0x0  }
0x14d: {  	[sflag:s23] =	ssyncadd.s32 $0xFFFFC000  }
0x14e: {  	[tilespmem:s28], [sflag:$0x4] =	stream.linear.gather [hbm4b:s19+s2], $0x80, $0x38;
	[tilespmem:$0x1BB80] =	vst v63  }
0x14f: {  	_ = 	snop  }
0x150: {  	[tilespmem:s29], [sflag:$0x4] =	stream.linear.gather [hbm4b:s20+s2], $0x80, $0x38;
	[tilespmem:$0x1BB80] =	vst v63  }
0x151: {  	_ =	swait.ge [sflag:s30], $0x4000  }
0x152: {  	[sflag:s30] =	ssyncset.done $0x0  }
0x153: {  	[sflag:s30] =	ssyncadd.s32 $0xFFFFC000  }
0x154: {  	_ =	swait.ge [sflag:s31], $0x80  }
0x155: {  	[sflag:s31] =	ssyncset.done $0x0  }
0x156: {  	[sflag:s31] =	ssyncadd.s32 $0xFFFFFF80  }
0x157: {  	_ =	swait.ge [sflag:s31], $0x80  }
0x158: {  	[sflag:s31] =	ssyncset.done $0x0  }
0x159: {  	[sflag:s31] =	ssyncadd.s32 $0xFFFFFF80  }
0x15a: {  	[tilespmem:s0], [sflag:$0x2] =	stream.indirect.gather [hbm4b:s3+s24], $0x80, s28, s24, $0xb8;
	[tilespmem:$0x1BB80] =	vst v63  }
0x15b: {  	_ = 	snop  }
0x15c: {  	[spmem:s1] =	stream.indirect.scatter.add.f32 [tilespmem:s25], [sflag:$0x5], $0x80, s24, s24, $0xb8;
	[tilespmem:$0x1BB80] =	vst v63  }
0x15d: {  	_ =	swait.ge [sflag:s23], $0x4000  }
0x15e: {  	[sflag:s23] =	ssyncset.done $0x0  }
0x15f: {  	[sflag:s23] =	ssyncadd.s32 $0xFFFFC000  }
0x160: {  	_ =	swait.ge [sflag:s16], $0x4000  }
0x161: {  	[sflag:s16] =	ssyncset.done $0x0  }
0x162: {  	[sflag:s16] =	ssyncadd.s32 $0xFFFFC000  }
0x163: {  	[spmem:s1] =	stream.indirect.scatter.add.f32 [tilespmem:s0], [sflag:$0x5], $0x80, s29, s24, $0xb8;
	[tilespmem:$0x1BB80] =	vst v63  }
0x164: {  	_ =	swait.ge [sflag:s23], $0x4000  }
0x165: {  	[sflag:s23] =	ssyncset.done $0x0  }
0x166: {  	s13 =	rddreg [dreg:$0xb];
	[sflag:s23] =	ssyncadd.s32 $0xFFFFC000  }
0x167: {  	[tilespmem:s17], [sflag:$0x5] =	stream.linear.gather [hbm4b:s13+s2], $0x10, $0x38;
	[tilespmem:$0x1BB80] =	vst v63  }
0x168: {  	_ =	swait.ge [sflag:s23], $0x10  }
0x169: {  	[sflag:s23] =	ssyncset.done $0x0  }
0x16a: {  	s14 =	rddreg [dreg:$0xc];
	[sflag:s23] =	ssyncadd.s32 $0xFFFFFFF0  }
0x16b: {  	[tilespmem:s6], [sflag:$0x5] =	stream.linear.gather [hbm4b:s14+s2], $0x10, $0x38;
	[tilespmem:$0x1BB80] =	vst v63  }
0x16c: {  	_ =	swait.ge [sflag:s23], $0x10  }
0x16d: {  	[sflag:s23] =	ssyncset.done $0x0  }
0x16e: {  	[sflag:s23] =	ssyncadd.s32 $0xFFFFFFF0  }
0x16f: {  	[tilespmem:s25], [sflag:$0x1] =	stream.indirect.gather [hbm4b:s3+s7], $0x80, s17, s7, $0xb8;
	[tilespmem:$0x1BB80] =	vst v63  }
0x170: {  	_ =	swait.ge [sflag:s30], $0x800  }
0x171: {  	[sflag:s30] =	ssyncset.done $0x0  }
0x172: {  	[sflag:s30] =	ssyncadd.s32 $0xFFFFF800  }
0x173: {  	[spmem:s1] =	stream.indirect.scatter.add.f32 [tilespmem:s25], [sflag:$0x5], $0x80, s6, s7, $0xb8;
	[tilespmem:$0x1BB80] =	vst v63  }
0x174: {  	_ =	swait.ge [sflag:s23], $0x800  }
0x175: {  	[sflag:s23] =	ssyncset.done $0x0  }
0x176: {  	[sflag:s23] =	ssyncadd.s32 $0xFFFFF800  }
0x177: {  	[bflag:$0x0] =	sbarrier.arrive $0xFFFF  }
0x178: {  	s15 =	rddreg [dreg:$0xd]  }
0x179: {  	[hbm:s15], [sflag:s8] =	dma.local [spmem:s9], $0x2700  }
.Ltmp7:
0x17a: {  	_ = 	snop;
	(pc) =	sbr.rel @p2 .LBB2_8-.Ltmp7, $4  }
.Ltmp8:
0x17b: {  	_ = 	snop;
	(pc) =	sbr.rel @!p2 .LBB2_9-.Ltmp8, $4  }
0x17c: {  	_ =	swait.ge [sflag:s23], $0x2700  }
0x17d: {  	[sflag:s23] =	ssyncset.done $0x0  }
0x17e: {  	s9 =	rddreg [dreg:$0x4];
	[sflag:s23] =	ssyncadd.s32 $0xFFFFD900  }
0x17f: {  	_ = 	snop  }
.LBB2_10:
0x180: {  	_ =	sfence.sel $0x180000  }
0x181: {  	[bflag:$0x0] =	sbarrier.arrive $0xFFFF  }
0x182: {  	_ =	strace $0x9000004A  }
0x183: {  	s0 =	stileid.u32;
	[bflag:$0x2] =	sbarrier.arrive $0xFFFF  }
0x184: {  	p0 =	sne.s32 s0, $0x0;
	s0 =	rddreg [dreg:$0x3]  }
0x185: {  	s0 =	sadd.s32 @!p0 $0x100000, s0  }
0x186: {  	[sflag:s0] =	ssyncadd.tile.s32 @!p0 $0x1;
	_ =	shalt  }
.Lfunc_end2:
_tile_overlayer_lowered:
.L_overlay_start_2:
0x187: {  	(tag) =	ssettag $0x2  }
0x188: {  	s0 =	rddreg [dreg:$0x0];
	s2 =	stileid.u32  }
0x189: {  	s1 =	rddreg [dreg:$0x1];
	p0 =	sne.s32 s2, $0x0  }
0x18a: {  	s3 =	rddreg [dreg:$0x2];
	[bflag:$0x3] =	sbarrier.arrive $0xFFFF;
	s2 =	simm.s32 @!p0 $0x1C05  }
0x18b: {  	[timem:s3], [sflag:s2] =	dma.local @!p0 [hbm:s0], s1  }
0x18c: {  	s0 =	simm.s32 @!p0 $0x5  }
0x18d: {  	_ =	swait.ge @!p0 [sflag:s0], s1  }
0x18e: {  	s1 =	ssub.s32 @!p0 $0x0, s1;
	[sflag:s0] =	ssyncset.done @!p0 $0x0  }
0x18f: {  	[sflag:s0] =	ssyncadd.s32 @!p0 s1  }
0x190: {  	[bflag:$0x3] =	sbarrier.arrive $0xFFFF  }
0x191: {  	_ =	shalt  }

// kernel: kernel.16.cloned.1.call-start
scs
__scs_entry_jumppad:
0x0: {  	(pc) =	sbr.rel $0x88, $3  }
0x1: {  	(tag) =	ssettag $0x0;
	lr =	simm.s32 $0x1  }
0x2: {  	[smem:$0x3F99] =	sst lr;
	_ =	strace $0xD0000000  }
0x3: {  	_ = 	snop  }
0x4: {  	_ = 	snop  }
0x5: {  	_ = 	snop  }
0x6: {  	_ = 	snop  }
0x7: {  	_ = 	snop  }
__scs_overlays_trampoline_lowered:
0x8: {  	[smem:$0x3FA8] =	sst s0  }
0x9: {  	[smem:$0x3FA9] =	sst s1  }
0xa: {  	[smem:$0x3FAA] =	sst s2  }
0xb: {  	[smem:$0x3FAB] =	sst s3  }
0xc: {  	[smem:$0x3FAC] =	sst s4  }
0xd: {  	[smem:$0x3FAD] =	sst s5  }
0xe: {  	[smem:$0x3FAE] =	sst s6  }
0xf: {  	[smem:$0x3FAF] =	sst s7  }
0x10: {  	[smem:$0x3FB0] =	sst s8  }
0x11: {  	[smem:$0x3FB1] =	sst s9;
	s0 =	simm.s32 @!p0 $0x0  }
0x12: {  	s1 =	sld [smem:$0x3F97];
	s0 =	simm.s32 @p0 $0x1  }
0x13: {  	[smem:$0x3FB2] =	sst s0;
	s0 =	simm.s32 @!p1 $0x0  }
0x14: {  	s2 =	sld [smem:$0x3F96];
	s0 =	simm.s32 @p1 $0x1  }
0x15: {  	[smem:$0x3FB3] =	sst s0;
	s0 =	simm.s32 @!p2 $0x0  }
0x16: {  	s3 =	sld [smem:$0x3FDB];
	s0 =	simm.s32 @p2 $0x1  }
0x17: {  	s4 =	simm.s32 $0x1BF5;
	[smem:$0x3FB5] =	sst s0  }
0x18: {  	s0 =	sld [smem:$0x3F98];
	_ =	swait.ge [sflag:s4], $0x0  }
0x19: {  	s7 =	sld [smem:$0x3F99]  }
0x1a: {  	s8 =	sadd.s32 $0xFFFFE003, lr  }
0x1b: {  	s9 =	sadd.s32 $0xFFFFFEF7, lr;
	s5 =	simm.s32 $0xFFFFFFFF;
	p2 =	slt.u32 s8, $0xFFFFF086  }
0x1c: {  	p1 =	slt.u32 s9, $0xF7A;
	s5 =	simm.s32 @!p2 $0x0  }
0x1d: {  	s5 =	simm.s32 @p1 $0x1;
	p0 =	seq.s32 s7, s2  }
0x1e: {  	s7 =	smul.u32 @!p0 $0xF7A, s2;
	p2 =	seq.s32 @!p0 s5, $0x0  }
0x1f: {  	s9 =	smul.u32 $0xF7A, s1;
	s8 =	simm.s32 @!p0 $0x1BF5;
	p2 =	por !p2, p0  }
0x20: {  	[sflag:s8] =	ssyncset.s32 @!p0 $0xFFFFF086;
	s6 =	sadd.s32 @!p0 s3, s7;
	s7 =	simm.s32 @!p0 $0x108  }
0x21: {  	s3 =	sadd.s32 s3, s9;
	s6 =	sadd.s32 @!p0 $0x88, s6;
	s7 =	simm.s32 @p2 $0x1082  }
0x22: {  	[simem:s7], [sflag:s8] =	dma.local @!p0 [hbm:s6], $0xF7A  }
0x23: {  	s9 =	sor.u32 $0xD0000000, s2;
	s6 =	simm.s32 $0x108;
	_ =	swait.ge @!p0 [sflag:s8], $0x0  }
0x24: {  	s3 =	sadd.s32 $0x88, s3;
	s6 =	simm.s32 @!p1 $0x1082;
	[sflag:s4] =	ssyncset.s32 $0xFFFFF086  }
0x25: {  	[simem:s6], [sflag:s4] =	dma.local [hbm:s3], $0xF7A  }
0x26: {  	[smem:$0x3F99] =	sst s1;
	(tag) =	ssettag s2;
	_ =	strace s9  }
0x27: {  	s1 =	sld [smem:$0x3FA9]  }
0x28: {  	s2 =	sld [smem:$0x3FAA]  }
0x29: {  	s4 =	sld [smem:$0x3FAC]  }
0x2a: {  	p0 =	seq.s32 s5, $0x0;
	s5 =	sld [smem:$0x3FAD]  }
0x2b: {  	s6 =	sld [smem:$0x3FAE]  }
0x2c: {  	s7 =	sld [smem:$0x3FAF]  }
0x2d: {  	s3 =	simm.s32 $0x108;
	s8 =	sld [smem:$0x3FB0]  }
0x2e: {  	s3 =	simm.s32 @!p0 $0x1082;
	s9 =	sld [smem:$0x3FB1]  }
0x2f: {  	lr =	sadd.s32 s0, s3;
	s0 =	sld [smem:$0x3FA8]  }
0x30: {  	s3 =	sld [smem:$0x3FAB]  }
0x31: {  	[smem:$0x3FB4] =	sst s10  }
0x32: {  	s10 =	sld [smem:$0x3FB2];
	_ =	sdelay $0x3  }
0x33: {  	p0 =	seq.s32 s10, $0x1;
	s10 =	sld [smem:$0x3FB4];
	_ =	sdelay $0x3  }
0x34: {  	[smem:$0x3FB4] =	sst s10  }
0x35: {  	s10 =	sld [smem:$0x3FB3];
	_ =	sdelay $0x3  }
0x36: {  	p1 =	seq.s32 s10, $0x1;
	s10 =	sld [smem:$0x3FB4];
	_ =	sdelay $0x3  }
0x37: {  	[smem:$0x3FB4] =	sst s10  }
0x38: {  	s10 =	sld [smem:$0x3FB5]  }
0x39: {  	_ = 	snop;
	(pc) =	sbr.ind lr, $3  }
0x3a: {  	_ = 	snop  }
0x3b: {  	_ = 	snop  }
0x3c: {  	p2 =	seq.s32 s10, $0x1;
	s10 =	sld [smem:$0x3FB4]  }
0x3d: {  	_ =	shalt  }
0x3e: {  	_ =	shalt  }
0x3f: {  	_ =	shalt  }
0x40: {  	_ =	shalt  }
0x41: {  	_ =	shalt  }
0x42: {  	_ =	shalt  }
0x43: {  	_ =	shalt  }
0x44: {  	_ =	shalt  }
0x45: {  	_ =	shalt  }
0x46: {  	_ =	shalt  }
0x47: {  	_ =	shalt  }
0x48: {  	_ =	shalt  }
0x49: {  	_ =	shalt  }
0x4a: {  	_ =	shalt  }
0x4b: {  	_ =	shalt  }
0x4c: {  	_ =	shalt  }
0x4d: {  	_ =	shalt  }
0x4e: {  	_ =	shalt  }
0x4f: {  	_ =	shalt  }
0x50: {  	_ =	shalt  }
0x51: {  	_ =	shalt  }
0x52: {  	_ =	shalt  }
0x53: {  	_ =	shalt  }
0x54: {  	_ =	shalt  }
0x55: {  	_ =	shalt  }
0x56: {  	_ =	shalt  }
0x57: {  	_ =	shalt  }
0x58: {  	_ =	shalt  }
0x59: {  	_ =	shalt  }
0x5a: {  	_ =	shalt  }
0x5b: {  	_ =	shalt  }
0x5c: {  	_ =	shalt  }
0x5d: {  	_ =	shalt  }
0x5e: {  	_ =	shalt  }
0x5f: {  	_ =	shalt  }
0x60: {  	_ =	shalt  }
0x61: {  	_ =	shalt  }
0x62: {  	_ =	shalt  }
0x63: {  	_ =	shalt  }
0x64: {  	_ =	shalt  }
0x65: {  	_ =	shalt  }
0x66: {  	_ =	shalt  }
0x67: {  	_ =	shalt  }
0x68: {  	_ =	shalt  }
0x69: {  	_ =	shalt  }
0x6a: {  	_ =	shalt  }
0x6b: {  	_ =	shalt  }
0x6c: {  	_ =	shalt  }
0x6d: {  	_ =	shalt  }
0x6e: {  	_ =	shalt  }
0x6f: {  	_ =	shalt  }
0x70: {  	_ =	shalt  }
0x71: {  	_ =	shalt  }
0x72: {  	_ =	shalt  }
0x73: {  	_ =	shalt  }
0x74: {  	_ =	shalt  }
0x75: {  	_ =	shalt  }
0x76: {  	_ =	shalt  }
0x77: {  	_ =	shalt  }
0x78: {  	_ =	shalt  }
0x79: {  	_ =	shalt  }
0x7a: {  	_ =	shalt  }
0x7b: {  	_ =	shalt  }
0x7c: {  	_ =	shalt  }
0x7d: {  	_ =	shalt  }
0x7e: {  	_ =	shalt  }
0x7f: {  	_ =	shalt  }
0x80: {  	_ =	shalt  }
0x81: {  	_ =	shalt  }
0x82: {  	_ =	shalt  }
0x83: {  	_ =	shalt  }
0x84: {  	_ =	shalt  }
0x85: {  	_ =	shalt  }
0x86: {  	_ =	shalt  }
0x87: {  	_ =	shalt  }
.Lfunc_end0:
.L_simem_size_0:
called_computation.2_lowered:
.L_overlay_start_0:
0x88: {  	s2 =	sld [smem:$0x3FD9]  }
0x89: {  	s3 =	sld [smem:$0x3FFE];
	_ =	sdelay $0x1  }
0x8a: {  	s1 =	srdreg.scid  }
0x8b: {  	s0 =	sand.u32 $0x1, s1  }
0x8c: {  	s17 =	sshll.u32 s0, $0xA;
	s2 =	sadd.s32 s3, s2  }
0x8d: {  	s2 =	sadd.s32 s2, s17  }
0x8e: {  	[smem:$0x3FC0] =	sst s2  }
0x8f: {  	_ = 	snop  }
0x90: {  	s2 =	sld [smem:$0x3FD0];
	(tm) =	ssettm $0x1  }
0x91: {  	s18 =	sld [smem:$0x3FFB];
	_ =	sdelay $0x3  }
0x92: {  	_ =	strace s18  }
0x93: {  	s3 =	sld [smem:$0x3FFC];
	_ =	sdelay $0x3  }
0x94: {  	_ =	strace s3  }
0x95: {  	s3 =	sld [smem:$0x3FFD];
	_ =	sdelay $0x3  }
0x96: {  	_ =	strace s3  }
0x97: {  	_ =	strace $0x8FFFFFFF  }
0x98: {  	s19 =	sld [smem:$0x3FDB];
	_ =	sdelay $0x1  }
0x99: {  	s4 =	simm.s32 $_scs_section_size  }
0x9a: {  	s5 =	simm.s32 $_size__tile_overlayer_lowered;
	s6 =	simm.s32 $_tile_overlayer_lowered  }
0x9b: {  	s22 =	simm.s32 $0x1BFF;
	s21 =	sshll.u32 s6, $0x1;
	s3 =	sadd.s32 s4, s19  }
0x9c: {  	s7 =	simm.s32 $0x0;
	s20 =	sshll.u32 s5, $0x1;
	s5 =	sadd.s32 s21, s3  }
0x9d: {  	[timem:s7], [sflag:s22] =	dma.local [hbm:s5], s20  }
0x9e: {  	_ =	swait.ge [sflag:s22], s20  }
0x9f: {  	s4 =	ssub.s32 $0x0, s20;
	[sflag:s22] =	ssyncset.done $0x0  }
0xa0: {  	[sflag:s22] =	ssyncadd.s32 s4;
	_ =	sdelay $0x1  }
0xa1: {  	s23 =	simm.s32 $0x1B8B  }
0xa2: {  	_ =	swait.ge [sflag:s23], $0x1  }
0xa3: {  	[sflag:s23] =	ssyncset.done $0x0  }
0xa4: {  	s25 =	simm.s32 $0x1B8E;
	s24 =	sld [smem:$0x3FFE];
	[sflag:s23] =	ssyncadd.s32 $0xFFFFFFFF  }
0xa5: {  	s26 =	simm.s32 $execute0_lowered;
	[smem:$0x3FD2] =	sst s25  }
0xa6: {  	s5 =	sshll.u32 s26, $0x1;
	_ =	strace $0x8000004C;
	[dreg:$0x1] =	wrdreg $0xFFFFFFFF  }
0xa7: {  	s28 =	simm.s32 $_size_execute0_lowered;
	s3 =	sadd.s32 s3, s5;
	[dreg:$0x0] =	wrdreg $0x0  }
0xa8: {  	s5 =	sshll.u32 s28, $0x1;
	[dreg:$0x2] =	wrdreg s3  }
0xa9: {  	[dreg:$0x3] =	wrdreg s5  }
0xaa: {  	[dreg:$0x4] =	wrdreg $0xC0  }
0xab: {  	_ =	task [dreg:s7], $0x5FFFF  }
0xac: {  	[dreg:$0x1] =	wrdreg $0xFFFFFFFF  }
0xad: {  	[dreg:$0x0] =	wrdreg $0x60  }
0xae: {  	[dreg:$0x2] =	wrdreg s24  }
0xaf: {  	[dreg:$0x3] =	wrdreg s2  }
0xb0: {  	[dreg:$0x4] =	wrdreg $0x83000  }
0xb1: {  	[dreg:$0x5] =	wrdreg $0x9  }
0xb2: {  	_ =	task.clear_ibuf [dreg:s7], $0x6FFFF;
	_ =	strace $0x9000004C  }
0xb3: {  	s29 =	simm.s32 $0x9;
	_ =	strace $0x8000004E  }
0xb4: {  	_ =	swait.ge [sflag:s29], $0x1  }
0xb5: {  	[sflag:s29] =	ssyncadd.s32 $0xFFFFFFFF  }
0xb6: {  	_ =	strace $0x9000004E  }
0xb7: {  	_ =	sfence  }
0xb8: {  	s30 =	sld [smem:$0x0];
	_ =	sdelay $0x2  }
0xb9: {  	s31 =	sshll.u32 s1, $0xD;
	s1 =	sshrl.u32 s1, $0x2  }
0xba: {  	s3 =	sand.u32 $0x4000, s31;
	s1 =	sadd.s32 s1, s30  }
0xbb: {  	s0 =	sor.u32 s3, s0;
	s1 =	sshll.u32 s1, $0x11  }
0xbc: {  	s0 =	sor.u32 s1, s0  }
0xbd: {  	s0 =	sadd.s32 $0x8F2B, s0  }
0xbe: {  	[sflag:s0] =	ssyncadd.remote.s32 $0x1  }
0xbf: {  	_ =	sfence.sel $0xFFFF  }
0xc0: {  	[dreg:$0x0] =	wrdreg $0xFFFFFFFF;
	(pc) =	sbr.abs _section_cstart, $3  }
0xc1: {  	[dreg:$0x1] =	wrdreg $0xFFFFFFFF  }
0xc2: {  	_ =	task.clear_ibuf [dreg:s7], $0x2FFFF;
	_ =	strace $0x9FFFFFFF  }
0xc3: {  	(tm) =	ssettm $0x7FFFFFFF  }
tec
execute0_lowered:
.L_overlay_start_1:
0x0: {  	(tag) =	ssettag $0x1  }
0x1: {  	s0 =	rddreg [dreg:$0x0]  }
0x2: {  	s4 =	rddreg [dreg:$0x1]  }
0x3: {  	s1 =	rddreg [dreg:$0x2];
	s2 =	simm.s32 $0x0  }
0x4: {  	s7 =	srdreg.scid;
	s13 =	stileid.u32;
	s28 =	simm.s32 $0x100  }
0x5: {  	s29 =	simm.s32 $0x180;
	s30 =	simm.s32 $0x1;
	s31 =	simm.s32 $0x4  }
0x6: {  	[smem:$0x7FF] =	sst s2;
	s3 =	sadd.s32 $0x5D600, s0;
	s5 =	sadd.s32 $0x84800, s0  }
0x7: {  	s6 =	sadd.s32 $0x4A00, s0;
	s8 =	sadd.s32 $0x9A00, s0;
	s10 =	smul.u32 $0x2710, s13  }
0x8: {  	s7 =	sand.u32 $0x1, s7;
	s14 =	sadd.s32 $0xABA00, s0;
	s11 =	smul.u32 $0x4E000, s13  }
0x9: {  	s15 =	sadd.s32 $0xD2C00, s0;
	s16 =	smul.u32 $0x2700, s13;
	s12 =	sadd.s32 $0x138000, s1  }
0xa: {  	p1 =	sne.s32 s13, $0xF;
	p2 =	seq.s32 s13, $0xF;
	_ =	strace $0x8000004D  }
0xb: {  	s9 =	ssub.s32 $0x2, s7;
	p0 =	seq.s32 s7, $0x1;
	[dreg:$0x4] =	wrdreg s14  }
0xc: {  	[dreg:$0x5] =	wrdreg s15;
	s25 =	sshrl.u32 s9, $0x1;
	s26 =	sshrl.u32 s10, $0x3  }
0xd: {  	s18 =	sshrl.u32 s11, $0x2;
	s20 =	sadd.s32 s4, s16;
	s4 =	sadd.s32 $0x27000, s4  }
0xe: {  	s23 =	sadd.s32 s14, s16;
	s24 =	sadd.s32 s15, s16;
	[dreg:$0x9] =	wrdreg s20  }
0xf: {  	s16 =	simm.s32 $0x2;
	s0 =	ssub.s32 s9, s25;
	[dreg:$0xa] =	wrdreg s4  }
0x10: {  	s17 =	sadd.s32 s6, s26;
	s19 =	sadd.s32 s8, s26;
	[dreg:$0xd] =	wrdreg s23  }
0x11: {  	s7 =	sadd.s32 s18, s1;
	s21 =	sadd.s32 $0x4E0, s26;
	[dreg:$0xe] =	wrdreg s24  }
0x12: {  	s25 =	sadd.s32 $0x4D0, s26;
	s26 =	smul.u32 $0x4E2, s13;
	[dreg:$0x6] =	wrdreg s17  }
0x13: {  	s23 =	simm.s32 $0x5;
	s24 =	simm.s32 $0x80;
	[dreg:$0x7] =	wrdreg s19  }
0x14: {  	[dreg:$0x8] =	wrdreg s7;
	s22 =	sadd.s32 s6, s21;
	s4 =	sadd.s32 s8, s21  }
.Ltmp0:
0x15: {  	s18 =	smax.u32 s0, $0x1;
	s19 =	sadd.s32 s6, s25;
	(pc) =	sbr.rel .LBB2_1-.Ltmp0, $4  }
0x16: {  	s20 =	sadd.s32 s8, s25;
	s25 =	simm.s32 $0x300;
	s0 =	simm.s32 $0x4300  }
0x17: {  	s17 =	simm.s32 $0x200;
	s7 =	simm.s32 $0x10;
	[dreg:$0xb] =	wrdreg s22  }
0x18: {  	[dreg:$0xc] =	wrdreg s4;
	s21 =	sadd.s32 s26, s8;
	s22 =	sadd.s32 s26, s6  }
0x19: {  	s26 =	simm.s32 $0x3;
	s6 =	simm.s32 $0x280;
	s4 =	simm.s32 $0x0  }
.LBB2_8:
0x1a: {  	s9 =	sadd.s32 $0x27000, s9;
	s10 =	sshrl.u32 s12, $0x3  }
0x1b: {  	[hbm:s9], [sflag:s8] =	dma.local [spmem:s10], $0x100  }
0x1c: {  	_ =	swait.ge [sflag:s23], $0x100  }
0x1d: {  	[sflag:s23] =	ssyncset.done $0x0  }
0x1e: {  	[sflag:s23] =	ssyncadd.s32 $0xFFFFFF00  }
.LBB2_9:
0x1f: {  	s4 =	sadd.s32 $0x1, s4  }
0x20: {  	p3 =	sne.s32 s4, s18  }
.Ltmp1:
0x21: {  	_ = 	snop;
	(pc) =	sbr.rel @!p3 .LBB2_10-.Ltmp1, $1  }
0x22: {  	_ =	sdelay $0x3  }
.LBB2_1:
0x23: {  	s8 =	rddreg [dreg:$0x6]  }
0x24: {  	[tilespmem:s2], [sflag:$0x5] =	stream.linear.gather [hbm4b:s8+s2], $0x80, $0x38;
	[tilespmem:$0x1BB80] =	vst v63  }
.Ltmp2:
0x25: {  	s14 =	stileid.u32;
	(pc) =	sbr.rel @!p0 .LBB2_2-.Ltmp2, $4  }
0x26: {  	s10 =	sshrl.u32 @!p1 s12, $0x3;
	s11 =	sshll.u32 s14, $0x6;
	_ =	swait.ge [sflag:s23], $0x80  }
0x27: {  	s8 =	sor.u32 $0x1C05, s11;
	[sflag:s23] =	ssyncset.done $0x0;
	s15 =	rddreg [dreg:$0x8]  }
0x28: {  	s13 =	rddreg [dreg:$0x7];
	[sflag:s23] =	ssyncadd.s32 $0xFFFFFF80;
	s9 =	sshrl.u32 s15, $0x3  }
0x29: {  	[tilespmem:s24], [sflag:$0x3] =	stream.linear.gather [hbm4b:s13+s2], $0x80, $0x38;
	[tilespmem:$0x1BB80] =	vst v63  }
0x2a: {  	[tilespmem:s25], [sflag:$0x1] =	stream.indirect.gather [hbm4b:s5+s24], $0x80, s2, s24, $0xb8;
	[tilespmem:$0x1BB80] =	vst v63  }
0x2b: {  	s8 =	sor.u32 $0x1C05, s11;
	s14 =	rddreg [dreg:$0x9]  }
0x2c: {  	[spmem:s9], [sflag:s8] =	dma.local [hbm:s14], $0x2700  }
0x2d: {  	_ =	swait.ge [sflag:s23], $0x2700  }
0x2e: {  	[sflag:s23] =	ssyncset.done $0x0  }
0x2f: {  	s11 =	rddreg [dreg:$0xa];
	[sflag:s23] =	ssyncadd.s32 $0xFFFFD900  }
0x30: {  	[spmem:s10], [sflag:s8] =	dma.local @!p1 [hbm:s11], $0x100  }
0x31: {  	s10 =	simm.s32 @!p1 $0x5  }
0x32: {  	_ =	swait.ge @!p1 [sflag:s10], $0x100  }
0x33: {  	[sflag:s10] =	ssyncset.done @!p1 $0x0  }
0x34: {  	[sflag:s10] =	ssyncadd.s32 @!p1 $0xFFFFFF00  }
0x35: {  	_ =	swait.ge [sflag:s26], $0x80  }
0x36: {  	[sflag:s26] =	ssyncset.done $0x0  }
0x37: {  	s10 =	sadd.s32 $0xFFFFFB40, s22;
	[sflag:s26] =	ssyncadd.s32 $0xFFFFFF80  }
0x38: {  	s13 =	sadd.s32 $0xFFFFFB40, s21;
	s15 =	sadd.s32 $0x4D0, s10;
	[bflag:$0x0] =	sbarrier.arrive $0xFFFF  }
0x39: {  	[tilespmem:s28], [sflag:$0x4] =	stream.linear.gather [hbm4b:s15+s2], $0x80, $0x38;
	[tilespmem:$0x1BB80] =	vst v63  }
0x3a: {  	s14 =	sadd.s32 $0x4D0, s13  }
0x3b: {  	[tilespmem:s29], [sflag:$0x4] =	stream.linear.gather [hbm4b:s14+s2], $0x80, $0x38;
	[tilespmem:$0x1BB80] =	vst v63  }
0x3c: {  	_ =	swait.ge [sflag:s30], $0x4000  }
0x3d: {  	[sflag:s30] =	ssyncset.done $0x0  }
0x3e: {  	[sflag:s30] =	ssyncadd.s32 $0xFFFFC000  }
0x3f: {  	_ =	swait.ge [sflag:s31], $0x80  }
0x40: {  	[sflag:s31] =	ssyncset.done $0x0  }
0x41: {  	[sflag:s31] =	ssyncadd.s32 $0xFFFFFF80  }
0x42: {  	_ =	swait.ge [sflag:s31], $0x80  }
0x43: {  	[sflag:s31] =	ssyncset.done $0x0  }
0x44: {  	[sflag:s31] =	ssyncadd.s32 $0xFFFFFF80  }
0x45: {  	[tilespmem:s0], [sflag:$0x2] =	stream.indirect.gather [hbm4b:s5+s24], $0x80, s28, s24, $0xb8;
	[tilespmem:$0x1BB80] =	vst v63  }
0x46: {  	_ = 	snop  }
0x47: {  	[spmem:s1] =	stream.indirect.scatter.add.f32 [tilespmem:s25], [sflag:$0x5], $0x80, s24, s24, $0xb8;
	[tilespmem:$0x1BB80] =	vst v63  }
0x48: {  	_ =	swait.ge [sflag:s23], $0x4000  }
0x49: {  	[sflag:s23] =	ssyncset.done $0x0  }
0x4a: {  	s10 =	sadd.s32 $0x4E0, s10;
	[sflag:s23] =	ssyncadd.s32 $0xFFFFC000  }
0x4b: {  	[tilespmem:s2], [sflag:$0x3] =	stream.linear.gather [hbm4b:s10+s2], $0x80, $0x38;
	[tilespmem:$0x1BB80] =	vst v63  }
0x4c: {  	s15 =	sadd.s32 $0x4E0, s13  }
0x4d: {  	[tilespmem:s24], [sflag:$0x3] =	stream.linear.gather [hbm4b:s15+s2], $0x80, $0x38;
	[tilespmem:$0x1BB80] =	vst v63  }
0x4e: {  	_ =	swait.ge [sflag:s26], $0x80  }
0x4f: {  	[sflag:s26] =	ssyncset.done $0x0  }
0x50: {  	[sflag:s26] =	ssyncadd.s32 $0xFFFFFF80  }
0x51: {  	_ =	swait.ge [sflag:s26], $0x80  }
0x52: {  	[sflag:s26] =	ssyncset.done $0x0  }
0x53: {  	[sflag:s26] =	ssyncadd.s32 $0xFFFFFF80  }
0x54: {  	[tilespmem:s25], [sflag:$0x1] =	stream.indirect.gather [hbm4b:s5+s24], $0x80, s2, s24, $0xb8;
	[tilespmem:$0x1BB80] =	vst v63  }
0x55: {  	_ =	swait.ge [sflag:s16], $0x4000  }
0x56: {  	[sflag:s16] =	ssyncset.done $0x0  }
0x57: {  	[sflag:s16] =	ssyncadd.s32 $0xFFFFC000  }
0x58: {  	[spmem:s1] =	stream.indirect.scatter.add.f32 [tilespmem:s0], [sflag:$0x5], $0x80, s29, s24, $0xb8;
	[tilespmem:$0x1BB80] =	vst v63  }
0x59: {  	s11 =	simm.s32 $0xFFFFFB80;
	_ =	swait.ge [sflag:s23], $0x4000  }
0x5a: {  	s13 =	sadd.s32 $0xFFFFFB60, s22;
	s10 =	simm.s32 $0xFFFFFB60;
	[sflag:s23] =	ssyncset.done $0x0  }
.LBB2_6:
0x5b: {  	s14 =	sadd.s32 $0x4D0, s13  }
0x5c: {  	s15 =	sadd.s32 s10, s21;
	[sflag:s23] =	ssyncadd.s32 $0xFFFFC000;
	s10 =	smov.u32 s11  }
0x5d: {  	[tilespmem:s28], [sflag:$0x4] =	stream.linear.gather [hbm4b:s14+s2], $0x80, $0x38;
	[tilespmem:$0x1BB80] =	vst v63  }
0x5e: {  	p3 =	sne.s32 s11, $0xFFFFFFE0;
	s11 =	sadd.s32 $0x20, s11;
	s14 =	sadd.s32 $0x4D0, s15  }
0x5f: {  	[tilespmem:s29], [sflag:$0x4] =	stream.linear.gather [hbm4b:s14+s2], $0x80, $0x38;
	[tilespmem:$0x1BB80] =	vst v63  }
0x60: {  	_ =	swait.ge [sflag:s30], $0x4000  }
0x61: {  	[sflag:s30] =	ssyncset.done $0x0  }
0x62: {  	[sflag:s30] =	ssyncadd.s32 $0xFFFFC000  }
0x63: {  	_ =	swait.ge [sflag:s31], $0x80  }
0x64: {  	[sflag:s31] =	ssyncset.done $0x0  }
0x65: {  	[sflag:s31] =	ssyncadd.s32 $0xFFFFFF80  }
0x66: {  	_ =	swait.ge [sflag:s31], $0x80  }
0x67: {  	[sflag:s31] =	ssyncset.done $0x0  }
0x68: {  	[sflag:s31] =	ssyncadd.s32 $0xFFFFFF80  }
0x69: {  	[tilespmem:s0], [sflag:$0x2] =	stream.indirect.gather [hbm4b:s5+s24], $0x80, s28, s24, $0xb8;
	[tilespmem:$0x1BB80] =	vst v63  }
0x6a: {  	_ = 	snop  }
0x6b: {  	[spmem:s1] =	stream.indirect.scatter.add.f32 [tilespmem:s25], [sflag:$0x5], $0x80, s24, s24, $0xb8;
	[tilespmem:$0x1BB80] =	vst v63  }
0x6c: {  	_ =	swait.ge [sflag:s23], $0x4000  }
0x6d: {  	[sflag:s23] =	ssyncset.done $0x0  }
0x6e: {  	s13 =	sadd.s32 $0x4E0, s13;
	[sflag:s23] =	ssyncadd.s32 $0xFFFFC000  }
0x6f: {  	[tilespmem:s2], [sflag:$0x3] =	stream.linear.gather [hbm4b:s13+s2], $0x80, $0x38;
	[tilespmem:$0x1BB80] =	vst v63  }
0x70: {  	s13 =	sadd.s32 $0x4E0, s15  }
0x71: {  	[tilespmem:s24], [sflag:$0x3] =	stream.linear.gather [hbm4b:s13+s2], $0x80, $0x38;
	[tilespmem:$0x1BB80] =	vst v63  }
0x72: {  	_ =	swait.ge [sflag:s26], $0x80  }
0x73: {  	[sflag:s26] =	ssyncset.done $0x0  }
0x74: {  	[sflag:s26] =	ssyncadd.s32 $0xFFFFFF80  }
0x75: {  	_ =	swait.ge [sflag:s26], $0x80  }
0x76: {  	[sflag:s26] =	ssyncset.done $0x0  }
0x77: {  	[sflag:s26] =	ssyncadd.s32 $0xFFFFFF80  }
0x78: {  	[tilespmem:s25], [sflag:$0x1] =	stream.indirect.gather [hbm4b:s5+s24], $0x80, s2, s24, $0xb8;
	[tilespmem:$0x1BB80] =	vst v63  }
0x79: {  	_ =	swait.ge [sflag:s16], $0x4000  }
.Ltmp3:
0x7a: {  	[sflag:s16] =	ssyncset.done $0x0;
	(pc) =	sbr.rel @p3 .LBB2_6-.Ltmp3, $4  }
0x7b: {  	[sflag:s16] =	ssyncadd.s32 $0xFFFFC000  }
0x7c: {  	[spmem:s1] =	stream.indirect.scatter.add.f32 [tilespmem:s0], [sflag:$0x5], $0x80, s29, s24, $0xb8;
	[tilespmem:$0x1BB80] =	vst v63  }
0x7d: {  	_ =	swait.ge [sflag:s23], $0x4000  }
0x7e: {  	s13 =	sadd.s32 s10, s22;
	[sflag:s23] =	ssyncset.done $0x0  }
0x7f: {  	s11 =	sadd.s32 $0x4D0, s13;
	s10 =	sadd.s32 s10, s21;
	[sflag:s23] =	ssyncadd.s32 $0xFFFFC000  }
0x80: {  	[tilespmem:s28], [sflag:$0x4] =	stream.linear.gather [hbm4b:s11+s2], $0x80, $0x38;
	[tilespmem:$0x1BB80] =	vst v63  }
0x81: {  	s14 =	sadd.s32 $0x4D0, s10  }
0x82: {  	[tilespmem:s29], [sflag:$0x4] =	stream.linear.gather [hbm4b:s14+s2], $0x80, $0x38;
	[tilespmem:$0x1BB80] =	vst v63  }
0x83: {  	_ =	swait.ge [sflag:s30], $0x4000  }
0x84: {  	[sflag:s30] =	ssyncset.done $0x0  }
0x85: {  	[sflag:s30] =	ssyncadd.s32 $0xFFFFC000  }
0x86: {  	_ =	swait.ge [sflag:s31], $0x80  }
0x87: {  	[sflag:s31] =	ssyncset.done $0x0  }
0x88: {  	[sflag:s31] =	ssyncadd.s32 $0xFFFFFF80  }
0x89: {  	_ =	swait.ge [sflag:s31], $0x80  }
0x8a: {  	[sflag:s31] =	ssyncset.done $0x0  }
0x8b: {  	[sflag:s31] =	ssyncadd.s32 $0xFFFFFF80  }
0x8c: {  	[tilespmem:s0], [sflag:$0x2] =	stream.indirect.gather [hbm4b:s5+s24], $0x80, s28, s24, $0xb8;
	[tilespmem:$0x1BB80] =	vst v63  }
0x8d: {  	_ = 	snop  }
0x8e: {  	[spmem:s1] =	stream.indirect.scatter.add.f32 [tilespmem:s25], [sflag:$0x5], $0x80, s24, s24, $0xb8;
	[tilespmem:$0x1BB80] =	vst v63  }
0x8f: {  	_ =	swait.ge [sflag:s23], $0x4000  }
0x90: {  	[sflag:s23] =	ssyncset.done $0x0  }
0x91: {  	s15 =	sadd.s32 $0x4E0, s13;
	[sflag:s23] =	ssyncadd.s32 $0xFFFFC000  }
0x92: {  	[tilespmem:s2], [sflag:$0x3] =	stream.linear.gather [hbm4b:s15+s2], $0x80, $0x38;
	[tilespmem:$0x1BB80] =	vst v63  }
0x93: {  	s10 =	sadd.s32 $0x4E0, s10  }
0x94: {  	[tilespmem:s24], [sflag:$0x3] =	stream.linear.gather [hbm4b:s10+s2], $0x80, $0x38;
	[tilespmem:$0x1BB80] =	vst v63  }
0x95: {  	_ =	swait.ge [sflag:s26], $0x80  }
0x96: {  	[sflag:s26] =	ssyncset.done $0x0  }
0x97: {  	[sflag:s26] =	ssyncadd.s32 $0xFFFFFF80  }
0x98: {  	_ =	swait.ge [sflag:s26], $0x80  }
0x99: {  	[sflag:s26] =	ssyncset.done $0x0  }
0x9a: {  	[sflag:s26] =	ssyncadd.s32 $0xFFFFFF80  }
0x9b: {  	[tilespmem:s25], [sflag:$0x1] =	stream.indirect.gather [hbm4b:s5+s24], $0x80, s2, s24, $0xb8;
	[tilespmem:$0x1BB80] =	vst v63  }
0x9c: {  	_ =	swait.ge [sflag:s16], $0x4000  }
0x9d: {  	[sflag:s16] =	ssyncset.done $0x0  }
0x9e: {  	[sflag:s16] =	ssyncadd.s32 $0xFFFFC000  }
0x9f: {  	[spmem:s1] =	stream.indirect.scatter.add.f32 [tilespmem:s0], [sflag:$0x5], $0x80, s29, s24, $0xb8;
	[tilespmem:$0x1BB80] =	vst v63  }
0xa0: {  	_ =	swait.ge [sflag:s23], $0x4000  }
0xa1: {  	[sflag:s23] =	ssyncset.done $0x0  }
0xa2: {  	[sflag:s23] =	ssyncadd.s32 $0xFFFFC000  }
0xa3: {  	[tilespmem:s28], [sflag:$0x4] =	stream.linear.gather [hbm4b:s19+s2], $0x80, $0x38;
	[tilespmem:$0x1BB80] =	vst v63  }
0xa4: {  	_ = 	snop  }
0xa5: {  	[tilespmem:s29], [sflag:$0x4] =	stream.linear.gather [hbm4b:s20+s2], $0x80, $0x38;
	[tilespmem:$0x1BB80] =	vst v63  }
0xa6: {  	_ =	swait.ge [sflag:s30], $0x4000  }
0xa7: {  	[sflag:s30] =	ssyncset.done $0x0  }
0xa8: {  	[sflag:s30] =	ssyncadd.s32 $0xFFFFC000  }
0xa9: {  	_ =	swait.ge [sflag:s31], $0x80  }
0xaa: {  	[sflag:s31] =	ssyncset.done $0x0  }
0xab: {  	[sflag:s31] =	ssyncadd.s32 $0xFFFFFF80  }
0xac: {  	_ =	swait.ge [sflag:s31], $0x80  }
0xad: {  	[sflag:s31] =	ssyncset.done $0x0  }
0xae: {  	[sflag:s31] =	ssyncadd.s32 $0xFFFFFF80  }
0xaf: {  	[tilespmem:s0], [sflag:$0x2] =	stream.indirect.gather [hbm4b:s5+s24], $0x80, s28, s24, $0xb8;
	[tilespmem:$0x1BB80] =	vst v63  }
0xb0: {  	_ = 	snop  }
0xb1: {  	[spmem:s1] =	stream.indirect.scatter.add.f32 [tilespmem:s25], [sflag:$0x5], $0x80, s24, s24, $0xb8;
	[tilespmem:$0x1BB80] =	vst v63  }
0xb2: {  	_ =	swait.ge [sflag:s23], $0x4000  }
0xb3: {  	[sflag:s23] =	ssyncset.done $0x0  }
0xb4: {  	[sflag:s23] =	ssyncadd.s32 $0xFFFFC000  }
0xb5: {  	_ =	swait.ge [sflag:s16], $0x4000  }
0xb6: {  	[sflag:s16] =	ssyncset.done $0x0  }
0xb7: {  	[sflag:s16] =	ssyncadd.s32 $0xFFFFC000  }
0xb8: {  	[spmem:s1] =	stream.indirect.scatter.add.f32 [tilespmem:s0], [sflag:$0x5], $0x80, s29, s24, $0xb8;
	[tilespmem:$0x1BB80] =	vst v63  }
0xb9: {  	_ =	swait.ge [sflag:s23], $0x4000  }
0xba: {  	[sflag:s23] =	ssyncset.done $0x0  }
0xbb: {  	s13 =	rddreg [dreg:$0xb];
	[sflag:s23] =	ssyncadd.s32 $0xFFFFC000  }
0xbc: {  	[tilespmem:s17], [sflag:$0x5] =	stream.linear.gather [hbm4b:s13+s2], $0x10, $0x38;
	[tilespmem:$0x1BB80] =	vst v63  }
0xbd: {  	_ =	swait.ge [sflag:s23], $0x10  }
0xbe: {  	[sflag:s23] =	ssyncset.done $0x0  }
0xbf: {  	s14 =	rddreg [dreg:$0xc];
	[sflag:s23] =	ssyncadd.s32 $0xFFFFFFF0  }
0xc0: {  	[tilespmem:s6], [sflag:$0x5] =	stream.linear.gather [hbm4b:s14+s2], $0x10, $0x38;
	[tilespmem:$0x1BB80] =	vst v63  }
0xc1: {  	_ =	swait.ge [sflag:s23], $0x10  }
0xc2: {  	[sflag:s23] =	ssyncset.done $0x0  }
0xc3: {  	[sflag:s23] =	ssyncadd.s32 $0xFFFFFFF0  }
0xc4: {  	[tilespmem:s25], [sflag:$0x1] =	stream.indirect.gather [hbm4b:s5+s7], $0x80, s17, s7, $0xb8;
	[tilespmem:$0x1BB80] =	vst v63  }
0xc5: {  	_ =	swait.ge [sflag:s30], $0x800  }
0xc6: {  	[sflag:s30] =	ssyncset.done $0x0  }
0xc7: {  	[sflag:s30] =	ssyncadd.s32 $0xFFFFF800  }
0xc8: {  	[spmem:s1] =	stream.indirect.scatter.add.f32 [tilespmem:s25], [sflag:$0x5], $0x80, s6, s7, $0xb8;
	[tilespmem:$0x1BB80] =	vst v63  }
0xc9: {  	_ =	swait.ge [sflag:s23], $0x800  }
0xca: {  	[sflag:s23] =	ssyncset.done $0x0  }
0xcb: {  	[sflag:s23] =	ssyncadd.s32 $0xFFFFF800  }
0xcc: {  	[bflag:$0x0] =	sbarrier.arrive $0xFFFF  }
0xcd: {  	s15 =	rddreg [dreg:$0xe]  }
0xce: {  	[hbm:s15], [sflag:s8] =	dma.local [spmem:s9], $0x2700  }
.Ltmp4:
0xcf: {  	_ = 	snop;
	(pc) =	sbr.rel @p1 .LBB2_9-.Ltmp4, $4  }
.Ltmp5:
0xd0: {  	_ = 	snop;
	(pc) =	sbr.rel @!p1 .LBB2_8-.Ltmp5, $4  }
0xd1: {  	_ =	swait.ge [sflag:s23], $0x2700  }
0xd2: {  	[sflag:s23] =	ssyncset.done $0x0  }
0xd3: {  	s9 =	rddreg [dreg:$0x5];
	[sflag:s23] =	ssyncadd.s32 $0xFFFFD900  }
0xd4: {  	_ = 	snop  }
.LBB2_2:
0xd5: {  	[tilespmem:s25], [sflag:$0x1] =	stream.indirect.gather [hbm4b:s3+s24], $0x80, s2, s24, $0xb8;
	[tilespmem:$0x1BB80] =	vst v63  }
0xd6: {  	s11 =	rddreg [dreg:$0x9]  }
0xd7: {  	[spmem:s9], [sflag:s8] =	dma.local [hbm:s11], $0x2700  }
0xd8: {  	_ =	swait.ge [sflag:s23], $0x2700  }
0xd9: {  	[sflag:s23] =	ssyncset.done $0x0  }
0xda: {  	s11 =	rddreg [dreg:$0xa];
	[sflag:s23] =	ssyncadd.s32 $0xFFFFD900  }
0xdb: {  	[spmem:s10], [sflag:s8] =	dma.local @!p1 [hbm:s11], $0x100  }
0xdc: {  	s10 =	simm.s32 @!p1 $0x5  }
0xdd: {  	_ =	swait.ge @!p1 [sflag:s10], $0x100  }
0xde: {  	[sflag:s10] =	ssyncset.done @!p1 $0x0  }
0xdf: {  	[sflag:s10] =	ssyncadd.s32 @!p1 $0xFFFFFF00  }
0xe0: {  	_ =	swait.ge [sflag:s26], $0x80  }
0xe1: {  	[sflag:s26] =	ssyncset.done $0x0  }
0xe2: {  	s10 =	sadd.s32 $0xFFFFFB40, s22;
	[sflag:s26] =	ssyncadd.s32 $0xFFFFFF80  }
0xe3: {  	s13 =	sadd.s32 $0xFFFFFB40, s21;
	s15 =	sadd.s32 $0x4D0, s10;
	[bflag:$0x0] =	sbarrier.arrive $0xFFFF  }
0xe4: {  	[tilespmem:s28], [sflag:$0x4] =	stream.linear.gather [hbm4b:s15+s2], $0x80, $0x38;
	[tilespmem:$0x1BB80] =	vst v63  }
0xe5: {  	s14 =	sadd.s32 $0x4D0, s13  }
0xe6: {  	[tilespmem:s29], [sflag:$0x4] =	stream.linear.gather [hbm4b:s14+s2], $0x80, $0x38;
	[tilespmem:$0x1BB80] =	vst v63  }
0xe7: {  	_ =	swait.ge [sflag:s30], $0x4000  }
0xe8: {  	[sflag:s30] =	ssyncset.done $0x0  }
0xe9: {  	[sflag:s30] =	ssyncadd.s32 $0xFFFFC000  }
0xea: {  	_ =	swait.ge [sflag:s31], $0x80  }
0xeb: {  	[sflag:s31] =	ssyncset.done $0x0  }
0xec: {  	[sflag:s31] =	ssyncadd.s32 $0xFFFFFF80  }
0xed: {  	_ =	swait.ge [sflag:s31], $0x80  }
0xee: {  	[sflag:s31] =	ssyncset.done $0x0  }
0xef: {  	[sflag:s31] =	ssyncadd.s32 $0xFFFFFF80  }
0xf0: {  	[tilespmem:s0], [sflag:$0x2] =	stream.indirect.gather [hbm4b:s3+s24], $0x80, s28, s24, $0xb8;
	[tilespmem:$0x1BB80] =	vst v63  }
0xf1: {  	_ = 	snop  }
0xf2: {  	[spmem:s1] =	stream.indirect.scatter.add.f32 [tilespmem:s25], [sflag:$0x5], $0x80, s24, s24, $0xb8;
	[tilespmem:$0x1BB80] =	vst v63  }
0xf3: {  	_ =	swait.ge [sflag:s23], $0x4000  }
0xf4: {  	[sflag:s23] =	ssyncset.done $0x0  }
0xf5: {  	s10 =	sadd.s32 $0x4E0, s10;
	[sflag:s23] =	ssyncadd.s32 $0xFFFFC000  }
0xf6: {  	[tilespmem:s2], [sflag:$0x3] =	stream.linear.gather [hbm4b:s10+s2], $0x80, $0x38;
	[tilespmem:$0x1BB80] =	vst v63  }
0xf7: {  	s15 =	sadd.s32 $0x4E0, s13  }
0xf8: {  	[tilespmem:s24], [sflag:$0x3] =	stream.linear.gather [hbm4b:s15+s2], $0x80, $0x38;
	[tilespmem:$0x1BB80] =	vst v63  }
0xf9: {  	_ =	swait.ge [sflag:s26], $0x80  }
0xfa: {  	[sflag:s26] =	ssyncset.done $0x0  }
0xfb: {  	[sflag:s26] =	ssyncadd.s32 $0xFFFFFF80  }
0xfc: {  	_ =	swait.ge [sflag:s26], $0x80  }
0xfd: {  	[sflag:s26] =	ssyncset.done $0x0  }
0xfe: {  	[sflag:s26] =	ssyncadd.s32 $0xFFFFFF80  }
0xff: {  	[tilespmem:s25], [sflag:$0x1] =	stream.indirect.gather [hbm4b:s3+s24], $0x80, s2, s24, $0xb8;
	[tilespmem:$0x1BB80] =	vst v63  }
0x100: {  	_ =	swait.ge [sflag:s16], $0x4000  }
0x101: {  	[sflag:s16] =	ssyncset.done $0x0  }
0x102: {  	[sflag:s16] =	ssyncadd.s32 $0xFFFFC000  }
0x103: {  	[spmem:s1] =	stream.indirect.scatter.add.f32 [tilespmem:s0], [sflag:$0x5], $0x80, s29, s24, $0xb8;
	[tilespmem:$0x1BB80] =	vst v63  }
0x104: {  	s11 =	simm.s32 $0xFFFFFB80;
	_ =	swait.ge [sflag:s23], $0x4000  }
0x105: {  	s13 =	sadd.s32 $0xFFFFFB60, s22;
	s10 =	simm.s32 $0xFFFFFB60;
	[sflag:s23] =	ssyncset.done $0x0  }
.LBB2_3:
0x106: {  	s14 =	sadd.s32 $0x4D0, s13  }
0x107: {  	s15 =	sadd.s32 s10, s21;
	[sflag:s23] =	ssyncadd.s32 $0xFFFFC000;
	s10 =	smov.u32 s11  }
0x108: {  	[tilespmem:s28], [sflag:$0x4] =	stream.linear.gather [hbm4b:s14+s2], $0x80, $0x38;
	[tilespmem:$0x1BB80] =	vst v63  }
0x109: {  	p3 =	sne.s32 s11, $0xFFFFFFE0;
	s11 =	sadd.s32 $0x20, s11;
	s14 =	sadd.s32 $0x4D0, s15  }
0x10a: {  	[tilespmem:s29], [sflag:$0x4] =	stream.linear.gather [hbm4b:s14+s2], $0x80, $0x38;
	[tilespmem:$0x1BB80] =	vst v63  }
0x10b: {  	_ =	swait.ge [sflag:s30], $0x4000  }
0x10c: {  	[sflag:s30] =	ssyncset.done $0x0  }
0x10d: {  	[sflag:s30] =	ssyncadd.s32 $0xFFFFC000  }
0x10e: {  	_ =	swait.ge [sflag:s31], $0x80  }
0x10f: {  	[sflag:s31] =	ssyncset.done $0x0  }
0x110: {  	[sflag:s31] =	ssyncadd.s32 $0xFFFFFF80  }
0x111: {  	_ =	swait.ge [sflag:s31], $0x80  }
0x112: {  	[sflag:s31] =	ssyncset.done $0x0  }
0x113: {  	[sflag:s31] =	ssyncadd.s32 $0xFFFFFF80  }
0x114: {  	[tilespmem:s0], [sflag:$0x2] =	stream.indirect.gather [hbm4b:s3+s24], $0x80, s28, s24, $0xb8;
	[tilespmem:$0x1BB80] =	vst v63  }
0x115: {  	_ = 	snop  }
0x116: {  	[spmem:s1] =	stream.indirect.scatter.add.f32 [tilespmem:s25], [sflag:$0x5], $0x80, s24, s24, $0xb8;
	[tilespmem:$0x1BB80] =	vst v63  }
0x117: {  	_ =	swait.ge [sflag:s23], $0x4000  }
0x118: {  	[sflag:s23] =	ssyncset.done $0x0  }
0x119: {  	s13 =	sadd.s32 $0x4E0, s13;
	[sflag:s23] =	ssyncadd.s32 $0xFFFFC000  }
0x11a: {  	[tilespmem:s2], [sflag:$0x3] =	stream.linear.gather [hbm4b:s13+s2], $0x80, $0x38;
	[tilespmem:$0x1BB80] =	vst v63  }
0x11b: {  	s13 =	sadd.s32 $0x4E0, s15  }
0x11c: {  	[tilespmem:s24], [sflag:$0x3] =	stream.linear.gather [hbm4b:s13+s2], $0x80, $0x38;
	[tilespmem:$0x1BB80] =	vst v63  }
0x11d: {  	_ =	swait.ge [sflag:s26], $0x80  }
0x11e: {  	[sflag:s26] =	ssyncset.done $0x0  }
0x11f: {  	[sflag:s26] =	ssyncadd.s32 $0xFFFFFF80  }
0x120: {  	_ =	swait.ge [sflag:s26], $0x80  }
0x121: {  	[sflag:s26] =	ssyncset.done $0x0  }
0x122: {  	[sflag:s26] =	ssyncadd.s32 $0xFFFFFF80  }
0x123: {  	[tilespmem:s25], [sflag:$0x1] =	stream.indirect.gather [hbm4b:s3+s24], $0x80, s2, s24, $0xb8;
	[tilespmem:$0x1BB80] =	vst v63  }
0x124: {  	_ =	swait.ge [sflag:s16], $0x4000  }
.Ltmp6:
0x125: {  	[sflag:s16] =	ssyncset.done $0x0;
	(pc) =	sbr.rel @p3 .LBB2_3-.Ltmp6, $4  }
0x126: {  	[sflag:s16] =	ssyncadd.s32 $0xFFFFC000  }
0x127: {  	[spmem:s1] =	stream.indirect.scatter.add.f32 [tilespmem:s0], [sflag:$0x5], $0x80, s29, s24, $0xb8;
	[tilespmem:$0x1BB80] =	vst v63  }
0x128: {  	_ =	swait.ge [sflag:s23], $0x4000  }
0x129: {  	s13 =	sadd.s32 s10, s22;
	[sflag:s23] =	ssyncset.done $0x0  }
0x12a: {  	s11 =	sadd.s32 $0x4D0, s13;
	s10 =	sadd.s32 s10, s21;
	[sflag:s23] =	ssyncadd.s32 $0xFFFFC000  }
0x12b: {  	[tilespmem:s28], [sflag:$0x4] =	stream.linear.gather [hbm4b:s11+s2], $0x80, $0x38;
	[tilespmem:$0x1BB80] =	vst v63  }
0x12c: {  	s14 =	sadd.s32 $0x4D0, s10  }
0x12d: {  	[tilespmem:s29], [sflag:$0x4] =	stream.linear.gather [hbm4b:s14+s2], $0x80, $0x38;
	[tilespmem:$0x1BB80] =	vst v63  }
0x12e: {  	_ =	swait.ge [sflag:s30], $0x4000  }
0x12f: {  	[sflag:s30] =	ssyncset.done $0x0  }
0x130: {  	[sflag:s30] =	ssyncadd.s32 $0xFFFFC000  }
0x131: {  	_ =	swait.ge [sflag:s31], $0x80  }
0x132: {  	[sflag:s31] =	ssyncset.done $0x0  }
0x133: {  	[sflag:s31] =	ssyncadd.s32 $0xFFFFFF80  }
0x134: {  	_ =	swait.ge [sflag:s31], $0x80  }
0x135: {  	[sflag:s31] =	ssyncset.done $0x0  }
0x136: {  	[sflag:s31] =	ssyncadd.s32 $0xFFFFFF80  }
0x137: {  	[tilespmem:s0], [sflag:$0x2] =	stream.indirect.gather [hbm4b:s3+s24], $0x80, s28, s24, $0xb8;
	[tilespmem:$0x1BB80] =	vst v63  }
0x138: {  	_ = 	snop  }
0x139: {  	[spmem:s1] =	stream.indirect.scatter.add.f32 [tilespmem:s25], [sflag:$0x5], $0x80, s24, s24, $0xb8;
	[tilespmem:$0x1BB80] =	vst v63  }
0x13a: {  	_ =	swait.ge [sflag:s23], $0x4000  }
0x13b: {  	[sflag:s23] =	ssyncset.done $0x0  }
0x13c: {  	s15 =	sadd.s32 $0x4E0, s13;
	[sflag:s23] =	ssyncadd.s32 $0xFFFFC000  }
0x13d: {  	[tilespmem:s2], [sflag:$0x3] =	stream.linear.gather [hbm4b:s15+s2], $0x80, $0x38;
	[tilespmem:$0x1BB80] =	vst v63  }
0x13e: {  	s10 =	sadd.s32 $0x4E0, s10  }
0x13f: {  	[tilespmem:s24], [sflag:$0x3] =	stream.linear.gather [hbm4b:s10+s2], $0x80, $0x38;
	[tilespmem:$0x1BB80] =	vst v63  }
0x140: {  	_ =	swait.ge [sflag:s26], $0x80  }
0x141: {  	[sflag:s26] =	ssyncset.done $0x0  }
0x142: {  	[sflag:s26] =	ssyncadd.s32 $0xFFFFFF80  }
0x143: {  	_ =	swait.ge [sflag:s26], $0x80  }
0x144: {  	[sflag:s26] =	ssyncset.done $0x0  }
0x145: {  	[sflag:s26] =	ssyncadd.s32 $0xFFFFFF80  }
0x146: {  	[tilespmem:s25], [sflag:$0x1] =	stream.indirect.gather [hbm4b:s3+s24], $0x80, s2, s24, $0xb8;
	[tilespmem:$0x1BB80] =	vst v63  }
0x147: {  	_ =	swait.ge [sflag:s16], $0x4000  }
0x148: {  	[sflag:s16] =	ssyncset.done $0x0  }
0x149: {  	[sflag:s16] =	ssyncadd.s32 $0xFFFFC000  }
0x14a: {  	[spmem:s1] =	stream.indirect.scatter.add.f32 [tilespmem:s0], [sflag:$0x5], $0x80, s29, s24, $0xb8;
	[tilespmem:$0x1BB80] =	vst v63  }
0x14b: {  	_ =	swait.ge [sflag:s23], $0x4000  }
0x14c: {  	[sflag:s23] =	ssyncset.done $0x0  }
0x14d: {  	[sflag:s23] =	ssyncadd.s32 $0xFFFFC000  }
0x14e: {  	[tilespmem:s28], [sflag:$0x4] =	stream.linear.gather [hbm4b:s19+s2], $0x80, $0x38;
	[tilespmem:$0x1BB80] =	vst v63  }
0x14f: {  	_ = 	snop  }
0x150: {  	[tilespmem:s29], [sflag:$0x4] =	stream.linear.gather [hbm4b:s20+s2], $0x80, $0x38;
	[tilespmem:$0x1BB80] =	vst v63  }
0x151: {  	_ =	swait.ge [sflag:s30], $0x4000  }
0x152: {  	[sflag:s30] =	ssyncset.done $0x0  }
0x153: {  	[sflag:s30] =	ssyncadd.s32 $0xFFFFC000  }
0x154: {  	_ =	swait.ge [sflag:s31], $0x80  }
0x155: {  	[sflag:s31] =	ssyncset.done $0x0  }
0x156: {  	[sflag:s31] =	ssyncadd.s32 $0xFFFFFF80  }
0x157: {  	_ =	swait.ge [sflag:s31], $0x80  }
0x158: {  	[sflag:s31] =	ssyncset.done $0x0  }
0x159: {  	[sflag:s31] =	ssyncadd.s32 $0xFFFFFF80  }
0x15a: {  	[tilespmem:s0], [sflag:$0x2] =	stream.indirect.gather [hbm4b:s3+s24], $0x80, s28, s24, $0xb8;
	[tilespmem:$0x1BB80] =	vst v63  }
0x15b: {  	_ = 	snop  }
0x15c: {  	[spmem:s1] =	stream.indirect.scatter.add.f32 [tilespmem:s25], [sflag:$0x5], $0x80, s24, s24, $0xb8;
	[tilespmem:$0x1BB80] =	vst v63  }
0x15d: {  	_ =	swait.ge [sflag:s23], $0x4000  }
0x15e: {  	[sflag:s23] =	ssyncset.done $0x0  }
0x15f: {  	[sflag:s23] =	ssyncadd.s32 $0xFFFFC000  }
0x160: {  	_ =	swait.ge [sflag:s16], $0x4000  }
0x161: {  	[sflag:s16] =	ssyncset.done $0x0  }
0x162: {  	[sflag:s16] =	ssyncadd.s32 $0xFFFFC000  }
0x163: {  	[spmem:s1] =	stream.indirect.scatter.add.f32 [tilespmem:s0], [sflag:$0x5], $0x80, s29, s24, $0xb8;
	[tilespmem:$0x1BB80] =	vst v63  }
0x164: {  	_ =	swait.ge [sflag:s23], $0x4000  }
0x165: {  	[sflag:s23] =	ssyncset.done $0x0  }
0x166: {  	s13 =	rddreg [dreg:$0xb];
	[sflag:s23] =	ssyncadd.s32 $0xFFFFC000  }
0x167: {  	[tilespmem:s17], [sflag:$0x5] =	stream.linear.gather [hbm4b:s13+s2], $0x10, $0x38;
	[tilespmem:$0x1BB80] =	vst v63  }
0x168: {  	_ =	swait.ge [sflag:s23], $0x10  }
0x169: {  	[sflag:s23] =	ssyncset.done $0x0  }
0x16a: {  	s14 =	rddreg [dreg:$0xc];
	[sflag:s23] =	ssyncadd.s32 $0xFFFFFFF0  }
0x16b: {  	[tilespmem:s6], [sflag:$0x5] =	stream.linear.gather [hbm4b:s14+s2], $0x10, $0x38;
	[tilespmem:$0x1BB80] =	vst v63  }
0x16c: {  	_ =	swait.ge [sflag:s23], $0x10  }
0x16d: {  	[sflag:s23] =	ssyncset.done $0x0  }
0x16e: {  	[sflag:s23] =	ssyncadd.s32 $0xFFFFFFF0  }
0x16f: {  	[tilespmem:s25], [sflag:$0x1] =	stream.indirect.gather [hbm4b:s3+s7], $0x80, s17, s7, $0xb8;
	[tilespmem:$0x1BB80] =	vst v63  }
0x170: {  	_ =	swait.ge [sflag:s30], $0x800  }
0x171: {  	[sflag:s30] =	ssyncset.done $0x0  }
0x172: {  	[sflag:s30] =	ssyncadd.s32 $0xFFFFF800  }
0x173: {  	[spmem:s1] =	stream.indirect.scatter.add.f32 [tilespmem:s25], [sflag:$0x5], $0x80, s6, s7, $0xb8;
	[tilespmem:$0x1BB80] =	vst v63  }
0x174: {  	_ =	swait.ge [sflag:s23], $0x800  }
0x175: {  	[sflag:s23] =	ssyncset.done $0x0  }
0x176: {  	[sflag:s23] =	ssyncadd.s32 $0xFFFFF800  }
0x177: {  	[bflag:$0x0] =	sbarrier.arrive $0xFFFF  }
0x178: {  	s15 =	rddreg [dreg:$0xd]  }
0x179: {  	[hbm:s15], [sflag:s8] =	dma.local [spmem:s9], $0x2700  }
.Ltmp7:
0x17a: {  	_ = 	snop;
	(pc) =	sbr.rel @p2 .LBB2_8-.Ltmp7, $4  }
.Ltmp8:
0x17b: {  	_ = 	snop;
	(pc) =	sbr.rel @!p2 .LBB2_9-.Ltmp8, $4  }
0x17c: {  	_ =	swait.ge [sflag:s23], $0x2700  }
0x17d: {  	[sflag:s23] =	ssyncset.done $0x0  }
0x17e: {  	s9 =	rddreg [dreg:$0x4];
	[sflag:s23] =	ssyncadd.s32 $0xFFFFD900  }
0x17f: {  	_ = 	snop  }
.LBB2_10:
0x180: {  	_ =	sfence.sel $0x180000  }
0x181: {  	[bflag:$0x0] =	sbarrier.arrive $0xFFFF  }
0x182: {  	_ =	strace $0x9000004D  }
0x183: {  	s0 =	stileid.u32;
	[bflag:$0x2] =	sbarrier.arrive $0xFFFF  }
0x184: {  	p0 =	sne.s32 s0, $0x0;
	s0 =	rddreg [dreg:$0x3]  }
0x185: {  	s0 =	sadd.s32 @!p0 $0x100000, s0  }
0x186: {  	[sflag:s0] =	ssyncadd.tile.s32 @!p0 $0x1;
	_ =	shalt  }
.Lfunc_end2:
_tile_overlayer_lowered:
.L_overlay_start_2:
0x187: {  	(tag) =	ssettag $0x2  }
0x188: {  	s0 =	rddreg [dreg:$0x0];
	s2 =	stileid.u32  }
0x189: {  	s1 =	rddreg [dreg:$0x1];
	p0 =	sne.s32 s2, $0x0  }
0x18a: {  	s3 =	rddreg [dreg:$0x2];
	[bflag:$0x3] =	sbarrier.arrive $0xFFFF;
	s2 =	simm.s32 @!p0 $0x1C05  }
0x18b: {  	[timem:s3], [sflag:s2] =	dma.local @!p0 [hbm:s0], s1  }
0x18c: {  	s0 =	simm.s32 @!p0 $0x5  }
0x18d: {  	_ =	swait.ge @!p0 [sflag:s0], s1  }
0x18e: {  	s1 =	ssub.s32 @!p0 $0x0, s1;
	[sflag:s0] =	ssyncset.done @!p0 $0x0  }
0x18f: {  	[sflag:s0] =	ssyncadd.s32 @!p0 s1  }
0x190: {  	[bflag:$0x3] =	sbarrier.arrive $0xFFFF  }
0x191: {  	_ =	shalt  }

// kernel: kernel.19.cloned.1.call-start
scs
__scs_entry_jumppad:
0x0: {  	(pc) =	sbr.rel $0x88, $3  }
0x1: {  	(tag) =	ssettag $0x0;
	lr =	simm.s32 $0x1  }
0x2: {  	[smem:$0x3F99] =	sst lr;
	_ =	strace $0xD0000000  }
0x3: {  	_ = 	snop  }
0x4: {  	_ = 	snop  }
0x5: {  	_ = 	snop  }
0x6: {  	_ = 	snop  }
0x7: {  	_ = 	snop  }
__scs_overlays_trampoline_lowered:
0x8: {  	[smem:$0x3FA8] =	sst s0  }
0x9: {  	[smem:$0x3FA9] =	sst s1  }
0xa: {  	[smem:$0x3FAA] =	sst s2  }
0xb: {  	[smem:$0x3FAB] =	sst s3  }
0xc: {  	[smem:$0x3FAC] =	sst s4  }
0xd: {  	[smem:$0x3FAD] =	sst s5  }
0xe: {  	[smem:$0x3FAE] =	sst s6  }
0xf: {  	[smem:$0x3FAF] =	sst s7  }
0x10: {  	[smem:$0x3FB0] =	sst s8  }
0x11: {  	[smem:$0x3FB1] =	sst s9;
	s0 =	simm.s32 @!p0 $0x0  }
0x12: {  	s1 =	sld [smem:$0x3F97];
	s0 =	simm.s32 @p0 $0x1  }
0x13: {  	[smem:$0x3FB2] =	sst s0;
	s0 =	simm.s32 @!p1 $0x0  }
0x14: {  	s2 =	sld [smem:$0x3F96];
	s0 =	simm.s32 @p1 $0x1  }
0x15: {  	[smem:$0x3FB3] =	sst s0;
	s0 =	simm.s32 @!p2 $0x0  }
0x16: {  	s3 =	sld [smem:$0x3FDB];
	s0 =	simm.s32 @p2 $0x1  }
0x17: {  	s4 =	simm.s32 $0x1BF5;
	[smem:$0x3FB5] =	sst s0  }
0x18: {  	s0 =	sld [smem:$0x3F98];
	_ =	swait.ge [sflag:s4], $0x0  }
0x19: {  	s7 =	sld [smem:$0x3F99]  }
0x1a: {  	s8 =	sadd.s32 $0xFFFFE003, lr  }
0x1b: {  	s9 =	sadd.s32 $0xFFFFFEF7, lr;
	s5 =	simm.s32 $0xFFFFFFFF;
	p2 =	slt.u32 s8, $0xFFFFF086  }
0x1c: {  	p1 =	slt.u32 s9, $0xF7A;
	s5 =	simm.s32 @!p2 $0x0  }
0x1d: {  	s5 =	simm.s32 @p1 $0x1;
	p0 =	seq.s32 s7, s2  }
0x1e: {  	s7 =	smul.u32 @!p0 $0xF7A, s2;
	p2 =	seq.s32 @!p0 s5, $0x0  }
0x1f: {  	s9 =	smul.u32 $0xF7A, s1;
	s8 =	simm.s32 @!p0 $0x1BF5;
	p2 =	por !p2, p0  }
0x20: {  	[sflag:s8] =	ssyncset.s32 @!p0 $0xFFFFF086;
	s6 =	sadd.s32 @!p0 s3, s7;
	s7 =	simm.s32 @!p0 $0x108  }
0x21: {  	s3 =	sadd.s32 s3, s9;
	s6 =	sadd.s32 @!p0 $0x88, s6;
	s7 =	simm.s32 @p2 $0x1082  }
0x22: {  	[simem:s7], [sflag:s8] =	dma.local @!p0 [hbm:s6], $0xF7A  }
0x23: {  	s9 =	sor.u32 $0xD0000000, s2;
	s6 =	simm.s32 $0x108;
	_ =	swait.ge @!p0 [sflag:s8], $0x0  }
0x24: {  	s3 =	sadd.s32 $0x88, s3;
	s6 =	simm.s32 @!p1 $0x1082;
	[sflag:s4] =	ssyncset.s32 $0xFFFFF086  }
0x25: {  	[simem:s6], [sflag:s4] =	dma.local [hbm:s3], $0xF7A  }
0x26: {  	[smem:$0x3F99] =	sst s1;
	(tag) =	ssettag s2;
	_ =	strace s9  }
0x27: {  	s1 =	sld [smem:$0x3FA9]  }
0x28: {  	s2 =	sld [smem:$0x3FAA]  }
0x29: {  	s4 =	sld [smem:$0x3FAC]  }
0x2a: {  	p0 =	seq.s32 s5, $0x0;
	s5 =	sld [smem:$0x3FAD]  }
0x2b: {  	s6 =	sld [smem:$0x3FAE]  }
0x2c: {  	s7 =	sld [smem:$0x3FAF]  }
0x2d: {  	s3 =	simm.s32 $0x108;
	s8 =	sld [smem:$0x3FB0]  }
0x2e: {  	s3 =	simm.s32 @!p0 $0x1082;
	s9 =	sld [smem:$0x3FB1]  }
0x2f: {  	lr =	sadd.s32 s0, s3;
	s0 =	sld [smem:$0x3FA8]  }
0x30: {  	s3 =	sld [smem:$0x3FAB]  }
0x31: {  	[smem:$0x3FB4] =	sst s10  }
0x32: {  	s10 =	sld [smem:$0x3FB2];
	_ =	sdelay $0x3  }
0x33: {  	p0 =	seq.s32 s10, $0x1;
	s10 =	sld [smem:$0x3FB4];
	_ =	sdelay $0x3  }
0x34: {  	[smem:$0x3FB4] =	sst s10  }
0x35: {  	s10 =	sld [smem:$0x3FB3];
	_ =	sdelay $0x3  }
0x36: {  	p1 =	seq.s32 s10, $0x1;
	s10 =	sld [smem:$0x3FB4];
	_ =	sdelay $0x3  }
0x37: {  	[smem:$0x3FB4] =	sst s10  }
0x38: {  	s10 =	sld [smem:$0x3FB5]  }
0x39: {  	_ = 	snop;
	(pc) =	sbr.ind lr, $3  }
0x3a: {  	_ = 	snop  }
0x3b: {  	_ = 	snop  }
0x3c: {  	p2 =	seq.s32 s10, $0x1;
	s10 =	sld [smem:$0x3FB4]  }
0x3d: {  	_ =	shalt  }
0x3e: {  	_ =	shalt  }
0x3f: {  	_ =	shalt  }
0x40: {  	_ =	shalt  }
0x41: {  	_ =	shalt  }
0x42: {  	_ =	shalt  }
0x43: {  	_ =	shalt  }
0x44: {  	_ =	shalt  }
0x45: {  	_ =	shalt  }
0x46: {  	_ =	shalt  }
0x47: {  	_ =	shalt  }
0x48: {  	_ =	shalt  }
0x49: {  	_ =	shalt  }
0x4a: {  	_ =	shalt  }
0x4b: {  	_ =	shalt  }
0x4c: {  	_ =	shalt  }
0x4d: {  	_ =	shalt  }
0x4e: {  	_ =	shalt  }
0x4f: {  	_ =	shalt  }
0x50: {  	_ =	shalt  }
0x51: {  	_ =	shalt  }
0x52: {  	_ =	shalt  }
0x53: {  	_ =	shalt  }
0x54: {  	_ =	shalt  }
0x55: {  	_ =	shalt  }
0x56: {  	_ =	shalt  }
0x57: {  	_ =	shalt  }
0x58: {  	_ =	shalt  }
0x59: {  	_ =	shalt  }
0x5a: {  	_ =	shalt  }
0x5b: {  	_ =	shalt  }
0x5c: {  	_ =	shalt  }
0x5d: {  	_ =	shalt  }
0x5e: {  	_ =	shalt  }
0x5f: {  	_ =	shalt  }
0x60: {  	_ =	shalt  }
0x61: {  	_ =	shalt  }
0x62: {  	_ =	shalt  }
0x63: {  	_ =	shalt  }
0x64: {  	_ =	shalt  }
0x65: {  	_ =	shalt  }
0x66: {  	_ =	shalt  }
0x67: {  	_ =	shalt  }
0x68: {  	_ =	shalt  }
0x69: {  	_ =	shalt  }
0x6a: {  	_ =	shalt  }
0x6b: {  	_ =	shalt  }
0x6c: {  	_ =	shalt  }
0x6d: {  	_ =	shalt  }
0x6e: {  	_ =	shalt  }
0x6f: {  	_ =	shalt  }
0x70: {  	_ =	shalt  }
0x71: {  	_ =	shalt  }
0x72: {  	_ =	shalt  }
0x73: {  	_ =	shalt  }
0x74: {  	_ =	shalt  }
0x75: {  	_ =	shalt  }
0x76: {  	_ =	shalt  }
0x77: {  	_ =	shalt  }
0x78: {  	_ =	shalt  }
0x79: {  	_ =	shalt  }
0x7a: {  	_ =	shalt  }
0x7b: {  	_ =	shalt  }
0x7c: {  	_ =	shalt  }
0x7d: {  	_ =	shalt  }
0x7e: {  	_ =	shalt  }
0x7f: {  	_ =	shalt  }
0x80: {  	_ =	shalt  }
0x81: {  	_ =	shalt  }
0x82: {  	_ =	shalt  }
0x83: {  	_ =	shalt  }
0x84: {  	_ =	shalt  }
0x85: {  	_ =	shalt  }
0x86: {  	_ =	shalt  }
0x87: {  	_ =	shalt  }
.Lfunc_end0:
.L_simem_size_0:
called_computation.3_lowered:
.L_overlay_start_0:
0x88: {  	s2 =	sld [smem:$0x3FD9]  }
0x89: {  	s3 =	sld [smem:$0x3FFE];
	_ =	sdelay $0x1  }
0x8a: {  	s1 =	srdreg.scid  }
0x8b: {  	s0 =	sand.u32 $0x1, s1  }
0x8c: {  	s17 =	sshll.u32 s0, $0xA;
	s2 =	sadd.s32 s3, s2  }
0x8d: {  	s2 =	sadd.s32 s2, s17  }
0x8e: {  	[smem:$0x3FC0] =	sst s2  }
0x8f: {  	_ = 	snop  }
0x90: {  	s2 =	sld [smem:$0x3FD0];
	(tm) =	ssettm $0x1  }
0x91: {  	s18 =	sld [smem:$0x3FFB];
	_ =	sdelay $0x3  }
0x92: {  	_ =	strace s18  }
0x93: {  	s3 =	sld [smem:$0x3FFC];
	_ =	sdelay $0x3  }
0x94: {  	_ =	strace s3  }
0x95: {  	s3 =	sld [smem:$0x3FFD];
	_ =	sdelay $0x3  }
0x96: {  	_ =	strace s3  }
0x97: {  	_ =	strace $0x8FFFFFFF  }
0x98: {  	s19 =	sld [smem:$0x3FDB];
	_ =	sdelay $0x1  }
0x99: {  	s4 =	simm.s32 $_scs_section_size  }
0x9a: {  	s5 =	simm.s32 $_size__tile_overlayer_lowered;
	s6 =	simm.s32 $_tile_overlayer_lowered  }
0x9b: {  	s22 =	simm.s32 $0x1BFF;
	s21 =	sshll.u32 s6, $0x1;
	s3 =	sadd.s32 s4, s19  }
0x9c: {  	s7 =	simm.s32 $0x0;
	s20 =	sshll.u32 s5, $0x1;
	s5 =	sadd.s32 s21, s3  }
0x9d: {  	[timem:s7], [sflag:s22] =	dma.local [hbm:s5], s20  }
0x9e: {  	_ =	swait.ge [sflag:s22], s20  }
0x9f: {  	s4 =	ssub.s32 $0x0, s20;
	[sflag:s22] =	ssyncset.done $0x0  }
0xa0: {  	[sflag:s22] =	ssyncadd.s32 s4;
	_ =	sdelay $0x1  }
0xa1: {  	s23 =	simm.s32 $0x1B8B  }
0xa2: {  	_ =	swait.ge [sflag:s23], $0x1  }
0xa3: {  	[sflag:s23] =	ssyncset.done $0x0  }
0xa4: {  	s25 =	simm.s32 $0x1B8E;
	s24 =	sld [smem:$0x3FFE];
	[sflag:s23] =	ssyncadd.s32 $0xFFFFFFFF  }
0xa5: {  	s26 =	simm.s32 $execute0_lowered;
	[smem:$0x3FD2] =	sst s25  }
0xa6: {  	s5 =	sshll.u32 s26, $0x1;
	_ =	strace $0x8000004F;
	[dreg:$0x1] =	wrdreg $0xFFFFFFFF  }
0xa7: {  	s28 =	simm.s32 $_size_execute0_lowered;
	s3 =	sadd.s32 s3, s5;
	[dreg:$0x0] =	wrdreg $0x0  }
0xa8: {  	s5 =	sshll.u32 s28, $0x1;
	[dreg:$0x2] =	wrdreg s3  }
0xa9: {  	[dreg:$0x3] =	wrdreg s5  }
0xaa: {  	[dreg:$0x4] =	wrdreg $0xC0  }
0xab: {  	_ =	task [dreg:s7], $0x5FFFF  }
0xac: {  	[dreg:$0x1] =	wrdreg $0xFFFFFFFF  }
0xad: {  	[dreg:$0x0] =	wrdreg $0x60  }
0xae: {  	[dreg:$0x2] =	wrdreg s24  }
0xaf: {  	[dreg:$0x3] =	wrdreg s2  }
0xb0: {  	[dreg:$0x4] =	wrdreg $0x83000  }
0xb1: {  	[dreg:$0x5] =	wrdreg $0x9  }
0xb2: {  	_ =	task.clear_ibuf [dreg:s7], $0x6FFFF;
	_ =	strace $0x9000004F  }
0xb3: {  	s29 =	simm.s32 $0x9;
	_ =	strace $0x80000051  }
0xb4: {  	_ =	swait.ge [sflag:s29], $0x1  }
0xb5: {  	[sflag:s29] =	ssyncadd.s32 $0xFFFFFFFF  }
0xb6: {  	_ =	strace $0x90000051  }
0xb7: {  	_ =	sfence  }
0xb8: {  	s30 =	sld [smem:$0x0];
	_ =	sdelay $0x2  }
0xb9: {  	s31 =	sshll.u32 s1, $0xD;
	s1 =	sshrl.u32 s1, $0x2  }
0xba: {  	s3 =	sand.u32 $0x4000, s31;
	s1 =	sadd.s32 s1, s30  }
0xbb: {  	s0 =	sor.u32 s3, s0;
	s1 =	sshll.u32 s1, $0x11  }
0xbc: {  	s0 =	sor.u32 s1, s0  }
0xbd: {  	s0 =	sadd.s32 $0x8F2B, s0  }
0xbe: {  	[sflag:s0] =	ssyncadd.remote.s32 $0x1  }
0xbf: {  	_ =	sfence.sel $0xFFFF  }
0xc0: {  	[dreg:$0x0] =	wrdreg $0xFFFFFFFF;
	(pc) =	sbr.abs _section_cstart, $3  }
0xc1: {  	[dreg:$0x1] =	wrdreg $0xFFFFFFFF  }
0xc2: {  	_ =	task.clear_ibuf [dreg:s7], $0x2FFFF;
	_ =	strace $0x9FFFFFFF  }
0xc3: {  	(tm) =	ssettm $0x7FFFFFFF  }
tec
execute0_lowered:
.L_overlay_start_1:
0x0: {  	(tag) =	ssettag $0x1  }
0x1: {  	s0 =	rddreg [dreg:$0x0]  }
0x2: {  	s4 =	rddreg [dreg:$0x1]  }
0x3: {  	s1 =	rddreg [dreg:$0x2];
	s2 =	simm.s32 $0x0  }
0x4: {  	s7 =	srdreg.scid;
	s13 =	stileid.u32;
	s28 =	simm.s32 $0x100  }
0x5: {  	s29 =	simm.s32 $0x180;
	s30 =	simm.s32 $0x1;
	s31 =	simm.s32 $0x4  }
0x6: {  	[smem:$0x7FF] =	sst s2;
	s3 =	sadd.s32 $0x5D600, s0;
	s5 =	sadd.s32 $0x84800, s0  }
0x7: {  	s6 =	sadd.s32 $0x4A00, s0;
	s8 =	sadd.s32 $0x9A00, s0;
	s10 =	smul.u32 $0x2710, s13  }
0x8: {  	s7 =	sand.u32 $0x1, s7;
	s14 =	sadd.s32 $0xABA00, s0;
	s11 =	smul.u32 $0x4E000, s13  }
0x9: {  	s15 =	sadd.s32 $0xD2C00, s0;
	s16 =	smul.u32 $0x2700, s13;
	s12 =	sadd.s32 $0x138000, s1  }
0xa: {  	p1 =	sne.s32 s13, $0xF;
	p2 =	seq.s32 s13, $0xF;
	_ =	strace $0x80000050  }
0xb: {  	s9 =	ssub.s32 $0x2, s7;
	p0 =	seq.s32 s7, $0x1;
	[dreg:$0x4] =	wrdreg s14  }
0xc: {  	[dreg:$0x5] =	wrdreg s15;
	s25 =	sshrl.u32 s9, $0x1;
	s26 =	sshrl.u32 s10, $0x3  }
0xd: {  	s18 =	sshrl.u32 s11, $0x2;
	s20 =	sadd.s32 s4, s16;
	s4 =	sadd.s32 $0x27000, s4  }
0xe: {  	s23 =	sadd.s32 s14, s16;
	s24 =	sadd.s32 s15, s16;
	[dreg:$0x9] =	wrdreg s20  }
0xf: {  	s16 =	simm.s32 $0x2;
	s0 =	ssub.s32 s9, s25;
	[dreg:$0xa] =	wrdreg s4  }
0x10: {  	s17 =	sadd.s32 s6, s26;
	s19 =	sadd.s32 s8, s26;
	[dreg:$0xd] =	wrdreg s23  }
0x11: {  	s7 =	sadd.s32 s18, s1;
	s21 =	sadd.s32 $0x4E0, s26;
	[dreg:$0xe] =	wrdreg s24  }
0x12: {  	s25 =	sadd.s32 $0x4D0, s26;
	s26 =	smul.u32 $0x4E2, s13;
	[dreg:$0x6] =	wrdreg s17  }
0x13: {  	s23 =	simm.s32 $0x5;
	s24 =	simm.s32 $0x80;
	[dreg:$0x7] =	wrdreg s19  }
0x14: {  	[dreg:$0x8] =	wrdreg s7;
	s22 =	sadd.s32 s6, s21;
	s4 =	sadd.s32 s8, s21  }
.Ltmp0:
0x15: {  	s18 =	smax.u32 s0, $0x1;
	s19 =	sadd.s32 s6, s25;
	(pc) =	sbr.rel .LBB2_1-.Ltmp0, $4  }
0x16: {  	s20 =	sadd.s32 s8, s25;
	s25 =	simm.s32 $0x300;
	s0 =	simm.s32 $0x4300  }
0x17: {  	s17 =	simm.s32 $0x200;
	s7 =	simm.s32 $0x10;
	[dreg:$0xb] =	wrdreg s22  }
0x18: {  	[dreg:$0xc] =	wrdreg s4;
	s21 =	sadd.s32 s26, s8;
	s22 =	sadd.s32 s26, s6  }
0x19: {  	s26 =	simm.s32 $0x3;
	s6 =	simm.s32 $0x280;
	s4 =	simm.s32 $0x0  }
.LBB2_8:
0x1a: {  	s9 =	sadd.s32 $0x27000, s9;
	s10 =	sshrl.u32 s12, $0x3  }
0x1b: {  	[hbm:s9], [sflag:s8] =	dma.local [spmem:s10], $0x100  }
0x1c: {  	_ =	swait.ge [sflag:s23], $0x100  }
0x1d: {  	[sflag:s23] =	ssyncset.done $0x0  }
0x1e: {  	[sflag:s23] =	ssyncadd.s32 $0xFFFFFF00  }
.LBB2_9:
0x1f: {  	s4 =	sadd.s32 $0x1, s4  }
0x20: {  	p3 =	sne.s32 s4, s18  }
.Ltmp1:
0x21: {  	_ = 	snop;
	(pc) =	sbr.rel @!p3 .LBB2_10-.Ltmp1, $1  }
0x22: {  	_ =	sdelay $0x3  }
.LBB2_1:
0x23: {  	s8 =	rddreg [dreg:$0x6]  }
0x24: {  	[tilespmem:s2], [sflag:$0x5] =	stream.linear.gather [hbm4b:s8+s2], $0x80, $0x38;
	[tilespmem:$0x1BB80] =	vst v63  }
.Ltmp2:
0x25: {  	s14 =	stileid.u32;
	(pc) =	sbr.rel @!p0 .LBB2_2-.Ltmp2, $4  }
0x26: {  	s10 =	sshrl.u32 @!p1 s12, $0x3;
	s11 =	sshll.u32 s14, $0x6;
	_ =	swait.ge [sflag:s23], $0x80  }
0x27: {  	s8 =	sor.u32 $0x1C05, s11;
	[sflag:s23] =	ssyncset.done $0x0;
	s15 =	rddreg [dreg:$0x8]  }
0x28: {  	s13 =	rddreg [dreg:$0x7];
	[sflag:s23] =	ssyncadd.s32 $0xFFFFFF80;
	s9 =	sshrl.u32 s15, $0x3  }
0x29: {  	[tilespmem:s24], [sflag:$0x3] =	stream.linear.gather [hbm4b:s13+s2], $0x80, $0x38;
	[tilespmem:$0x1BB80] =	vst v63  }
0x2a: {  	[tilespmem:s25], [sflag:$0x1] =	stream.indirect.gather [hbm4b:s5+s24], $0x80, s2, s24, $0xb8;
	[tilespmem:$0x1BB80] =	vst v63  }
0x2b: {  	s8 =	sor.u32 $0x1C05, s11;
	s14 =	rddreg [dreg:$0x9]  }
0x2c: {  	[spmem:s9], [sflag:s8] =	dma.local [hbm:s14], $0x2700  }
0x2d: {  	_ =	swait.ge [sflag:s23], $0x2700  }
0x2e: {  	[sflag:s23] =	ssyncset.done $0x0  }
0x2f: {  	s11 =	rddreg [dreg:$0xa];
	[sflag:s23] =	ssyncadd.s32 $0xFFFFD900  }
0x30: {  	[spmem:s10], [sflag:s8] =	dma.local @!p1 [hbm:s11], $0x100  }
0x31: {  	s10 =	simm.s32 @!p1 $0x5  }
0x32: {  	_ =	swait.ge @!p1 [sflag:s10], $0x100  }
0x33: {  	[sflag:s10] =	ssyncset.done @!p1 $0x0  }
0x34: {  	[sflag:s10] =	ssyncadd.s32 @!p1 $0xFFFFFF00  }
0x35: {  	_ =	swait.ge [sflag:s26], $0x80  }
0x36: {  	[sflag:s26] =	ssyncset.done $0x0  }
0x37: {  	s10 =	sadd.s32 $0xFFFFFB40, s22;
	[sflag:s26] =	ssyncadd.s32 $0xFFFFFF80  }
0x38: {  	s13 =	sadd.s32 $0xFFFFFB40, s21;
	s15 =	sadd.s32 $0x4D0, s10;
	[bflag:$0x0] =	sbarrier.arrive $0xFFFF  }
0x39: {  	[tilespmem:s28], [sflag:$0x4] =	stream.linear.gather [hbm4b:s15+s2], $0x80, $0x38;
	[tilespmem:$0x1BB80] =	vst v63  }
0x3a: {  	s14 =	sadd.s32 $0x4D0, s13  }
0x3b: {  	[tilespmem:s29], [sflag:$0x4] =	stream.linear.gather [hbm4b:s14+s2], $0x80, $0x38;
	[tilespmem:$0x1BB80] =	vst v63  }
0x3c: {  	_ =	swait.ge [sflag:s30], $0x4000  }
0x3d: {  	[sflag:s30] =	ssyncset.done $0x0  }
0x3e: {  	[sflag:s30] =	ssyncadd.s32 $0xFFFFC000  }
0x3f: {  	_ =	swait.ge [sflag:s31], $0x80  }
0x40: {  	[sflag:s31] =	ssyncset.done $0x0  }
0x41: {  	[sflag:s31] =	ssyncadd.s32 $0xFFFFFF80  }
0x42: {  	_ =	swait.ge [sflag:s31], $0x80  }
0x43: {  	[sflag:s31] =	ssyncset.done $0x0  }
0x44: {  	[sflag:s31] =	ssyncadd.s32 $0xFFFFFF80  }
0x45: {  	[tilespmem:s0], [sflag:$0x2] =	stream.indirect.gather [hbm4b:s5+s24], $0x80, s28, s24, $0xb8;
	[tilespmem:$0x1BB80] =	vst v63  }
0x46: {  	_ = 	snop  }
0x47: {  	[spmem:s1] =	stream.indirect.scatter.add.f32 [tilespmem:s25], [sflag:$0x5], $0x80, s24, s24, $0xb8;
	[tilespmem:$0x1BB80] =	vst v63  }
0x48: {  	_ =	swait.ge [sflag:s23], $0x4000  }
0x49: {  	[sflag:s23] =	ssyncset.done $0x0  }
0x4a: {  	s10 =	sadd.s32 $0x4E0, s10;
	[sflag:s23] =	ssyncadd.s32 $0xFFFFC000  }
0x4b: {  	[tilespmem:s2], [sflag:$0x3] =	stream.linear.gather [hbm4b:s10+s2], $0x80, $0x38;
	[tilespmem:$0x1BB80] =	vst v63  }
0x4c: {  	s15 =	sadd.s32 $0x4E0, s13  }
0x4d: {  	[tilespmem:s24], [sflag:$0x3] =	stream.linear.gather [hbm4b:s15+s2], $0x80, $0x38;
	[tilespmem:$0x1BB80] =	vst v63  }
0x4e: {  	_ =	swait.ge [sflag:s26], $0x80  }
0x4f: {  	[sflag:s26] =	ssyncset.done $0x0  }
0x50: {  	[sflag:s26] =	ssyncadd.s32 $0xFFFFFF80  }
0x51: {  	_ =	swait.ge [sflag:s26], $0x80  }
0x52: {  	[sflag:s26] =	ssyncset.done $0x0  }
0x53: {  	[sflag:s26] =	ssyncadd.s32 $0xFFFFFF80  }
0x54: {  	[tilespmem:s25], [sflag:$0x1] =	stream.indirect.gather [hbm4b:s5+s24], $0x80, s2, s24, $0xb8;
	[tilespmem:$0x1BB80] =	vst v63  }
0x55: {  	_ =	swait.ge [sflag:s16], $0x4000  }
0x56: {  	[sflag:s16] =	ssyncset.done $0x0  }
0x57: {  	[sflag:s16] =	ssyncadd.s32 $0xFFFFC000  }
0x58: {  	[spmem:s1] =	stream.indirect.scatter.add.f32 [tilespmem:s0], [sflag:$0x5], $0x80, s29, s24, $0xb8;
	[tilespmem:$0x1BB80] =	vst v63  }
0x59: {  	s11 =	simm.s32 $0xFFFFFB80;
	_ =	swait.ge [sflag:s23], $0x4000  }
0x5a: {  	s13 =	sadd.s32 $0xFFFFFB60, s22;
	s10 =	simm.s32 $0xFFFFFB60;
	[sflag:s23] =	ssyncset.done $0x0  }
.LBB2_6:
0x5b: {  	s14 =	sadd.s32 $0x4D0, s13  }
0x5c: {  	s15 =	sadd.s32 s10, s21;
	[sflag:s23] =	ssyncadd.s32 $0xFFFFC000;
	s10 =	smov.u32 s11  }
0x5d: {  	[tilespmem:s28], [sflag:$0x4] =	stream.linear.gather [hbm4b:s14+s2], $0x80, $0x38;
	[tilespmem:$0x1BB80] =	vst v63  }
0x5e: {  	p3 =	sne.s32 s11, $0xFFFFFFE0;
	s11 =	sadd.s32 $0x20, s11;
	s14 =	sadd.s32 $0x4D0, s15  }
0x5f: {  	[tilespmem:s29], [sflag:$0x4] =	stream.linear.gather [hbm4b:s14+s2], $0x80, $0x38;
	[tilespmem:$0x1BB80] =	vst v63  }
0x60: {  	_ =	swait.ge [sflag:s30], $0x4000  }
0x61: {  	[sflag:s30] =	ssyncset.done $0x0  }
0x62: {  	[sflag:s30] =	ssyncadd.s32 $0xFFFFC000  }
0x63: {  	_ =	swait.ge [sflag:s31], $0x80  }
0x64: {  	[sflag:s31] =	ssyncset.done $0x0  }
0x65: {  	[sflag:s31] =	ssyncadd.s32 $0xFFFFFF80  }
0x66: {  	_ =	swait.ge [sflag:s31], $0x80  }
0x67: {  	[sflag:s31] =	ssyncset.done $0x0  }
0x68: {  	[sflag:s31] =	ssyncadd.s32 $0xFFFFFF80  }
0x69: {  	[tilespmem:s0], [sflag:$0x2] =	stream.indirect.gather [hbm4b:s5+s24], $0x80, s28, s24, $0xb8;
	[tilespmem:$0x1BB80] =	vst v63  }
0x6a: {  	_ = 	snop  }
0x6b: {  	[spmem:s1] =	stream.indirect.scatter.add.f32 [tilespmem:s25], [sflag:$0x5], $0x80, s24, s24, $0xb8;
	[tilespmem:$0x1BB80] =	vst v63  }
0x6c: {  	_ =	swait.ge [sflag:s23], $0x4000  }
0x6d: {  	[sflag:s23] =	ssyncset.done $0x0  }
0x6e: {  	s13 =	sadd.s32 $0x4E0, s13;
	[sflag:s23] =	ssyncadd.s32 $0xFFFFC000  }
0x6f: {  	[tilespmem:s2], [sflag:$0x3] =	stream.linear.gather [hbm4b:s13+s2], $0x80, $0x38;
	[tilespmem:$0x1BB80] =	vst v63  }
0x70: {  	s13 =	sadd.s32 $0x4E0, s15  }
0x71: {  	[tilespmem:s24], [sflag:$0x3] =	stream.linear.gather [hbm4b:s13+s2], $0x80, $0x38;
	[tilespmem:$0x1BB80] =	vst v63  }
0x72: {  	_ =	swait.ge [sflag:s26], $0x80  }
0x73: {  	[sflag:s26] =	ssyncset.done $0x0  }
0x74: {  	[sflag:s26] =	ssyncadd.s32 $0xFFFFFF80  }
0x75: {  	_ =	swait.ge [sflag:s26], $0x80  }
0x76: {  	[sflag:s26] =	ssyncset.done $0x0  }
0x77: {  	[sflag:s26] =	ssyncadd.s32 $0xFFFFFF80  }
0x78: {  	[tilespmem:s25], [sflag:$0x1] =	stream.indirect.gather [hbm4b:s5+s24], $0x80, s2, s24, $0xb8;
	[tilespmem:$0x1BB80] =	vst v63  }
0x79: {  	_ =	swait.ge [sflag:s16], $0x4000  }
.Ltmp3:
0x7a: {  	[sflag:s16] =	ssyncset.done $0x0;
	(pc) =	sbr.rel @p3 .LBB2_6-.Ltmp3, $4  }
0x7b: {  	[sflag:s16] =	ssyncadd.s32 $0xFFFFC000  }
0x7c: {  	[spmem:s1] =	stream.indirect.scatter.add.f32 [tilespmem:s0], [sflag:$0x5], $0x80, s29, s24, $0xb8;
	[tilespmem:$0x1BB80] =	vst v63  }
0x7d: {  	_ =	swait.ge [sflag:s23], $0x4000  }
0x7e: {  	s13 =	sadd.s32 s10, s22;
	[sflag:s23] =	ssyncset.done $0x0  }
0x7f: {  	s11 =	sadd.s32 $0x4D0, s13;
	s10 =	sadd.s32 s10, s21;
	[sflag:s23] =	ssyncadd.s32 $0xFFFFC000  }
0x80: {  	[tilespmem:s28], [sflag:$0x4] =	stream.linear.gather [hbm4b:s11+s2], $0x80, $0x38;
	[tilespmem:$0x1BB80] =	vst v63  }
0x81: {  	s14 =	sadd.s32 $0x4D0, s10  }
0x82: {  	[tilespmem:s29], [sflag:$0x4] =	stream.linear.gather [hbm4b:s14+s2], $0x80, $0x38;
	[tilespmem:$0x1BB80] =	vst v63  }
0x83: {  	_ =	swait.ge [sflag:s30], $0x4000  }
0x84: {  	[sflag:s30] =	ssyncset.done $0x0  }
0x85: {  	[sflag:s30] =	ssyncadd.s32 $0xFFFFC000  }
0x86: {  	_ =	swait.ge [sflag:s31], $0x80  }
0x87: {  	[sflag:s31] =	ssyncset.done $0x0  }
0x88: {  	[sflag:s31] =	ssyncadd.s32 $0xFFFFFF80  }
0x89: {  	_ =	swait.ge [sflag:s31], $0x80  }
0x8a: {  	[sflag:s31] =	ssyncset.done $0x0  }
0x8b: {  	[sflag:s31] =	ssyncadd.s32 $0xFFFFFF80  }
0x8c: {  	[tilespmem:s0], [sflag:$0x2] =	stream.indirect.gather [hbm4b:s5+s24], $0x80, s28, s24, $0xb8;
	[tilespmem:$0x1BB80] =	vst v63  }
0x8d: {  	_ = 	snop  }
0x8e: {  	[spmem:s1] =	stream.indirect.scatter.add.f32 [tilespmem:s25], [sflag:$0x5], $0x80, s24, s24, $0xb8;
	[tilespmem:$0x1BB80] =	vst v63  }
0x8f: {  	_ =	swait.ge [sflag:s23], $0x4000  }
0x90: {  	[sflag:s23] =	ssyncset.done $0x0  }
0x91: {  	s15 =	sadd.s32 $0x4E0, s13;
	[sflag:s23] =	ssyncadd.s32 $0xFFFFC000  }
0x92: {  	[tilespmem:s2], [sflag:$0x3] =	stream.linear.gather [hbm4b:s15+s2], $0x80, $0x38;
	[tilespmem:$0x1BB80] =	vst v63  }
0x93: {  	s10 =	sadd.s32 $0x4E0, s10  }
0x94: {  	[tilespmem:s24], [sflag:$0x3] =	stream.linear.gather [hbm4b:s10+s2], $0x80, $0x38;
	[tilespmem:$0x1BB80] =	vst v63  }
0x95: {  	_ =	swait.ge [sflag:s26], $0x80  }
0x96: {  	[sflag:s26] =	ssyncset.done $0x0  }
0x97: {  	[sflag:s26] =	ssyncadd.s32 $0xFFFFFF80  }
0x98: {  	_ =	swait.ge [sflag:s26], $0x80  }
0x99: {  	[sflag:s26] =	ssyncset.done $0x0  }
0x9a: {  	[sflag:s26] =	ssyncadd.s32 $0xFFFFFF80  }
0x9b: {  	[tilespmem:s25], [sflag:$0x1] =	stream.indirect.gather [hbm4b:s5+s24], $0x80, s2, s24, $0xb8;
	[tilespmem:$0x1BB80] =	vst v63  }
0x9c: {  	_ =	swait.ge [sflag:s16], $0x4000  }
0x9d: {  	[sflag:s16] =	ssyncset.done $0x0  }
0x9e: {  	[sflag:s16] =	ssyncadd.s32 $0xFFFFC000  }
0x9f: {  	[spmem:s1] =	stream.indirect.scatter.add.f32 [tilespmem:s0], [sflag:$0x5], $0x80, s29, s24, $0xb8;
	[tilespmem:$0x1BB80] =	vst v63  }
0xa0: {  	_ =	swait.ge [sflag:s23], $0x4000  }
0xa1: {  	[sflag:s23] =	ssyncset.done $0x0  }
0xa2: {  	[sflag:s23] =	ssyncadd.s32 $0xFFFFC000  }
0xa3: {  	[tilespmem:s28], [sflag:$0x4] =	stream.linear.gather [hbm4b:s19+s2], $0x80, $0x38;
	[tilespmem:$0x1BB80] =	vst v63  }
0xa4: {  	_ = 	snop  }
0xa5: {  	[tilespmem:s29], [sflag:$0x4] =	stream.linear.gather [hbm4b:s20+s2], $0x80, $0x38;
	[tilespmem:$0x1BB80] =	vst v63  }
0xa6: {  	_ =	swait.ge [sflag:s30], $0x4000  }
0xa7: {  	[sflag:s30] =	ssyncset.done $0x0  }
0xa8: {  	[sflag:s30] =	ssyncadd.s32 $0xFFFFC000  }
0xa9: {  	_ =	swait.ge [sflag:s31], $0x80  }
0xaa: {  	[sflag:s31] =	ssyncset.done $0x0  }
0xab: {  	[sflag:s31] =	ssyncadd.s32 $0xFFFFFF80  }
0xac: {  	_ =	swait.ge [sflag:s31], $0x80  }
0xad: {  	[sflag:s31] =	ssyncset.done $0x0  }
0xae: {  	[sflag:s31] =	ssyncadd.s32 $0xFFFFFF80  }
0xaf: {  	[tilespmem:s0], [sflag:$0x2] =	stream.indirect.gather [hbm4b:s5+s24], $0x80, s28, s24, $0xb8;
	[tilespmem:$0x1BB80] =	vst v63  }
0xb0: {  	_ = 	snop  }
0xb1: {  	[spmem:s1] =	stream.indirect.scatter.add.f32 [tilespmem:s25], [sflag:$0x5], $0x80, s24, s24, $0xb8;
	[tilespmem:$0x1BB80] =	vst v63  }
0xb2: {  	_ =	swait.ge [sflag:s23], $0x4000  }
0xb3: {  	[sflag:s23] =	ssyncset.done $0x0  }
0xb4: {  	[sflag:s23] =	ssyncadd.s32 $0xFFFFC000  }
0xb5: {  	_ =	swait.ge [sflag:s16], $0x4000  }
0xb6: {  	[sflag:s16] =	ssyncset.done $0x0  }
0xb7: {  	[sflag:s16] =	ssyncadd.s32 $0xFFFFC000  }
0xb8: {  	[spmem:s1] =	stream.indirect.scatter.add.f32 [tilespmem:s0], [sflag:$0x5], $0x80, s29, s24, $0xb8;
	[tilespmem:$0x1BB80] =	vst v63  }
0xb9: {  	_ =	swait.ge [sflag:s23], $0x4000  }
0xba: {  	[sflag:s23] =	ssyncset.done $0x0  }
0xbb: {  	s13 =	rddreg [dreg:$0xb];
	[sflag:s23] =	ssyncadd.s32 $0xFFFFC000  }
0xbc: {  	[tilespmem:s17], [sflag:$0x5] =	stream.linear.gather [hbm4b:s13+s2], $0x10, $0x38;
	[tilespmem:$0x1BB80] =	vst v63  }
0xbd: {  	_ =	swait.ge [sflag:s23], $0x10  }
0xbe: {  	[sflag:s23] =	ssyncset.done $0x0  }
0xbf: {  	s14 =	rddreg [dreg:$0xc];
	[sflag:s23] =	ssyncadd.s32 $0xFFFFFFF0  }
0xc0: {  	[tilespmem:s6], [sflag:$0x5] =	stream.linear.gather [hbm4b:s14+s2], $0x10, $0x38;
	[tilespmem:$0x1BB80] =	vst v63  }
0xc1: {  	_ =	swait.ge [sflag:s23], $0x10  }
0xc2: {  	[sflag:s23] =	ssyncset.done $0x0  }
0xc3: {  	[sflag:s23] =	ssyncadd.s32 $0xFFFFFFF0  }
0xc4: {  	[tilespmem:s25], [sflag:$0x1] =	stream.indirect.gather [hbm4b:s5+s7], $0x80, s17, s7, $0xb8;
	[tilespmem:$0x1BB80] =	vst v63  }
0xc5: {  	_ =	swait.ge [sflag:s30], $0x800  }
0xc6: {  	[sflag:s30] =	ssyncset.done $0x0  }
0xc7: {  	[sflag:s30] =	ssyncadd.s32 $0xFFFFF800  }
0xc8: {  	[spmem:s1] =	stream.indirect.scatter.add.f32 [tilespmem:s25], [sflag:$0x5], $0x80, s6, s7, $0xb8;
	[tilespmem:$0x1BB80] =	vst v63  }
0xc9: {  	_ =	swait.ge [sflag:s23], $0x800  }
0xca: {  	[sflag:s23] =	ssyncset.done $0x0  }
0xcb: {  	[sflag:s23] =	ssyncadd.s32 $0xFFFFF800  }
0xcc: {  	[bflag:$0x0] =	sbarrier.arrive $0xFFFF  }
0xcd: {  	s15 =	rddreg [dreg:$0xe]  }
0xce: {  	[hbm:s15], [sflag:s8] =	dma.local [spmem:s9], $0x2700  }
.Ltmp4:
0xcf: {  	_ = 	snop;
	(pc) =	sbr.rel @p1 .LBB2_9-.Ltmp4, $4  }
.Ltmp5:
0xd0: {  	_ = 	snop;
	(pc) =	sbr.rel @!p1 .LBB2_8-.Ltmp5, $4  }
0xd1: {  	_ =	swait.ge [sflag:s23], $0x2700  }
0xd2: {  	[sflag:s23] =	ssyncset.done $0x0  }
0xd3: {  	s9 =	rddreg [dreg:$0x5];
	[sflag:s23] =	ssyncadd.s32 $0xFFFFD900  }
0xd4: {  	_ = 	snop  }
.LBB2_2:
0xd5: {  	[tilespmem:s25], [sflag:$0x1] =	stream.indirect.gather [hbm4b:s3+s24], $0x80, s2, s24, $0xb8;
	[tilespmem:$0x1BB80] =	vst v63  }
0xd6: {  	s11 =	rddreg [dreg:$0x9]  }
0xd7: {  	[spmem:s9], [sflag:s8] =	dma.local [hbm:s11], $0x2700  }
0xd8: {  	_ =	swait.ge [sflag:s23], $0x2700  }
0xd9: {  	[sflag:s23] =	ssyncset.done $0x0  }
0xda: {  	s11 =	rddreg [dreg:$0xa];
	[sflag:s23] =	ssyncadd.s32 $0xFFFFD900  }
0xdb: {  	[spmem:s10], [sflag:s8] =	dma.local @!p1 [hbm:s11], $0x100  }
0xdc: {  	s10 =	simm.s32 @!p1 $0x5  }
0xdd: {  	_ =	swait.ge @!p1 [sflag:s10], $0x100  }
0xde: {  	[sflag:s10] =	ssyncset.done @!p1 $0x0  }
0xdf: {  	[sflag:s10] =	ssyncadd.s32 @!p1 $0xFFFFFF00  }
0xe0: {  	_ =	swait.ge [sflag:s26], $0x80  }
0xe1: {  	[sflag:s26] =	ssyncset.done $0x0  }
0xe2: {  	s10 =	sadd.s32 $0xFFFFFB40, s22;
	[sflag:s26] =	ssyncadd.s32 $0xFFFFFF80  }
0xe3: {  	s13 =	sadd.s32 $0xFFFFFB40, s21;
	s15 =	sadd.s32 $0x4D0, s10;
	[bflag:$0x0] =	sbarrier.arrive $0xFFFF  }
0xe4: {  	[tilespmem:s28], [sflag:$0x4] =	stream.linear.gather [hbm4b:s15+s2], $0x80, $0x38;
	[tilespmem:$0x1BB80] =	vst v63  }
0xe5: {  	s14 =	sadd.s32 $0x4D0, s13  }
0xe6: {  	[tilespmem:s29], [sflag:$0x4] =	stream.linear.gather [hbm4b:s14+s2], $0x80, $0x38;
	[tilespmem:$0x1BB80] =	vst v63  }
0xe7: {  	_ =	swait.ge [sflag:s30], $0x4000  }
0xe8: {  	[sflag:s30] =	ssyncset.done $0x0  }
0xe9: {  	[sflag:s30] =	ssyncadd.s32 $0xFFFFC000  }
0xea: {  	_ =	swait.ge [sflag:s31], $0x80  }
0xeb: {  	[sflag:s31] =	ssyncset.done $0x0  }
0xec: {  	[sflag:s31] =	ssyncadd.s32 $0xFFFFFF80  }
0xed: {  	_ =	swait.ge [sflag:s31], $0x80  }
0xee: {  	[sflag:s31] =	ssyncset.done $0x0  }
0xef: {  	[sflag:s31] =	ssyncadd.s32 $0xFFFFFF80  }
0xf0: {  	[tilespmem:s0], [sflag:$0x2] =	stream.indirect.gather [hbm4b:s3+s24], $0x80, s28, s24, $0xb8;
	[tilespmem:$0x1BB80] =	vst v63  }
0xf1: {  	_ = 	snop  }
0xf2: {  	[spmem:s1] =	stream.indirect.scatter.add.f32 [tilespmem:s25], [sflag:$0x5], $0x80, s24, s24, $0xb8;
	[tilespmem:$0x1BB80] =	vst v63  }
0xf3: {  	_ =	swait.ge [sflag:s23], $0x4000  }
0xf4: {  	[sflag:s23] =	ssyncset.done $0x0  }
0xf5: {  	s10 =	sadd.s32 $0x4E0, s10;
	[sflag:s23] =	ssyncadd.s32 $0xFFFFC000  }
0xf6: {  	[tilespmem:s2], [sflag:$0x3] =	stream.linear.gather [hbm4b:s10+s2], $0x80, $0x38;
	[tilespmem:$0x1BB80] =	vst v63  }
0xf7: {  	s15 =	sadd.s32 $0x4E0, s13  }
0xf8: {  	[tilespmem:s24], [sflag:$0x3] =	stream.linear.gather [hbm4b:s15+s2], $0x80, $0x38;
	[tilespmem:$0x1BB80] =	vst v63  }
0xf9: {  	_ =	swait.ge [sflag:s26], $0x80  }
0xfa: {  	[sflag:s26] =	ssyncset.done $0x0  }
0xfb: {  	[sflag:s26] =	ssyncadd.s32 $0xFFFFFF80  }
0xfc: {  	_ =	swait.ge [sflag:s26], $0x80  }
0xfd: {  	[sflag:s26] =	ssyncset.done $0x0  }
0xfe: {  	[sflag:s26] =	ssyncadd.s32 $0xFFFFFF80  }
0xff: {  	[tilespmem:s25], [sflag:$0x1] =	stream.indirect.gather [hbm4b:s3+s24], $0x80, s2, s24, $0xb8;
	[tilespmem:$0x1BB80] =	vst v63  }
0x100: {  	_ =	swait.ge [sflag:s16], $0x4000  }
0x101: {  	[sflag:s16] =	ssyncset.done $0x0  }
0x102: {  	[sflag:s16] =	ssyncadd.s32 $0xFFFFC000  }
0x103: {  	[spmem:s1] =	stream.indirect.scatter.add.f32 [tilespmem:s0], [sflag:$0x5], $0x80, s29, s24, $0xb8;
	[tilespmem:$0x1BB80] =	vst v63  }
0x104: {  	s11 =	simm.s32 $0xFFFFFB80;
	_ =	swait.ge [sflag:s23], $0x4000  }
0x105: {  	s13 =	sadd.s32 $0xFFFFFB60, s22;
	s10 =	simm.s32 $0xFFFFFB60;
	[sflag:s23] =	ssyncset.done $0x0  }
.LBB2_3:
0x106: {  	s14 =	sadd.s32 $0x4D0, s13  }
0x107: {  	s15 =	sadd.s32 s10, s21;
	[sflag:s23] =	ssyncadd.s32 $0xFFFFC000;
	s10 =	smov.u32 s11  }
0x108: {  	[tilespmem:s28], [sflag:$0x4] =	stream.linear.gather [hbm4b:s14+s2], $0x80, $0x38;
	[tilespmem:$0x1BB80] =	vst v63  }
0x109: {  	p3 =	sne.s32 s11, $0xFFFFFFE0;
	s11 =	sadd.s32 $0x20, s11;
	s14 =	sadd.s32 $0x4D0, s15  }
0x10a: {  	[tilespmem:s29], [sflag:$0x4] =	stream.linear.gather [hbm4b:s14+s2], $0x80, $0x38;
	[tilespmem:$0x1BB80] =	vst v63  }
0x10b: {  	_ =	swait.ge [sflag:s30], $0x4000  }
0x10c: {  	[sflag:s30] =	ssyncset.done $0x0  }
0x10d: {  	[sflag:s30] =	ssyncadd.s32 $0xFFFFC000  }
0x10e: {  	_ =	swait.ge [sflag:s31], $0x80  }
0x10f: {  	[sflag:s31] =	ssyncset.done $0x0  }
0x110: {  	[sflag:s31] =	ssyncadd.s32 $0xFFFFFF80  }
0x111: {  	_ =	swait.ge [sflag:s31], $0x80  }
0x112: {  	[sflag:s31] =	ssyncset.done $0x0  }
0x113: {  	[sflag:s31] =	ssyncadd.s32 $0xFFFFFF80  }
0x114: {  	[tilespmem:s0], [sflag:$0x2] =	stream.indirect.gather [hbm4b:s3+s24], $0x80, s28, s24, $0xb8;
	[tilespmem:$0x1BB80] =	vst v63  }
0x115: {  	_ = 	snop  }
0x116: {  	[spmem:s1] =	stream.indirect.scatter.add.f32 [tilespmem:s25], [sflag:$0x5], $0x80, s24, s24, $0xb8;
	[tilespmem:$0x1BB80] =	vst v63  }
0x117: {  	_ =	swait.ge [sflag:s23], $0x4000  }
0x118: {  	[sflag:s23] =	ssyncset.done $0x0  }
0x119: {  	s13 =	sadd.s32 $0x4E0, s13;
	[sflag:s23] =	ssyncadd.s32 $0xFFFFC000  }
0x11a: {  	[tilespmem:s2], [sflag:$0x3] =	stream.linear.gather [hbm4b:s13+s2], $0x80, $0x38;
	[tilespmem:$0x1BB80] =	vst v63  }
0x11b: {  	s13 =	sadd.s32 $0x4E0, s15  }
0x11c: {  	[tilespmem:s24], [sflag:$0x3] =	stream.linear.gather [hbm4b:s13+s2], $0x80, $0x38;
	[tilespmem:$0x1BB80] =	vst v63  }
0x11d: {  	_ =	swait.ge [sflag:s26], $0x80  }
0x11e: {  	[sflag:s26] =	ssyncset.done $0x0  }
0x11f: {  	[sflag:s26] =	ssyncadd.s32 $0xFFFFFF80  }
0x120: {  	_ =	swait.ge [sflag:s26], $0x80  }
0x121: {  	[sflag:s26] =	ssyncset.done $0x0  }
0x122: {  	[sflag:s26] =	ssyncadd.s32 $0xFFFFFF80  }
0x123: {  	[tilespmem:s25], [sflag:$0x1] =	stream.indirect.gather [hbm4b:s3+s24], $0x80, s2, s24, $0xb8;
	[tilespmem:$0x1BB80] =	vst v63  }
0x124: {  	_ =	swait.ge [sflag:s16], $0x4000  }
.Ltmp6:
0x125: {  	[sflag:s16] =	ssyncset.done $0x0;
	(pc) =	sbr.rel @p3 .LBB2_3-.Ltmp6, $4  }
0x126: {  	[sflag:s16] =	ssyncadd.s32 $0xFFFFC000  }
0x127: {  	[spmem:s1] =	stream.indirect.scatter.add.f32 [tilespmem:s0], [sflag:$0x5], $0x80, s29, s24, $0xb8;
	[tilespmem:$0x1BB80] =	vst v63  }
0x128: {  	_ =	swait.ge [sflag:s23], $0x4000  }
0x129: {  	s13 =	sadd.s32 s10, s22;
	[sflag:s23] =	ssyncset.done $0x0  }
0x12a: {  	s11 =	sadd.s32 $0x4D0, s13;
	s10 =	sadd.s32 s10, s21;
	[sflag:s23] =	ssyncadd.s32 $0xFFFFC000  }
0x12b: {  	[tilespmem:s28], [sflag:$0x4] =	stream.linear.gather [hbm4b:s11+s2], $0x80, $0x38;
	[tilespmem:$0x1BB80] =	vst v63  }
0x12c: {  	s14 =	sadd.s32 $0x4D0, s10  }
0x12d: {  	[tilespmem:s29], [sflag:$0x4] =	stream.linear.gather [hbm4b:s14+s2], $0x80, $0x38;
	[tilespmem:$0x1BB80] =	vst v63  }
0x12e: {  	_ =	swait.ge [sflag:s30], $0x4000  }
0x12f: {  	[sflag:s30] =	ssyncset.done $0x0  }
0x130: {  	[sflag:s30] =	ssyncadd.s32 $0xFFFFC000  }
0x131: {  	_ =	swait.ge [sflag:s31], $0x80  }
0x132: {  	[sflag:s31] =	ssyncset.done $0x0  }
0x133: {  	[sflag:s31] =	ssyncadd.s32 $0xFFFFFF80  }
0x134: {  	_ =	swait.ge [sflag:s31], $0x80  }
0x135: {  	[sflag:s31] =	ssyncset.done $0x0  }
0x136: {  	[sflag:s31] =	ssyncadd.s32 $0xFFFFFF80  }
0x137: {  	[tilespmem:s0], [sflag:$0x2] =	stream.indirect.gather [hbm4b:s3+s24], $0x80, s28, s24, $0xb8;
	[tilespmem:$0x1BB80] =	vst v63  }
0x138: {  	_ = 	snop  }
0x139: {  	[spmem:s1] =	stream.indirect.scatter.add.f32 [tilespmem:s25], [sflag:$0x5], $0x80, s24, s24, $0xb8;
	[tilespmem:$0x1BB80] =	vst v63  }
0x13a: {  	_ =	swait.ge [sflag:s23], $0x4000  }
0x13b: {  	[sflag:s23] =	ssyncset.done $0x0  }
0x13c: {  	s15 =	sadd.s32 $0x4E0, s13;
	[sflag:s23] =	ssyncadd.s32 $0xFFFFC000  }
0x13d: {  	[tilespmem:s2], [sflag:$0x3] =	stream.linear.gather [hbm4b:s15+s2], $0x80, $0x38;
	[tilespmem:$0x1BB80] =	vst v63  }
0x13e: {  	s10 =	sadd.s32 $0x4E0, s10  }
0x13f: {  	[tilespmem:s24], [sflag:$0x3] =	stream.linear.gather [hbm4b:s10+s2], $0x80, $0x38;
	[tilespmem:$0x1BB80] =	vst v63  }
0x140: {  	_ =	swait.ge [sflag:s26], $0x80  }
0x141: {  	[sflag:s26] =	ssyncset.done $0x0  }
0x142: {  	[sflag:s26] =	ssyncadd.s32 $0xFFFFFF80  }
0x143: {  	_ =	swait.ge [sflag:s26], $0x80  }
0x144: {  	[sflag:s26] =	ssyncset.done $0x0  }
0x145: {  	[sflag:s26] =	ssyncadd.s32 $0xFFFFFF80  }
0x146: {  	[tilespmem:s25], [sflag:$0x1] =	stream.indirect.gather [hbm4b:s3+s24], $0x80, s2, s24, $0xb8;
	[tilespmem:$0x1BB80] =	vst v63  }
0x147: {  	_ =	swait.ge [sflag:s16], $0x4000  }
0x148: {  	[sflag:s16] =	ssyncset.done $0x0  }
0x149: {  	[sflag:s16] =	ssyncadd.s32 $0xFFFFC000  }
0x14a: {  	[spmem:s1] =	stream.indirect.scatter.add.f32 [tilespmem:s0], [sflag:$0x5], $0x80, s29, s24, $0xb8;
	[tilespmem:$0x1BB80] =	vst v63  }
0x14b: {  	_ =	swait.ge [sflag:s23], $0x4000  }
0x14c: {  	[sflag:s23] =	ssyncset.done $0x0  }
0x14d: {  	[sflag:s23] =	ssyncadd.s32 $0xFFFFC000  }
0x14e: {  	[tilespmem:s28], [sflag:$0x4] =	stream.linear.gather [hbm4b:s19+s2], $0x80, $0x38;
	[tilespmem:$0x1BB80] =	vst v63  }
0x14f: {  	_ = 	snop  }
0x150: {  	[tilespmem:s29], [sflag:$0x4] =	stream.linear.gather [hbm4b:s20+s2], $0x80, $0x38;
	[tilespmem:$0x1BB80] =	vst v63  }
0x151: {  	_ =	swait.ge [sflag:s30], $0x4000  }
0x152: {  	[sflag:s30] =	ssyncset.done $0x0  }
0x153: {  	[sflag:s30] =	ssyncadd.s32 $0xFFFFC000  }
0x154: {  	_ =	swait.ge [sflag:s31], $0x80  }
0x155: {  	[sflag:s31] =	ssyncset.done $0x0  }
0x156: {  	[sflag:s31] =	ssyncadd.s32 $0xFFFFFF80  }
0x157: {  	_ =	swait.ge [sflag:s31], $0x80  }
0x158: {  	[sflag:s31] =	ssyncset.done $0x0  }
0x159: {  	[sflag:s31] =	ssyncadd.s32 $0xFFFFFF80  }
0x15a: {  	[tilespmem:s0], [sflag:$0x2] =	stream.indirect.gather [hbm4b:s3+s24], $0x80, s28, s24, $0xb8;
	[tilespmem:$0x1BB80] =	vst v63  }
0x15b: {  	_ = 	snop  }
0x15c: {  	[spmem:s1] =	stream.indirect.scatter.add.f32 [tilespmem:s25], [sflag:$0x5], $0x80, s24, s24, $0xb8;
	[tilespmem:$0x1BB80] =	vst v63  }
0x15d: {  	_ =	swait.ge [sflag:s23], $0x4000  }
0x15e: {  	[sflag:s23] =	ssyncset.done $0x0  }
0x15f: {  	[sflag:s23] =	ssyncadd.s32 $0xFFFFC000  }
0x160: {  	_ =	swait.ge [sflag:s16], $0x4000  }
0x161: {  	[sflag:s16] =	ssyncset.done $0x0  }
0x162: {  	[sflag:s16] =	ssyncadd.s32 $0xFFFFC000  }
0x163: {  	[spmem:s1] =	stream.indirect.scatter.add.f32 [tilespmem:s0], [sflag:$0x5], $0x80, s29, s24, $0xb8;
	[tilespmem:$0x1BB80] =	vst v63  }
0x164: {  	_ =	swait.ge [sflag:s23], $0x4000  }
0x165: {  	[sflag:s23] =	ssyncset.done $0x0  }
0x166: {  	s13 =	rddreg [dreg:$0xb];
	[sflag:s23] =	ssyncadd.s32 $0xFFFFC000  }
0x167: {  	[tilespmem:s17], [sflag:$0x5] =	stream.linear.gather [hbm4b:s13+s2], $0x10, $0x38;
	[tilespmem:$0x1BB80] =	vst v63  }
0x168: {  	_ =	swait.ge [sflag:s23], $0x10  }
0x169: {  	[sflag:s23] =	ssyncset.done $0x0  }
0x16a: {  	s14 =	rddreg [dreg:$0xc];
	[sflag:s23] =	ssyncadd.s32 $0xFFFFFFF0  }
0x16b: {  	[tilespmem:s6], [sflag:$0x5] =	stream.linear.gather [hbm4b:s14+s2], $0x10, $0x38;
	[tilespmem:$0x1BB80] =	vst v63  }
0x16c: {  	_ =	swait.ge [sflag:s23], $0x10  }
0x16d: {  	[sflag:s23] =	ssyncset.done $0x0  }
0x16e: {  	[sflag:s23] =	ssyncadd.s32 $0xFFFFFFF0  }
0x16f: {  	[tilespmem:s25], [sflag:$0x1] =	stream.indirect.gather [hbm4b:s3+s7], $0x80, s17, s7, $0xb8;
	[tilespmem:$0x1BB80] =	vst v63  }
0x170: {  	_ =	swait.ge [sflag:s30], $0x800  }
0x171: {  	[sflag:s30] =	ssyncset.done $0x0  }
0x172: {  	[sflag:s30] =	ssyncadd.s32 $0xFFFFF800  }
0x173: {  	[spmem:s1] =	stream.indirect.scatter.add.f32 [tilespmem:s25], [sflag:$0x5], $0x80, s6, s7, $0xb8;
	[tilespmem:$0x1BB80] =	vst v63  }
0x174: {  	_ =	swait.ge [sflag:s23], $0x800  }
0x175: {  	[sflag:s23] =	ssyncset.done $0x0  }
0x176: {  	[sflag:s23] =	ssyncadd.s32 $0xFFFFF800  }
0x177: {  	[bflag:$0x0] =	sbarrier.arrive $0xFFFF  }
0x178: {  	s15 =	rddreg [dreg:$0xd]  }
0x179: {  	[hbm:s15], [sflag:s8] =	dma.local [spmem:s9], $0x2700  }
.Ltmp7:
0x17a: {  	_ = 	snop;
	(pc) =	sbr.rel @p2 .LBB2_8-.Ltmp7, $4  }
.Ltmp8:
0x17b: {  	_ = 	snop;
	(pc) =	sbr.rel @!p2 .LBB2_9-.Ltmp8, $4  }
0x17c: {  	_ =	swait.ge [sflag:s23], $0x2700  }
0x17d: {  	[sflag:s23] =	ssyncset.done $0x0  }
0x17e: {  	s9 =	rddreg [dreg:$0x4];
	[sflag:s23] =	ssyncadd.s32 $0xFFFFD900  }
0x17f: {  	_ = 	snop  }
.LBB2_10:
0x180: {  	_ =	sfence.sel $0x180000  }
0x181: {  	[bflag:$0x0] =	sbarrier.arrive $0xFFFF  }
0x182: {  	_ =	strace $0x90000050  }
0x183: {  	s0 =	stileid.u32;
	[bflag:$0x2] =	sbarrier.arrive $0xFFFF  }
0x184: {  	p0 =	sne.s32 s0, $0x0;
	s0 =	rddreg [dreg:$0x3]  }
0x185: {  	s0 =	sadd.s32 @!p0 $0x100000, s0  }
0x186: {  	[sflag:s0] =	ssyncadd.tile.s32 @!p0 $0x1;
	_ =	shalt  }
.Lfunc_end2:
_tile_overlayer_lowered:
.L_overlay_start_2:
0x187: {  	(tag) =	ssettag $0x2  }
0x188: {  	s0 =	rddreg [dreg:$0x0];
	s2 =	stileid.u32  }
0x189: {  	s1 =	rddreg [dreg:$0x1];
	p0 =	sne.s32 s2, $0x0  }
0x18a: {  	s3 =	rddreg [dreg:$0x2];
	[bflag:$0x3] =	sbarrier.arrive $0xFFFF;
	s2 =	simm.s32 @!p0 $0x1C05  }
0x18b: {  	[timem:s3], [sflag:s2] =	dma.local @!p0 [hbm:s0], s1  }
0x18c: {  	s0 =	simm.s32 @!p0 $0x5  }
0x18d: {  	_ =	swait.ge @!p0 [sflag:s0], s1  }
0x18e: {  	s1 =	ssub.s32 @!p0 $0x0, s1;
	[sflag:s0] =	ssyncset.done @!p0 $0x0  }
0x18f: {  	[sflag:s0] =	ssyncadd.s32 @!p0 s1  }
0x190: {  	[bflag:$0x3] =	sbarrier.arrive $0xFFFF  }
0x191: {  	_ =	shalt  }

</sc_bundles>
